<compile_context>
chip_gen: v7x
topology: tpu7x:2x2x1
jax: 0.10.2.dev20260603
libtpu: 0.0.44.dev20260713+nightly
codegen_flags: <defaults>
</compile_context>

<pallas_src>
import functools

import jax
import jax.numpy as jnp
from jax import lax
from jax.experimental import pallas as pl
from jax.experimental.pallas import tpu as pltpu
from jax.experimental.pallas import tpu_sc as plsc

TOP_K = 70
TEMPERATURE = 0.1

Q = 4096
N = 100000
D = 512
N_PAD = 102400
B32 = 32
NB32 = N_PAD // B32
NB256 = N_PAD // 256
BQ = 256
BN = 4096
CAP = 128
KPAD = 72

NCORE = 2
NSUB = 16
NW = NCORE * NSUB
QPW = Q // NW


def _k1_body(q_ref, db_ref, sims_ref, m32_ref):
    s = lax.dot_general(q_ref[...], db_ref[...],
                        dimension_numbers=(((1,), (1,)), ((), ())),
                        preferred_element_type=jnp.float32)
    j = pl.program_id(0)
    col = j * BN + lax.broadcasted_iota(jnp.int32, s.shape, 1)
    s = jnp.where(col < N, s, -2.0)
    sims_ref[...] = s
    m32_ref[...] = jnp.max(s.reshape(BQ, BN // B32, B32), axis=2)


def _run_k1(query, db_padded):
    return pl.pallas_call(
        _k1_body,
        grid=(N_PAD // BN, Q // BQ),
        in_specs=[
            pl.BlockSpec((BQ, D), lambda j, i: (i, 0)),
            pl.BlockSpec((BN, D), lambda j, i: (j, 0)),
        ],
        out_specs=[
            pl.BlockSpec((BQ, BN), lambda j, i: (i, j)),
            pl.BlockSpec((BQ, BN // B32), lambda j, i: (i, j)),
        ],
        out_shape=[
            jax.ShapeDtypeStruct((Q, N_PAD), jnp.float32),
            jax.ShapeDtypeStruct((Q, NB32), jnp.float32),
        ],
        compiler_params=pltpu.CompilerParams(vmem_limit_bytes=100 * 2**20),
    )(query, db_padded)


def _k2_body(m_ref, t_ref):
    m32 = m_ref[...]
    M = jnp.max(m32.reshape(BQ, NB256, 8), axis=2)

    def round_body(_, lohi):
        lo, hi = lohi

        def edge_body(k, st):
            nlo, nhi = st
            e = lo + (hi - lo) * ((k.astype(jnp.float32) + 1.0) / 17.0)
            cnt = jnp.sum((M >= e).astype(jnp.float32), axis=1, keepdims=True)
            ok = cnt >= float(TOP_K)
            nlo = jnp.maximum(nlo, jnp.where(ok, e, -4.0))
            nhi = jnp.minimum(nhi, jnp.where(ok, 4.0, e))
            return (nlo, nhi)

        return lax.fori_loop(0, 16, edge_body, (lo, hi))

    lo0 = jnp.full((BQ, 1), -2.0, jnp.float32)
    hi0 = jnp.max(M, axis=1, keepdims=True) + 1e-6
    lo, _ = lax.fori_loop(0, 3, round_body, (lo0, hi0))
    t_ref[...] = jnp.broadcast_to(lo, (BQ, 16))


def _run_k2(m32):
    return pl.pallas_call(
        _k2_body,
        grid=(Q // BQ,),
        in_specs=[pl.BlockSpec((BQ, NB32), lambda i: (i, 0))],
        out_specs=pl.BlockSpec((BQ, 16), lambda i: (i, 0)),
        out_shape=jax.ShapeDtypeStruct((Q, 16), jnp.float32),
        compiler_params=pltpu.CompilerParams(vmem_limit_bytes=100 * 2**20),
    )(m32)


def _s1_body(sims2d, m32_hbm, tb_hbm, simsc_out, idxc_out,
             t_v, m32_v, bid_v, rows_v, sc_v, ic_v, sem):
    c = lax.axis_index("c")
    s = lax.axis_index("s")
    wid = s * NCORE + c
    iota = lax.iota(jnp.int32, 16)

    def per_query(qi, carry):
        q = wid * QPW + qi
        qbase = q * NB32
        pltpu.sync_copy(tb_hbm.at[q], t_v)
        pltpu.sync_copy(m32_hbm.at[q], m32_v)
        tvec = t_v[...]
        qbase_v = jnp.full((16,), qbase, jnp.int32)

        for k in range(CAP // 16):
            bid_v[pl.ds(k * 16, 16)] = qbase_v
            sc_v[pl.ds(k * 16, 16)] = jnp.full((16,), -1e30, jnp.float32)
            ic_v[pl.ds(k * 16, 16)] = jnp.zeros((16,), jnp.int32)

        def scan_body(k, cnt):
            m = m32_v[pl.ds(k * 16, 16)]
            msk = m >= tvec
            cs = plsc.cumsum(msk.astype(jnp.int32))
            pos = cnt + cs - 1
            gid = qbase_v + k * 16 + iota
            plsc.store_scatter(bid_v, [pos], gid, mask=msk & (pos < CAP))
            return cnt + plsc.all_reduce_population_count(msk)

        nb = lax.fori_loop(0, NB32 // 16, scan_body, jnp.zeros((16,), jnp.int32))

        pltpu.async_copy(sims2d.at[bid_v], rows_v, sem).wait()

        def filt_body(rc, cnt2):
            rows16 = iota + rc * 16
            bi = bid_v[pl.ds(rc * 16, 16)]
            bloc = bi - qbase_v
            rvalid = rows16 < nb
            acc = cnt2
            for h in range(B32):
                vals = plsc.load_gather(rows_v, [rows16, jnp.full((16,), h, jnp.int32)])
                msk = (vals >= tvec) & rvalid
                cs = plsc.cumsum(msk.astype(jnp.int32))
                pos = acc + cs - 1
                okm = msk & (pos < CAP)
                plsc.store_scatter(sc_v, [pos], vals, mask=okm)
                plsc.store_scatter(ic_v, [pos], bloc * B32 + h, mask=okm)
                acc = acc + plsc.all_reduce_population_count(msk)
            return acc

        lax.fori_loop(0, CAP // 16, filt_body, jnp.zeros((16,), jnp.int32))

        pltpu.sync_copy(sc_v, simsc_out.at[q])
        pltpu.sync_copy(ic_v, idxc_out.at[q])
        return carry

    lax.fori_loop(0, QPW, per_query, 0)


def _run_s1(sims2d, m32, tb):
    mesh = plsc.VectorSubcoreMesh(core_axis_name="c", subcore_axis_name="s")
    f = functools.partial(
        pl.kernel,
        mesh=mesh,
        compiler_params=pltpu.CompilerParams(needs_layout_passes=False,
                                             use_tc_tiling_on_sc=False),
        out_type=(jax.ShapeDtypeStruct((Q, CAP), jnp.float32),
                  jax.ShapeDtypeStruct((Q, CAP), jnp.int32)),
        scratch_types=[
            pltpu.VMEM((16,), jnp.float32),
            pltpu.VMEM((NB32,), jnp.float32),
            pltpu.VMEM((CAP,), jnp.int32),
            pltpu.VMEM((CAP, B32), jnp.float32),
            pltpu.VMEM((CAP,), jnp.float32),
            pltpu.VMEM((CAP,), jnp.int32),
            pltpu.SemaphoreType.DMA,
        ],
    )(_s1_body)
    return f(sims2d, m32, tb)


def _k3_body(sc_ref, ic_ref, g_ref, w_ref, if_ref):
    x = sc_ref[...]
    idx = ic_ref[...]
    lanes = lax.broadcasted_iota(jnp.int32, x.shape, 1)
    outv = jnp.zeros_like(x)
    outi = jnp.zeros_like(idx)
    for k in range(TOP_K):
        vmax = jnp.max(x, axis=1, keepdims=True)
        ismax = x == vmax
        imin = jnp.min(jnp.where(ismax, idx, jnp.int32(2 ** 30)), axis=1,
                       keepdims=True)
        sel = ismax & (idx == imin)
        outv = jnp.where(lanes == k, vmax, outv)
        outi = jnp.where(lanes == k, imin, outi)
        x = jnp.where(sel, -4.0, x)
    g = g_ref[...]
    logits = jnp.where(lanes < TOP_K, (outv + g) / TEMPERATURE, -1e30)
    m = jnp.max(logits, axis=1, keepdims=True)
    e = jnp.exp(logits - m)
    w_ref[...] = e / jnp.sum(e, axis=1, keepdims=True)
    if_ref[...] = outi


def _run_k3(simsc, idxc, gumbels):
    return pl.pallas_call(
        _k3_body,
        grid=(Q // BQ,),
        in_specs=[
            pl.BlockSpec((BQ, CAP), lambda i: (i, 0)),
            pl.BlockSpec((BQ, CAP), lambda i: (i, 0)),
            pl.BlockSpec((BQ, CAP), lambda i: (i, 0)),
        ],
        out_specs=[
            pl.BlockSpec((BQ, CAP), lambda i: (i, 0)),
            pl.BlockSpec((BQ, CAP), lambda i: (i, 0)),
        ],
        out_shape=[
            jax.ShapeDtypeStruct((Q, CAP), jnp.float32),
            jax.ShapeDtypeStruct((Q, CAP), jnp.int32),
        ],
    )(simsc, idxc, gumbels)


def _s2_body(es_hbm, if_hbm, w_hbm, out_hbm, idx_v, w_v, rows_v, sem):
    c = lax.axis_index("c")
    s = lax.axis_index("s")
    wid = s * NCORE + c

    def per_query(qi, carry):
        q = wid * QPW + qi
        pltpu.sync_copy(if_hbm.at[q, pl.ds(0, KPAD)], idx_v)
        pltpu.sync_copy(w_hbm.at[q, pl.ds(0, KPAD)], w_v)
        pltpu.async_copy(es_hbm.at[idx_v], rows_v, sem).wait()

        nd = D // 16
        acc0 = [jnp.zeros((16,), jnp.float32) for _ in range(nd)]

        def k_body(k, acc):
            wk = plsc.load_gather(w_v, [jnp.full((16,), k, jnp.int32)])
            return [acc[dk] + wk * rows_v[k, pl.ds(dk * 16, 16)]
                    for dk in range(nd)]

        acc = lax.fori_loop(0, TOP_K, k_body, acc0)
        for dk in range(nd):
            rows_v[0, pl.ds(dk * 16, 16)] = acc[dk]
        pltpu.sync_copy(rows_v.at[0], out_hbm.at[q])
        return carry

    lax.fori_loop(0, QPW, per_query, 0)


def _run_s2(es_db, if_arr, w_arr):
    mesh = plsc.VectorSubcoreMesh(core_axis_name="c", subcore_axis_name="s")
    f = functools.partial(
        pl.kernel,
        mesh=mesh,
        compiler_params=pltpu.CompilerParams(needs_layout_passes=False,
                                             use_tc_tiling_on_sc=False),
        out_type=jax.ShapeDtypeStruct((Q, D), jnp.float32),
        scratch_types=[
            pltpu.VMEM((KPAD,), jnp.int32),
            pltpu.VMEM((KPAD,), jnp.float32),
            pltpu.VMEM((KPAD, D), jnp.float32),
            pltpu.SemaphoreType.DMA,
        ],
    )(_s2_body)
    return f(es_db, if_arr, w_arr)


def kernel(query, en_db, es_db):
    qn = query / jnp.maximum(
        jnp.linalg.norm(query, ord=2, axis=-1, keepdims=True), 1e-12)
    dbn = en_db / jnp.maximum(
        jnp.linalg.norm(en_db, ord=2, axis=-1, keepdims=True), 1e-12)
    db_padded = jnp.pad(dbn, ((0, N_PAD - N), (0, 0)))
    sims, m32 = _run_k1(qn, db_padded)
    tb = _run_k2(m32)
    sims2d = sims.reshape(Q * NB32, B32)
    simsc, idxc = _run_s1(sims2d, m32, tb)

    u = jax.random.uniform(jax.random.key(1234), (Q, TOP_K), dtype=jnp.float32)
    gumbels = -jnp.log(-jnp.log(u + 1e-10) + 1e-10)
    gpad = jnp.pad(gumbels, ((0, 0), (0, CAP - TOP_K)))

    w_arr, if_arr = _run_k3(simsc, idxc, gpad)
    return _run_s2(es_db, if_arr, w_arr)

# --- scband reference (transcript-rebuilt; emitter-appended) ---
"""Pipeline reference for scband-retrieval-gumbel-softmax-70849780515091 (READ-ONLY COPY).

The authoritative reference and input builder live on the scoring server;
editing this copy changes nothing except your own understanding.
"""

import jax, jax.numpy as jnp
import numpy as np

TOP_K = 70
TEMPERATURE = 0.1

def setup_inputs(seed: int = 0) -> dict:
    key = jax.random.key(seed)
    k1, k2, k3 = jax.random.split(key, 3)
    query = jax.random.normal(k1, (4096, 512), dtype=jnp.float32)
    en_db = jax.random.normal(k2, (100000, 512), dtype=jnp.float32)
    es_db = jax.random.normal(k3, (100000, 512), dtype=jnp.float32)
    return {"query": query, "en_db": en_db, "es_db": es_db}

def _normalize(x, axis=-1, eps=1e-12):
    n = jnp.linalg.norm(x, ord=2, axis=axis, keepdims=True)
    return x / jnp.maximum(n, eps)

def reference(query, en_db, es_db):
    query_norm = _normalize(query, axis=-1)
    db_norm = _normalize(en_db, axis=-1)
    similarities = jnp.matmul(query_norm, db_norm.T)  # [Q, K]
    k = min(TOP_K, en_db.shape[0])
    topk_sims, topk_indices = jax.lax.top_k(similarities, k)  # [Q, k]
    u = jax.random.uniform(jax.random.key(1234), topk_sims.shape, dtype=topk_sims.dtype)
    gumbels = -jnp.log(-jnp.log(u + 1e-10) + 1e-10)
    logits = (topk_sims + gumbels) / TEMPERATURE
    attn_weights = jax.nn.softmax(logits, axis=1)  # [Q, k]
    topk_es = jnp.take(es_db, topk_indices, axis=0)  # [Q, k, d]
    retrieved = jnp.einsum('qk,qkd->qd', attn_weights, topk_es)  # bmm(attn.unsqueeze(1), topk_es).squeeze(1)
    return retrieved

if __name__ == "__main__":
    import jax
    _d = setup_inputs()
    print(jax.jit(kernel)(*tuple(_d.values())))

</pallas_src>

<mosaic_0001>
#map = affine_map<(d0, d1) -> (0, 0)>
module attributes {stable_mosaic.version = 14 : i64} {
  func.func @_s1_body(%arg0: i32, %arg1: i32, %arg2: memref<13107200x32xf32, #tpu.memory_space<hbm>>, %arg3: memref<4096x3200xf32, #tpu.memory_space<hbm>>, %arg4: memref<4096x16xf32, #tpu.memory_space<hbm>>, %arg5: memref<4096x128xf32, #tpu.memory_space<hbm>>, %arg6: memref<4096x128xi32, #tpu.memory_space<hbm>>, %arg7: memref<16xf32, #tpu.memory_space<vmem>>, %arg8: memref<3200xf32, #tpu.memory_space<vmem>>, %arg9: memref<128xi32, #tpu.memory_space<vmem>>, %arg10: memref<128x32xf32, #tpu.memory_space<vmem>>, %arg11: memref<128xf32, #tpu.memory_space<vmem>>, %arg12: memref<128xi32, #tpu.memory_space<vmem>>, %arg13: memref<!tpu.dma_semaphore, #tpu.memory_space<semaphore_mem>>) attributes {dimension_semantics = [#tpu.dimension_semantics<core_parallel>, #tpu.dimension_semantics<subcore_parallel>], iteration_bounds = array<i64: 2, 16>, scalar_prefetch = 0 : i64, scratch_operands = 7 : i64, tpu.core_type = #tpu.core_type<sc_vector_subcore>, window_params = [{transform_indices = #map}, {transform_indices = #map}, {transform_indices = #map}, {transform_indices = #map}, {transform_indices = #map}]} {
    %mul3A = arith.constant 2 : i32
    %mul3A_0 = arith.muli %arg1, %mul3A : i32
    %add3A = arith.addi %mul3A_0, %arg0 : i32
    %iota3A = tpu.iota {dimensions = array<i32: 0>} : vector<16xi32>
    %scan3A = arith.constant 0 : i32
    %scan3A_1 = arith.constant 0 : i32
    %scan3A_2 = arith.constant 128 : i32
    %scan3A_3 = arith.addi %scan3A_1, %scan3A_2 : i32
    %scan3A_4 = arith.constant 1 : i32
    scf.for %scan3A_6 = %scan3A_1 to %scan3A_3 step %scan3A_4  : i32 {
      %mul3A_7 = arith.constant 128 : i32
      %mul3A_8 = arith.muli %add3A, %mul3A_7 : i32
      %add3A_9 = arith.addi %mul3A_8, %scan3A_6 : i32
      %mul3A_10 = arith.constant 3200 : i32
      %mul3A_11 = arith.muli %add3A_9, %mul3A_10 : i32
      "tpu.region"() ({
        %run_scoped3A = tpu.sem_alloc : memref<!tpu.dma_semaphore, #tpu.memory_space<semaphore_mem>>
        %dma_start3A_112 = arith.constant 0 : i32
        %dma_start3A_113 = tpu.memref_slice %arg4[%add3A_9, %dma_start3A_112] : memref<4096x16xf32, #tpu.memory_space<hbm>> -> memref<1x16xf32, #tpu.memory_space<hbm>>
        %dma_start3A_114 = tpu.memref_squeeze %dma_start3A_113 : memref<1x16xf32, #tpu.memory_space<hbm>> -> memref<16xf32, #tpu.memory_space<hbm>>
        %dma_start3A_115 = arith.constant 0 : i32
        %dma_start3A_116 = tpu.memref_slice %arg4[%add3A_9, %dma_start3A_115] : memref<4096x16xf32, #tpu.memory_space<hbm>> -> memref<1x16xf32, #tpu.memory_space<hbm>>
        %dma_start3A_117 = tpu.memref_squeeze %dma_start3A_116 : memref<1x16xf32, #tpu.memory_space<hbm>> -> memref<16xf32, #tpu.memory_space<hbm>>
        tpu.enqueue_dma source(%dma_start3A_117 : memref<16xf32, #tpu.memory_space<hbm>>) target(%arg7 : memref<16xf32, #tpu.memory_space<vmem>>) target_semaphore(%run_scoped3A : memref<!tpu.dma_semaphore, #tpu.memory_space<semaphore_mem>>)
        %dma_wait3A_118 = arith.constant 0 : i32
        %dma_wait3A_119 = tpu.memref_slice %arg4[%add3A_9, %dma_wait3A_118] : memref<4096x16xf32, #tpu.memory_space<hbm>> -> memref<1x16xf32, #tpu.memory_space<hbm>>
        %dma_wait3A_120 = tpu.memref_squeeze %dma_wait3A_119 : memref<1x16xf32, #tpu.memory_space<hbm>> -> memref<16xf32, #tpu.memory_space<hbm>>
        %dma_wait3A_121 = arith.constant 0 : i32
        %dma_wait3A_122 = tpu.memref_slice %arg4[%add3A_9, %dma_wait3A_121] : memref<4096x16xf32, #tpu.memory_space<hbm>> -> memref<1x16xf32, #tpu.memory_space<hbm>>
        %dma_wait3A_123 = tpu.memref_squeeze %dma_wait3A_122 : memref<1x16xf32, #tpu.memory_space<hbm>> -> memref<16xf32, #tpu.memory_space<hbm>>
        tpu.wait_dma2 semaphore(%run_scoped3A : memref<!tpu.dma_semaphore, #tpu.memory_space<semaphore_mem>>) src(%dma_wait3A_123 : memref<16xf32, #tpu.memory_space<hbm>>) dst(%arg7 : memref<16xf32, #tpu.memory_space<vmem>>)
        tpu.yield
      }) : () -> ()
      "tpu.region"() ({
        %run_scoped3A = tpu.sem_alloc : memref<!tpu.dma_semaphore, #tpu.memory_space<semaphore_mem>>
        %dma_start3A_112 = arith.constant 0 : i32
        %dma_start3A_113 = tpu.memref_slice %arg3[%add3A_9, %dma_start3A_112] : memref<4096x3200xf32, #tpu.memory_space<hbm>> -> memref<1x3200xf32, #tpu.memory_space<hbm>>
        %dma_start3A_114 = tpu.memref_squeeze %dma_start3A_113 : memref<1x3200xf32, #tpu.memory_space<hbm>> -> memref<3200xf32, #tpu.memory_space<hbm>>
        %dma_start3A_115 = arith.constant 0 : i32
        %dma_start3A_116 = tpu.memref_slice %arg3[%add3A_9, %dma_start3A_115] : memref<4096x3200xf32, #tpu.memory_space<hbm>> -> memref<1x3200xf32, #tpu.memory_space<hbm>>
        %dma_start3A_117 = tpu.memref_squeeze %dma_start3A_116 : memref<1x3200xf32, #tpu.memory_space<hbm>> -> memref<3200xf32, #tpu.memory_space<hbm>>
        tpu.enqueue_dma source(%dma_start3A_117 : memref<3200xf32, #tpu.memory_space<hbm>>) target(%arg8 : memref<3200xf32, #tpu.memory_space<vmem>>) target_semaphore(%run_scoped3A : memref<!tpu.dma_semaphore, #tpu.memory_space<semaphore_mem>>)
        %dma_wait3A_118 = arith.constant 0 : i32
        %dma_wait3A_119 = tpu.memref_slice %arg3[%add3A_9, %dma_wait3A_118] : memref<4096x3200xf32, #tpu.memory_space<hbm>> -> memref<1x3200xf32, #tpu.memory_space<hbm>>
        %dma_wait3A_120 = tpu.memref_squeeze %dma_wait3A_119 : memref<1x3200xf32, #tpu.memory_space<hbm>> -> memref<3200xf32, #tpu.memory_space<hbm>>
        %dma_wait3A_121 = arith.constant 0 : i32
        %dma_wait3A_122 = tpu.memref_slice %arg3[%add3A_9, %dma_wait3A_121] : memref<4096x3200xf32, #tpu.memory_space<hbm>> -> memref<1x3200xf32, #tpu.memory_space<hbm>>
        %dma_wait3A_123 = tpu.memref_squeeze %dma_wait3A_122 : memref<1x3200xf32, #tpu.memory_space<hbm>> -> memref<3200xf32, #tpu.memory_space<hbm>>
        tpu.wait_dma2 semaphore(%run_scoped3A : memref<!tpu.dma_semaphore, #tpu.memory_space<semaphore_mem>>) src(%dma_wait3A_123 : memref<3200xf32, #tpu.memory_space<hbm>>) dst(%arg8 : memref<3200xf32, #tpu.memory_space<vmem>>)
        tpu.yield
      }) : () -> ()
      %get3A = arith.constant 0 : index
      %get3A_12 = tpu.vector_load %arg7[%get3A] {strides = array<i32>} : memref<16xf32, #tpu.memory_space<vmem>>, vector<16xf32>,
      %broadcast_in_dim3A = vector.broadcast %mul3A_11 : i32 to vector<16xi32>
      %swap3A = arith.constant 0 : index
      %swap3A_13 = tpu.vector_load %arg9[%swap3A] {strides = array<i32>} : memref<128xi32, #tpu.memory_space<vmem>>, vector<16xi32>,
      tpu.vector_store %arg9[%swap3A], %broadcast_in_dim3A {strides = array<i32>} : memref<128xi32, #tpu.memory_space<vmem>>, vector<16xi32>,
      %broadcast_in_dim3A_14 = arith.constant -1.000000e+30 : f32
      %broadcast_in_dim3A_15 = vector.broadcast %broadcast_in_dim3A_14 : f32 to vector<16xf32>
      %swap3A_16 = arith.constant 0 : index
      %swap3A_17 = tpu.vector_load %arg11[%swap3A_16] {strides = array<i32>} : memref<128xf32, #tpu.memory_space<vmem>>, vector<16xf32>,
      tpu.vector_store %arg11[%swap3A_16], %broadcast_in_dim3A_15 {strides = array<i32>} : memref<128xf32, #tpu.memory_space<vmem>>, vector<16xf32>,
      %broadcast_in_dim3A_18 = arith.constant 0 : i32
      %broadcast_in_dim3A_19 = vector.broadcast %broadcast_in_dim3A_18 : i32 to vector<16xi32>
      %swap3A_20 = arith.constant 0 : index
      %swap3A_21 = tpu.vector_load %arg12[%swap3A_20] {strides = array<i32>} : memref<128xi32, #tpu.memory_space<vmem>>, vector<16xi32>,
      tpu.vector_store %arg12[%swap3A_20], %broadcast_in_dim3A_19 {strides = array<i32>} : memref<128xi32, #tpu.memory_space<vmem>>, vector<16xi32>,
      %swap3A_22 = arith.constant 16 : index
      %swap3A_23 = tpu.vector_load %arg9[%swap3A_22] {strides = array<i32>} : memref<128xi32, #tpu.memory_space<vmem>>, vector<16xi32>,
      tpu.vector_store %arg9[%swap3A_22], %broadcast_in_dim3A {strides = array<i32>} : memref<128xi32, #tpu.memory_space<vmem>>, vector<16xi32>,
      %broadcast_in_dim3A_24 = arith.constant -1.000000e+30 : f32
      %broadcast_in_dim3A_25 = vector.broadcast %broadcast_in_dim3A_24 : f32 to vector<16xf32>
      %swap3A_26 = arith.constant 16 : index
      %swap3A_27 = tpu.vector_load %arg11[%swap3A_26] {strides = array<i32>} : memref<128xf32, #tpu.memory_space<vmem>>, vector<16xf32>,
      tpu.vector_store %arg11[%swap3A_26], %broadcast_in_dim3A_25 {strides = array<i32>} : memref<128xf32, #tpu.memory_space<vmem>>, vector<16xf32>,
      %broadcast_in_dim3A_28 = arith.constant 0 : i32
      %broadcast_in_dim3A_29 = vector.broadcast %broadcast_in_dim3A_28 : i32 to vector<16xi32>
      %swap3A_30 = arith.constant 16 : index
      %swap3A_31 = tpu.vector_load %arg12[%swap3A_30] {strides = array<i32>} : memref<128xi32, #tpu.memory_space<vmem>>, vector<16xi32>,
      tpu.vector_store %arg12[%swap3A_30], %broadcast_in_dim3A_29 {strides = array<i32>} : memref<128xi32, #tpu.memory_space<vmem>>, vector<16xi32>,
      %swap3A_32 = arith.constant 32 : index
      %swap3A_33 = tpu.vector_load %arg9[%swap3A_32] {strides = array<i32>} : memref<128xi32, #tpu.memory_space<vmem>>, vector<16xi32>,
      tpu.vector_store %arg9[%swap3A_32], %broadcast_in_dim3A {strides = array<i32>} : memref<128xi32, #tpu.memory_space<vmem>>, vector<16xi32>,
      %broadcast_in_dim3A_34 = arith.constant -1.000000e+30 : f32
      %broadcast_in_dim3A_35 = vector.broadcast %broadcast_in_dim3A_34 : f32 to vector<16xf32>
      %swap3A_36 = arith.constant 32 : index
      %swap3A_37 = tpu.vector_load %arg11[%swap3A_36] {strides = array<i32>} : memref<128xf32, #tpu.memory_space<vmem>>, vector<16xf32>,
      tpu.vector_store %arg11[%swap3A_36], %broadcast_in_dim3A_35 {strides = array<i32>} : memref<128xf32, #tpu.memory_space<vmem>>, vector<16xf32>,
      %broadcast_in_dim3A_38 = arith.constant 0 : i32
      %broadcast_in_dim3A_39 = vector.broadcast %broadcast_in_dim3A_38 : i32 to vector<16xi32>
      %swap3A_40 = arith.constant 32 : index
      %swap3A_41 = tpu.vector_load %arg12[%swap3A_40] {strides = array<i32>} : memref<128xi32, #tpu.memory_space<vmem>>, vector<16xi32>,
      tpu.vector_store %arg12[%swap3A_40], %broadcast_in_dim3A_39 {strides = array<i32>} : memref<128xi32, #tpu.memory_space<vmem>>, vector<16xi32>,
      %swap3A_42 = arith.constant 48 : index
      %swap3A_43 = tpu.vector_load %arg9[%swap3A_42] {strides = array<i32>} : memref<128xi32, #tpu.memory_space<vmem>>, vector<16xi32>,
      tpu.vector_store %arg9[%swap3A_42], %broadcast_in_dim3A {strides = array<i32>} : memref<128xi32, #tpu.memory_space<vmem>>, vector<16xi32>,
      %broadcast_in_dim3A_44 = arith.constant -1.000000e+30 : f32
      %broadcast_in_dim3A_45 = vector.broadcast %broadcast_in_dim3A_44 : f32 to vector<16xf32>
      %swap3A_46 = arith.constant 48 : index
      %swap3A_47 = tpu.vector_load %arg11[%swap3A_46] {strides = array<i32>} : memref<128xf32, #tpu.memory_space<vmem>>, vector<16xf32>,
      tpu.vector_store %arg11[%swap3A_46], %broadcast_in_dim3A_45 {strides = array<i32>} : memref<128xf32, #tpu.memory_space<vmem>>, vector<16xf32>,
      %broadcast_in_dim3A_48 = arith.constant 0 : i32
      %broadcast_in_dim3A_49 = vector.broadcast %broadcast_in_dim3A_48 : i32 to vector<16xi32>
      %swap3A_50 = arith.constant 48 : index
      %swap3A_51 = tpu.vector_load %arg12[%swap3A_50] {strides = array<i32>} : memref<128xi32, #tpu.memory_space<vmem>>, vector<16xi32>,
      tpu.vector_store %arg12[%swap3A_50], %broadcast_in_dim3A_49 {strides = array<i32>} : memref<128xi32, #tpu.memory_space<vmem>>, vector<16xi32>,
      %swap3A_52 = arith.constant 64 : index
      %swap3A_53 = tpu.vector_load %arg9[%swap3A_52] {strides = array<i32>} : memref<128xi32, #tpu.memory_space<vmem>>, vector<16xi32>,
      tpu.vector_store %arg9[%swap3A_52], %broadcast_in_dim3A {strides = array<i32>} : memref<128xi32, #tpu.memory_space<vmem>>, vector<16xi32>,
      %broadcast_in_dim3A_54 = arith.constant -1.000000e+30 : f32
      %broadcast_in_dim3A_55 = vector.broadcast %broadcast_in_dim3A_54 : f32 to vector<16xf32>
      %swap3A_56 = arith.constant 64 : index
      %swap3A_57 = tpu.vector_load %arg11[%swap3A_56] {strides = array<i32>} : memref<128xf32, #tpu.memory_space<vmem>>, vector<16xf32>,
      tpu.vector_store %arg11[%swap3A_56], %broadcast_in_dim3A_55 {strides = array<i32>} : memref<128xf32, #tpu.memory_space<vmem>>, vector<16xf32>,
      %broadcast_in_dim3A_58 = arith.constant 0 : i32
      %broadcast_in_dim3A_59 = vector.broadcast %broadcast_in_dim3A_58 : i32 to vector<16xi32>
      %swap3A_60 = arith.constant 64 : index
      %swap3A_61 = tpu.vector_load %arg12[%swap3A_60] {strides = array<i32>} : memref<128xi32, #tpu.memory_space<vmem>>, vector<16xi32>,
      tpu.vector_store %arg12[%swap3A_60], %broadcast_in_dim3A_59 {strides = array<i32>} : memref<128xi32, #tpu.memory_space<vmem>>, vector<16xi32>,
      %swap3A_62 = arith.constant 80 : index
      %swap3A_63 = tpu.vector_load %arg9[%swap3A_62] {strides = array<i32>} : memref<128xi32, #tpu.memory_space<vmem>>, vector<16xi32>,
      tpu.vector_store %arg9[%swap3A_62], %broadcast_in_dim3A {strides = array<i32>} : memref<128xi32, #tpu.memory_space<vmem>>, vector<16xi32>,
      %broadcast_in_dim3A_64 = arith.constant -1.000000e+30 : f32
      %broadcast_in_dim3A_65 = vector.broadcast %broadcast_in_dim3A_64 : f32 to vector<16xf32>
      %swap3A_66 = arith.constant 80 : index
      %swap3A_67 = tpu.vector_load %arg11[%swap3A_66] {strides = array<i32>} : memref<128xf32, #tpu.memory_space<vmem>>, vector<16xf32>,
      tpu.vector_store %arg11[%swap3A_66], %broadcast_in_dim3A_65 {strides = array<i32>} : memref<128xf32, #tpu.memory_space<vmem>>, vector<16xf32>,
      %broadcast_in_dim3A_68 = arith.constant 0 : i32
      %broadcast_in_dim3A_69 = vector.broadcast %broadcast_in_dim3A_68 : i32 to vector<16xi32>
      %swap3A_70 = arith.constant 80 : index
      %swap3A_71 = tpu.vector_load %arg12[%swap3A_70] {strides = array<i32>} : memref<128xi32, #tpu.memory_space<vmem>>, vector<16xi32>,
      tpu.vector_store %arg12[%swap3A_70], %broadcast_in_dim3A_69 {strides = array<i32>} : memref<128xi32, #tpu.memory_space<vmem>>, vector<16xi32>,
      %swap3A_72 = arith.constant 96 : index
      %swap3A_73 = tpu.vector_load %arg9[%swap3A_72] {strides = array<i32>} : memref<128xi32, #tpu.memory_space<vmem>>, vector<16xi32>,
      tpu.vector_store %arg9[%swap3A_72], %broadcast_in_dim3A {strides = array<i32>} : memref<128xi32, #tpu.memory_space<vmem>>, vector<16xi32>,
      %broadcast_in_dim3A_74 = arith.constant -1.000000e+30 : f32
      %broadcast_in_dim3A_75 = vector.broadcast %broadcast_in_dim3A_74 : f32 to vector<16xf32>
      %swap3A_76 = arith.constant 96 : index
      %swap3A_77 = tpu.vector_load %arg11[%swap3A_76] {strides = array<i32>} : memref<128xf32, #tpu.memory_space<vmem>>, vector<16xf32>,
      tpu.vector_store %arg11[%swap3A_76], %broadcast_in_dim3A_75 {strides = array<i32>} : memref<128xf32, #tpu.memory_space<vmem>>, vector<16xf32>,
      %broadcast_in_dim3A_78 = arith.constant 0 : i32
      %broadcast_in_dim3A_79 = vector.broadcast %broadcast_in_dim3A_78 : i32 to vector<16xi32>
      %swap3A_80 = arith.constant 96 : index
      %swap3A_81 = tpu.vector_load %arg12[%swap3A_80] {strides = array<i32>} : memref<128xi32, #tpu.memory_space<vmem>>, vector<16xi32>,
      tpu.vector_store %arg12[%swap3A_80], %broadcast_in_dim3A_79 {strides = array<i32>} : memref<128xi32, #tpu.memory_space<vmem>>, vector<16xi32>,
      %swap3A_82 = arith.constant 112 : index
      %swap3A_83 = tpu.vector_load %arg9[%swap3A_82] {strides = array<i32>} : memref<128xi32, #tpu.memory_space<vmem>>, vector<16xi32>,
      tpu.vector_store %arg9[%swap3A_82], %broadcast_in_dim3A {strides = array<i32>} : memref<128xi32, #tpu.memory_space<vmem>>, vector<16xi32>,
      %broadcast_in_dim3A_84 = arith.constant -1.000000e+30 : f32
      %broadcast_in_dim3A_85 = vector.broadcast %broadcast_in_dim3A_84 : f32 to vector<16xf32>
      %swap3A_86 = arith.constant 112 : index
      %swap3A_87 = tpu.vector_load %arg11[%swap3A_86] {strides = array<i32>} : memref<128xf32, #tpu.memory_space<vmem>>, vector<16xf32>,
      tpu.vector_store %arg11[%swap3A_86], %broadcast_in_dim3A_85 {strides = array<i32>} : memref<128xf32, #tpu.memory_space<vmem>>, vector<16xf32>,
      %broadcast_in_dim3A_88 = arith.constant 0 : i32
      %broadcast_in_dim3A_89 = vector.broadcast %broadcast_in_dim3A_88 : i32 to vector<16xi32>
      %swap3A_90 = arith.constant 112 : index
      %swap3A_91 = tpu.vector_load %arg12[%swap3A_90] {strides = array<i32>} : memref<128xi32, #tpu.memory_space<vmem>>, vector<16xi32>,
      tpu.vector_store %arg12[%swap3A_90], %broadcast_in_dim3A_89 {strides = array<i32>} : memref<128xi32, #tpu.memory_space<vmem>>, vector<16xi32>,
      %broadcast_in_dim3A_92 = arith.constant 0 : i32
      %broadcast_in_dim3A_93 = vector.broadcast %broadcast_in_dim3A_92 : i32 to vector<16xi32>
      %scan3A_94 = arith.constant 0 : i32
      %scan3A_95 = arith.constant 200 : i32
      %scan3A_96 = arith.addi %scan3A_94, %scan3A_95 : i32
      %scan3A_97 = arith.constant 1 : i32
      %scan3A_98 = scf.for %scan3A_112 = %scan3A_94 to %scan3A_96 step %scan3A_97 iter_args(%scan3A_113 = %broadcast_in_dim3A_93) -> (vector<16xi32>)  : i32 {
        %mul3A_114 = arith.constant 16 : i32
        %mul3A_115 = arith.muli %scan3A_112, %mul3A_114 : i32
        %get3A_116 = arith.index_cast %mul3A_115 : i32 to index
        %get3A_117 = tpu.vector_load %arg8[%get3A_116] {strides = array<i32>} : memref<3200xf32, #tpu.memory_space<vmem>>, vector<16xf32>,
        %ge3A = arith.cmpf oge, %get3A_117, %get3A_12 : vector<16xf32>
        %convert_element_type3A = arith.extui %ge3A : vector<16xi1> to vector<16xi32>
        %broadcast_in_dim3A_118 = arith.constant true
        %broadcast_in_dim3A_119 = vector.broadcast %broadcast_in_dim3A_118 : i1 to vector<16xi1>
        %masked_cumsum3A = tpu.scan <sum>, %convert_element_type3A masked %broadcast_in_dim3A_119 : vector<16xi32>, vector<16xi1> -> vector<16xi32>
        %add3A_120 = arith.addi %scan3A_113, %masked_cumsum3A : vector<16xi32>
        %sub3A = arith.constant 1 : i32
        %sub3A_121 = vector.broadcast %sub3A : i32 to vector<16xi32>
        %sub3A_122 = arith.subi %add3A_120, %sub3A_121 : vector<16xi32>
        %mul3A_123 = arith.constant 16 : i32
        %mul3A_124 = arith.muli %scan3A_112, %mul3A_123 : i32
        %add3A_125 = vector.broadcast %mul3A_124 : i32 to vector<16xi32>
        %add3A_126 = arith.addi %broadcast_in_dim3A, %add3A_125 : vector<16xi32>
        %add3A_127 = arith.addi %add3A_126, %iota3A : vector<16xi32>
        %lt3A = arith.constant 128 : i32
        %lt3A_128 = vector.broadcast %lt3A : i32 to vector<16xi32>
        %lt3A_129 = arith.cmpi slt, %sub3A_122, %lt3A_128 : vector<16xi32>
        %and3A = arith.andi %ge3A, %lt3A_129 : vector<16xi1>
        tpu.vector_store_idx %arg9[%sub3A_122], %add3A_127 masked %and3A : memref<128xi32, #tpu.memory_space<vmem>>[vector<16xi32>], vector<16xi32>, vector<16xi1>
        %all_reduce_population_count3A = tpu.all_reduce %ge3A {dim = 0 : i64, kind = #tpu.reduction_kind<sum>} : vector<16xi1> -> vector<16xi32>
        %add3A_130 = arith.addi %scan3A_113, %all_reduce_population_count3A : vector<16xi32>
        scf.yield %add3A_130 : vector<16xi32>
      }
      %scan3A_99 = arith.constant 200 : i32
      %dma_start3A = arith.constant 0 : i32
      %dma_start3A_100 = arith.constant 0 : i32
      %dma_start3A_101 = tpu.memref_slice %arg2[%dma_start3A, %dma_start3A_100] : memref<13107200x32xf32, #tpu.memory_space<hbm>> -> memref<13107200x32xf32, #tpu.memory_space<hbm>>
      tpu.enqueue_indirect_dma source(%dma_start3A_101 : memref<13107200x32xf32, #tpu.memory_space<hbm>>) target(%arg10 : memref<128x32xf32, #tpu.memory_space<vmem>>) offsets(%arg9 : memref<128xi32, #tpu.memory_space<vmem>>) semaphore(%arg13 : memref<!tpu.dma_semaphore, #tpu.memory_space<semaphore_mem>>)
      %dma_wait3A = arith.constant 0 : i32
      %dma_wait3A_102 = arith.constant 0 : i32
      %dma_wait3A_103 = tpu.memref_slice %arg2[%dma_wait3A, %dma_wait3A_102] : memref<13107200x32xf32, #tpu.memory_space<hbm>> -> memref<13107200x32xf32, #tpu.memory_space<hbm>>
      tpu.wait_indirect_dma semaphore(%arg13 : memref<!tpu.dma_semaphore, #tpu.memory_space<semaphore_mem>>) src(%dma_wait3A_103 : memref<13107200x32xf32, #tpu.memory_space<hbm>>) dst(%arg10 : memref<128x32xf32, #tpu.memory_space<vmem>>)
      %broadcast_in_dim3A_104 = arith.constant 0 : i32
      %broadcast_in_dim3A_105 = vector.broadcast %broadcast_in_dim3A_104 : i32 to vector<16xi32>
      %scan3A_106 = arith.constant 0 : i32
      %scan3A_107 = arith.constant 8 : i32
      %scan3A_108 = arith.addi %scan3A_106, %scan3A_107 : i32
      %scan3A_109 = arith.constant 1 : i32
      %scan3A_110 = scf.for %scan3A_112 = %scan3A_106 to %scan3A_108 step %scan3A_109 iter_args(%scan3A_113 = %broadcast_in_dim3A_105) -> (vector<16xi32>)  : i32 {
        %mul3A_114 = arith.constant 16 : i32
        %mul3A_115 = arith.muli %scan3A_112, %mul3A_114 : i32
        %add3A_116 = vector.broadcast %mul3A_115 : i32 to vector<16xi32>
        %add3A_117 = arith.addi %iota3A, %add3A_116 : vector<16xi32>
        %mul3A_118 = arith.constant 16 : i32
        %mul3A_119 = arith.muli %scan3A_112, %mul3A_118 : i32
        %get3A_120 = arith.index_cast %mul3A_119 : i32 to index
        %get3A_121 = tpu.vector_load %arg9[%get3A_120] {strides = array<i32>} : memref<128xi32, #tpu.memory_space<vmem>>, vector<16xi32>,
        %sub3A = arith.subi %get3A_121, %broadcast_in_dim3A : vector<16xi32>
        %lt3A = arith.cmpi slt, %add3A_117, %scan3A_98 : vector<16xi32>
        %broadcast_in_dim3A_122 = arith.constant 0 : i32
        %broadcast_in_dim3A_123 = vector.broadcast %broadcast_in_dim3A_122 : i32 to vector<16xi32>
        %gather3A = tpu.vector_load_idx %arg10[%add3A_117, %broadcast_in_dim3A_123] : memref<128x32xf32, #tpu.memory_space<vmem>>[vector<16xi32>, vector<16xi32>], vector<16xf32>,
        %ge3A = arith.cmpf oge, %gather3A, %get3A_12 : vector<16xf32>
        %and3A = arith.andi %ge3A, %lt3A : vector<16xi1>
        %convert_element_type3A = arith.extui %and3A : vector<16xi1> to vector<16xi32>
        %broadcast_in_dim3A_124 = arith.constant true
        %broadcast_in_dim3A_125 = vector.broadcast %broadcast_in_dim3A_124 : i1 to vector<16xi1>
        %masked_cumsum3A = tpu.scan <sum>, %convert_element_type3A masked %broadcast_in_dim3A_125 : vector<16xi32>, vector<16xi1> -> vector<16xi32>
        %add3A_126 = arith.addi %scan3A_113, %masked_cumsum3A : vector<16xi32>
        %sub3A_127 = arith.constant 1 : i32
        %sub3A_128 = vector.broadcast %sub3A_127 : i32 to vector<16xi32>
        %sub3A_129 = arith.subi %add3A_126, %sub3A_128 : vector<16xi32>
        %lt3A_130 = arith.constant 128 : i32
        %lt3A_131 = vector.broadcast %lt3A_130 : i32 to vector<16xi32>
        %lt3A_132 = arith.cmpi slt, %sub3A_129, %lt3A_131 : vector<16xi32>
        %and3A_133 = arith.andi %and3A, %lt3A_132 : vector<16xi1>
        tpu.vector_store_idx %arg11[%sub3A_129], %gather3A masked %and3A_133 : memref<128xf32, #tpu.memory_space<vmem>>[vector<16xi32>], vector<16xf32>, vector<16xi1>
        %mul3A_134 = arith.constant 32 : i32
        %mul3A_135 = vector.broadcast %mul3A_134 : i32 to vector<16xi32>
        %mul3A_136 = arith.muli %sub3A, %mul3A_135 : vector<16xi32>
        %add3A_137 = arith.constant 0 : i32
        %add3A_138 = vector.broadcast %add3A_137 : i32 to vector<16xi32>
        %add3A_139 = arith.addi %mul3A_136, %add3A_138 : vector<16xi32>
        tpu.vector_store_idx %arg12[%sub3A_129], %add3A_139 masked %and3A_133 : memref<128xi32, #tpu.memory_space<vmem>>[vector<16xi32>], vector<16xi32>, vector<16xi1>
        %all_reduce_population_count3A = tpu.all_reduce %and3A {dim = 0 : i64, kind = #tpu.reduction_kind<sum>} : vector<16xi1> -> vector<16xi32>
        %add3A_140 = arith.addi %scan3A_113, %all_reduce_population_count3A : vector<16xi32>
        %broadcast_in_dim3A_141 = arith.constant 1 : i32
        %broadcast_in_dim3A_142 = vector.broadcast %broadcast_in_dim3A_141 : i32 to vector<16xi32>
        %gather3A_143 = tpu.vector_load_idx %arg10[%add3A_117, %broadcast_in_dim3A_142] : memref<128x32xf32, #tpu.memory_space<vmem>>[vector<16xi32>, vector<16xi32>], vector<16xf32>,
        %ge3A_144 = arith.cmpf oge, %gather3A_143, %get3A_12 : vector<16xf32>
        %and3A_145 = arith.andi %ge3A_144, %lt3A : vector<16xi1>
        %convert_element_type3A_146 = arith.extui %and3A_145 : vector<16xi1> to vector<16xi32>
        %broadcast_in_dim3A_147 = arith.constant true
        %broadcast_in_dim3A_148 = vector.broadcast %broadcast_in_dim3A_147 : i1 to vector<16xi1>
        %masked_cumsum3A_149 = tpu.scan <sum>, %convert_element_type3A_146 masked %broadcast_in_dim3A_148 : vector<16xi32>, vector<16xi1> -> vector<16xi32>
        %add3A_150 = arith.addi %add3A_140, %masked_cumsum3A_149 : vector<16xi32>
        %sub3A_151 = arith.constant 1 : i32
        %sub3A_152 = vector.broadcast %sub3A_151 : i32 to vector<16xi32>
        %sub3A_153 = arith.subi %add3A_150, %sub3A_152 : vector<16xi32>
        %lt3A_154 = arith.constant 128 : i32
        %lt3A_155 = vector.broadcast %lt3A_154 : i32 to vector<16xi32>
        %lt3A_156 = arith.cmpi slt, %sub3A_153, %lt3A_155 : vector<16xi32>
        %and3A_157 = arith.andi %and3A_145, %lt3A_156 : vector<16xi1>
        tpu.vector_store_idx %arg11[%sub3A_153], %gather3A_143 masked %and3A_157 : memref<128xf32, #tpu.memory_space<vmem>>[vector<16xi32>], vector<16xf32>, vector<16xi1>
        %mul3A_158 = arith.constant 32 : i32
        %mul3A_159 = vector.broadcast %mul3A_158 : i32 to vector<16xi32>
        %mul3A_160 = arith.muli %sub3A, %mul3A_159 : vector<16xi32>
        %add3A_161 = arith.constant 1 : i32
        %add3A_162 = vector.broadcast %add3A_161 : i32 to vector<16xi32>
        %add3A_163 = arith.addi %mul3A_160, %add3A_162 : vector<16xi32>
        tpu.vector_store_idx %arg12[%sub3A_153], %add3A_163 masked %and3A_157 : memref<128xi32, #tpu.memory_space<vmem>>[vector<16xi32>], vector<16xi32>, vector<16xi1>
        %all_reduce_population_count3A_164 = tpu.all_reduce %and3A_145 {dim = 0 : i64, kind = #tpu.reduction_kind<sum>} : vector<16xi1> -> vector<16xi32>
        %add3A_165 = arith.addi %add3A_140, %all_reduce_population_count3A_164 : vector<16xi32>
        %broadcast_in_dim3A_166 = arith.constant 2 : i32
        %broadcast_in_dim3A_167 = vector.broadcast %broadcast_in_dim3A_166 : i32 to vector<16xi32>
        %gather3A_168 = tpu.vector_load_idx %arg10[%add3A_117, %broadcast_in_dim3A_167] : memref<128x32xf32, #tpu.memory_space<vmem>>[vector<16xi32>, vector<16xi32>], vector<16xf32>,
        %ge3A_169 = arith.cmpf oge, %gather3A_168, %get3A_12 : vector<16xf32>
        %and3A_170 = arith.andi %ge3A_169, %lt3A : vector<16xi1>
        %convert_element_type3A_171 = arith.extui %and3A_170 : vector<16xi1> to vector<16xi32>
        %broadcast_in_dim3A_172 = arith.constant true
        %broadcast_in_dim3A_173 = vector.broadcast %broadcast_in_dim3A_172 : i1 to vector<16xi1>
        %masked_cumsum3A_174 = tpu.scan <sum>, %convert_element_type3A_171 masked %broadcast_in_dim3A_173 : vector<16xi32>, vector<16xi1> -> vector<16xi32>
        %add3A_175 = arith.addi %add3A_165, %masked_cumsum3A_174 : vector<16xi32>
        %sub3A_176 = arith.constant 1 : i32
        %sub3A_177 = vector.broadcast %sub3A_176 : i32 to vector<16xi32>
        %sub3A_178 = arith.subi %add3A_175, %sub3A_177 : vector<16xi32>
        %lt3A_179 = arith.constant 128 : i32
        %lt3A_180 = vector.broadcast %lt3A_179 : i32 to vector<16xi32>
        %lt3A_181 = arith.cmpi slt, %sub3A_178, %lt3A_180 : vector<16xi32>
        %and3A_182 = arith.andi %and3A_170, %lt3A_181 : vector<16xi1>
        tpu.vector_store_idx %arg11[%sub3A_178], %gather3A_168 masked %and3A_182 : memref<128xf32, #tpu.memory_space<vmem>>[vector<16xi32>], vector<16xf32>, vector<16xi1>
        %mul3A_183 = arith.constant 32 : i32
        %mul3A_184 = vector.broadcast %mul3A_183 : i32 to vector<16xi32>
        %mul3A_185 = arith.muli %sub3A, %mul3A_184 : vector<16xi32>
        %add3A_186 = arith.constant 2 : i32
        %add3A_187 = vector.broadcast %add3A_186 : i32 to vector<16xi32>
        %add3A_188 = arith.addi %mul3A_185, %add3A_187 : vector<16xi32>
        tpu.vector_store_idx %arg12[%sub3A_178], %add3A_188 masked %and3A_182 : memref<128xi32, #tpu.memory_space<vmem>>[vector<16xi32>], vector<16xi32>, vector<16xi1>
        %all_reduce_population_count3A_189 = tpu.all_reduce %and3A_170 {dim = 0 : i64, kind = #tpu.reduction_kind<sum>} : vector<16xi1> -> vector<16xi32>
        %add3A_190 = arith.addi %add3A_165, %all_reduce_population_count3A_189 : vector<16xi32>
        %broadcast_in_dim3A_191 = arith.constant 3 : i32
        %broadcast_in_dim3A_192 = vector.broadcast %broadcast_in_dim3A_191 : i32 to vector<16xi32>
        %gather3A_193 = tpu.vector_load_idx %arg10[%add3A_117, %broadcast_in_dim3A_192] : memref<128x32xf32, #tpu.memory_space<vmem>>[vector<16xi32>, vector<16xi32>], vector<16xf32>,
        %ge3A_194 = arith.cmpf oge, %gather3A_193, %get3A_12 : vector<16xf32>
        %and3A_195 = arith.andi %ge3A_194, %lt3A : vector<16xi1>
        %convert_element_type3A_196 = arith.extui %and3A_195 : vector<16xi1> to vector<16xi32>
        %broadcast_in_dim3A_197 = arith.constant true
        %broadcast_in_dim3A_198 = vector.broadcast %broadcast_in_dim3A_197 : i1 to vector<16xi1>
        %masked_cumsum3A_199 = tpu.scan <sum>, %convert_element_type3A_196 masked %broadcast_in_dim3A_198 : vector<16xi32>, vector<16xi1> -> vector<16xi32>
        %add3A_200 = arith.addi %add3A_190, %masked_cumsum3A_199 : vector<16xi32>
        %sub3A_201 = arith.constant 1 : i32
        %sub3A_202 = vector.broadcast %sub3A_201 : i32 to vector<16xi32>
        %sub3A_203 = arith.subi %add3A_200, %sub3A_202 : vector<16xi32>
        %lt3A_204 = arith.constant 128 : i32
        %lt3A_205 = vector.broadcast %lt3A_204 : i32 to vector<16xi32>
        %lt3A_206 = arith.cmpi slt, %sub3A_203, %lt3A_205 : vector<16xi32>
        %and3A_207 = arith.andi %and3A_195, %lt3A_206 : vector<16xi1>
        tpu.vector_store_idx %arg11[%sub3A_203], %gather3A_193 masked %and3A_207 : memref<128xf32, #tpu.memory_space<vmem>>[vector<16xi32>], vector<16xf32>, vector<16xi1>
        %mul3A_208 = arith.constant 32 : i32
        %mul3A_209 = vector.broadcast %mul3A_208 : i32 to vector<16xi32>
        %mul3A_210 = arith.muli %sub3A, %mul3A_209 : vector<16xi32>
        %add3A_211 = arith.constant 3 : i32
        %add3A_212 = vector.broadcast %add3A_211 : i32 to vector<16xi32>
        %add3A_213 = arith.addi %mul3A_210, %add3A_212 : vector<16xi32>
        tpu.vector_store_idx %arg12[%sub3A_203], %add3A_213 masked %and3A_207 : memref<128xi32, #tpu.memory_space<vmem>>[vector<16xi32>], vector<16xi32>, vector<16xi1>
        %all_reduce_population_count3A_214 = tpu.all_reduce %and3A_195 {dim = 0 : i64, kind = #tpu.reduction_kind<sum>} : vector<16xi1> -> vector<16xi32>
        %add3A_215 = arith.addi %add3A_190, %all_reduce_population_count3A_214 : vector<16xi32>
        %broadcast_in_dim3A_216 = arith.constant 4 : i32
        %broadcast_in_dim3A_217 = vector.broadcast %broadcast_in_dim3A_216 : i32 to vector<16xi32>
        %gather3A_218 = tpu.vector_load_idx %arg10[%add3A_117, %broadcast_in_dim3A_217] : memref<128x32xf32, #tpu.memory_space<vmem>>[vector<16xi32>, vector<16xi32>], vector<16xf32>,
        %ge3A_219 = arith.cmpf oge, %gather3A_218, %get3A_12 : vector<16xf32>
        %and3A_220 = arith.andi %ge3A_219, %lt3A : vector<16xi1>
        %convert_element_type3A_221 = arith.extui %and3A_220 : vector<16xi1> to vector<16xi32>
        %broadcast_in_dim3A_222 = arith.constant true
        %broadcast_in_dim3A_223 = vector.broadcast %broadcast_in_dim3A_222 : i1 to vector<16xi1>
        %masked_cumsum3A_224 = tpu.scan <sum>, %convert_element_type3A_221 masked %broadcast_in_dim3A_223 : vector<16xi32>, vector<16xi1> -> vector<16xi32>
        %add3A_225 = arith.addi %add3A_215, %masked_cumsum3A_224 : vector<16xi32>
        %sub3A_226 = arith.constant 1 : i32
        %sub3A_227 = vector.broadcast %sub3A_226 : i32 to vector<16xi32>
        %sub3A_228 = arith.subi %add3A_225, %sub3A_227 : vector<16xi32>
        %lt3A_229 = arith.constant 128 : i32
        %lt3A_230 = vector.broadcast %lt3A_229 : i32 to vector<16xi32>
        %lt3A_231 = arith.cmpi slt, %sub3A_228, %lt3A_230 : vector<16xi32>
        %and3A_232 = arith.andi %and3A_220, %lt3A_231 : vector<16xi1>
        tpu.vector_store_idx %arg11[%sub3A_228], %gather3A_218 masked %and3A_232 : memref<128xf32, #tpu.memory_space<vmem>>[vector<16xi32>], vector<16xf32>, vector<16xi1>
        %mul3A_233 = arith.constant 32 : i32
        %mul3A_234 = vector.broadcast %mul3A_233 : i32 to vector<16xi32>
        %mul3A_235 = arith.muli %sub3A, %mul3A_234 : vector<16xi32>
        %add3A_236 = arith.constant 4 : i32
        %add3A_237 = vector.broadcast %add3A_236 : i32 to vector<16xi32>
        %add3A_238 = arith.addi %mul3A_235, %add3A_237 : vector<16xi32>
        tpu.vector_store_idx %arg12[%sub3A_228], %add3A_238 masked %and3A_232 : memref<128xi32, #tpu.memory_space<vmem>>[vector<16xi32>], vector<16xi32>, vector<16xi1>
        %all_reduce_population_count3A_239 = tpu.all_reduce %and3A_220 {dim = 0 : i64, kind = #tpu.reduction_kind<sum>} : vector<16xi1> -> vector<16xi32>
        %add3A_240 = arith.addi %add3A_215, %all_reduce_population_count3A_239 : vector<16xi32>
        %broadcast_in_dim3A_241 = arith.constant 5 : i32
        %broadcast_in_dim3A_242 = vector.broadcast %broadcast_in_dim3A_241 : i32 to vector<16xi32>
        %gather3A_243 = tpu.vector_load_idx %arg10[%add3A_117, %broadcast_in_dim3A_242] : memref<128x32xf32, #tpu.memory_space<vmem>>[vector<16xi32>, vector<16xi32>], vector<16xf32>,
        %ge3A_244 = arith.cmpf oge, %gather3A_243, %get3A_12 : vector<16xf32>
        %and3A_245 = arith.andi %ge3A_244, %lt3A : vector<16xi1>
        %convert_element_type3A_246 = arith.extui %and3A_245 : vector<16xi1> to vector<16xi32>
        %broadcast_in_dim3A_247 = arith.constant true
        %broadcast_in_dim3A_248 = vector.broadcast %broadcast_in_dim3A_247 : i1 to vector<16xi1>
        %masked_cumsum3A_249 = tpu.scan <sum>, %convert_element_type3A_246 masked %broadcast_in_dim3A_248 : vector<16xi32>, vector<16xi1> -> vector<16xi32>
        %add3A_250 = arith.addi %add3A_240, %masked_cumsum3A_249 : vector<16xi32>
        %sub3A_251 = arith.constant 1 : i32
        %sub3A_252 = vector.broadcast %sub3A_251 : i32 to vector<16xi32>
        %sub3A_253 = arith.subi %add3A_250, %sub3A_252 : vector<16xi32>
        %lt3A_254 = arith.constant 128 : i32
        %lt3A_255 = vector.broadcast %lt3A_254 : i32 to vector<16xi32>
        %lt3A_256 = arith.cmpi slt, %sub3A_253, %lt3A_255 : vector<16xi32>
        %and3A_257 = arith.andi %and3A_245, %lt3A_256 : vector<16xi1>
        tpu.vector_store_idx %arg11[%sub3A_253], %gather3A_243 masked %and3A_257 : memref<128xf32, #tpu.memory_space<vmem>>[vector<16xi32>], vector<16xf32>, vector<16xi1>
        %mul3A_258 = arith.constant 32 : i32
        %mul3A_259 = vector.broadcast %mul3A_258 : i32 to vector<16xi32>
        %mul3A_260 = arith.muli %sub3A, %mul3A_259 : vector<16xi32>
        %add3A_261 = arith.constant 5 : i32
        %add3A_262 = vector.broadcast %add3A_261 : i32 to vector<16xi32>
        %add3A_263 = arith.addi %mul3A_260, %add3A_262 : vector<16xi32>
        tpu.vector_store_idx %arg12[%sub3A_253], %add3A_263 masked %and3A_257 : memref<128xi32, #tpu.memory_space<vmem>>[vector<16xi32>], vector<16xi32>, vector<16xi1>
        %all_reduce_population_count3A_264 = tpu.all_reduce %and3A_245 {dim = 0 : i64, kind = #tpu.reduction_kind<sum>} : vector<16xi1> -> vector<16xi32>
        %add3A_265 = arith.addi %add3A_240, %all_reduce_population_count3A_264 : vector<16xi32>
        %broadcast_in_dim3A_266 = arith.constant 6 : i32
        %broadcast_in_dim3A_267 = vector.broadcast %broadcast_in_dim3A_266 : i32 to vector<16xi32>
        %gather3A_268 = tpu.vector_load_idx %arg10[%add3A_117, %broadcast_in_dim3A_267] : memref<128x32xf32, #tpu.memory_space<vmem>>[vector<16xi32>, vector<16xi32>], vector<16xf32>,
        %ge3A_269 = arith.cmpf oge, %gather3A_268, %get3A_12 : vector<16xf32>
        %and3A_270 = arith.andi %ge3A_269, %lt3A : vector<16xi1>
        %convert_element_type3A_271 = arith.extui %and3A_270 : vector<16xi1> to vector<16xi32>
        %broadcast_in_dim3A_272 = arith.constant true
        %broadcast_in_dim3A_273 = vector.broadcast %broadcast_in_dim3A_272 : i1 to vector<16xi1>
        %masked_cumsum3A_274 = tpu.scan <sum>, %convert_element_type3A_271 masked %broadcast_in_dim3A_273 : vector<16xi32>, vector<16xi1> -> vector<16xi32>
        %add3A_275 = arith.addi %add3A_265, %masked_cumsum3A_274 : vector<16xi32>
        %sub3A_276 = arith.constant 1 : i32
        %sub3A_277 = vector.broadcast %sub3A_276 : i32 to vector<16xi32>
        %sub3A_278 = arith.subi %add3A_275, %sub3A_277 : vector<16xi32>
        %lt3A_279 = arith.constant 128 : i32
        %lt3A_280 = vector.broadcast %lt3A_279 : i32 to vector<16xi32>
        %lt3A_281 = arith.cmpi slt, %sub3A_278, %lt3A_280 : vector<16xi32>
        %and3A_282 = arith.andi %and3A_270, %lt3A_281 : vector<16xi1>
        tpu.vector_store_idx %arg11[%sub3A_278], %gather3A_268 masked %and3A_282 : memref<128xf32, #tpu.memory_space<vmem>>[vector<16xi32>], vector<16xf32>, vector<16xi1>
        %mul3A_283 = arith.constant 32 : i32
        %mul3A_284 = vector.broadcast %mul3A_283 : i32 to vector<16xi32>
        %mul3A_285 = arith.muli %sub3A, %mul3A_284 : vector<16xi32>
        %add3A_286 = arith.constant 6 : i32
        %add3A_287 = vector.broadcast %add3A_286 : i32 to vector<16xi32>
        %add3A_288 = arith.addi %mul3A_285, %add3A_287 : vector<16xi32>
        tpu.vector_store_idx %arg12[%sub3A_278], %add3A_288 masked %and3A_282 : memref<128xi32, #tpu.memory_space<vmem>>[vector<16xi32>], vector<16xi32>, vector<16xi1>
        %all_reduce_population_count3A_289 = tpu.all_reduce %and3A_270 {dim = 0 : i64, kind = #tpu.reduction_kind<sum>} : vector<16xi1> -> vector<16xi32>
        %add3A_290 = arith.addi %add3A_265, %all_reduce_population_count3A_289 : vector<16xi32>
        %broadcast_in_dim3A_291 = arith.constant 7 : i32
        %broadcast_in_dim3A_292 = vector.broadcast %broadcast_in_dim3A_291 : i32 to vector<16xi32>
        %gather3A_293 = tpu.vector_load_idx %arg10[%add3A_117, %broadcast_in_dim3A_292] : memref<128x32xf32, #tpu.memory_space<vmem>>[vector<16xi32>, vector<16xi32>], vector<16xf32>,
        %ge3A_294 = arith.cmpf oge, %gather3A_293, %get3A_12 : vector<16xf32>
        %and3A_295 = arith.andi %ge3A_294, %lt3A : vector<16xi1>
        %convert_element_type3A_296 = arith.extui %and3A_295 : vector<16xi1> to vector<16xi32>
        %broadcast_in_dim3A_297 = arith.constant true
        %broadcast_in_dim3A_298 = vector.broadcast %broadcast_in_dim3A_297 : i1 to vector<16xi1>
        %masked_cumsum3A_299 = tpu.scan <sum>, %convert_element_type3A_296 masked %broadcast_in_dim3A_298 : vector<16xi32>, vector<16xi1> -> vector<16xi32>
        %add3A_300 = arith.addi %add3A_290, %masked_cumsum3A_299 : vector<16xi32>
        %sub3A_301 = arith.constant 1 : i32
        %sub3A_302 = vector.broadcast %sub3A_301 : i32 to vector<16xi32>
        %sub3A_303 = arith.subi %add3A_300, %sub3A_302 : vector<16xi32>
        %lt3A_304 = arith.constant 128 : i32
        %lt3A_305 = vector.broadcast %lt3A_304 : i32 to vector<16xi32>
        %lt3A_306 = arith.cmpi slt, %sub3A_303, %lt3A_305 : vector<16xi32>
        %and3A_307 = arith.andi %and3A_295, %lt3A_306 : vector<16xi1>
        tpu.vector_store_idx %arg11[%sub3A_303], %gather3A_293 masked %and3A_307 : memref<128xf32, #tpu.memory_space<vmem>>[vector<16xi32>], vector<16xf32>, vector<16xi1>
        %mul3A_308 = arith.constant 32 : i32
        %mul3A_309 = vector.broadcast %mul3A_308 : i32 to vector<16xi32>
        %mul3A_310 = arith.muli %sub3A, %mul3A_309 : vector<16xi32>
        %add3A_311 = arith.constant 7 : i32
        %add3A_312 = vector.broadcast %add3A_311 : i32 to vector<16xi32>
        %add3A_313 = arith.addi %mul3A_310, %add3A_312 : vector<16xi32>
        tpu.vector_store_idx %arg12[%sub3A_303], %add3A_313 masked %and3A_307 : memref<128xi32, #tpu.memory_space<vmem>>[vector<16xi32>], vector<16xi32>, vector<16xi1>
        %all_reduce_population_count3A_314 = tpu.all_reduce %and3A_295 {dim = 0 : i64, kind = #tpu.reduction_kind<sum>} : vector<16xi1> -> vector<16xi32>
        %add3A_315 = arith.addi %add3A_290, %all_reduce_population_count3A_314 : vector<16xi32>
        %broadcast_in_dim3A_316 = arith.constant 8 : i32
        %broadcast_in_dim3A_317 = vector.broadcast %broadcast_in_dim3A_316 : i32 to vector<16xi32>
        %gather3A_318 = tpu.vector_load_idx %arg10[%add3A_117, %broadcast_in_dim3A_317] : memref<128x32xf32, #tpu.memory_space<vmem>>[vector<16xi32>, vector<16xi32>], vector<16xf32>,
        %ge3A_319 = arith.cmpf oge, %gather3A_318, %get3A_12 : vector<16xf32>
        %and3A_320 = arith.andi %ge3A_319, %lt3A : vector<16xi1>
        %convert_element_type3A_321 = arith.extui %and3A_320 : vector<16xi1> to vector<16xi32>
        %broadcast_in_dim3A_322 = arith.constant true
        %broadcast_in_dim3A_323 = vector.broadcast %broadcast_in_dim3A_322 : i1 to vector<16xi1>
        %masked_cumsum3A_324 = tpu.scan <sum>, %convert_element_type3A_321 masked %broadcast_in_dim3A_323 : vector<16xi32>, vector<16xi1> -> vector<16xi32>
        %add3A_325 = arith.addi %add3A_315, %masked_cumsum3A_324 : vector<16xi32>
        %sub3A_326 = arith.constant 1 : i32
        %sub3A_327 = vector.broadcast %sub3A_326 : i32 to vector<16xi32>
        %sub3A_328 = arith.subi %add3A_325, %sub3A_327 : vector<16xi32>
        %lt3A_329 = arith.constant 128 : i32
        %lt3A_330 = vector.broadcast %lt3A_329 : i32 to vector<16xi32>
        %lt3A_331 = arith.cmpi slt, %sub3A_328, %lt3A_330 : vector<16xi32>
        %and3A_332 = arith.andi %and3A_320, %lt3A_331 : vector<16xi1>
        tpu.vector_store_idx %arg11[%sub3A_328], %gather3A_318 masked %and3A_332 : memref<128xf32, #tpu.memory_space<vmem>>[vector<16xi32>], vector<16xf32>, vector<16xi1>
        %mul3A_333 = arith.constant 32 : i32
        %mul3A_334 = vector.broadcast %mul3A_333 : i32 to vector<16xi32>
        %mul3A_335 = arith.muli %sub3A, %mul3A_334 : vector<16xi32>
        %add3A_336 = arith.constant 8 : i32
        %add3A_337 = vector.broadcast %add3A_336 : i32 to vector<16xi32>
        %add3A_338 = arith.addi %mul3A_335, %add3A_337 : vector<16xi32>
        tpu.vector_store_idx %arg12[%sub3A_328], %add3A_338 masked %and3A_332 : memref<128xi32, #tpu.memory_space<vmem>>[vector<16xi32>], vector<16xi32>, vector<16xi1>
        %all_reduce_population_count3A_339 = tpu.all_reduce %and3A_320 {dim = 0 : i64, kind = #tpu.reduction_kind<sum>} : vector<16xi1> -> vector<16xi32>
        %add3A_340 = arith.addi %add3A_315, %all_reduce_population_count3A_339 : vector<16xi32>
        %broadcast_in_dim3A_341 = arith.constant 9 : i32
        %broadcast_in_dim3A_342 = vector.broadcast %broadcast_in_dim3A_341 : i32 to vector<16xi32>
        %gather3A_343 = tpu.vector_load_idx %arg10[%add3A_117, %broadcast_in_dim3A_342] : memref<128x32xf32, #tpu.memory_space<vmem>>[vector<16xi32>, vector<16xi32>], vector<16xf32>,
        %ge3A_344 = arith.cmpf oge, %gather3A_343, %get3A_12 : vector<16xf32>
        %and3A_345 = arith.andi %ge3A_344, %lt3A : vector<16xi1>
        %convert_element_type3A_346 = arith.extui %and3A_345 : vector<16xi1> to vector<16xi32>
        %broadcast_in_dim3A_347 = arith.constant true
        %broadcast_in_dim3A_348 = vector.broadcast %broadcast_in_dim3A_347 : i1 to vector<16xi1>
        %masked_cumsum3A_349 = tpu.scan <sum>, %convert_element_type3A_346 masked %broadcast_in_dim3A_348 : vector<16xi32>, vector<16xi1> -> vector<16xi32>
        %add3A_350 = arith.addi %add3A_340, %masked_cumsum3A_349 : vector<16xi32>
        %sub3A_351 = arith.constant 1 : i32
        %sub3A_352 = vector.broadcast %sub3A_351 : i32 to vector<16xi32>
        %sub3A_353 = arith.subi %add3A_350, %sub3A_352 : vector<16xi32>
        %lt3A_354 = arith.constant 128 : i32
        %lt3A_355 = vector.broadcast %lt3A_354 : i32 to vector<16xi32>
        %lt3A_356 = arith.cmpi slt, %sub3A_353, %lt3A_355 : vector<16xi32>
        %and3A_357 = arith.andi %and3A_345, %lt3A_356 : vector<16xi1>
        tpu.vector_store_idx %arg11[%sub3A_353], %gather3A_343 masked %and3A_357 : memref<128xf32, #tpu.memory_space<vmem>>[vector<16xi32>], vector<16xf32>, vector<16xi1>
        %mul3A_358 = arith.constant 32 : i32
        %mul3A_359 = vector.broadcast %mul3A_358 : i32 to vector<16xi32>
        %mul3A_360 = arith.muli %sub3A, %mul3A_359 : vector<16xi32>
        %add3A_361 = arith.constant 9 : i32
        %add3A_362 = vector.broadcast %add3A_361 : i32 to vector<16xi32>
        %add3A_363 = arith.addi %mul3A_360, %add3A_362 : vector<16xi32>
        tpu.vector_store_idx %arg12[%sub3A_353], %add3A_363 masked %and3A_357 : memref<128xi32, #tpu.memory_space<vmem>>[vector<16xi32>], vector<16xi32>, vector<16xi1>
        %all_reduce_population_count3A_364 = tpu.all_reduce %and3A_345 {dim = 0 : i64, kind = #tpu.reduction_kind<sum>} : vector<16xi1> -> vector<16xi32>
        %add3A_365 = arith.addi %add3A_340, %all_reduce_population_count3A_364 : vector<16xi32>
        %broadcast_in_dim3A_366 = arith.constant 10 : i32
        %broadcast_in_dim3A_367 = vector.broadcast %broadcast_in_dim3A_366 : i32 to vector<16xi32>
        %gather3A_368 = tpu.vector_load_idx %arg10[%add3A_117, %broadcast_in_dim3A_367] : memref<128x32xf32, #tpu.memory_space<vmem>>[vector<16xi32>, vector<16xi32>], vector<16xf32>,
        %ge3A_369 = arith.cmpf oge, %gather3A_368, %get3A_12 : vector<16xf32>
        %and3A_370 = arith.andi %ge3A_369, %lt3A : vector<16xi1>
        %convert_element_type3A_371 = arith.extui %and3A_370 : vector<16xi1> to vector<16xi32>
        %broadcast_in_dim3A_372 = arith.constant true
        %broadcast_in_dim3A_373 = vector.broadcast %broadcast_in_dim3A_372 : i1 to vector<16xi1>
        %masked_cumsum3A_374 = tpu.scan <sum>, %convert_element_type3A_371 masked %broadcast_in_dim3A_373 : vector<16xi32>, vector<16xi1> -> vector<16xi32>
        %add3A_375 = arith.addi %add3A_365, %masked_cumsum3A_374 : vector<16xi32>
        %sub3A_376 = arith.constant 1 : i32
        %sub3A_377 = vector.broadcast %sub3A_376 : i32 to vector<16xi32>
        %sub3A_378 = arith.subi %add3A_375, %sub3A_377 : vector<16xi32>
        %lt3A_379 = arith.constant 128 : i32
        %lt3A_380 = vector.broadcast %lt3A_379 : i32 to vector<16xi32>
        %lt3A_381 = arith.cmpi slt, %sub3A_378, %lt3A_380 : vector<16xi32>
        %and3A_382 = arith.andi %and3A_370, %lt3A_381 : vector<16xi1>
        tpu.vector_store_idx %arg11[%sub3A_378], %gather3A_368 masked %and3A_382 : memref<128xf32, #tpu.memory_space<vmem>>[vector<16xi32>], vector<16xf32>, vector<16xi1>
        %mul3A_383 = arith.constant 32 : i32
        %mul3A_384 = vector.broadcast %mul3A_383 : i32 to vector<16xi32>
        %mul3A_385 = arith.muli %sub3A, %mul3A_384 : vector<16xi32>
        %add3A_386 = arith.constant 10 : i32
        %add3A_387 = vector.broadcast %add3A_386 : i32 to vector<16xi32>
        %add3A_388 = arith.addi %mul3A_385, %add3A_387 : vector<16xi32>
        tpu.vector_store_idx %arg12[%sub3A_378], %add3A_388 masked %and3A_382 : memref<128xi32, #tpu.memory_space<vmem>>[vector<16xi32>], vector<16xi32>, vector<16xi1>
        %all_reduce_population_count3A_389 = tpu.all_reduce %and3A_370 {dim = 0 : i64, kind = #tpu.reduction_kind<sum>} : vector<16xi1> -> vector<16xi32>
        %add3A_390 = arith.addi %add3A_365, %all_reduce_population_count3A_389 : vector<16xi32>
        %broadcast_in_dim3A_391 = arith.constant 11 : i32
        %broadcast_in_dim3A_392 = vector.broadcast %broadcast_in_dim3A_391 : i32 to vector<16xi32>
        %gather3A_393 = tpu.vector_load_idx %arg10[%add3A_117, %broadcast_in_dim3A_392] : memref<128x32xf32, #tpu.memory_space<vmem>>[vector<16xi32>, vector<16xi32>], vector<16xf32>,
        %ge3A_394 = arith.cmpf oge, %gather3A_393, %get3A_12 : vector<16xf32>
        %and3A_395 = arith.andi %ge3A_394, %lt3A : vector<16xi1>
        %convert_element_type3A_396 = arith.extui %and3A_395 : vector<16xi1> to vector<16xi32>
        %broadcast_in_dim3A_397 = arith.constant true
        %broadcast_in_dim3A_398 = vector.broadcast %broadcast_in_dim3A_397 : i1 to vector<16xi1>
        %masked_cumsum3A_399 = tpu.scan <sum>, %convert_element_type3A_396 masked %broadcast_in_dim3A_398 : vector<16xi32>, vector<16xi1> -> vector<16xi32>
        %add3A_400 = arith.addi %add3A_390, %masked_cumsum3A_399 : vector<16xi32>
        %sub3A_401 = arith.constant 1 : i32
        %sub3A_402 = vector.broadcast %sub3A_401 : i32 to vector<16xi32>
        %sub3A_403 = arith.subi %add3A_400, %sub3A_402 : vector<16xi32>
        %lt3A_404 = arith.constant 128 : i32
        %lt3A_405 = vector.broadcast %lt3A_404 : i32 to vector<16xi32>
        %lt3A_406 = arith.cmpi slt, %sub3A_403, %lt3A_405 : vector<16xi32>
        %and3A_407 = arith.andi %and3A_395, %lt3A_406 : vector<16xi1>
        tpu.vector_store_idx %arg11[%sub3A_403], %gather3A_393 masked %and3A_407 : memref<128xf32, #tpu.memory_space<vmem>>[vector<16xi32>], vector<16xf32>, vector<16xi1>
        %mul3A_408 = arith.constant 32 : i32
        %mul3A_409 = vector.broadcast %mul3A_408 : i32 to vector<16xi32>
        %mul3A_410 = arith.muli %sub3A, %mul3A_409 : vector<16xi32>
        %add3A_411 = arith.constant 11 : i32
        %add3A_412 = vector.broadcast %add3A_411 : i32 to vector<16xi32>
        %add3A_413 = arith.addi %mul3A_410, %add3A_412 : vector<16xi32>
        tpu.vector_store_idx %arg12[%sub3A_403], %add3A_413 masked %and3A_407 : memref<128xi32, #tpu.memory_space<vmem>>[vector<16xi32>], vector<16xi32>, vector<16xi1>
        %all_reduce_population_count3A_414 = tpu.all_reduce %and3A_395 {dim = 0 : i64, kind = #tpu.reduction_kind<sum>} : vector<16xi1> -> vector<16xi32>
        %add3A_415 = arith.addi %add3A_390, %all_reduce_population_count3A_414 : vector<16xi32>
        %broadcast_in_dim3A_416 = arith.constant 12 : i32
        %broadcast_in_dim3A_417 = vector.broadcast %broadcast_in_dim3A_416 : i32 to vector<16xi32>
        %gather3A_418 = tpu.vector_load_idx %arg10[%add3A_117, %broadcast_in_dim3A_417] : memref<128x32xf32, #tpu.memory_space<vmem>>[vector<16xi32>, vector<16xi32>], vector<16xf32>,
        %ge3A_419 = arith.cmpf oge, %gather3A_418, %get3A_12 : vector<16xf32>
        %and3A_420 = arith.andi %ge3A_419, %lt3A : vector<16xi1>
        %convert_element_type3A_421 = arith.extui %and3A_420 : vector<16xi1> to vector<16xi32>
        %broadcast_in_dim3A_422 = arith.constant true
        %broadcast_in_dim3A_423 = vector.broadcast %broadcast_in_dim3A_422 : i1 to vector<16xi1>
        %masked_cumsum3A_424 = tpu.scan <sum>, %convert_element_type3A_421 masked %broadcast_in_dim3A_423 : vector<16xi32>, vector<16xi1> -> vector<16xi32>
        %add3A_425 = arith.addi %add3A_415, %masked_cumsum3A_424 : vector<16xi32>
        %sub3A_426 = arith.constant 1 : i32
        %sub3A_427 = vector.broadcast %sub3A_426 : i32 to vector<16xi32>
        %sub3A_428 = arith.subi %add3A_425, %sub3A_427 : vector<16xi32>
        %lt3A_429 = arith.constant 128 : i32
        %lt3A_430 = vector.broadcast %lt3A_429 : i32 to vector<16xi32>
        %lt3A_431 = arith.cmpi slt, %sub3A_428, %lt3A_430 : vector<16xi32>
        %and3A_432 = arith.andi %and3A_420, %lt3A_431 : vector<16xi1>
        tpu.vector_store_idx %arg11[%sub3A_428], %gather3A_418 masked %and3A_432 : memref<128xf32, #tpu.memory_space<vmem>>[vector<16xi32>], vector<16xf32>, vector<16xi1>
        %mul3A_433 = arith.constant 32 : i32
        %mul3A_434 = vector.broadcast %mul3A_433 : i32 to vector<16xi32>
        %mul3A_435 = arith.muli %sub3A, %mul3A_434 : vector<16xi32>
        %add3A_436 = arith.constant 12 : i32
        %add3A_437 = vector.broadcast %add3A_436 : i32 to vector<16xi32>
        %add3A_438 = arith.addi %mul3A_435, %add3A_437 : vector<16xi32>
        tpu.vector_store_idx %arg12[%sub3A_428], %add3A_438 masked %and3A_432 : memref<128xi32, #tpu.memory_space<vmem>>[vector<16xi32>], vector<16xi32>, vector<16xi1>
        %all_reduce_population_count3A_439 = tpu.all_reduce %and3A_420 {dim = 0 : i64, kind = #tpu.reduction_kind<sum>} : vector<16xi1> -> vector<16xi32>
        %add3A_440 = arith.addi %add3A_415, %all_reduce_population_count3A_439 : vector<16xi32>
        %broadcast_in_dim3A_441 = arith.constant 13 : i32
        %broadcast_in_dim3A_442 = vector.broadcast %broadcast_in_dim3A_441 : i32 to vector<16xi32>
        %gather3A_443 = tpu.vector_load_idx %arg10[%add3A_117, %broadcast_in_dim3A_442] : memref<128x32xf32, #tpu.memory_space<vmem>>[vector<16xi32>, vector<16xi32>], vector<16xf32>,
        %ge3A_444 = arith.cmpf oge, %gather3A_443, %get3A_12 : vector<16xf32>
        %and3A_445 = arith.andi %ge3A_444, %lt3A : vector<16xi1>
        %convert_element_type3A_446 = arith.extui %and3A_445 : vector<16xi1> to vector<16xi32>
        %broadcast_in_dim3A_447 = arith.constant true
        %broadcast_in_dim3A_448 = vector.broadcast %broadcast_in_dim3A_447 : i1 to vector<16xi1>
        %masked_cumsum3A_449 = tpu.scan <sum>, %convert_element_type3A_446 masked %broadcast_in_dim3A_448 : vector<16xi32>, vector<16xi1> -> vector<16xi32>
        %add3A_450 = arith.addi %add3A_440, %masked_cumsum3A_449 : vector<16xi32>
        %sub3A_451 = arith.constant 1 : i32
        %sub3A_452 = vector.broadcast %sub3A_451 : i32 to vector<16xi32>
        %sub3A_453 = arith.subi %add3A_450, %sub3A_452 : vector<16xi32>
        %lt3A_454 = arith.constant 128 : i32
        %lt3A_455 = vector.broadcast %lt3A_454 : i32 to vector<16xi32>
        %lt3A_456 = arith.cmpi slt, %sub3A_453, %lt3A_455 : vector<16xi32>
        %and3A_457 = arith.andi %and3A_445, %lt3A_456 : vector<16xi1>
        tpu.vector_store_idx %arg11[%sub3A_453], %gather3A_443 masked %and3A_457 : memref<128xf32, #tpu.memory_space<vmem>>[vector<16xi32>], vector<16xf32>, vector<16xi1>
        %mul3A_458 = arith.constant 32 : i32
        %mul3A_459 = vector.broadcast %mul3A_458 : i32 to vector<16xi32>
        %mul3A_460 = arith.muli %sub3A, %mul3A_459 : vector<16xi32>
        %add3A_461 = arith.constant 13 : i32
        %add3A_462 = vector.broadcast %add3A_461 : i32 to vector<16xi32>
        %add3A_463 = arith.addi %mul3A_460, %add3A_462 : vector<16xi32>
        tpu.vector_store_idx %arg12[%sub3A_453], %add3A_463 masked %and3A_457 : memref<128xi32, #tpu.memory_space<vmem>>[vector<16xi32>], vector<16xi32>, vector<16xi1>
        %all_reduce_population_count3A_464 = tpu.all_reduce %and3A_445 {dim = 0 : i64, kind = #tpu.reduction_kind<sum>} : vector<16xi1> -> vector<16xi32>
        %add3A_465 = arith.addi %add3A_440, %all_reduce_population_count3A_464 : vector<16xi32>
        %broadcast_in_dim3A_466 = arith.constant 14 : i32
        %broadcast_in_dim3A_467 = vector.broadcast %broadcast_in_dim3A_466 : i32 to vector<16xi32>
        %gather3A_468 = tpu.vector_load_idx %arg10[%add3A_117, %broadcast_in_dim3A_467] : memref<128x32xf32, #tpu.memory_space<vmem>>[vector<16xi32>, vector<16xi32>], vector<16xf32>,
        %ge3A_469 = arith.cmpf oge, %gather3A_468, %get3A_12 : vector<16xf32>
        %and3A_470 = arith.andi %ge3A_469, %lt3A : vector<16xi1>
        %convert_element_type3A_471 = arith.extui %and3A_470 : vector<16xi1> to vector<16xi32>
        %broadcast_in_dim3A_472 = arith.constant true
        %broadcast_in_dim3A_473 = vector.broadcast %broadcast_in_dim3A_472 : i1 to vector<16xi1>
        %masked_cumsum3A_474 = tpu.scan <sum>, %convert_element_type3A_471 masked %broadcast_in_dim3A_473 : vector<16xi32>, vector<16xi1> -> vector<16xi32>
        %add3A_475 = arith.addi %add3A_465, %masked_cumsum3A_474 : vector<16xi32>
        %sub3A_476 = arith.constant 1 : i32
        %sub3A_477 = vector.broadcast %sub3A_476 : i32 to vector<16xi32>
        %sub3A_478 = arith.subi %add3A_475, %sub3A_477 : vector<16xi32>
        %lt3A_479 = arith.constant 128 : i32
        %lt3A_480 = vector.broadcast %lt3A_479 : i32 to vector<16xi32>
        %lt3A_481 = arith.cmpi slt, %sub3A_478, %lt3A_480 : vector<16xi32>
        %and3A_482 = arith.andi %and3A_470, %lt3A_481 : vector<16xi1>
        tpu.vector_store_idx %arg11[%sub3A_478], %gather3A_468 masked %and3A_482 : memref<128xf32, #tpu.memory_space<vmem>>[vector<16xi32>], vector<16xf32>, vector<16xi1>
        %mul3A_483 = arith.constant 32 : i32
        %mul3A_484 = vector.broadcast %mul3A_483 : i32 to vector<16xi32>
        %mul3A_485 = arith.muli %sub3A, %mul3A_484 : vector<16xi32>
        %add3A_486 = arith.constant 14 : i32
        %add3A_487 = vector.broadcast %add3A_486 : i32 to vector<16xi32>
        %add3A_488 = arith.addi %mul3A_485, %add3A_487 : vector<16xi32>
        tpu.vector_store_idx %arg12[%sub3A_478], %add3A_488 masked %and3A_482 : memref<128xi32, #tpu.memory_space<vmem>>[vector<16xi32>], vector<16xi32>, vector<16xi1>
        %all_reduce_population_count3A_489 = tpu.all_reduce %and3A_470 {dim = 0 : i64, kind = #tpu.reduction_kind<sum>} : vector<16xi1> -> vector<16xi32>
        %add3A_490 = arith.addi %add3A_465, %all_reduce_population_count3A_489 : vector<16xi32>
        %broadcast_in_dim3A_491 = arith.constant 15 : i32
        %broadcast_in_dim3A_492 = vector.broadcast %broadcast_in_dim3A_491 : i32 to vector<16xi32>
        %gather3A_493 = tpu.vector_load_idx %arg10[%add3A_117, %broadcast_in_dim3A_492] : memref<128x32xf32, #tpu.memory_space<vmem>>[vector<16xi32>, vector<16xi32>], vector<16xf32>,
        %ge3A_494 = arith.cmpf oge, %gather3A_493, %get3A_12 : vector<16xf32>
        %and3A_495 = arith.andi %ge3A_494, %lt3A : vector<16xi1>
        %convert_element_type3A_496 = arith.extui %and3A_495 : vector<16xi1> to vector<16xi32>
        %broadcast_in_dim3A_497 = arith.constant true
        %broadcast_in_dim3A_498 = vector.broadcast %broadcast_in_dim3A_497 : i1 to vector<16xi1>
        %masked_cumsum3A_499 = tpu.scan <sum>, %convert_element_type3A_496 masked %broadcast_in_dim3A_498 : vector<16xi32>, vector<16xi1> -> vector<16xi32>
        %add3A_500 = arith.addi %add3A_490, %masked_cumsum3A_499 : vector<16xi32>
        %sub3A_501 = arith.constant 1 : i32
        %sub3A_502 = vector.broadcast %sub3A_501 : i32 to vector<16xi32>
        %sub3A_503 = arith.subi %add3A_500, %sub3A_502 : vector<16xi32>
        %lt3A_504 = arith.constant 128 : i32
        %lt3A_505 = vector.broadcast %lt3A_504 : i32 to vector<16xi32>
        %lt3A_506 = arith.cmpi slt, %sub3A_503, %lt3A_505 : vector<16xi32>
        %and3A_507 = arith.andi %and3A_495, %lt3A_506 : vector<16xi1>
        tpu.vector_store_idx %arg11[%sub3A_503], %gather3A_493 masked %and3A_507 : memref<128xf32, #tpu.memory_space<vmem>>[vector<16xi32>], vector<16xf32>, vector<16xi1>
        %mul3A_508 = arith.constant 32 : i32
        %mul3A_509 = vector.broadcast %mul3A_508 : i32 to vector<16xi32>
        %mul3A_510 = arith.muli %sub3A, %mul3A_509 : vector<16xi32>
        %add3A_511 = arith.constant 15 : i32
        %add3A_512 = vector.broadcast %add3A_511 : i32 to vector<16xi32>
        %add3A_513 = arith.addi %mul3A_510, %add3A_512 : vector<16xi32>
        tpu.vector_store_idx %arg12[%sub3A_503], %add3A_513 masked %and3A_507 : memref<128xi32, #tpu.memory_space<vmem>>[vector<16xi32>], vector<16xi32>, vector<16xi1>
        %all_reduce_population_count3A_514 = tpu.all_reduce %and3A_495 {dim = 0 : i64, kind = #tpu.reduction_kind<sum>} : vector<16xi1> -> vector<16xi32>
        %add3A_515 = arith.addi %add3A_490, %all_reduce_population_count3A_514 : vector<16xi32>
        %broadcast_in_dim3A_516 = arith.constant 16 : i32
        %broadcast_in_dim3A_517 = vector.broadcast %broadcast_in_dim3A_516 : i32 to vector<16xi32>
        %gather3A_518 = tpu.vector_load_idx %arg10[%add3A_117, %broadcast_in_dim3A_517] : memref<128x32xf32, #tpu.memory_space<vmem>>[vector<16xi32>, vector<16xi32>], vector<16xf32>,
        %ge3A_519 = arith.cmpf oge, %gather3A_518, %get3A_12 : vector<16xf32>
        %and3A_520 = arith.andi %ge3A_519, %lt3A : vector<16xi1>
        %convert_element_type3A_521 = arith.extui %and3A_520 : vector<16xi1> to vector<16xi32>
        %broadcast_in_dim3A_522 = arith.constant true
        %broadcast_in_dim3A_523 = vector.broadcast %broadcast_in_dim3A_522 : i1 to vector<16xi1>
        %masked_cumsum3A_524 = tpu.scan <sum>, %convert_element_type3A_521 masked %broadcast_in_dim3A_523 : vector<16xi32>, vector<16xi1> -> vector<16xi32>
        %add3A_525 = arith.addi %add3A_515, %masked_cumsum3A_524 : vector<16xi32>
        %sub3A_526 = arith.constant 1 : i32
        %sub3A_527 = vector.broadcast %sub3A_526 : i32 to vector<16xi32>
        %sub3A_528 = arith.subi %add3A_525, %sub3A_527 : vector<16xi32>
        %lt3A_529 = arith.constant 128 : i32
        %lt3A_530 = vector.broadcast %lt3A_529 : i32 to vector<16xi32>
        %lt3A_531 = arith.cmpi slt, %sub3A_528, %lt3A_530 : vector<16xi32>
        %and3A_532 = arith.andi %and3A_520, %lt3A_531 : vector<16xi1>
        tpu.vector_store_idx %arg11[%sub3A_528], %gather3A_518 masked %and3A_532 : memref<128xf32, #tpu.memory_space<vmem>>[vector<16xi32>], vector<16xf32>, vector<16xi1>
        %mul3A_533 = arith.constant 32 : i32
        %mul3A_534 = vector.broadcast %mul3A_533 : i32 to vector<16xi32>
        %mul3A_535 = arith.muli %sub3A, %mul3A_534 : vector<16xi32>
        %add3A_536 = arith.constant 16 : i32
        %add3A_537 = vector.broadcast %add3A_536 : i32 to vector<16xi32>
        %add3A_538 = arith.addi %mul3A_535, %add3A_537 : vector<16xi32>
        tpu.vector_store_idx %arg12[%sub3A_528], %add3A_538 masked %and3A_532 : memref<128xi32, #tpu.memory_space<vmem>>[vector<16xi32>], vector<16xi32>, vector<16xi1>
        %all_reduce_population_count3A_539 = tpu.all_reduce %and3A_520 {dim = 0 : i64, kind = #tpu.reduction_kind<sum>} : vector<16xi1> -> vector<16xi32>
        %add3A_540 = arith.addi %add3A_515, %all_reduce_population_count3A_539 : vector<16xi32>
        %broadcast_in_dim3A_541 = arith.constant 17 : i32
        %broadcast_in_dim3A_542 = vector.broadcast %broadcast_in_dim3A_541 : i32 to vector<16xi32>
        %gather3A_543 = tpu.vector_load_idx %arg10[%add3A_117, %broadcast_in_dim3A_542] : memref<128x32xf32, #tpu.memory_space<vmem>>[vector<16xi32>, vector<16xi32>], vector<16xf32>,
        %ge3A_544 = arith.cmpf oge, %gather3A_543, %get3A_12 : vector<16xf32>
        %and3A_545 = arith.andi %ge3A_544, %lt3A : vector<16xi1>
        %convert_element_type3A_546 = arith.extui %and3A_545 : vector<16xi1> to vector<16xi32>
        %broadcast_in_dim3A_547 = arith.constant true
        %broadcast_in_dim3A_548 = vector.broadcast %broadcast_in_dim3A_547 : i1 to vector<16xi1>
        %masked_cumsum3A_549 = tpu.scan <sum>, %convert_element_type3A_546 masked %broadcast_in_dim3A_548 : vector<16xi32>, vector<16xi1> -> vector<16xi32>
        %add3A_550 = arith.addi %add3A_540, %masked_cumsum3A_549 : vector<16xi32>
        %sub3A_551 = arith.constant 1 : i32
        %sub3A_552 = vector.broadcast %sub3A_551 : i32 to vector<16xi32>
        %sub3A_553 = arith.subi %add3A_550, %sub3A_552 : vector<16xi32>
        %lt3A_554 = arith.constant 128 : i32
        %lt3A_555 = vector.broadcast %lt3A_554 : i32 to vector<16xi32>
        %lt3A_556 = arith.cmpi slt, %sub3A_553, %lt3A_555 : vector<16xi32>
        %and3A_557 = arith.andi %and3A_545, %lt3A_556 : vector<16xi1>
        tpu.vector_store_idx %arg11[%sub3A_553], %gather3A_543 masked %and3A_557 : memref<128xf32, #tpu.memory_space<vmem>>[vector<16xi32>], vector<16xf32>, vector<16xi1>
        %mul3A_558 = arith.constant 32 : i32
        %mul3A_559 = vector.broadcast %mul3A_558 : i32 to vector<16xi32>
        %mul3A_560 = arith.muli %sub3A, %mul3A_559 : vector<16xi32>
        %add3A_561 = arith.constant 17 : i32
        %add3A_562 = vector.broadcast %add3A_561 : i32 to vector<16xi32>
        %add3A_563 = arith.addi %mul3A_560, %add3A_562 : vector<16xi32>
        tpu.vector_store_idx %arg12[%sub3A_553], %add3A_563 masked %and3A_557 : memref<128xi32, #tpu.memory_space<vmem>>[vector<16xi32>], vector<16xi32>, vector<16xi1>
        %all_reduce_population_count3A_564 = tpu.all_reduce %and3A_545 {dim = 0 : i64, kind = #tpu.reduction_kind<sum>} : vector<16xi1> -> vector<16xi32>
        %add3A_565 = arith.addi %add3A_540, %all_reduce_population_count3A_564 : vector<16xi32>
        %broadcast_in_dim3A_566 = arith.constant 18 : i32
        %broadcast_in_dim3A_567 = vector.broadcast %broadcast_in_dim3A_566 : i32 to vector<16xi32>
        %gather3A_568 = tpu.vector_load_idx %arg10[%add3A_117, %broadcast_in_dim3A_567] : memref<128x32xf32, #tpu.memory_space<vmem>>[vector<16xi32>, vector<16xi32>], vector<16xf32>,
        %ge3A_569 = arith.cmpf oge, %gather3A_568, %get3A_12 : vector<16xf32>
        %and3A_570 = arith.andi %ge3A_569, %lt3A : vector<16xi1>
        %convert_element_type3A_571 = arith.extui %and3A_570 : vector<16xi1> to vector<16xi32>
        %broadcast_in_dim3A_572 = arith.constant true
        %broadcast_in_dim3A_573 = vector.broadcast %broadcast_in_dim3A_572 : i1 to vector<16xi1>
        %masked_cumsum3A_574 = tpu.scan <sum>, %convert_element_type3A_571 masked %broadcast_in_dim3A_573 : vector<16xi32>, vector<16xi1> -> vector<16xi32>
        %add3A_575 = arith.addi %add3A_565, %masked_cumsum3A_574 : vector<16xi32>
        %sub3A_576 = arith.constant 1 : i32
        %sub3A_577 = vector.broadcast %sub3A_576 : i32 to vector<16xi32>
        %sub3A_578 = arith.subi %add3A_575, %sub3A_577 : vector<16xi32>
        %lt3A_579 = arith.constant 128 : i32
        %lt3A_580 = vector.broadcast %lt3A_579 : i32 to vector<16xi32>
        %lt3A_581 = arith.cmpi slt, %sub3A_578, %lt3A_580 : vector<16xi32>
        %and3A_582 = arith.andi %and3A_570, %lt3A_581 : vector<16xi1>
        tpu.vector_store_idx %arg11[%sub3A_578], %gather3A_568 masked %and3A_582 : memref<128xf32, #tpu.memory_space<vmem>>[vector<16xi32>], vector<16xf32>, vector<16xi1>
        %mul3A_583 = arith.constant 32 : i32
        %mul3A_584 = vector.broadcast %mul3A_583 : i32 to vector<16xi32>
        %mul3A_585 = arith.muli %sub3A, %mul3A_584 : vector<16xi32>
        %add3A_586 = arith.constant 18 : i32
        %add3A_587 = vector.broadcast %add3A_586 : i32 to vector<16xi32>
        %add3A_588 = arith.addi %mul3A_585, %add3A_587 : vector<16xi32>
        tpu.vector_store_idx %arg12[%sub3A_578], %add3A_588 masked %and3A_582 : memref<128xi32, #tpu.memory_space<vmem>>[vector<16xi32>], vector<16xi32>, vector<16xi1>
        %all_reduce_population_count3A_589 = tpu.all_reduce %and3A_570 {dim = 0 : i64, kind = #tpu.reduction_kind<sum>} : vector<16xi1> -> vector<16xi32>
        %add3A_590 = arith.addi %add3A_565, %all_reduce_population_count3A_589 : vector<16xi32>
        %broadcast_in_dim3A_591 = arith.constant 19 : i32
        %broadcast_in_dim3A_592 = vector.broadcast %broadcast_in_dim3A_591 : i32 to vector<16xi32>
        %gather3A_593 = tpu.vector_load_idx %arg10[%add3A_117, %broadcast_in_dim3A_592] : memref<128x32xf32, #tpu.memory_space<vmem>>[vector<16xi32>, vector<16xi32>], vector<16xf32>,
        %ge3A_594 = arith.cmpf oge, %gather3A_593, %get3A_12 : vector<16xf32>
        %and3A_595 = arith.andi %ge3A_594, %lt3A : vector<16xi1>
        %convert_element_type3A_596 = arith.extui %and3A_595 : vector<16xi1> to vector<16xi32>
        %broadcast_in_dim3A_597 = arith.constant true
        %broadcast_in_dim3A_598 = vector.broadcast %broadcast_in_dim3A_597 : i1 to vector<16xi1>
        %masked_cumsum3A_599 = tpu.scan <sum>, %convert_element_type3A_596 masked %broadcast_in_dim3A_598 : vector<16xi32>, vector<16xi1> -> vector<16xi32>
        %add3A_600 = arith.addi %add3A_590, %masked_cumsum3A_599 : vector<16xi32>
        %sub3A_601 = arith.constant 1 : i32
        %sub3A_602 = vector.broadcast %sub3A_601 : i32 to vector<16xi32>
        %sub3A_603 = arith.subi %add3A_600, %sub3A_602 : vector<16xi32>
        %lt3A_604 = arith.constant 128 : i32
        %lt3A_605 = vector.broadcast %lt3A_604 : i32 to vector<16xi32>
        %lt3A_606 = arith.cmpi slt, %sub3A_603, %lt3A_605 : vector<16xi32>
        %and3A_607 = arith.andi %and3A_595, %lt3A_606 : vector<16xi1>
        tpu.vector_store_idx %arg11[%sub3A_603], %gather3A_593 masked %and3A_607 : memref<128xf32, #tpu.memory_space<vmem>>[vector<16xi32>], vector<16xf32>, vector<16xi1>
        %mul3A_608 = arith.constant 32 : i32
        %mul3A_609 = vector.broadcast %mul3A_608 : i32 to vector<16xi32>
        %mul3A_610 = arith.muli %sub3A, %mul3A_609 : vector<16xi32>
        %add3A_611 = arith.constant 19 : i32
        %add3A_612 = vector.broadcast %add3A_611 : i32 to vector<16xi32>
        %add3A_613 = arith.addi %mul3A_610, %add3A_612 : vector<16xi32>
        tpu.vector_store_idx %arg12[%sub3A_603], %add3A_613 masked %and3A_607 : memref<128xi32, #tpu.memory_space<vmem>>[vector<16xi32>], vector<16xi32>, vector<16xi1>
        %all_reduce_population_count3A_614 = tpu.all_reduce %and3A_595 {dim = 0 : i64, kind = #tpu.reduction_kind<sum>} : vector<16xi1> -> vector<16xi32>
        %add3A_615 = arith.addi %add3A_590, %all_reduce_population_count3A_614 : vector<16xi32>
        %broadcast_in_dim3A_616 = arith.constant 20 : i32
        %broadcast_in_dim3A_617 = vector.broadcast %broadcast_in_dim3A_616 : i32 to vector<16xi32>
        %gather3A_618 = tpu.vector_load_idx %arg10[%add3A_117, %broadcast_in_dim3A_617] : memref<128x32xf32, #tpu.memory_space<vmem>>[vector<16xi32>, vector<16xi32>], vector<16xf32>,
        %ge3A_619 = arith.cmpf oge, %gather3A_618, %get3A_12 : vector<16xf32>
        %and3A_620 = arith.andi %ge3A_619, %lt3A : vector<16xi1>
        %convert_element_type3A_621 = arith.extui %and3A_620 : vector<16xi1> to vector<16xi32>
        %broadcast_in_dim3A_622 = arith.constant true
        %broadcast_in_dim3A_623 = vector.broadcast %broadcast_in_dim3A_622 : i1 to vector<16xi1>
        %masked_cumsum3A_624 = tpu.scan <sum>, %convert_element_type3A_621 masked %broadcast_in_dim3A_623 : vector<16xi32>, vector<16xi1> -> vector<16xi32>
        %add3A_625 = arith.addi %add3A_615, %masked_cumsum3A_624 : vector<16xi32>
        %sub3A_626 = arith.constant 1 : i32
        %sub3A_627 = vector.broadcast %sub3A_626 : i32 to vector<16xi32>
        %sub3A_628 = arith.subi %add3A_625, %sub3A_627 : vector<16xi32>
        %lt3A_629 = arith.constant 128 : i32
        %lt3A_630 = vector.broadcast %lt3A_629 : i32 to vector<16xi32>
        %lt3A_631 = arith.cmpi slt, %sub3A_628, %lt3A_630 : vector<16xi32>
        %and3A_632 = arith.andi %and3A_620, %lt3A_631 : vector<16xi1>
        tpu.vector_store_idx %arg11[%sub3A_628], %gather3A_618 masked %and3A_632 : memref<128xf32, #tpu.memory_space<vmem>>[vector<16xi32>], vector<16xf32>, vector<16xi1>
        %mul3A_633 = arith.constant 32 : i32
        %mul3A_634 = vector.broadcast %mul3A_633 : i32 to vector<16xi32>
        %mul3A_635 = arith.muli %sub3A, %mul3A_634 : vector<16xi32>
        %add3A_636 = arith.constant 20 : i32
        %add3A_637 = vector.broadcast %add3A_636 : i32 to vector<16xi32>
        %add3A_638 = arith.addi %mul3A_635, %add3A_637 : vector<16xi32>
        tpu.vector_store_idx %arg12[%sub3A_628], %add3A_638 masked %and3A_632 : memref<128xi32, #tpu.memory_space<vmem>>[vector<16xi32>], vector<16xi32>, vector<16xi1>
        %all_reduce_population_count3A_639 = tpu.all_reduce %and3A_620 {dim = 0 : i64, kind = #tpu.reduction_kind<sum>} : vector<16xi1> -> vector<16xi32>
        %add3A_640 = arith.addi %add3A_615, %all_reduce_population_count3A_639 : vector<16xi32>
        %broadcast_in_dim3A_641 = arith.constant 21 : i32
        %broadcast_in_dim3A_642 = vector.broadcast %broadcast_in_dim3A_641 : i32 to vector<16xi32>
        %gather3A_643 = tpu.vector_load_idx %arg10[%add3A_117, %broadcast_in_dim3A_642] : memref<128x32xf32, #tpu.memory_space<vmem>>[vector<16xi32>, vector<16xi32>], vector<16xf32>,
        %ge3A_644 = arith.cmpf oge, %gather3A_643, %get3A_12 : vector<16xf32>
        %and3A_645 = arith.andi %ge3A_644, %lt3A : vector<16xi1>
        %convert_element_type3A_646 = arith.extui %and3A_645 : vector<16xi1> to vector<16xi32>
        %broadcast_in_dim3A_647 = arith.constant true
        %broadcast_in_dim3A_648 = vector.broadcast %broadcast_in_dim3A_647 : i1 to vector<16xi1>
        %masked_cumsum3A_649 = tpu.scan <sum>, %convert_element_type3A_646 masked %broadcast_in_dim3A_648 : vector<16xi32>, vector<16xi1> -> vector<16xi32>
        %add3A_650 = arith.addi %add3A_640, %masked_cumsum3A_649 : vector<16xi32>
        %sub3A_651 = arith.constant 1 : i32
        %sub3A_652 = vector.broadcast %sub3A_651 : i32 to vector<16xi32>
        %sub3A_653 = arith.subi %add3A_650, %sub3A_652 : vector<16xi32>
        %lt3A_654 = arith.constant 128 : i32
        %lt3A_655 = vector.broadcast %lt3A_654 : i32 to vector<16xi32>
        %lt3A_656 = arith.cmpi slt, %sub3A_653, %lt3A_655 : vector<16xi32>
        %and3A_657 = arith.andi %and3A_645, %lt3A_656 : vector<16xi1>
        tpu.vector_store_idx %arg11[%sub3A_653], %gather3A_643 masked %and3A_657 : memref<128xf32, #tpu.memory_space<vmem>>[vector<16xi32>], vector<16xf32>, vector<16xi1>
        %mul3A_658 = arith.constant 32 : i32
        %mul3A_659 = vector.broadcast %mul3A_658 : i32 to vector<16xi32>
        %mul3A_660 = arith.muli %sub3A, %mul3A_659 : vector<16xi32>
        %add3A_661 = arith.constant 21 : i32
        %add3A_662 = vector.broadcast %add3A_661 : i32 to vector<16xi32>
        %add3A_663 = arith.addi %mul3A_660, %add3A_662 : vector<16xi32>
        tpu.vector_store_idx %arg12[%sub3A_653], %add3A_663 masked %and3A_657 : memref<128xi32, #tpu.memory_space<vmem>>[vector<16xi32>], vector<16xi32>, vector<16xi1>
        %all_reduce_population_count3A_664 = tpu.all_reduce %and3A_645 {dim = 0 : i64, kind = #tpu.reduction_kind<sum>} : vector<16xi1> -> vector<16xi32>
        %add3A_665 = arith.addi %add3A_640, %all_reduce_population_count3A_664 : vector<16xi32>
        %broadcast_in_dim3A_666 = arith.constant 22 : i32
        %broadcast_in_dim3A_667 = vector.broadcast %broadcast_in_dim3A_666 : i32 to vector<16xi32>
        %gather3A_668 = tpu.vector_load_idx %arg10[%add3A_117, %broadcast_in_dim3A_667] : memref<128x32xf32, #tpu.memory_space<vmem>>[vector<16xi32>, vector<16xi32>], vector<16xf32>,
        %ge3A_669 = arith.cmpf oge, %gather3A_668, %get3A_12 : vector<16xf32>
        %and3A_670 = arith.andi %ge3A_669, %lt3A : vector<16xi1>
        %convert_element_type3A_671 = arith.extui %and3A_670 : vector<16xi1> to vector<16xi32>
        %broadcast_in_dim3A_672 = arith.constant true
        %broadcast_in_dim3A_673 = vector.broadcast %broadcast_in_dim3A_672 : i1 to vector<16xi1>
        %masked_cumsum3A_674 = tpu.scan <sum>, %convert_element_type3A_671 masked %broadcast_in_dim3A_673 : vector<16xi32>, vector<16xi1> -> vector<16xi32>
        %add3A_675 = arith.addi %add3A_665, %masked_cumsum3A_674 : vector<16xi32>
        %sub3A_676 = arith.constant 1 : i32
        %sub3A_677 = vector.broadcast %sub3A_676 : i32 to vector<16xi32>
        %sub3A_678 = arith.subi %add3A_675, %sub3A_677 : vector<16xi32>
        %lt3A_679 = arith.constant 128 : i32
        %lt3A_680 = vector.broadcast %lt3A_679 : i32 to vector<16xi32>
        %lt3A_681 = arith.cmpi slt, %sub3A_678, %lt3A_680 : vector<16xi32>
        %and3A_682 = arith.andi %and3A_670, %lt3A_681 : vector<16xi1>
        tpu.vector_store_idx %arg11[%sub3A_678], %gather3A_668 masked %and3A_682 : memref<128xf32, #tpu.memory_space<vmem>>[vector<16xi32>], vector<16xf32>, vector<16xi1>
        %mul3A_683 = arith.constant 32 : i32
        %mul3A_684 = vector.broadcast %mul3A_683 : i32 to vector<16xi32>
        %mul3A_685 = arith.muli %sub3A, %mul3A_684 : vector<16xi32>
        %add3A_686 = arith.constant 22 : i32
        %add3A_687 = vector.broadcast %add3A_686 : i32 to vector<16xi32>
        %add3A_688 = arith.addi %mul3A_685, %add3A_687 : vector<16xi32>
        tpu.vector_store_idx %arg12[%sub3A_678], %add3A_688 masked %and3A_682 : memref<128xi32, #tpu.memory_space<vmem>>[vector<16xi32>], vector<16xi32>, vector<16xi1>
        %all_reduce_population_count3A_689 = tpu.all_reduce %and3A_670 {dim = 0 : i64, kind = #tpu.reduction_kind<sum>} : vector<16xi1> -> vector<16xi32>
        %add3A_690 = arith.addi %add3A_665, %all_reduce_population_count3A_689 : vector<16xi32>
        %broadcast_in_dim3A_691 = arith.constant 23 : i32
        %broadcast_in_dim3A_692 = vector.broadcast %broadcast_in_dim3A_691 : i32 to vector<16xi32>
        %gather3A_693 = tpu.vector_load_idx %arg10[%add3A_117, %broadcast_in_dim3A_692] : memref<128x32xf32, #tpu.memory_space<vmem>>[vector<16xi32>, vector<16xi32>], vector<16xf32>,
        %ge3A_694 = arith.cmpf oge, %gather3A_693, %get3A_12 : vector<16xf32>
        %and3A_695 = arith.andi %ge3A_694, %lt3A : vector<16xi1>
        %convert_element_type3A_696 = arith.extui %and3A_695 : vector<16xi1> to vector<16xi32>
        %broadcast_in_dim3A_697 = arith.constant true
        %broadcast_in_dim3A_698 = vector.broadcast %broadcast_in_dim3A_697 : i1 to vector<16xi1>
        %masked_cumsum3A_699 = tpu.scan <sum>, %convert_element_type3A_696 masked %broadcast_in_dim3A_698 : vector<16xi32>, vector<16xi1> -> vector<16xi32>
        %add3A_700 = arith.addi %add3A_690, %masked_cumsum3A_699 : vector<16xi32>
        %sub3A_701 = arith.constant 1 : i32
        %sub3A_702 = vector.broadcast %sub3A_701 : i32 to vector<16xi32>
        %sub3A_703 = arith.subi %add3A_700, %sub3A_702 : vector<16xi32>
        %lt3A_704 = arith.constant 128 : i32
        %lt3A_705 = vector.broadcast %lt3A_704 : i32 to vector<16xi32>
        %lt3A_706 = arith.cmpi slt, %sub3A_703, %lt3A_705 : vector<16xi32>
        %and3A_707 = arith.andi %and3A_695, %lt3A_706 : vector<16xi1>
        tpu.vector_store_idx %arg11[%sub3A_703], %gather3A_693 masked %and3A_707 : memref<128xf32, #tpu.memory_space<vmem>>[vector<16xi32>], vector<16xf32>, vector<16xi1>
        %mul3A_708 = arith.constant 32 : i32
        %mul3A_709 = vector.broadcast %mul3A_708 : i32 to vector<16xi32>
        %mul3A_710 = arith.muli %sub3A, %mul3A_709 : vector<16xi32>
        %add3A_711 = arith.constant 23 : i32
        %add3A_712 = vector.broadcast %add3A_711 : i32 to vector<16xi32>
        %add3A_713 = arith.addi %mul3A_710, %add3A_712 : vector<16xi32>
        tpu.vector_store_idx %arg12[%sub3A_703], %add3A_713 masked %and3A_707 : memref<128xi32, #tpu.memory_space<vmem>>[vector<16xi32>], vector<16xi32>, vector<16xi1>
        %all_reduce_population_count3A_714 = tpu.all_reduce %and3A_695 {dim = 0 : i64, kind = #tpu.reduction_kind<sum>} : vector<16xi1> -> vector<16xi32>
        %add3A_715 = arith.addi %add3A_690, %all_reduce_population_count3A_714 : vector<16xi32>
        %broadcast_in_dim3A_716 = arith.constant 24 : i32
        %broadcast_in_dim3A_717 = vector.broadcast %broadcast_in_dim3A_716 : i32 to vector<16xi32>
        %gather3A_718 = tpu.vector_load_idx %arg10[%add3A_117, %broadcast_in_dim3A_717] : memref<128x32xf32, #tpu.memory_space<vmem>>[vector<16xi32>, vector<16xi32>], vector<16xf32>,
        %ge3A_719 = arith.cmpf oge, %gather3A_718, %get3A_12 : vector<16xf32>
        %and3A_720 = arith.andi %ge3A_719, %lt3A : vector<16xi1>
        %convert_element_type3A_721 = arith.extui %and3A_720 : vector<16xi1> to vector<16xi32>
        %broadcast_in_dim3A_722 = arith.constant true
        %broadcast_in_dim3A_723 = vector.broadcast %broadcast_in_dim3A_722 : i1 to vector<16xi1>
        %masked_cumsum3A_724 = tpu.scan <sum>, %convert_element_type3A_721 masked %broadcast_in_dim3A_723 : vector<16xi32>, vector<16xi1> -> vector<16xi32>
        %add3A_725 = arith.addi %add3A_715, %masked_cumsum3A_724 : vector<16xi32>
        %sub3A_726 = arith.constant 1 : i32
        %sub3A_727 = vector.broadcast %sub3A_726 : i32 to vector<16xi32>
        %sub3A_728 = arith.subi %add3A_725, %sub3A_727 : vector<16xi32>
        %lt3A_729 = arith.constant 128 : i32
        %lt3A_730 = vector.broadcast %lt3A_729 : i32 to vector<16xi32>
        %lt3A_731 = arith.cmpi slt, %sub3A_728, %lt3A_730 : vector<16xi32>
        %and3A_732 = arith.andi %and3A_720, %lt3A_731 : vector<16xi1>
        tpu.vector_store_idx %arg11[%sub3A_728], %gather3A_718 masked %and3A_732 : memref<128xf32, #tpu.memory_space<vmem>>[vector<16xi32>], vector<16xf32>, vector<16xi1>
        %mul3A_733 = arith.constant 32 : i32
        %mul3A_734 = vector.broadcast %mul3A_733 : i32 to vector<16xi32>
        %mul3A_735 = arith.muli %sub3A, %mul3A_734 : vector<16xi32>
        %add3A_736 = arith.constant 24 : i32
        %add3A_737 = vector.broadcast %add3A_736 : i32 to vector<16xi32>
        %add3A_738 = arith.addi %mul3A_735, %add3A_737 : vector<16xi32>
        tpu.vector_store_idx %arg12[%sub3A_728], %add3A_738 masked %and3A_732 : memref<128xi32, #tpu.memory_space<vmem>>[vector<16xi32>], vector<16xi32>, vector<16xi1>
        %all_reduce_population_count3A_739 = tpu.all_reduce %and3A_720 {dim = 0 : i64, kind = #tpu.reduction_kind<sum>} : vector<16xi1> -> vector<16xi32>
        %add3A_740 = arith.addi %add3A_715, %all_reduce_population_count3A_739 : vector<16xi32>
        %broadcast_in_dim3A_741 = arith.constant 25 : i32
        %broadcast_in_dim3A_742 = vector.broadcast %broadcast_in_dim3A_741 : i32 to vector<16xi32>
        %gather3A_743 = tpu.vector_load_idx %arg10[%add3A_117, %broadcast_in_dim3A_742] : memref<128x32xf32, #tpu.memory_space<vmem>>[vector<16xi32>, vector<16xi32>], vector<16xf32>,
        %ge3A_744 = arith.cmpf oge, %gather3A_743, %get3A_12 : vector<16xf32>
        %and3A_745 = arith.andi %ge3A_744, %lt3A : vector<16xi1>
        %convert_element_type3A_746 = arith.extui %and3A_745 : vector<16xi1> to vector<16xi32>
        %broadcast_in_dim3A_747 = arith.constant true
        %broadcast_in_dim3A_748 = vector.broadcast %broadcast_in_dim3A_747 : i1 to vector<16xi1>
        %masked_cumsum3A_749 = tpu.scan <sum>, %convert_element_type3A_746 masked %broadcast_in_dim3A_748 : vector<16xi32>, vector<16xi1> -> vector<16xi32>
        %add3A_750 = arith.addi %add3A_740, %masked_cumsum3A_749 : vector<16xi32>
        %sub3A_751 = arith.constant 1 : i32
        %sub3A_752 = vector.broadcast %sub3A_751 : i32 to vector<16xi32>
        %sub3A_753 = arith.subi %add3A_750, %sub3A_752 : vector<16xi32>
        %lt3A_754 = arith.constant 128 : i32
        %lt3A_755 = vector.broadcast %lt3A_754 : i32 to vector<16xi32>
        %lt3A_756 = arith.cmpi slt, %sub3A_753, %lt3A_755 : vector<16xi32>
        %and3A_757 = arith.andi %and3A_745, %lt3A_756 : vector<16xi1>
        tpu.vector_store_idx %arg11[%sub3A_753], %gather3A_743 masked %and3A_757 : memref<128xf32, #tpu.memory_space<vmem>>[vector<16xi32>], vector<16xf32>, vector<16xi1>
        %mul3A_758 = arith.constant 32 : i32
        %mul3A_759 = vector.broadcast %mul3A_758 : i32 to vector<16xi32>
        %mul3A_760 = arith.muli %sub3A, %mul3A_759 : vector<16xi32>
        %add3A_761 = arith.constant 25 : i32
        %add3A_762 = vector.broadcast %add3A_761 : i32 to vector<16xi32>
        %add3A_763 = arith.addi %mul3A_760, %add3A_762 : vector<16xi32>
        tpu.vector_store_idx %arg12[%sub3A_753], %add3A_763 masked %and3A_757 : memref<128xi32, #tpu.memory_space<vmem>>[vector<16xi32>], vector<16xi32>, vector<16xi1>
        %all_reduce_population_count3A_764 = tpu.all_reduce %and3A_745 {dim = 0 : i64, kind = #tpu.reduction_kind<sum>} : vector<16xi1> -> vector<16xi32>
        %add3A_765 = arith.addi %add3A_740, %all_reduce_population_count3A_764 : vector<16xi32>
        %broadcast_in_dim3A_766 = arith.constant 26 : i32
        %broadcast_in_dim3A_767 = vector.broadcast %broadcast_in_dim3A_766 : i32 to vector<16xi32>
        %gather3A_768 = tpu.vector_load_idx %arg10[%add3A_117, %broadcast_in_dim3A_767] : memref<128x32xf32, #tpu.memory_space<vmem>>[vector<16xi32>, vector<16xi32>], vector<16xf32>,
        %ge3A_769 = arith.cmpf oge, %gather3A_768, %get3A_12 : vector<16xf32>
        %and3A_770 = arith.andi %ge3A_769, %lt3A : vector<16xi1>
        %convert_element_type3A_771 = arith.extui %and3A_770 : vector<16xi1> to vector<16xi32>
        %broadcast_in_dim3A_772 = arith.constant true
        %broadcast_in_dim3A_773 = vector.broadcast %broadcast_in_dim3A_772 : i1 to vector<16xi1>
        %masked_cumsum3A_774 = tpu.scan <sum>, %convert_element_type3A_771 masked %broadcast_in_dim3A_773 : vector<16xi32>, vector<16xi1> -> vector<16xi32>
        %add3A_775 = arith.addi %add3A_765, %masked_cumsum3A_774 : vector<16xi32>
        %sub3A_776 = arith.constant 1 : i32
        %sub3A_777 = vector.broadcast %sub3A_776 : i32 to vector<16xi32>
        %sub3A_778 = arith.subi %add3A_775, %sub3A_777 : vector<16xi32>
        %lt3A_779 = arith.constant 128 : i32
        %lt3A_780 = vector.broadcast %lt3A_779 : i32 to vector<16xi32>
        %lt3A_781 = arith.cmpi slt, %sub3A_778, %lt3A_780 : vector<16xi32>
        %and3A_782 = arith.andi %and3A_770, %lt3A_781 : vector<16xi1>
        tpu.vector_store_idx %arg11[%sub3A_778], %gather3A_768 masked %and3A_782 : memref<128xf32, #tpu.memory_space<vmem>>[vector<16xi32>], vector<16xf32>, vector<16xi1>
        %mul3A_783 = arith.constant 32 : i32
        %mul3A_784 = vector.broadcast %mul3A_783 : i32 to vector<16xi32>
        %mul3A_785 = arith.muli %sub3A, %mul3A_784 : vector<16xi32>
        %add3A_786 = arith.constant 26 : i32
        %add3A_787 = vector.broadcast %add3A_786 : i32 to vector<16xi32>
        %add3A_788 = arith.addi %mul3A_785, %add3A_787 : vector<16xi32>
        tpu.vector_store_idx %arg12[%sub3A_778], %add3A_788 masked %and3A_782 : memref<128xi32, #tpu.memory_space<vmem>>[vector<16xi32>], vector<16xi32>, vector<16xi1>
        %all_reduce_population_count3A_789 = tpu.all_reduce %and3A_770 {dim = 0 : i64, kind = #tpu.reduction_kind<sum>} : vector<16xi1> -> vector<16xi32>
        %add3A_790 = arith.addi %add3A_765, %all_reduce_population_count3A_789 : vector<16xi32>
        %broadcast_in_dim3A_791 = arith.constant 27 : i32
        %broadcast_in_dim3A_792 = vector.broadcast %broadcast_in_dim3A_791 : i32 to vector<16xi32>
        %gather3A_793 = tpu.vector_load_idx %arg10[%add3A_117, %broadcast_in_dim3A_792] : memref<128x32xf32, #tpu.memory_space<vmem>>[vector<16xi32>, vector<16xi32>], vector<16xf32>,
        %ge3A_794 = arith.cmpf oge, %gather3A_793, %get3A_12 : vector<16xf32>
        %and3A_795 = arith.andi %ge3A_794, %lt3A : vector<16xi1>
        %convert_element_type3A_796 = arith.extui %and3A_795 : vector<16xi1> to vector<16xi32>
        %broadcast_in_dim3A_797 = arith.constant true
        %broadcast_in_dim3A_798 = vector.broadcast %broadcast_in_dim3A_797 : i1 to vector<16xi1>
        %masked_cumsum3A_799 = tpu.scan <sum>, %convert_element_type3A_796 masked %broadcast_in_dim3A_798 : vector<16xi32>, vector<16xi1> -> vector<16xi32>
        %add3A_800 = arith.addi %add3A_790, %masked_cumsum3A_799 : vector<16xi32>
        %sub3A_801 = arith.constant 1 : i32
        %sub3A_802 = vector.broadcast %sub3A_801 : i32 to vector<16xi32>
        %sub3A_803 = arith.subi %add3A_800, %sub3A_802 : vector<16xi32>
        %lt3A_804 = arith.constant 128 : i32
        %lt3A_805 = vector.broadcast %lt3A_804 : i32 to vector<16xi32>
        %lt3A_806 = arith.cmpi slt, %sub3A_803, %lt3A_805 : vector<16xi32>
        %and3A_807 = arith.andi %and3A_795, %lt3A_806 : vector<16xi1>
        tpu.vector_store_idx %arg11[%sub3A_803], %gather3A_793 masked %and3A_807 : memref<128xf32, #tpu.memory_space<vmem>>[vector<16xi32>], vector<16xf32>, vector<16xi1>
        %mul3A_808 = arith.constant 32 : i32
        %mul3A_809 = vector.broadcast %mul3A_808 : i32 to vector<16xi32>
        %mul3A_810 = arith.muli %sub3A, %mul3A_809 : vector<16xi32>
        %add3A_811 = arith.constant 27 : i32
        %add3A_812 = vector.broadcast %add3A_811 : i32 to vector<16xi32>
        %add3A_813 = arith.addi %mul3A_810, %add3A_812 : vector<16xi32>
        tpu.vector_store_idx %arg12[%sub3A_803], %add3A_813 masked %and3A_807 : memref<128xi32, #tpu.memory_space<vmem>>[vector<16xi32>], vector<16xi32>, vector<16xi1>
        %all_reduce_population_count3A_814 = tpu.all_reduce %and3A_795 {dim = 0 : i64, kind = #tpu.reduction_kind<sum>} : vector<16xi1> -> vector<16xi32>
        %add3A_815 = arith.addi %add3A_790, %all_reduce_population_count3A_814 : vector<16xi32>
        %broadcast_in_dim3A_816 = arith.constant 28 : i32
        %broadcast_in_dim3A_817 = vector.broadcast %broadcast_in_dim3A_816 : i32 to vector<16xi32>
        %gather3A_818 = tpu.vector_load_idx %arg10[%add3A_117, %broadcast_in_dim3A_817] : memref<128x32xf32, #tpu.memory_space<vmem>>[vector<16xi32>, vector<16xi32>], vector<16xf32>,
        %ge3A_819 = arith.cmpf oge, %gather3A_818, %get3A_12 : vector<16xf32>
        %and3A_820 = arith.andi %ge3A_819, %lt3A : vector<16xi1>
        %convert_element_type3A_821 = arith.extui %and3A_820 : vector<16xi1> to vector<16xi32>
        %broadcast_in_dim3A_822 = arith.constant true
        %broadcast_in_dim3A_823 = vector.broadcast %broadcast_in_dim3A_822 : i1 to vector<16xi1>
        %masked_cumsum3A_824 = tpu.scan <sum>, %convert_element_type3A_821 masked %broadcast_in_dim3A_823 : vector<16xi32>, vector<16xi1> -> vector<16xi32>
        %add3A_825 = arith.addi %add3A_815, %masked_cumsum3A_824 : vector<16xi32>
        %sub3A_826 = arith.constant 1 : i32
        %sub3A_827 = vector.broadcast %sub3A_826 : i32 to vector<16xi32>
        %sub3A_828 = arith.subi %add3A_825, %sub3A_827 : vector<16xi32>
        %lt3A_829 = arith.constant 128 : i32
        %lt3A_830 = vector.broadcast %lt3A_829 : i32 to vector<16xi32>
        %lt3A_831 = arith.cmpi slt, %sub3A_828, %lt3A_830 : vector<16xi32>
        %and3A_832 = arith.andi %and3A_820, %lt3A_831 : vector<16xi1>
        tpu.vector_store_idx %arg11[%sub3A_828], %gather3A_818 masked %and3A_832 : memref<128xf32, #tpu.memory_space<vmem>>[vector<16xi32>], vector<16xf32>, vector<16xi1>
        %mul3A_833 = arith.constant 32 : i32
        %mul3A_834 = vector.broadcast %mul3A_833 : i32 to vector<16xi32>
        %mul3A_835 = arith.muli %sub3A, %mul3A_834 : vector<16xi32>
        %add3A_836 = arith.constant 28 : i32
        %add3A_837 = vector.broadcast %add3A_836 : i32 to vector<16xi32>
        %add3A_838 = arith.addi %mul3A_835, %add3A_837 : vector<16xi32>
        tpu.vector_store_idx %arg12[%sub3A_828], %add3A_838 masked %and3A_832 : memref<128xi32, #tpu.memory_space<vmem>>[vector<16xi32>], vector<16xi32>, vector<16xi1>
        %all_reduce_population_count3A_839 = tpu.all_reduce %and3A_820 {dim = 0 : i64, kind = #tpu.reduction_kind<sum>} : vector<16xi1> -> vector<16xi32>
        %add3A_840 = arith.addi %add3A_815, %all_reduce_population_count3A_839 : vector<16xi32>
        %broadcast_in_dim3A_841 = arith.constant 29 : i32
        %broadcast_in_dim3A_842 = vector.broadcast %broadcast_in_dim3A_841 : i32 to vector<16xi32>
        %gather3A_843 = tpu.vector_load_idx %arg10[%add3A_117, %broadcast_in_dim3A_842] : memref<128x32xf32, #tpu.memory_space<vmem>>[vector<16xi32>, vector<16xi32>], vector<16xf32>,
        %ge3A_844 = arith.cmpf oge, %gather3A_843, %get3A_12 : vector<16xf32>
        %and3A_845 = arith.andi %ge3A_844, %lt3A : vector<16xi1>
        %convert_element_type3A_846 = arith.extui %and3A_845 : vector<16xi1> to vector<16xi32>
        %broadcast_in_dim3A_847 = arith.constant true
        %broadcast_in_dim3A_848 = vector.broadcast %broadcast_in_dim3A_847 : i1 to vector<16xi1>
        %masked_cumsum3A_849 = tpu.scan <sum>, %convert_element_type3A_846 masked %broadcast_in_dim3A_848 : vector<16xi32>, vector<16xi1> -> vector<16xi32>
        %add3A_850 = arith.addi %add3A_840, %masked_cumsum3A_849 : vector<16xi32>
        %sub3A_851 = arith.constant 1 : i32
        %sub3A_852 = vector.broadcast %sub3A_851 : i32 to vector<16xi32>
        %sub3A_853 = arith.subi %add3A_850, %sub3A_852 : vector<16xi32>
        %lt3A_854 = arith.constant 128 : i32
        %lt3A_855 = vector.broadcast %lt3A_854 : i32 to vector<16xi32>
        %lt3A_856 = arith.cmpi slt, %sub3A_853, %lt3A_855 : vector<16xi32>
        %and3A_857 = arith.andi %and3A_845, %lt3A_856 : vector<16xi1>
        tpu.vector_store_idx %arg11[%sub3A_853], %gather3A_843 masked %and3A_857 : memref<128xf32, #tpu.memory_space<vmem>>[vector<16xi32>], vector<16xf32>, vector<16xi1>
        %mul3A_858 = arith.constant 32 : i32
        %mul3A_859 = vector.broadcast %mul3A_858 : i32 to vector<16xi32>
        %mul3A_860 = arith.muli %sub3A, %mul3A_859 : vector<16xi32>
        %add3A_861 = arith.constant 29 : i32
        %add3A_862 = vector.broadcast %add3A_861 : i32 to vector<16xi32>
        %add3A_863 = arith.addi %mul3A_860, %add3A_862 : vector<16xi32>
        tpu.vector_store_idx %arg12[%sub3A_853], %add3A_863 masked %and3A_857 : memref<128xi32, #tpu.memory_space<vmem>>[vector<16xi32>], vector<16xi32>, vector<16xi1>
        %all_reduce_population_count3A_864 = tpu.all_reduce %and3A_845 {dim = 0 : i64, kind = #tpu.reduction_kind<sum>} : vector<16xi1> -> vector<16xi32>
        %add3A_865 = arith.addi %add3A_840, %all_reduce_population_count3A_864 : vector<16xi32>
        %broadcast_in_dim3A_866 = arith.constant 30 : i32
        %broadcast_in_dim3A_867 = vector.broadcast %broadcast_in_dim3A_866 : i32 to vector<16xi32>
        %gather3A_868 = tpu.vector_load_idx %arg10[%add3A_117, %broadcast_in_dim3A_867] : memref<128x32xf32, #tpu.memory_space<vmem>>[vector<16xi32>, vector<16xi32>], vector<16xf32>,
        %ge3A_869 = arith.cmpf oge, %gather3A_868, %get3A_12 : vector<16xf32>
        %and3A_870 = arith.andi %ge3A_869, %lt3A : vector<16xi1>
        %convert_element_type3A_871 = arith.extui %and3A_870 : vector<16xi1> to vector<16xi32>
        %broadcast_in_dim3A_872 = arith.constant true
        %broadcast_in_dim3A_873 = vector.broadcast %broadcast_in_dim3A_872 : i1 to vector<16xi1>
        %masked_cumsum3A_874 = tpu.scan <sum>, %convert_element_type3A_871 masked %broadcast_in_dim3A_873 : vector<16xi32>, vector<16xi1> -> vector<16xi32>
        %add3A_875 = arith.addi %add3A_865, %masked_cumsum3A_874 : vector<16xi32>
        %sub3A_876 = arith.constant 1 : i32
        %sub3A_877 = vector.broadcast %sub3A_876 : i32 to vector<16xi32>
        %sub3A_878 = arith.subi %add3A_875, %sub3A_877 : vector<16xi32>
        %lt3A_879 = arith.constant 128 : i32
        %lt3A_880 = vector.broadcast %lt3A_879 : i32 to vector<16xi32>
        %lt3A_881 = arith.cmpi slt, %sub3A_878, %lt3A_880 : vector<16xi32>
        %and3A_882 = arith.andi %and3A_870, %lt3A_881 : vector<16xi1>
        tpu.vector_store_idx %arg11[%sub3A_878], %gather3A_868 masked %and3A_882 : memref<128xf32, #tpu.memory_space<vmem>>[vector<16xi32>], vector<16xf32>, vector<16xi1>
        %mul3A_883 = arith.constant 32 : i32
        %mul3A_884 = vector.broadcast %mul3A_883 : i32 to vector<16xi32>
        %mul3A_885 = arith.muli %sub3A, %mul3A_884 : vector<16xi32>
        %add3A_886 = arith.constant 30 : i32
        %add3A_887 = vector.broadcast %add3A_886 : i32 to vector<16xi32>
        %add3A_888 = arith.addi %mul3A_885, %add3A_887 : vector<16xi32>
        tpu.vector_store_idx %arg12[%sub3A_878], %add3A_888 masked %and3A_882 : memref<128xi32, #tpu.memory_space<vmem>>[vector<16xi32>], vector<16xi32>, vector<16xi1>
        %all_reduce_population_count3A_889 = tpu.all_reduce %and3A_870 {dim = 0 : i64, kind = #tpu.reduction_kind<sum>} : vector<16xi1> -> vector<16xi32>
        %add3A_890 = arith.addi %add3A_865, %all_reduce_population_count3A_889 : vector<16xi32>
        %broadcast_in_dim3A_891 = arith.constant 31 : i32
        %broadcast_in_dim3A_892 = vector.broadcast %broadcast_in_dim3A_891 : i32 to vector<16xi32>
        %gather3A_893 = tpu.vector_load_idx %arg10[%add3A_117, %broadcast_in_dim3A_892] : memref<128x32xf32, #tpu.memory_space<vmem>>[vector<16xi32>, vector<16xi32>], vector<16xf32>,
        %ge3A_894 = arith.cmpf oge, %gather3A_893, %get3A_12 : vector<16xf32>
        %and3A_895 = arith.andi %ge3A_894, %lt3A : vector<16xi1>
        %convert_element_type3A_896 = arith.extui %and3A_895 : vector<16xi1> to vector<16xi32>
        %broadcast_in_dim3A_897 = arith.constant true
        %broadcast_in_dim3A_898 = vector.broadcast %broadcast_in_dim3A_897 : i1 to vector<16xi1>
        %masked_cumsum3A_899 = tpu.scan <sum>, %convert_element_type3A_896 masked %broadcast_in_dim3A_898 : vector<16xi32>, vector<16xi1> -> vector<16xi32>
        %add3A_900 = arith.addi %add3A_890, %masked_cumsum3A_899 : vector<16xi32>
        %sub3A_901 = arith.constant 1 : i32
        %sub3A_902 = vector.broadcast %sub3A_901 : i32 to vector<16xi32>
        %sub3A_903 = arith.subi %add3A_900, %sub3A_902 : vector<16xi32>
        %lt3A_904 = arith.constant 128 : i32
        %lt3A_905 = vector.broadcast %lt3A_904 : i32 to vector<16xi32>
        %lt3A_906 = arith.cmpi slt, %sub3A_903, %lt3A_905 : vector<16xi32>
        %and3A_907 = arith.andi %and3A_895, %lt3A_906 : vector<16xi1>
        tpu.vector_store_idx %arg11[%sub3A_903], %gather3A_893 masked %and3A_907 : memref<128xf32, #tpu.memory_space<vmem>>[vector<16xi32>], vector<16xf32>, vector<16xi1>
        %mul3A_908 = arith.constant 32 : i32
        %mul3A_909 = vector.broadcast %mul3A_908 : i32 to vector<16xi32>
        %mul3A_910 = arith.muli %sub3A, %mul3A_909 : vector<16xi32>
        %add3A_911 = arith.constant 31 : i32
        %add3A_912 = vector.broadcast %add3A_911 : i32 to vector<16xi32>
        %add3A_913 = arith.addi %mul3A_910, %add3A_912 : vector<16xi32>
        tpu.vector_store_idx %arg12[%sub3A_903], %add3A_913 masked %and3A_907 : memref<128xi32, #tpu.memory_space<vmem>>[vector<16xi32>], vector<16xi32>, vector<16xi1>
        %all_reduce_population_count3A_914 = tpu.all_reduce %and3A_895 {dim = 0 : i64, kind = #tpu.reduction_kind<sum>} : vector<16xi1> -> vector<16xi32>
        %add3A_915 = arith.addi %add3A_890, %all_reduce_population_count3A_914 : vector<16xi32>
        scf.yield %add3A_915 : vector<16xi32>
      }
      %scan3A_111 = arith.constant 8 : i32
      "tpu.region"() ({
        %run_scoped3A = tpu.sem_alloc : memref<!tpu.dma_semaphore, #tpu.memory_space<semaphore_mem>>
        %dma_start3A_112 = arith.constant 0 : i32
        %dma_start3A_113 = tpu.memref_slice %arg5[%add3A_9, %dma_start3A_112] : memref<4096x128xf32, #tpu.memory_space<hbm>> -> memref<1x128xf32, #tpu.memory_space<hbm>>
        %dma_start3A_114 = tpu.memref_squeeze %dma_start3A_113 : memref<1x128xf32, #tpu.memory_space<hbm>> -> memref<128xf32, #tpu.memory_space<hbm>>
        %dma_start3A_115 = arith.constant 0 : i32
        %dma_start3A_116 = tpu.memref_slice %arg5[%add3A_9, %dma_start3A_115] : memref<4096x128xf32, #tpu.memory_space<hbm>> -> memref<1x128xf32, #tpu.memory_space<hbm>>
        %dma_start3A_117 = tpu.memref_squeeze %dma_start3A_116 : memref<1x128xf32, #tpu.memory_space<hbm>> -> memref<128xf32, #tpu.memory_space<hbm>>
        tpu.enqueue_dma source(%arg11 : memref<128xf32, #tpu.memory_space<vmem>>) target(%dma_start3A_117 : memref<128xf32, #tpu.memory_space<hbm>>) target_semaphore(%run_scoped3A : memref<!tpu.dma_semaphore, #tpu.memory_space<semaphore_mem>>)
        %dma_wait3A_118 = arith.constant 0 : i32
        %dma_wait3A_119 = tpu.memref_slice %arg5[%add3A_9, %dma_wait3A_118] : memref<4096x128xf32, #tpu.memory_space<hbm>> -> memref<1x128xf32, #tpu.memory_space<hbm>>
        %dma_wait3A_120 = tpu.memref_squeeze %dma_wait3A_119 : memref<1x128xf32, #tpu.memory_space<hbm>> -> memref<128xf32, #tpu.memory_space<hbm>>
        %dma_wait3A_121 = arith.constant 0 : i32
        %dma_wait3A_122 = tpu.memref_slice %arg5[%add3A_9, %dma_wait3A_121] : memref<4096x128xf32, #tpu.memory_space<hbm>> -> memref<1x128xf32, #tpu.memory_space<hbm>>
        %dma_wait3A_123 = tpu.memref_squeeze %dma_wait3A_122 : memref<1x128xf32, #tpu.memory_space<hbm>> -> memref<128xf32, #tpu.memory_space<hbm>>
        tpu.wait_dma2 semaphore(%run_scoped3A : memref<!tpu.dma_semaphore, #tpu.memory_space<semaphore_mem>>) src(%arg11 : memref<128xf32, #tpu.memory_space<vmem>>) dst(%dma_wait3A_123 : memref<128xf32, #tpu.memory_space<hbm>>)
        tpu.yield
      }) : () -> ()
      "tpu.region"() ({
        %run_scoped3A = tpu.sem_alloc : memref<!tpu.dma_semaphore, #tpu.memory_space<semaphore_mem>>
        %dma_start3A_112 = arith.constant 0 : i32
        %dma_start3A_113 = tpu.memref_slice %arg6[%add3A_9, %dma_start3A_112] : memref<4096x128xi32, #tpu.memory_space<hbm>> -> memref<1x128xi32, #tpu.memory_space<hbm>>
        %dma_start3A_114 = tpu.memref_squeeze %dma_start3A_113 : memref<1x128xi32, #tpu.memory_space<hbm>> -> memref<128xi32, #tpu.memory_space<hbm>>
        %dma_start3A_115 = arith.constant 0 : i32
        %dma_start3A_116 = tpu.memref_slice %arg6[%add3A_9, %dma_start3A_115] : memref<4096x128xi32, #tpu.memory_space<hbm>> -> memref<1x128xi32, #tpu.memory_space<hbm>>
        %dma_start3A_117 = tpu.memref_squeeze %dma_start3A_116 : memref<1x128xi32, #tpu.memory_space<hbm>> -> memref<128xi32, #tpu.memory_space<hbm>>
        tpu.enqueue_dma source(%arg12 : memref<128xi32, #tpu.memory_space<vmem>>) target(%dma_start3A_117 : memref<128xi32, #tpu.memory_space<hbm>>) target_semaphore(%run_scoped3A : memref<!tpu.dma_semaphore, #tpu.memory_space<semaphore_mem>>)
        %dma_wait3A_118 = arith.constant 0 : i32
        %dma_wait3A_119 = tpu.memref_slice %arg6[%add3A_9, %dma_wait3A_118] : memref<4096x128xi32, #tpu.memory_space<hbm>> -> memref<1x128xi32, #tpu.memory_space<hbm>>
        %dma_wait3A_120 = tpu.memref_squeeze %dma_wait3A_119 : memref<1x128xi32, #tpu.memory_space<hbm>> -> memref<128xi32, #tpu.memory_space<hbm>>
        %dma_wait3A_121 = arith.constant 0 : i32
        %dma_wait3A_122 = tpu.memref_slice %arg6[%add3A_9, %dma_wait3A_121] : memref<4096x128xi32, #tpu.memory_space<hbm>> -> memref<1x128xi32, #tpu.memory_space<hbm>>
        %dma_wait3A_123 = tpu.memref_squeeze %dma_wait3A_122 : memref<1x128xi32, #tpu.memory_space<hbm>> -> memref<128xi32, #tpu.memory_space<hbm>>
        tpu.wait_dma2 semaphore(%run_scoped3A : memref<!tpu.dma_semaphore, #tpu.memory_space<semaphore_mem>>) src(%arg12 : memref<128xi32, #tpu.memory_space<vmem>>) dst(%dma_wait3A_123 : memref<128xi32, #tpu.memory_space<hbm>>)
        tpu.yield
      }) : () -> ()
    }
    %scan3A_5 = arith.constant 128 : i32
    return
  }
}

#map = affine_map<(d0, d1) -> (0, 0)>
module attributes {stable_mosaic.version = 14 : i64} {
  func.func @_s2_body(%arg0: i32, %arg1: i32, %arg2: memref<100000x512xf32, #tpu.memory_space<hbm>>, %arg3: memref<4096x128xi32, #tpu.memory_space<hbm>>, %arg4: memref<4096x128xf32, #tpu.memory_space<hbm>>, %arg5: memref<4096x512xf32, #tpu.memory_space<hbm>>, %arg6: memref<72xi32, #tpu.memory_space<vmem>>, %arg7: memref<72xf32, #tpu.memory_space<vmem>>, %arg8: memref<72x512xf32, #tpu.memory_space<vmem>>, %arg9: memref<!tpu.dma_semaphore, #tpu.memory_space<semaphore_mem>>) attributes {dimension_semantics = [#tpu.dimension_semantics<core_parallel>, #tpu.dimension_semantics<subcore_parallel>], iteration_bounds = array<i64: 2, 16>, scalar_prefetch = 0 : i64, scratch_operands = 4 : i64, tpu.core_type = #tpu.core_type<sc_vector_subcore>, window_params = [{transform_indices = #map}, {transform_indices = #map}, {transform_indices = #map}, {transform_indices = #map}]} {
    %mul3A = arith.constant 2 : i32
    %mul3A_0 = arith.muli %arg1, %mul3A : i32
    %add3A = arith.addi %mul3A_0, %arg0 : i32
    %scan3A = arith.constant 0 : i32
    %scan3A_1 = arith.constant 0 : i32
    %scan3A_2 = arith.constant 128 : i32
    %scan3A_3 = arith.addi %scan3A_1, %scan3A_2 : i32
    %scan3A_4 = arith.constant 1 : i32
    scf.for %scan3A_6 = %scan3A_1 to %scan3A_3 step %scan3A_4  : i32 {
      %mul3A_7 = arith.constant 128 : i32
      %mul3A_8 = arith.muli %add3A, %mul3A_7 : i32
      %add3A_9 = arith.addi %mul3A_8, %scan3A_6 : i32
      "tpu.region"() ({
        %run_scoped3A_210 = tpu.sem_alloc : memref<!tpu.dma_semaphore, #tpu.memory_space<semaphore_mem>>
        %dma_start3A_211 = arith.constant 0 : i32
        %dma_start3A_212 = tpu.memref_slice %arg3[%add3A_9, %dma_start3A_211] : memref<4096x128xi32, #tpu.memory_space<hbm>> -> memref<1x72xi32, #tpu.memory_space<hbm>>
        %dma_start3A_213 = tpu.memref_squeeze %dma_start3A_212 : memref<1x72xi32, #tpu.memory_space<hbm>> -> memref<72xi32, #tpu.memory_space<hbm>>
        %dma_start3A_214 = arith.constant 0 : i32
        %dma_start3A_215 = tpu.memref_slice %arg3[%add3A_9, %dma_start3A_214] : memref<4096x128xi32, #tpu.memory_space<hbm>> -> memref<1x72xi32, #tpu.memory_space<hbm>>
        %dma_start3A_216 = tpu.memref_squeeze %dma_start3A_215 : memref<1x72xi32, #tpu.memory_space<hbm>> -> memref<72xi32, #tpu.memory_space<hbm>>
        tpu.enqueue_dma source(%dma_start3A_216 : memref<72xi32, #tpu.memory_space<hbm>>) target(%arg6 : memref<72xi32, #tpu.memory_space<vmem>>) target_semaphore(%run_scoped3A_210 : memref<!tpu.dma_semaphore, #tpu.memory_space<semaphore_mem>>)
        %dma_wait3A_217 = arith.constant 0 : i32
        %dma_wait3A_218 = tpu.memref_slice %arg3[%add3A_9, %dma_wait3A_217] : memref<4096x128xi32, #tpu.memory_space<hbm>> -> memref<1x72xi32, #tpu.memory_space<hbm>>
        %dma_wait3A_219 = tpu.memref_squeeze %dma_wait3A_218 : memref<1x72xi32, #tpu.memory_space<hbm>> -> memref<72xi32, #tpu.memory_space<hbm>>
        %dma_wait3A_220 = arith.constant 0 : i32
        %dma_wait3A_221 = tpu.memref_slice %arg3[%add3A_9, %dma_wait3A_220] : memref<4096x128xi32, #tpu.memory_space<hbm>> -> memref<1x72xi32, #tpu.memory_space<hbm>>
        %dma_wait3A_222 = tpu.memref_squeeze %dma_wait3A_221 : memref<1x72xi32, #tpu.memory_space<hbm>> -> memref<72xi32, #tpu.memory_space<hbm>>
        tpu.wait_dma2 semaphore(%run_scoped3A_210 : memref<!tpu.dma_semaphore, #tpu.memory_space<semaphore_mem>>) src(%dma_wait3A_222 : memref<72xi32, #tpu.memory_space<hbm>>) dst(%arg6 : memref<72xi32, #tpu.memory_space<vmem>>)
        tpu.yield
      }) : () -> ()
      "tpu.region"() ({
        %run_scoped3A_210 = tpu.sem_alloc : memref<!tpu.dma_semaphore, #tpu.memory_space<semaphore_mem>>
        %dma_start3A_211 = arith.constant 0 : i32
        %dma_start3A_212 = tpu.memref_slice %arg4[%add3A_9, %dma_start3A_211] : memref<4096x128xf32, #tpu.memory_space<hbm>> -> memref<1x72xf32, #tpu.memory_space<hbm>>
        %dma_start3A_213 = tpu.memref_squeeze %dma_start3A_212 : memref<1x72xf32, #tpu.memory_space<hbm>> -> memref<72xf32, #tpu.memory_space<hbm>>
        %dma_start3A_214 = arith.constant 0 : i32
        %dma_start3A_215 = tpu.memref_slice %arg4[%add3A_9, %dma_start3A_214] : memref<4096x128xf32, #tpu.memory_space<hbm>> -> memref<1x72xf32, #tpu.memory_space<hbm>>
        %dma_start3A_216 = tpu.memref_squeeze %dma_start3A_215 : memref<1x72xf32, #tpu.memory_space<hbm>> -> memref<72xf32, #tpu.memory_space<hbm>>
        tpu.enqueue_dma source(%dma_start3A_216 : memref<72xf32, #tpu.memory_space<hbm>>) target(%arg7 : memref<72xf32, #tpu.memory_space<vmem>>) target_semaphore(%run_scoped3A_210 : memref<!tpu.dma_semaphore, #tpu.memory_space<semaphore_mem>>)
        %dma_wait3A_217 = arith.constant 0 : i32
        %dma_wait3A_218 = tpu.memref_slice %arg4[%add3A_9, %dma_wait3A_217] : memref<4096x128xf32, #tpu.memory_space<hbm>> -> memref<1x72xf32, #tpu.memory_space<hbm>>
        %dma_wait3A_219 = tpu.memref_squeeze %dma_wait3A_218 : memref<1x72xf32, #tpu.memory_space<hbm>> -> memref<72xf32, #tpu.memory_space<hbm>>
        %dma_wait3A_220 = arith.constant 0 : i32
        %dma_wait3A_221 = tpu.memref_slice %arg4[%add3A_9, %dma_wait3A_220] : memref<4096x128xf32, #tpu.memory_space<hbm>> -> memref<1x72xf32, #tpu.memory_space<hbm>>
        %dma_wait3A_222 = tpu.memref_squeeze %dma_wait3A_221 : memref<1x72xf32, #tpu.memory_space<hbm>> -> memref<72xf32, #tpu.memory_space<hbm>>
        tpu.wait_dma2 semaphore(%run_scoped3A_210 : memref<!tpu.dma_semaphore, #tpu.memory_space<semaphore_mem>>) src(%dma_wait3A_222 : memref<72xf32, #tpu.memory_space<hbm>>) dst(%arg7 : memref<72xf32, #tpu.memory_space<vmem>>)
        tpu.yield
      }) : () -> ()
      %dma_start3A = arith.constant 0 : i32
      %dma_start3A_10 = arith.constant 0 : i32
      %dma_start3A_11 = tpu.memref_slice %arg2[%dma_start3A, %dma_start3A_10] : memref<100000x512xf32, #tpu.memory_space<hbm>> -> memref<100000x512xf32, #tpu.memory_space<hbm>>
      tpu.enqueue_indirect_dma source(%dma_start3A_11 : memref<100000x512xf32, #tpu.memory_space<hbm>>) target(%arg8 : memref<72x512xf32, #tpu.memory_space<vmem>>) offsets(%arg6 : memref<72xi32, #tpu.memory_space<vmem>>) semaphore(%arg9 : memref<!tpu.dma_semaphore, #tpu.memory_space<semaphore_mem>>)
      %dma_wait3A = arith.constant 0 : i32
      %dma_wait3A_12 = arith.constant 0 : i32
      %dma_wait3A_13 = tpu.memref_slice %arg2[%dma_wait3A, %dma_wait3A_12] : memref<100000x512xf32, #tpu.memory_space<hbm>> -> memref<100000x512xf32, #tpu.memory_space<hbm>>
      tpu.wait_indirect_dma semaphore(%arg9 : memref<!tpu.dma_semaphore, #tpu.memory_space<semaphore_mem>>) src(%dma_wait3A_13 : memref<100000x512xf32, #tpu.memory_space<hbm>>) dst(%arg8 : memref<72x512xf32, #tpu.memory_space<vmem>>)
      %broadcast_in_dim3A = arith.constant 0.000000e+00 : f32
      %broadcast_in_dim3A_14 = vector.broadcast %broadcast_in_dim3A : f32 to vector<16xf32>
      %broadcast_in_dim3A_15 = arith.constant 0.000000e+00 : f32
      %broadcast_in_dim3A_16 = vector.broadcast %broadcast_in_dim3A_15 : f32 to vector<16xf32>
      %broadcast_in_dim3A_17 = arith.constant 0.000000e+00 : f32
      %broadcast_in_dim3A_18 = vector.broadcast %broadcast_in_dim3A_17 : f32 to vector<16xf32>
      %broadcast_in_dim3A_19 = arith.constant 0.000000e+00 : f32
      %broadcast_in_dim3A_20 = vector.broadcast %broadcast_in_dim3A_19 : f32 to vector<16xf32>
      %broadcast_in_dim3A_21 = arith.constant 0.000000e+00 : f32
      %broadcast_in_dim3A_22 = vector.broadcast %broadcast_in_dim3A_21 : f32 to vector<16xf32>
      %broadcast_in_dim3A_23 = arith.constant 0.000000e+00 : f32
      %broadcast_in_dim3A_24 = vector.broadcast %broadcast_in_dim3A_23 : f32 to vector<16xf32>
      %broadcast_in_dim3A_25 = arith.constant 0.000000e+00 : f32
      %broadcast_in_dim3A_26 = vector.broadcast %broadcast_in_dim3A_25 : f32 to vector<16xf32>
      %broadcast_in_dim3A_27 = arith.constant 0.000000e+00 : f32
      %broadcast_in_dim3A_28 = vector.broadcast %broadcast_in_dim3A_27 : f32 to vector<16xf32>
      %broadcast_in_dim3A_29 = arith.constant 0.000000e+00 : f32
      %broadcast_in_dim3A_30 = vector.broadcast %broadcast_in_dim3A_29 : f32 to vector<16xf32>
      %broadcast_in_dim3A_31 = arith.constant 0.000000e+00 : f32
      %broadcast_in_dim3A_32 = vector.broadcast %broadcast_in_dim3A_31 : f32 to vector<16xf32>
      %broadcast_in_dim3A_33 = arith.constant 0.000000e+00 : f32
      %broadcast_in_dim3A_34 = vector.broadcast %broadcast_in_dim3A_33 : f32 to vector<16xf32>
      %broadcast_in_dim3A_35 = arith.constant 0.000000e+00 : f32
      %broadcast_in_dim3A_36 = vector.broadcast %broadcast_in_dim3A_35 : f32 to vector<16xf32>
      %broadcast_in_dim3A_37 = arith.constant 0.000000e+00 : f32
      %broadcast_in_dim3A_38 = vector.broadcast %broadcast_in_dim3A_37 : f32 to vector<16xf32>
      %broadcast_in_dim3A_39 = arith.constant 0.000000e+00 : f32
      %broadcast_in_dim3A_40 = vector.broadcast %broadcast_in_dim3A_39 : f32 to vector<16xf32>
      %broadcast_in_dim3A_41 = arith.constant 0.000000e+00 : f32
      %broadcast_in_dim3A_42 = vector.broadcast %broadcast_in_dim3A_41 : f32 to vector<16xf32>
      %broadcast_in_dim3A_43 = arith.constant 0.000000e+00 : f32
      %broadcast_in_dim3A_44 = vector.broadcast %broadcast_in_dim3A_43 : f32 to vector<16xf32>
      %broadcast_in_dim3A_45 = arith.constant 0.000000e+00 : f32
      %broadcast_in_dim3A_46 = vector.broadcast %broadcast_in_dim3A_45 : f32 to vector<16xf32>
      %broadcast_in_dim3A_47 = arith.constant 0.000000e+00 : f32
      %broadcast_in_dim3A_48 = vector.broadcast %broadcast_in_dim3A_47 : f32 to vector<16xf32>
      %broadcast_in_dim3A_49 = arith.constant 0.000000e+00 : f32
      %broadcast_in_dim3A_50 = vector.broadcast %broadcast_in_dim3A_49 : f32 to vector<16xf32>
      %broadcast_in_dim3A_51 = arith.constant 0.000000e+00 : f32
      %broadcast_in_dim3A_52 = vector.broadcast %broadcast_in_dim3A_51 : f32 to vector<16xf32>
      %broadcast_in_dim3A_53 = arith.constant 0.000000e+00 : f32
      %broadcast_in_dim3A_54 = vector.broadcast %broadcast_in_dim3A_53 : f32 to vector<16xf32>
      %broadcast_in_dim3A_55 = arith.constant 0.000000e+00 : f32
      %broadcast_in_dim3A_56 = vector.broadcast %broadcast_in_dim3A_55 : f32 to vector<16xf32>
      %broadcast_in_dim3A_57 = arith.constant 0.000000e+00 : f32
      %broadcast_in_dim3A_58 = vector.broadcast %broadcast_in_dim3A_57 : f32 to vector<16xf32>
      %broadcast_in_dim3A_59 = arith.constant 0.000000e+00 : f32
      %broadcast_in_dim3A_60 = vector.broadcast %broadcast_in_dim3A_59 : f32 to vector<16xf32>
      %broadcast_in_dim3A_61 = arith.constant 0.000000e+00 : f32
      %broadcast_in_dim3A_62 = vector.broadcast %broadcast_in_dim3A_61 : f32 to vector<16xf32>
      %broadcast_in_dim3A_63 = arith.constant 0.000000e+00 : f32
      %broadcast_in_dim3A_64 = vector.broadcast %broadcast_in_dim3A_63 : f32 to vector<16xf32>
      %broadcast_in_dim3A_65 = arith.constant 0.000000e+00 : f32
      %broadcast_in_dim3A_66 = vector.broadcast %broadcast_in_dim3A_65 : f32 to vector<16xf32>
      %broadcast_in_dim3A_67 = arith.constant 0.000000e+00 : f32
      %broadcast_in_dim3A_68 = vector.broadcast %broadcast_in_dim3A_67 : f32 to vector<16xf32>
      %broadcast_in_dim3A_69 = arith.constant 0.000000e+00 : f32
      %broadcast_in_dim3A_70 = vector.broadcast %broadcast_in_dim3A_69 : f32 to vector<16xf32>
      %broadcast_in_dim3A_71 = arith.constant 0.000000e+00 : f32
      %broadcast_in_dim3A_72 = vector.broadcast %broadcast_in_dim3A_71 : f32 to vector<16xf32>
      %broadcast_in_dim3A_73 = arith.constant 0.000000e+00 : f32
      %broadcast_in_dim3A_74 = vector.broadcast %broadcast_in_dim3A_73 : f32 to vector<16xf32>
      %broadcast_in_dim3A_75 = arith.constant 0.000000e+00 : f32
      %broadcast_in_dim3A_76 = vector.broadcast %broadcast_in_dim3A_75 : f32 to vector<16xf32>
      %scan3A_77 = arith.constant 0 : i32
      %scan3A_78 = arith.constant 70 : i32
      %scan3A_79 = arith.addi %scan3A_77, %scan3A_78 : i32
      %scan3A_80 = arith.constant 1 : i32
      %scan3A_81:32 = scf.for %scan3A_210 = %scan3A_77 to %scan3A_79 step %scan3A_80 iter_args(%scan3A_211 = %broadcast_in_dim3A_14, %scan3A_212 = %broadcast_in_dim3A_16, %scan3A_213 = %broadcast_in_dim3A_18, %scan3A_214 = %broadcast_in_dim3A_20, %scan3A_215 = %broadcast_in_dim3A_22, %scan3A_216 = %broadcast_in_dim3A_24, %scan3A_217 = %broadcast_in_dim3A_26, %scan3A_218 = %broadcast_in_dim3A_28, %scan3A_219 = %broadcast_in_dim3A_30, %scan3A_220 = %broadcast_in_dim3A_32, %scan3A_221 = %broadcast_in_dim3A_34, %scan3A_222 = %broadcast_in_dim3A_36, %scan3A_223 = %broadcast_in_dim3A_38, %scan3A_224 = %broadcast_in_dim3A_40, %scan3A_225 = %broadcast_in_dim3A_42, %scan3A_226 = %broadcast_in_dim3A_44, %scan3A_227 = %broadcast_in_dim3A_46, %scan3A_228 = %broadcast_in_dim3A_48, %scan3A_229 = %broadcast_in_dim3A_50, %scan3A_230 = %broadcast_in_dim3A_52, %scan3A_231 = %broadcast_in_dim3A_54, %scan3A_232 = %broadcast_in_dim3A_56, %scan3A_233 = %broadcast_in_dim3A_58, %scan3A_234 = %broadcast_in_dim3A_60, %scan3A_235 = %broadcast_in_dim3A_62, %scan3A_236 = %broadcast_in_dim3A_64, %scan3A_237 = %broadcast_in_dim3A_66, %scan3A_238 = %broadcast_in_dim3A_68, %scan3A_239 = %broadcast_in_dim3A_70, %scan3A_240 = %broadcast_in_dim3A_72, %scan3A_241 = %broadcast_in_dim3A_74, %scan3A_242 = %broadcast_in_dim3A_76) -> (vector<16xf32>, vector<16xf32>, vector<16xf32>, vector<16xf32>, vector<16xf32>, vector<16xf32>, vector<16xf32>, vector<16xf32>, vector<16xf32>, vector<16xf32>, vector<16xf32>, vector<16xf32>, vector<16xf32>, vector<16xf32>, vector<16xf32>, vector<16xf32>, vector<16xf32>, vector<16xf32>, vector<16xf32>, vector<16xf32>, vector<16xf32>, vector<16xf32>, vector<16xf32>, vector<16xf32>, vector<16xf32>, vector<16xf32>, vector<16xf32>, vector<16xf32>, vector<16xf32>, vector<16xf32>, vector<16xf32>, vector<16xf32>)  : i32 {
        %broadcast_in_dim3A_243 = vector.broadcast %scan3A_210 : i32 to vector<16xi32>
        %gather3A = tpu.vector_load_idx %arg7[%broadcast_in_dim3A_243] : memref<72xf32, #tpu.memory_space<vmem>>[vector<16xi32>], vector<16xf32>,
        %get3A = arith.index_cast %scan3A_210 : i32 to index
        %get3A_244 = arith.constant 0 : index
        %get3A_245 = tpu.vector_load %arg8[%get3A, %get3A_244] {strides = array<i32>} : memref<72x512xf32, #tpu.memory_space<vmem>>, vector<16xf32>,
        %mul3A_246 = arith.mulf %gather3A, %get3A_245 : vector<16xf32>
        %add3A_247 = arith.addf %scan3A_211, %mul3A_246 : vector<16xf32>
        %get3A_248 = arith.index_cast %scan3A_210 : i32 to index
        %get3A_249 = arith.constant 16 : index
        %get3A_250 = tpu.vector_load %arg8[%get3A_248, %get3A_249] {strides = array<i32>} : memref<72x512xf32, #tpu.memory_space<vmem>>, vector<16xf32>,
        %mul3A_251 = arith.mulf %gather3A, %get3A_250 : vector<16xf32>
        %add3A_252 = arith.addf %scan3A_212, %mul3A_251 : vector<16xf32>
        %get3A_253 = arith.index_cast %scan3A_210 : i32 to index
        %get3A_254 = arith.constant 32 : index
        %get3A_255 = tpu.vector_load %arg8[%get3A_253, %get3A_254] {strides = array<i32>} : memref<72x512xf32, #tpu.memory_space<vmem>>, vector<16xf32>,
        %mul3A_256 = arith.mulf %gather3A, %get3A_255 : vector<16xf32>
        %add3A_257 = arith.addf %scan3A_213, %mul3A_256 : vector<16xf32>
        %get3A_258 = arith.index_cast %scan3A_210 : i32 to index
        %get3A_259 = arith.constant 48 : index
        %get3A_260 = tpu.vector_load %arg8[%get3A_258, %get3A_259] {strides = array<i32>} : memref<72x512xf32, #tpu.memory_space<vmem>>, vector<16xf32>,
        %mul3A_261 = arith.mulf %gather3A, %get3A_260 : vector<16xf32>
        %add3A_262 = arith.addf %scan3A_214, %mul3A_261 : vector<16xf32>
        %get3A_263 = arith.index_cast %scan3A_210 : i32 to index
        %get3A_264 = arith.constant 64 : index
        %get3A_265 = tpu.vector_load %arg8[%get3A_263, %get3A_264] {strides = array<i32>} : memref<72x512xf32, #tpu.memory_space<vmem>>, vector<16xf32>,
        %mul3A_266 = arith.mulf %gather3A, %get3A_265 : vector<16xf32>
        %add3A_267 = arith.addf %scan3A_215, %mul3A_266 : vector<16xf32>
        %get3A_268 = arith.index_cast %scan3A_210 : i32 to index
        %get3A_269 = arith.constant 80 : index
        %get3A_270 = tpu.vector_load %arg8[%get3A_268, %get3A_269] {strides = array<i32>} : memref<72x512xf32, #tpu.memory_space<vmem>>, vector<16xf32>,
        %mul3A_271 = arith.mulf %gather3A, %get3A_270 : vector<16xf32>
        %add3A_272 = arith.addf %scan3A_216, %mul3A_271 : vector<16xf32>
        %get3A_273 = arith.index_cast %scan3A_210 : i32 to index
        %get3A_274 = arith.constant 96 : index
        %get3A_275 = tpu.vector_load %arg8[%get3A_273, %get3A_274] {strides = array<i32>} : memref<72x512xf32, #tpu.memory_space<vmem>>, vector<16xf32>,
        %mul3A_276 = arith.mulf %gather3A, %get3A_275 : vector<16xf32>
        %add3A_277 = arith.addf %scan3A_217, %mul3A_276 : vector<16xf32>
        %get3A_278 = arith.index_cast %scan3A_210 : i32 to index
        %get3A_279 = arith.constant 112 : index
        %get3A_280 = tpu.vector_load %arg8[%get3A_278, %get3A_279] {strides = array<i32>} : memref<72x512xf32, #tpu.memory_space<vmem>>, vector<16xf32>,
        %mul3A_281 = arith.mulf %gather3A, %get3A_280 : vector<16xf32>
        %add3A_282 = arith.addf %scan3A_218, %mul3A_281 : vector<16xf32>
        %get3A_283 = arith.index_cast %scan3A_210 : i32 to index
        %get3A_284 = arith.constant 128 : index
        %get3A_285 = tpu.vector_load %arg8[%get3A_283, %get3A_284] {strides = array<i32>} : memref<72x512xf32, #tpu.memory_space<vmem>>, vector<16xf32>,
        %mul3A_286 = arith.mulf %gather3A, %get3A_285 : vector<16xf32>
        %add3A_287 = arith.addf %scan3A_219, %mul3A_286 : vector<16xf32>
        %get3A_288 = arith.index_cast %scan3A_210 : i32 to index
        %get3A_289 = arith.constant 144 : index
        %get3A_290 = tpu.vector_load %arg8[%get3A_288, %get3A_289] {strides = array<i32>} : memref<72x512xf32, #tpu.memory_space<vmem>>, vector<16xf32>,
        %mul3A_291 = arith.mulf %gather3A, %get3A_290 : vector<16xf32>
        %add3A_292 = arith.addf %scan3A_220, %mul3A_291 : vector<16xf32>
        %get3A_293 = arith.index_cast %scan3A_210 : i32 to index
        %get3A_294 = arith.constant 160 : index
        %get3A_295 = tpu.vector_load %arg8[%get3A_293, %get3A_294] {strides = array<i32>} : memref<72x512xf32, #tpu.memory_space<vmem>>, vector<16xf32>,
        %mul3A_296 = arith.mulf %gather3A, %get3A_295 : vector<16xf32>
        %add3A_297 = arith.addf %scan3A_221, %mul3A_296 : vector<16xf32>
        %get3A_298 = arith.index_cast %scan3A_210 : i32 to index
        %get3A_299 = arith.constant 176 : index
        %get3A_300 = tpu.vector_load %arg8[%get3A_298, %get3A_299] {strides = array<i32>} : memref<72x512xf32, #tpu.memory_space<vmem>>, vector<16xf32>,
        %mul3A_301 = arith.mulf %gather3A, %get3A_300 : vector<16xf32>
        %add3A_302 = arith.addf %scan3A_222, %mul3A_301 : vector<16xf32>
        %get3A_303 = arith.index_cast %scan3A_210 : i32 to index
        %get3A_304 = arith.constant 192 : index
        %get3A_305 = tpu.vector_load %arg8[%get3A_303, %get3A_304] {strides = array<i32>} : memref<72x512xf32, #tpu.memory_space<vmem>>, vector<16xf32>,
        %mul3A_306 = arith.mulf %gather3A, %get3A_305 : vector<16xf32>
        %add3A_307 = arith.addf %scan3A_223, %mul3A_306 : vector<16xf32>
        %get3A_308 = arith.index_cast %scan3A_210 : i32 to index
        %get3A_309 = arith.constant 208 : index
        %get3A_310 = tpu.vector_load %arg8[%get3A_308, %get3A_309] {strides = array<i32>} : memref<72x512xf32, #tpu.memory_space<vmem>>, vector<16xf32>,
        %mul3A_311 = arith.mulf %gather3A, %get3A_310 : vector<16xf32>
        %add3A_312 = arith.addf %scan3A_224, %mul3A_311 : vector<16xf32>
        %get3A_313 = arith.index_cast %scan3A_210 : i32 to index
        %get3A_314 = arith.constant 224 : index
        %get3A_315 = tpu.vector_load %arg8[%get3A_313, %get3A_314] {strides = array<i32>} : memref<72x512xf32, #tpu.memory_space<vmem>>, vector<16xf32>,
        %mul3A_316 = arith.mulf %gather3A, %get3A_315 : vector<16xf32>
        %add3A_317 = arith.addf %scan3A_225, %mul3A_316 : vector<16xf32>
        %get3A_318 = arith.index_cast %scan3A_210 : i32 to index
        %get3A_319 = arith.constant 240 : index
        %get3A_320 = tpu.vector_load %arg8[%get3A_318, %get3A_319] {strides = array<i32>} : memref<72x512xf32, #tpu.memory_space<vmem>>, vector<16xf32>,
        %mul3A_321 = arith.mulf %gather3A, %get3A_320 : vector<16xf32>
        %add3A_322 = arith.addf %scan3A_226, %mul3A_321 : vector<16xf32>
        %get3A_323 = arith.index_cast %scan3A_210 : i32 to index
        %get3A_324 = arith.constant 256 : index
        %get3A_325 = tpu.vector_load %arg8[%get3A_323, %get3A_324] {strides = array<i32>} : memref<72x512xf32, #tpu.memory_space<vmem>>, vector<16xf32>,
        %mul3A_326 = arith.mulf %gather3A, %get3A_325 : vector<16xf32>
        %add3A_327 = arith.addf %scan3A_227, %mul3A_326 : vector<16xf32>
        %get3A_328 = arith.index_cast %scan3A_210 : i32 to index
        %get3A_329 = arith.constant 272 : index
        %get3A_330 = tpu.vector_load %arg8[%get3A_328, %get3A_329] {strides = array<i32>} : memref<72x512xf32, #tpu.memory_space<vmem>>, vector<16xf32>,
        %mul3A_331 = arith.mulf %gather3A, %get3A_330 : vector<16xf32>
        %add3A_332 = arith.addf %scan3A_228, %mul3A_331 : vector<16xf32>
        %get3A_333 = arith.index_cast %scan3A_210 : i32 to index
        %get3A_334 = arith.constant 288 : index
        %get3A_335 = tpu.vector_load %arg8[%get3A_333, %get3A_334] {strides = array<i32>} : memref<72x512xf32, #tpu.memory_space<vmem>>, vector<16xf32>,
        %mul3A_336 = arith.mulf %gather3A, %get3A_335 : vector<16xf32>
        %add3A_337 = arith.addf %scan3A_229, %mul3A_336 : vector<16xf32>
        %get3A_338 = arith.index_cast %scan3A_210 : i32 to index
        %get3A_339 = arith.constant 304 : index
        %get3A_340 = tpu.vector_load %arg8[%get3A_338, %get3A_339] {strides = array<i32>} : memref<72x512xf32, #tpu.memory_space<vmem>>, vector<16xf32>,
        %mul3A_341 = arith.mulf %gather3A, %get3A_340 : vector<16xf32>
        %add3A_342 = arith.addf %scan3A_230, %mul3A_341 : vector<16xf32>
        %get3A_343 = arith.index_cast %scan3A_210 : i32 to index
        %get3A_344 = arith.constant 320 : index
        %get3A_345 = tpu.vector_load %arg8[%get3A_343, %get3A_344] {strides = array<i32>} : memref<72x512xf32, #tpu.memory_space<vmem>>, vector<16xf32>,
        %mul3A_346 = arith.mulf %gather3A, %get3A_345 : vector<16xf32>
        %add3A_347 = arith.addf %scan3A_231, %mul3A_346 : vector<16xf32>
        %get3A_348 = arith.index_cast %scan3A_210 : i32 to index
        %get3A_349 = arith.constant 336 : index
        %get3A_350 = tpu.vector_load %arg8[%get3A_348, %get3A_349] {strides = array<i32>} : memref<72x512xf32, #tpu.memory_space<vmem>>, vector<16xf32>,
        %mul3A_351 = arith.mulf %gather3A, %get3A_350 : vector<16xf32>
        %add3A_352 = arith.addf %scan3A_232, %mul3A_351 : vector<16xf32>
        %get3A_353 = arith.index_cast %scan3A_210 : i32 to index
        %get3A_354 = arith.constant 352 : index
        %get3A_355 = tpu.vector_load %arg8[%get3A_353, %get3A_354] {strides = array<i32>} : memref<72x512xf32, #tpu.memory_space<vmem>>, vector<16xf32>,
        %mul3A_356 = arith.mulf %gather3A, %get3A_355 : vector<16xf32>
        %add3A_357 = arith.addf %scan3A_233, %mul3A_356 : vector<16xf32>
        %get3A_358 = arith.index_cast %scan3A_210 : i32 to index
        %get3A_359 = arith.constant 368 : index
        %get3A_360 = tpu.vector_load %arg8[%get3A_358, %get3A_359] {strides = array<i32>} : memref<72x512xf32, #tpu.memory_space<vmem>>, vector<16xf32>,
        %mul3A_361 = arith.mulf %gather3A, %get3A_360 : vector<16xf32>
        %add3A_362 = arith.addf %scan3A_234, %mul3A_361 : vector<16xf32>
        %get3A_363 = arith.index_cast %scan3A_210 : i32 to index
        %get3A_364 = arith.constant 384 : index
        %get3A_365 = tpu.vector_load %arg8[%get3A_363, %get3A_364] {strides = array<i32>} : memref<72x512xf32, #tpu.memory_space<vmem>>, vector<16xf32>,
        %mul3A_366 = arith.mulf %gather3A, %get3A_365 : vector<16xf32>
        %add3A_367 = arith.addf %scan3A_235, %mul3A_366 : vector<16xf32>
        %get3A_368 = arith.index_cast %scan3A_210 : i32 to index
        %get3A_369 = arith.constant 400 : index
        %get3A_370 = tpu.vector_load %arg8[%get3A_368, %get3A_369] {strides = array<i32>} : memref<72x512xf32, #tpu.memory_space<vmem>>, vector<16xf32>,
        %mul3A_371 = arith.mulf %gather3A, %get3A_370 : vector<16xf32>
        %add3A_372 = arith.addf %scan3A_236, %mul3A_371 : vector<16xf32>
        %get3A_373 = arith.index_cast %scan3A_210 : i32 to index
        %get3A_374 = arith.constant 416 : index
        %get3A_375 = tpu.vector_load %arg8[%get3A_373, %get3A_374] {strides = array<i32>} : memref<72x512xf32, #tpu.memory_space<vmem>>, vector<16xf32>,
        %mul3A_376 = arith.mulf %gather3A, %get3A_375 : vector<16xf32>
        %add3A_377 = arith.addf %scan3A_237, %mul3A_376 : vector<16xf32>
        %get3A_378 = arith.index_cast %scan3A_210 : i32 to index
        %get3A_379 = arith.constant 432 : index
        %get3A_380 = tpu.vector_load %arg8[%get3A_378, %get3A_379] {strides = array<i32>} : memref<72x512xf32, #tpu.memory_space<vmem>>, vector<16xf32>,
        %mul3A_381 = arith.mulf %gather3A, %get3A_380 : vector<16xf32>
        %add3A_382 = arith.addf %scan3A_238, %mul3A_381 : vector<16xf32>
        %get3A_383 = arith.index_cast %scan3A_210 : i32 to index
        %get3A_384 = arith.constant 448 : index
        %get3A_385 = tpu.vector_load %arg8[%get3A_383, %get3A_384] {strides = array<i32>} : memref<72x512xf32, #tpu.memory_space<vmem>>, vector<16xf32>,
        %mul3A_386 = arith.mulf %gather3A, %get3A_385 : vector<16xf32>
        %add3A_387 = arith.addf %scan3A_239, %mul3A_386 : vector<16xf32>
        %get3A_388 = arith.index_cast %scan3A_210 : i32 to index
        %get3A_389 = arith.constant 464 : index
        %get3A_390 = tpu.vector_load %arg8[%get3A_388, %get3A_389] {strides = array<i32>} : memref<72x512xf32, #tpu.memory_space<vmem>>, vector<16xf32>,
        %mul3A_391 = arith.mulf %gather3A, %get3A_390 : vector<16xf32>
        %add3A_392 = arith.addf %scan3A_240, %mul3A_391 : vector<16xf32>
        %get3A_393 = arith.index_cast %scan3A_210 : i32 to index
        %get3A_394 = arith.constant 480 : index
        %get3A_395 = tpu.vector_load %arg8[%get3A_393, %get3A_394] {strides = array<i32>} : memref<72x512xf32, #tpu.memory_space<vmem>>, vector<16xf32>,
        %mul3A_396 = arith.mulf %gather3A, %get3A_395 : vector<16xf32>
        %add3A_397 = arith.addf %scan3A_241, %mul3A_396 : vector<16xf32>
        %get3A_398 = arith.index_cast %scan3A_210 : i32 to index
        %get3A_399 = arith.constant 496 : index
        %get3A_400 = tpu.vector_load %arg8[%get3A_398, %get3A_399] {strides = array<i32>} : memref<72x512xf32, #tpu.memory_space<vmem>>, vector<16xf32>,
        %mul3A_401 = arith.mulf %gather3A, %get3A_400 : vector<16xf32>
        %add3A_402 = arith.addf %scan3A_242, %mul3A_401 : vector<16xf32>
        scf.yield %add3A_247, %add3A_252, %add3A_257, %add3A_262, %add3A_267, %add3A_272, %add3A_277, %add3A_282, %add3A_287, %add3A_292, %add3A_297, %add3A_302, %add3A_307, %add3A_312, %add3A_317, %add3A_322, %add3A_327, %add3A_332, %add3A_337, %add3A_342, %add3A_347, %add3A_352, %add3A_357, %add3A_362, %add3A_367, %add3A_372, %add3A_377, %add3A_382, %add3A_387, %add3A_392, %add3A_397, %add3A_402 : vector<16xf32>, vector<16xf32>, vector<16xf32>, vector<16xf32>, vector<16xf32>, vector<16xf32>, vector<16xf32>, vector<16xf32>, vector<16xf32>, vector<16xf32>, vector<16xf32>, vector<16xf32>, vector<16xf32>, vector<16xf32>, vector<16xf32>, vector<16xf32>, vector<16xf32>, vector<16xf32>, vector<16xf32>, vector<16xf32>, vector<16xf32>, vector<16xf32>, vector<16xf32>, vector<16xf32>, vector<16xf32>, vector<16xf32>, vector<16xf32>, vector<16xf32>, vector<16xf32>, vector<16xf32>, vector<16xf32>, vector<16xf32>
      }
      %scan3A_82 = arith.constant 70 : i32
      %swap3A = arith.constant 0 : i32
      %swap3A_83 = arith.index_cast %swap3A : i32 to index
      %swap3A_84 = arith.constant 0 : index
      %swap3A_85 = tpu.vector_load %arg8[%swap3A_83, %swap3A_84] {strides = array<i32>} : memref<72x512xf32, #tpu.memory_space<vmem>>, vector<16xf32>,
      tpu.vector_store %arg8[%swap3A_83, %swap3A_84], %scan3A_81#0 {strides = array<i32>} : memref<72x512xf32, #tpu.memory_space<vmem>>, vector<16xf32>,
      %swap3A_86 = arith.constant 0 : i32
      %swap3A_87 = arith.index_cast %swap3A_86 : i32 to index
      %swap3A_88 = arith.constant 16 : index
      %swap3A_89 = tpu.vector_load %arg8[%swap3A_87, %swap3A_88] {strides = array<i32>} : memref<72x512xf32, #tpu.memory_space<vmem>>, vector<16xf32>,
      tpu.vector_store %arg8[%swap3A_87, %swap3A_88], %scan3A_81#1 {strides = array<i32>} : memref<72x512xf32, #tpu.memory_space<vmem>>, vector<16xf32>,
      %swap3A_90 = arith.constant 0 : i32
      %swap3A_91 = arith.index_cast %swap3A_90 : i32 to index
      %swap3A_92 = arith.constant 32 : index
      %swap3A_93 = tpu.vector_load %arg8[%swap3A_91, %swap3A_92] {strides = array<i32>} : memref<72x512xf32, #tpu.memory_space<vmem>>, vector<16xf32>,
      tpu.vector_store %arg8[%swap3A_91, %swap3A_92], %scan3A_81#2 {strides = array<i32>} : memref<72x512xf32, #tpu.memory_space<vmem>>, vector<16xf32>,
      %swap3A_94 = arith.constant 0 : i32
      %swap3A_95 = arith.index_cast %swap3A_94 : i32 to index
      %swap3A_96 = arith.constant 48 : index
      %swap3A_97 = tpu.vector_load %arg8[%swap3A_95, %swap3A_96] {strides = array<i32>} : memref<72x512xf32, #tpu.memory_space<vmem>>, vector<16xf32>,
      tpu.vector_store %arg8[%swap3A_95, %swap3A_96], %scan3A_81#3 {strides = array<i32>} : memref<72x512xf32, #tpu.memory_space<vmem>>, vector<16xf32>,
      %swap3A_98 = arith.constant 0 : i32
      %swap3A_99 = arith.index_cast %swap3A_98 : i32 to index
      %swap3A_100 = arith.constant 64 : index
      %swap3A_101 = tpu.vector_load %arg8[%swap3A_99, %swap3A_100] {strides = array<i32>} : memref<72x512xf32, #tpu.memory_space<vmem>>, vector<16xf32>,
      tpu.vector_store %arg8[%swap3A_99, %swap3A_100], %scan3A_81#4 {strides = array<i32>} : memref<72x512xf32, #tpu.memory_space<vmem>>, vector<16xf32>,
      %swap3A_102 = arith.constant 0 : i32
      %swap3A_103 = arith.index_cast %swap3A_102 : i32 to index
      %swap3A_104 = arith.constant 80 : index
      %swap3A_105 = tpu.vector_load %arg8[%swap3A_103, %swap3A_104] {strides = array<i32>} : memref<72x512xf32, #tpu.memory_space<vmem>>, vector<16xf32>,
      tpu.vector_store %arg8[%swap3A_103, %swap3A_104], %scan3A_81#5 {strides = array<i32>} : memref<72x512xf32, #tpu.memory_space<vmem>>, vector<16xf32>,
      %swap3A_106 = arith.constant 0 : i32
      %swap3A_107 = arith.index_cast %swap3A_106 : i32 to index
      %swap3A_108 = arith.constant 96 : index
      %swap3A_109 = tpu.vector_load %arg8[%swap3A_107, %swap3A_108] {strides = array<i32>} : memref<72x512xf32, #tpu.memory_space<vmem>>, vector<16xf32>,
      tpu.vector_store %arg8[%swap3A_107, %swap3A_108], %scan3A_81#6 {strides = array<i32>} : memref<72x512xf32, #tpu.memory_space<vmem>>, vector<16xf32>,
      %swap3A_110 = arith.constant 0 : i32
      %swap3A_111 = arith.index_cast %swap3A_110 : i32 to index
      %swap3A_112 = arith.constant 112 : index
      %swap3A_113 = tpu.vector_load %arg8[%swap3A_111, %swap3A_112] {strides = array<i32>} : memref<72x512xf32, #tpu.memory_space<vmem>>, vector<16xf32>,
      tpu.vector_store %arg8[%swap3A_111, %swap3A_112], %scan3A_81#7 {strides = array<i32>} : memref<72x512xf32, #tpu.memory_space<vmem>>, vector<16xf32>,
      %swap3A_114 = arith.constant 0 : i32
      %swap3A_115 = arith.index_cast %swap3A_114 : i32 to index
      %swap3A_116 = arith.constant 128 : index
      %swap3A_117 = tpu.vector_load %arg8[%swap3A_115, %swap3A_116] {strides = array<i32>} : memref<72x512xf32, #tpu.memory_space<vmem>>, vector<16xf32>,
      tpu.vector_store %arg8[%swap3A_115, %swap3A_116], %scan3A_81#8 {strides = array<i32>} : memref<72x512xf32, #tpu.memory_space<vmem>>, vector<16xf32>,
      %swap3A_118 = arith.constant 0 : i32
      %swap3A_119 = arith.index_cast %swap3A_118 : i32 to index
      %swap3A_120 = arith.constant 144 : index
      %swap3A_121 = tpu.vector_load %arg8[%swap3A_119, %swap3A_120] {strides = array<i32>} : memref<72x512xf32, #tpu.memory_space<vmem>>, vector<16xf32>,
      tpu.vector_store %arg8[%swap3A_119, %swap3A_120], %scan3A_81#9 {strides = array<i32>} : memref<72x512xf32, #tpu.memory_space<vmem>>, vector<16xf32>,
      %swap3A_122 = arith.constant 0 : i32
      %swap3A_123 = arith.index_cast %swap3A_122 : i32 to index
      %swap3A_124 = arith.constant 160 : index
      %swap3A_125 = tpu.vector_load %arg8[%swap3A_123, %swap3A_124] {strides = array<i32>} : memref<72x512xf32, #tpu.memory_space<vmem>>, vector<16xf32>,
      tpu.vector_store %arg8[%swap3A_123, %swap3A_124], %scan3A_81#10 {strides = array<i32>} : memref<72x512xf32, #tpu.memory_space<vmem>>, vector<16xf32>,
      %swap3A_126 = arith.constant 0 : i32
      %swap3A_127 = arith.index_cast %swap3A_126 : i32 to index
      %swap3A_128 = arith.constant 176 : index
      %swap3A_129 = tpu.vector_load %arg8[%swap3A_127, %swap3A_128] {strides = array<i32>} : memref<72x512xf32, #tpu.memory_space<vmem>>, vector<16xf32>,
      tpu.vector_store %arg8[%swap3A_127, %swap3A_128], %scan3A_81#11 {strides = array<i32>} : memref<72x512xf32, #tpu.memory_space<vmem>>, vector<16xf32>,
      %swap3A_130 = arith.constant 0 : i32
      %swap3A_131 = arith.index_cast %swap3A_130 : i32 to index
      %swap3A_132 = arith.constant 192 : index
      %swap3A_133 = tpu.vector_load %arg8[%swap3A_131, %swap3A_132] {strides = array<i32>} : memref<72x512xf32, #tpu.memory_space<vmem>>, vector<16xf32>,
      tpu.vector_store %arg8[%swap3A_131, %swap3A_132], %scan3A_81#12 {strides = array<i32>} : memref<72x512xf32, #tpu.memory_space<vmem>>, vector<16xf32>,
      %swap3A_134 = arith.constant 0 : i32
      %swap3A_135 = arith.index_cast %swap3A_134 : i32 to index
      %swap3A_136 = arith.constant 208 : index
      %swap3A_137 = tpu.vector_load %arg8[%swap3A_135, %swap3A_136] {strides = array<i32>} : memref<72x512xf32, #tpu.memory_space<vmem>>, vector<16xf32>,
      tpu.vector_store %arg8[%swap3A_135, %swap3A_136], %scan3A_81#13 {strides = array<i32>} : memref<72x512xf32, #tpu.memory_space<vmem>>, vector<16xf32>,
      %swap3A_138 = arith.constant 0 : i32
      %swap3A_139 = arith.index_cast %swap3A_138 : i32 to index
      %swap3A_140 = arith.constant 224 : index
      %swap3A_141 = tpu.vector_load %arg8[%swap3A_139, %swap3A_140] {strides = array<i32>} : memref<72x512xf32, #tpu.memory_space<vmem>>, vector<16xf32>,
      tpu.vector_store %arg8[%swap3A_139, %swap3A_140], %scan3A_81#14 {strides = array<i32>} : memref<72x512xf32, #tpu.memory_space<vmem>>, vector<16xf32>,
      %swap3A_142 = arith.constant 0 : i32
      %swap3A_143 = arith.index_cast %swap3A_142 : i32 to index
      %swap3A_144 = arith.constant 240 : index
      %swap3A_145 = tpu.vector_load %arg8[%swap3A_143, %swap3A_144] {strides = array<i32>} : memref<72x512xf32, #tpu.memory_space<vmem>>, vector<16xf32>,
      tpu.vector_store %arg8[%swap3A_143, %swap3A_144], %scan3A_81#15 {strides = array<i32>} : memref<72x512xf32, #tpu.memory_space<vmem>>, vector<16xf32>,
      %swap3A_146 = arith.constant 0 : i32
      %swap3A_147 = arith.index_cast %swap3A_146 : i32 to index
      %swap3A_148 = arith.constant 256 : index
      %swap3A_149 = tpu.vector_load %arg8[%swap3A_147, %swap3A_148] {strides = array<i32>} : memref<72x512xf32, #tpu.memory_space<vmem>>, vector<16xf32>,
      tpu.vector_store %arg8[%swap3A_147, %swap3A_148], %scan3A_81#16 {strides = array<i32>} : memref<72x512xf32, #tpu.memory_space<vmem>>, vector<16xf32>,
      %swap3A_150 = arith.constant 0 : i32
      %swap3A_151 = arith.index_cast %swap3A_150 : i32 to index
      %swap3A_152 = arith.constant 272 : index
      %swap3A_153 = tpu.vector_load %arg8[%swap3A_151, %swap3A_152] {strides = array<i32>} : memref<72x512xf32, #tpu.memory_space<vmem>>, vector<16xf32>,
      tpu.vector_store %arg8[%swap3A_151, %swap3A_152], %scan3A_81#17 {strides = array<i32>} : memref<72x512xf32, #tpu.memory_space<vmem>>, vector<16xf32>,
      %swap3A_154 = arith.constant 0 : i32
      %swap3A_155 = arith.index_cast %swap3A_154 : i32 to index
      %swap3A_156 = arith.constant 288 : index
      %swap3A_157 = tpu.vector_load %arg8[%swap3A_155, %swap3A_156] {strides = array<i32>} : memref<72x512xf32, #tpu.memory_space<vmem>>, vector<16xf32>,
      tpu.vector_store %arg8[%swap3A_155, %swap3A_156], %scan3A_81#18 {strides = array<i32>} : memref<72x512xf32, #tpu.memory_space<vmem>>, vector<16xf32>,
      %swap3A_158 = arith.constant 0 : i32
      %swap3A_159 = arith.index_cast %swap3A_158 : i32 to index
      %swap3A_160 = arith.constant 304 : index
      %swap3A_161 = tpu.vector_load %arg8[%swap3A_159, %swap3A_160] {strides = array<i32>} : memref<72x512xf32, #tpu.memory_space<vmem>>, vector<16xf32>,
      tpu.vector_store %arg8[%swap3A_159, %swap3A_160], %scan3A_81#19 {strides = array<i32>} : memref<72x512xf32, #tpu.memory_space<vmem>>, vector<16xf32>,
      %swap3A_162 = arith.constant 0 : i32
      %swap3A_163 = arith.index_cast %swap3A_162 : i32 to index
      %swap3A_164 = arith.constant 320 : index
      %swap3A_165 = tpu.vector_load %arg8[%swap3A_163, %swap3A_164] {strides = array<i32>} : memref<72x512xf32, #tpu.memory_space<vmem>>, vector<16xf32>,
      tpu.vector_store %arg8[%swap3A_163, %swap3A_164], %scan3A_81#20 {strides = array<i32>} : memref<72x512xf32, #tpu.memory_space<vmem>>, vector<16xf32>,
      %swap3A_166 = arith.constant 0 : i32
      %swap3A_167 = arith.index_cast %swap3A_166 : i32 to index
      %swap3A_168 = arith.constant 336 : index
      %swap3A_169 = tpu.vector_load %arg8[%swap3A_167, %swap3A_168] {strides = array<i32>} : memref<72x512xf32, #tpu.memory_space<vmem>>, vector<16xf32>,
      tpu.vector_store %arg8[%swap3A_167, %swap3A_168], %scan3A_81#21 {strides = array<i32>} : memref<72x512xf32, #tpu.memory_space<vmem>>, vector<16xf32>,
      %swap3A_170 = arith.constant 0 : i32
      %swap3A_171 = arith.index_cast %swap3A_170 : i32 to index
      %swap3A_172 = arith.constant 352 : index
      %swap3A_173 = tpu.vector_load %arg8[%swap3A_171, %swap3A_172] {strides = array<i32>} : memref<72x512xf32, #tpu.memory_space<vmem>>, vector<16xf32>,
      tpu.vector_store %arg8[%swap3A_171, %swap3A_172], %scan3A_81#22 {strides = array<i32>} : memref<72x512xf32, #tpu.memory_space<vmem>>, vector<16xf32>,
      %swap3A_174 = arith.constant 0 : i32
      %swap3A_175 = arith.index_cast %swap3A_174 : i32 to index
      %swap3A_176 = arith.constant 368 : index
      %swap3A_177 = tpu.vector_load %arg8[%swap3A_175, %swap3A_176] {strides = array<i32>} : memref<72x512xf32, #tpu.memory_space<vmem>>, vector<16xf32>,
      tpu.vector_store %arg8[%swap3A_175, %swap3A_176], %scan3A_81#23 {strides = array<i32>} : memref<72x512xf32, #tpu.memory_space<vmem>>, vector<16xf32>,
      %swap3A_178 = arith.constant 0 : i32
      %swap3A_179 = arith.index_cast %swap3A_178 : i32 to index
      %swap3A_180 = arith.constant 384 : index
      %swap3A_181 = tpu.vector_load %arg8[%swap3A_179, %swap3A_180] {strides = array<i32>} : memref<72x512xf32, #tpu.memory_space<vmem>>, vector<16xf32>,
      tpu.vector_store %arg8[%swap3A_179, %swap3A_180], %scan3A_81#24 {strides = array<i32>} : memref<72x512xf32, #tpu.memory_space<vmem>>, vector<16xf32>,
      %swap3A_182 = arith.constant 0 : i32
      %swap3A_183 = arith.index_cast %swap3A_182 : i32 to index
      %swap3A_184 = arith.constant 400 : index
      %swap3A_185 = tpu.vector_load %arg8[%swap3A_183, %swap3A_184] {strides = array<i32>} : memref<72x512xf32, #tpu.memory_space<vmem>>, vector<16xf32>,
      tpu.vector_store %arg8[%swap3A_183, %swap3A_184], %scan3A_81#25 {strides = array<i32>} : memref<72x512xf32, #tpu.memory_space<vmem>>, vector<16xf32>,
      %swap3A_186 = arith.constant 0 : i32
      %swap3A_187 = arith.index_cast %swap3A_186 : i32 to index
      %swap3A_188 = arith.constant 416 : index
      %swap3A_189 = tpu.vector_load %arg8[%swap3A_187, %swap3A_188] {strides = array<i32>} : memref<72x512xf32, #tpu.memory_space<vmem>>, vector<16xf32>,
      tpu.vector_store %arg8[%swap3A_187, %swap3A_188], %scan3A_81#26 {strides = array<i32>} : memref<72x512xf32, #tpu.memory_space<vmem>>, vector<16xf32>,
      %swap3A_190 = arith.constant 0 : i32
      %swap3A_191 = arith.index_cast %swap3A_190 : i32 to index
      %swap3A_192 = arith.constant 432 : index
      %swap3A_193 = tpu.vector_load %arg8[%swap3A_191, %swap3A_192] {strides = array<i32>} : memref<72x512xf32, #tpu.memory_space<vmem>>, vector<16xf32>,
      tpu.vector_store %arg8[%swap3A_191, %swap3A_192], %scan3A_81#27 {strides = array<i32>} : memref<72x512xf32, #tpu.memory_space<vmem>>, vector<16xf32>,
      %swap3A_194 = arith.constant 0 : i32
      %swap3A_195 = arith.index_cast %swap3A_194 : i32 to index
      %swap3A_196 = arith.constant 448 : index
      %swap3A_197 = tpu.vector_load %arg8[%swap3A_195, %swap3A_196] {strides = array<i32>} : memref<72x512xf32, #tpu.memory_space<vmem>>, vector<16xf32>,
      tpu.vector_store %arg8[%swap3A_195, %swap3A_196], %scan3A_81#28 {strides = array<i32>} : memref<72x512xf32, #tpu.memory_space<vmem>>, vector<16xf32>,
      %swap3A_198 = arith.constant 0 : i32
      %swap3A_199 = arith.index_cast %swap3A_198 : i32 to index
      %swap3A_200 = arith.constant 464 : index
      %swap3A_201 = tpu.vector_load %arg8[%swap3A_199, %swap3A_200] {strides = array<i32>} : memref<72x512xf32, #tpu.memory_space<vmem>>, vector<16xf32>,
      tpu.vector_store %arg8[%swap3A_199, %swap3A_200], %scan3A_81#29 {strides = array<i32>} : memref<72x512xf32, #tpu.memory_space<vmem>>, vector<16xf32>,
      %swap3A_202 = arith.constant 0 : i32
      %swap3A_203 = arith.index_cast %swap3A_202 : i32 to index
      %swap3A_204 = arith.constant 480 : index
      %swap3A_205 = tpu.vector_load %arg8[%swap3A_203, %swap3A_204] {strides = array<i32>} : memref<72x512xf32, #tpu.memory_space<vmem>>, vector<16xf32>,
      tpu.vector_store %arg8[%swap3A_203, %swap3A_204], %scan3A_81#30 {strides = array<i32>} : memref<72x512xf32, #tpu.memory_space<vmem>>, vector<16xf32>,
      %swap3A_206 = arith.constant 0 : i32
      %swap3A_207 = arith.index_cast %swap3A_206 : i32 to index
      %swap3A_208 = arith.constant 496 : index
      %swap3A_209 = tpu.vector_load %arg8[%swap3A_207, %swap3A_208] {strides = array<i32>} : memref<72x512xf32, #tpu.memory_space<vmem>>, vector<16xf32>,
      tpu.vector_store %arg8[%swap3A_207, %swap3A_208], %scan3A_81#31 {strides = array<i32>} : memref<72x512xf32, #tpu.memory_space<vmem>>, vector<16xf32>,
      %run_scoped3A = arith.constant 0 : i32
      "tpu.region"() ({
        %run_scoped3A_210 = tpu.sem_alloc : memref<!tpu.dma_semaphore, #tpu.memory_space<semaphore_mem>>
        %dma_start3A_211 = arith.constant 0 : i32
        %dma_start3A_212 = tpu.memref_slice %arg8[%run_scoped3A, %dma_start3A_211] : memref<72x512xf32, #tpu.memory_space<vmem>> -> memref<1x512xf32, #tpu.memory_space<vmem>>
        %dma_start3A_213 = tpu.memref_squeeze %dma_start3A_212 : memref<1x512xf32, #tpu.memory_space<vmem>> -> memref<512xf32, #tpu.memory_space<vmem>>
        %dma_start3A_214 = arith.constant 0 : i32
        %dma_start3A_215 = tpu.memref_slice %arg5[%add3A_9, %dma_start3A_214] : memref<4096x512xf32, #tpu.memory_space<hbm>> -> memref<1x512xf32, #tpu.memory_space<hbm>>
        %dma_start3A_216 = tpu.memref_squeeze %dma_start3A_215 : memref<1x512xf32, #tpu.memory_space<hbm>> -> memref<512xf32, #tpu.memory_space<hbm>>
        %dma_start3A_217 = arith.constant 0 : i32
        %dma_start3A_218 = tpu.memref_slice %arg5[%add3A_9, %dma_start3A_217] : memref<4096x512xf32, #tpu.memory_space<hbm>> -> memref<1x512xf32, #tpu.memory_space<hbm>>
        %dma_start3A_219 = tpu.memref_squeeze %dma_start3A_218 : memref<1x512xf32, #tpu.memory_space<hbm>> -> memref<512xf32, #tpu.memory_space<hbm>>
        %dma_start3A_220 = arith.constant 0 : i32
        %dma_start3A_221 = tpu.memref_slice %arg8[%run_scoped3A, %dma_start3A_220] : memref<72x512xf32, #tpu.memory_space<vmem>> -> memref<1x512xf32, #tpu.memory_space<vmem>>
        %dma_start3A_222 = tpu.memref_squeeze %dma_start3A_221 : memref<1x512xf32, #tpu.memory_space<vmem>> -> memref<512xf32, #tpu.memory_space<vmem>>
        tpu.enqueue_dma source(%dma_start3A_222 : memref<512xf32, #tpu.memory_space<vmem>>) target(%dma_start3A_219 : memref<512xf32, #tpu.memory_space<hbm>>) target_semaphore(%run_scoped3A_210 : memref<!tpu.dma_semaphore, #tpu.memory_space<semaphore_mem>>)
        %dma_wait3A_223 = arith.constant 0 : i32
        %dma_wait3A_224 = tpu.memref_slice %arg8[%run_scoped3A, %dma_wait3A_223] : memref<72x512xf32, #tpu.memory_space<vmem>> -> memref<1x512xf32, #tpu.memory_space<vmem>>
        %dma_wait3A_225 = tpu.memref_squeeze %dma_wait3A_224 : memref<1x512xf32, #tpu.memory_space<vmem>> -> memref<512xf32, #tpu.memory_space<vmem>>
        %dma_wait3A_226 = arith.constant 0 : i32
        %dma_wait3A_227 = tpu.memref_slice %arg5[%add3A_9, %dma_wait3A_226] : memref<4096x512xf32, #tpu.memory_space<hbm>> -> memref<1x512xf32, #tpu.memory_space<hbm>>
        %dma_wait3A_228 = tpu.memref_squeeze %dma_wait3A_227 : memref<1x512xf32, #tpu.memory_space<hbm>> -> memref<512xf32, #tpu.memory_space<hbm>>
        %dma_wait3A_229 = arith.constant 0 : i32
        %dma_wait3A_230 = tpu.memref_slice %arg5[%add3A_9, %dma_wait3A_229] : memref<4096x512xf32, #tpu.memory_space<hbm>> -> memref<1x512xf32, #tpu.memory_space<hbm>>
        %dma_wait3A_231 = tpu.memref_squeeze %dma_wait3A_230 : memref<1x512xf32, #tpu.memory_space<hbm>> -> memref<512xf32, #tpu.memory_space<hbm>>
        %dma_wait3A_232 = arith.constant 0 : i32
        %dma_wait3A_233 = tpu.memref_slice %arg8[%run_scoped3A, %dma_wait3A_232] : memref<72x512xf32, #tpu.memory_space<vmem>> -> memref<1x512xf32, #tpu.memory_space<vmem>>
        %dma_wait3A_234 = tpu.memref_squeeze %dma_wait3A_233 : memref<1x512xf32, #tpu.memory_space<vmem>> -> memref<512xf32, #tpu.memory_space<vmem>>
        tpu.wait_dma2 semaphore(%run_scoped3A_210 : memref<!tpu.dma_semaphore, #tpu.memory_space<semaphore_mem>>) src(%dma_wait3A_234 : memref<512xf32, #tpu.memory_space<vmem>>) dst(%dma_wait3A_231 : memref<512xf32, #tpu.memory_space<hbm>>)
        tpu.yield
      }) : () -> ()
    }
    %scan3A_5 = arith.constant 128 : i32
    return
  }
}

module attributes {stable_mosaic.version = 14 : i64} {
  func.func @_k1_body(%arg0: i32, %arg1: i32, %arg2: memref<256x512xf32, #tpu.memory_space<vmem>>, %arg3: memref<4096x512xf32, #tpu.memory_space<vmem>>, %arg4: memref<256x4096xf32, #tpu.memory_space<vmem>>, %arg5: memref<256x128xf32, #tpu.memory_space<vmem>>) attributes {dimension_semantics = [#tpu.dimension_semantics<arbitrary>, #tpu.dimension_semantics<arbitrary>], iteration_bounds = array<i64: 25, 16>, scalar_prefetch = 0 : i64, scratch_operands = 0 : i64, tpu.core_type = #tpu.core_type<tc>, window_params = [{transform_indices = @transform_0, window_bounds = array<i64: 256, 512>}, {transform_indices = @transform_1, window_bounds = array<i64: 4096, 512>}, {transform_indices = @transform_2, window_bounds = array<i64: 256, 4096>}, {transform_indices = @transform_3, window_bounds = array<i64: 256, 128>}]} {
    %get3A = arith.constant 0 : index
    %get3A_0 = arith.constant 0 : index
    %get3A_1 = vector.load %arg2[%get3A, %get3A_0] : memref<256x512xf32, #tpu.memory_space<vmem>>, vector<256x512xf32>
    %get3A_2 = arith.constant 0 : index
    %get3A_3 = arith.constant 0 : index
    %get3A_4 = vector.load %arg3[%get3A_2, %get3A_3] : memref<4096x512xf32, #tpu.memory_space<vmem>>, vector<4096x512xf32>
    %dot_general3A = arith.constant dense<0.000000e+00> : vector<256x4096xf32>
    %dot_general3A_5 = tpu.matmul %get3A_1, %get3A_4, %dot_general3A {dimension_numbers = #tpu.dot_dimension_numbers<[1], [1], [0], [0], [0, 0, 1, 0], [], []>, transpose_lhs_hint = false} : vector<256x512xf32>, vector<4096x512xf32>, vector<256x4096xf32> -> vector<256x4096xf32>
    %mul3A = arith.constant 4096 : i32
    %mul3A_6 = arith.muli %arg0, %mul3A : i32
    %iota3A = tpu.iota {dimensions = array<i32: 1>} : vector<256x4096xi32>
    %add3A = vector.broadcast %mul3A_6 : i32 to vector<256x4096xi32>
    %add3A_7 = arith.addi %add3A, %iota3A : vector<256x4096xi32>
    %lt3A = arith.constant 100000 : i32
    %lt3A_8 = vector.broadcast %lt3A : i32 to vector<256x4096xi32>
    %lt3A_9 = arith.cmpi slt, %add3A_7, %lt3A_8 : vector<256x4096xi32>
    %jit3A = arith.constant -2.000000e+00 : f32
    %broadcast_in_dim3A = vector.broadcast %jit3A : f32 to vector<256x4096xf32>
    %select_n3A = arith.select %lt3A_9, %dot_general3A_5, %broadcast_in_dim3A : vector<256x4096xi1>, vector<256x4096xf32>
    %swap3A = arith.constant 0 : index
    %swap3A_10 = arith.constant 0 : index
    %swap3A_11 = vector.load %arg4[%swap3A, %swap3A_10] : memref<256x4096xf32, #tpu.memory_space<vmem>>, vector<256x4096xf32>
    tpu.vector_store %arg4[%swap3A, %swap3A_10], %select_n3A {strides = array<i32>} : memref<256x4096xf32, #tpu.memory_space<vmem>>, vector<256x4096xf32>,
    %reshape3A = vector.shape_cast %select_n3A : vector<256x4096xf32> to vector<256x128x32xf32>
    %reduce_max3A = arith.constant dense<0xFF800000> : vector<256x128xf32>
    %reduce_max3A_12 = vector.multi_reduction <maximumf>, %reshape3A, %reduce_max3A [2] : vector<256x128x32xf32> to vector<256x128xf32>
    %swap3A_13 = arith.constant 0 : index
    %swap3A_14 = arith.constant 0 : index
    %swap3A_15 = vector.load %arg5[%swap3A_13, %swap3A_14] : memref<256x128xf32, #tpu.memory_space<vmem>>, vector<256x128xf32>
    tpu.vector_store %arg5[%swap3A_13, %swap3A_14], %reduce_max3A_12 {strides = array<i32>} : memref<256x128xf32, #tpu.memory_space<vmem>>, vector<256x128xf32>,
    return
  }
  func.func @transform_0(%arg0: i32, %arg1: i32) -> (i32, i32) {
    %c0_i32 = arith.constant 0 : i32
    %c0_i32_0 = arith.constant 0 : i32
    return %arg1, %c0_i32 : i32, i32
  }
  func.func @transform_1(%arg0: i32, %arg1: i32) -> (i32, i32) {
    %c0_i32 = arith.constant 0 : i32
    %c0_i32_0 = arith.constant 0 : i32
    return %arg0, %c0_i32 : i32, i32
  }
  func.func @transform_2(%arg0: i32, %arg1: i32) -> (i32, i32) {
    %c0_i32 = arith.constant 0 : i32
    return %arg1, %arg0 : i32, i32
  }
  func.func @transform_3(%arg0: i32, %arg1: i32) -> (i32, i32) {
    %c0_i32 = arith.constant 0 : i32
    return %arg1, %arg0 : i32, i32
  }
}

module attributes {stable_mosaic.version = 14 : i64} {
  func.func @_k2_body(%arg0: i32, %arg1: memref<256x3200xf32, #tpu.memory_space<vmem>>, %arg2: memref<256x16xf32, #tpu.memory_space<vmem>>) attributes {dimension_semantics = [#tpu.dimension_semantics<arbitrary>], iteration_bounds = array<i64: 16>, scalar_prefetch = 0 : i64, scratch_operands = 0 : i64, tpu.core_type = #tpu.core_type<tc>, window_params = [{transform_indices = @transform_0, window_bounds = array<i64: 256, 3200>}, {transform_indices = @transform_1, window_bounds = array<i64: 256, 16>}]} {
    %get3A = arith.constant 0 : index
    %get3A_0 = arith.constant 0 : index
    %get3A_1 = vector.load %arg1[%get3A, %get3A_0] : memref<256x3200xf32, #tpu.memory_space<vmem>>, vector<256x3200xf32>
    %reshape3A = vector.shape_cast %get3A_1 : vector<256x3200xf32> to vector<256x400x8xf32>
    %reduce_max3A = arith.constant dense<0xFF800000> : vector<256x400xf32>
    %reduce_max3A_2 = vector.multi_reduction <maximumf>, %reshape3A, %reduce_max3A [2] : vector<256x400x8xf32> to vector<256x400xf32>
    %broadcast_in_dim3A = arith.constant -2.000000e+00 : f32
    %broadcast_in_dim3A_3 = vector.broadcast %broadcast_in_dim3A : f32 to vector<256x1xf32>
    %reduce_max3A_4 = arith.constant dense<0xFF800000> : vector<256xf32>
    %reduce_max3A_5 = vector.multi_reduction <maximumf>, %reduce_max3A_2, %reduce_max3A_4 [1] : vector<256x400xf32> to vector<256xf32>
    %broadcast_in_dim3A_6 = vector.shape_cast %reduce_max3A_5 : vector<256xf32> to vector<256x1xf32>
    %add3A = arith.constant 9.99999997E-7 : f32
    %add3A_7 = vector.broadcast %add3A : f32 to vector<256x1xf32>
    %add3A_8 = arith.addf %broadcast_in_dim3A_6, %add3A_7 : vector<256x1xf32>
    %scan3A = arith.constant 0 : i32
    %scan3A_9 = arith.constant 3 : i32
    %scan3A_10 = arith.addi %scan3A, %scan3A_9 : i32
    %scan3A_11 = arith.constant 1 : i32
    %scan3A_12:2 = scf.for %scan3A_17 = %scan3A to %scan3A_10 step %scan3A_11 iter_args(%scan3A_18 = %broadcast_in_dim3A_3, %scan3A_19 = %add3A_8) -> (vector<256x1xf32>, vector<256x1xf32>)  : i32 {
      %scan3A_20 = arith.constant 0 : i32
      %scan3A_21 = arith.constant 16 : i32
      %scan3A_22 = arith.addi %scan3A_20, %scan3A_21 : i32
      %scan3A_23 = arith.constant 1 : i32
      %scan3A_24:2 = scf.for %scan3A_26 = %scan3A_20 to %scan3A_22 step %scan3A_23 iter_args(%scan3A_27 = %scan3A_18, %scan3A_28 = %scan3A_19) -> (vector<256x1xf32>, vector<256x1xf32>)  : i32 {
        %sub3A = arith.subf %scan3A_19, %scan3A_18 : vector<256x1xf32>
        %convert_element_type3A = arith.sitofp %scan3A_26 : i32 to f32
        %add3A_29 = arith.constant 1.000000e+00 : f32
        %add3A_30 = arith.addf %convert_element_type3A, %add3A_29 : f32
        %div3A = arith.constant 1.700000e+01 : f32
        %div3A_31 = arith.divf %add3A_30, %div3A : f32
        %mul3A = vector.broadcast %div3A_31 : f32 to vector<256x1xf32>
        %mul3A_32 = arith.mulf %sub3A, %mul3A : vector<256x1xf32>
        %add3A_33 = arith.addf %scan3A_18, %mul3A_32 : vector<256x1xf32>
        %ge3A = vector.broadcast %add3A_33 : vector<256x1xf32> to vector<256x400xf32>
        %ge3A_34 = arith.cmpf oge, %reduce_max3A_2, %ge3A : vector<256x400xf32>
        %convert_element_type3A_35 = arith.extui %ge3A_34 : vector<256x400xi1> to vector<256x400xi32>
        %convert_element_type3A_36 = arith.sitofp %convert_element_type3A_35 : vector<256x400xi32> to vector<256x400xf32>
        %reduce_sum3A = arith.constant dense<0.000000e+00> : vector<256xf32>
        %reduce_sum3A_37 = vector.multi_reduction <add>, %convert_element_type3A_36, %reduce_sum3A [1] : vector<256x400xf32> to vector<256xf32>
        %broadcast_in_dim3A_38 = vector.shape_cast %reduce_sum3A_37 : vector<256xf32> to vector<256x1xf32>
        %ge3A_39 = arith.constant 7.000000e+01 : f32
        %ge3A_40 = vector.broadcast %ge3A_39 : f32 to vector<256x1xf32>
        %ge3A_41 = arith.cmpf oge, %broadcast_in_dim3A_38, %ge3A_40 : vector<256x1xf32>
        %jit3A = arith.constant -4.000000e+00 : f32
        %broadcast_in_dim3A_42 = vector.broadcast %jit3A : f32 to vector<256x1xf32>
        %select_n3A = arith.select %ge3A_41, %add3A_33, %broadcast_in_dim3A_42 : vector<256x1xi1>, vector<256x1xf32>
        %max3A = arith.maximumf %scan3A_27, %select_n3A : vector<256x1xf32>
        %jit3A_43 = arith.constant 4.000000e+00 : f32
        %broadcast_in_dim3A_44 = vector.broadcast %jit3A_43 : f32 to vector<256x1xf32>
        %select_n3A_45 = arith.select %ge3A_41, %broadcast_in_dim3A_44, %add3A_33 : vector<256x1xi1>, vector<256x1xf32>
        %min3A = arith.minimumf %scan3A_28, %select_n3A_45 : vector<256x1xf32>
        scf.yield %max3A, %min3A : vector<256x1xf32>, vector<256x1xf32>
      }
      %scan3A_25 = arith.constant 16 : i32
      scf.yield %scan3A_24#0, %scan3A_24#1 : vector<256x1xf32>, vector<256x1xf32>
    }
    %broadcast_in_dim3A_13 = vector.shape_cast %scan3A_12#0 : vector<256x1xf32> to vector<256x1xf32>
    %broadcast_in_dim3A_14 = vector.broadcast %broadcast_in_dim3A_13 : vector<256x1xf32> to vector<256x16xf32>
    %swap3A = arith.constant 0 : index
    %swap3A_15 = arith.constant 0 : index
    %swap3A_16 = vector.load %arg2[%swap3A, %swap3A_15] : memref<256x16xf32, #tpu.memory_space<vmem>>, vector<256x16xf32>
    tpu.vector_store %arg2[%swap3A, %swap3A_15], %broadcast_in_dim3A_14 {strides = array<i32>} : memref<256x16xf32, #tpu.memory_space<vmem>>, vector<256x16xf32>,
    return
  }
  func.func @transform_0(%arg0: i32) -> (i32, i32) {
    %c0_i32 = arith.constant 0 : i32
    %c0_i32_0 = arith.constant 0 : i32
    return %arg0, %c0_i32 : i32, i32
  }
  func.func @transform_1(%arg0: i32) -> (i32, i32) {
    %c0_i32 = arith.constant 0 : i32
    %c0_i32_0 = arith.constant 0 : i32
    return %arg0, %c0_i32 : i32, i32
  }
}

module attributes {stable_mosaic.version = 14 : i64} {
  func.func @_k3_body(%arg0: i32, %arg1: memref<256x128xf32, #tpu.memory_space<vmem>>, %arg2: memref<256x128xi32, #tpu.memory_space<vmem>>, %arg3: memref<256x128xf32, #tpu.memory_space<vmem>>, %arg4: memref<256x128xf32, #tpu.memory_space<vmem>>, %arg5: memref<256x128xi32, #tpu.memory_space<vmem>>) attributes {dimension_semantics = [#tpu.dimension_semantics<arbitrary>], iteration_bounds = array<i64: 16>, scalar_prefetch = 0 : i64, scratch_operands = 0 : i64, tpu.core_type = #tpu.core_type<tc>, window_params = [{transform_indices = @transform_0, window_bounds = array<i64: 256, 128>}, {transform_indices = @transform_1, window_bounds = array<i64: 256, 128>}, {transform_indices = @transform_2, window_bounds = array<i64: 256, 128>}, {transform_indices = @transform_3, window_bounds = array<i64: 256, 128>}, {transform_indices = @transform_4, window_bounds = array<i64: 256, 128>}]} {
    %get3A = arith.constant 0 : index
    %get3A_0 = arith.constant 0 : index
    %get3A_1 = vector.load %arg1[%get3A, %get3A_0] : memref<256x128xf32, #tpu.memory_space<vmem>>, vector<256x128xf32>
    %get3A_2 = arith.constant 0 : index
    %get3A_3 = arith.constant 0 : index
    %get3A_4 = vector.load %arg2[%get3A_2, %get3A_3] : memref<256x128xi32, #tpu.memory_space<vmem>>, vector<256x128xi32>
    %iota3A = tpu.iota {dimensions = array<i32: 1>} : vector<256x128xi32>
    %broadcast_in_dim3A = arith.constant 0.000000e+00 : f32
    %broadcast_in_dim3A_5 = vector.broadcast %broadcast_in_dim3A : f32 to vector<256x128xf32>
    %broadcast_in_dim3A_6 = arith.constant 0 : i32
    %broadcast_in_dim3A_7 = vector.broadcast %broadcast_in_dim3A_6 : i32 to vector<256x128xi32>
    %reduce_max3A = arith.constant dense<0xFF800000> : vector<256xf32>
    %reduce_max3A_8 = vector.multi_reduction <maximumf>, %get3A_1, %reduce_max3A [1] : vector<256x128xf32> to vector<256xf32>
    %broadcast_in_dim3A_9 = vector.shape_cast %reduce_max3A_8 : vector<256xf32> to vector<256x1xf32>
    %eq3A = vector.broadcast %broadcast_in_dim3A_9 : vector<256x1xf32> to vector<256x128xf32>
    %eq3A_10 = arith.cmpf oeq, %get3A_1, %eq3A : vector<256x128xf32>
    %jit3A = arith.constant 1073741824 : i32
    %broadcast_in_dim3A_11 = vector.broadcast %jit3A : i32 to vector<256x128xi32>
    %select_n3A = arith.select %eq3A_10, %get3A_4, %broadcast_in_dim3A_11 : vector<256x128xi1>, vector<256x128xi32>
    %reduce_min3A = arith.constant dense<2147483647> : vector<256xi32>
    %reduce_min3A_12 = vector.multi_reduction <minsi>, %select_n3A, %reduce_min3A [1] : vector<256x128xi32> to vector<256xi32>
    %broadcast_in_dim3A_13 = vector.shape_cast %reduce_min3A_12 : vector<256xi32> to vector<256x1xi32>
    %eq3A_14 = vector.broadcast %broadcast_in_dim3A_13 : vector<256x1xi32> to vector<256x128xi32>
    %eq3A_15 = arith.cmpi eq, %get3A_4, %eq3A_14 : vector<256x128xi32>
    %and3A = arith.andi %eq3A_10, %eq3A_15 : vector<256x128xi1>
    %eq3A_16 = arith.constant 0 : i32
    %eq3A_17 = vector.broadcast %eq3A_16 : i32 to vector<256x128xi32>
    %eq3A_18 = arith.cmpi eq, %iota3A, %eq3A_17 : vector<256x128xi32>
    %broadcast_in_dim3A_19 = vector.shape_cast %broadcast_in_dim3A_9 : vector<256x1xf32> to vector<256x1xf32>
    %broadcast_in_dim3A_20 = vector.broadcast %broadcast_in_dim3A_19 : vector<256x1xf32> to vector<256x128xf32>
    %select_n3A_21 = arith.select %eq3A_18, %broadcast_in_dim3A_20, %broadcast_in_dim3A_5 : vector<256x128xi1>, vector<256x128xf32>
    %eq3A_22 = arith.constant 0 : i32
    %eq3A_23 = vector.broadcast %eq3A_22 : i32 to vector<256x128xi32>
    %eq3A_24 = arith.cmpi eq, %iota3A, %eq3A_23 : vector<256x128xi32>
    %broadcast_in_dim3A_25 = vector.shape_cast %broadcast_in_dim3A_13 : vector<256x1xi32> to vector<256x1xi32>
    %broadcast_in_dim3A_26 = vector.broadcast %broadcast_in_dim3A_25 : vector<256x1xi32> to vector<256x128xi32>
    %select_n3A_27 = arith.select %eq3A_24, %broadcast_in_dim3A_26, %broadcast_in_dim3A_7 : vector<256x128xi1>, vector<256x128xi32>
    %jit3A_28 = arith.constant -4.000000e+00 : f32
    %broadcast_in_dim3A_29 = vector.broadcast %jit3A_28 : f32 to vector<256x128xf32>
    %select_n3A_30 = arith.select %and3A, %broadcast_in_dim3A_29, %get3A_1 : vector<256x128xi1>, vector<256x128xf32>
    %reduce_max3A_31 = arith.constant dense<0xFF800000> : vector<256xf32>
    %reduce_max3A_32 = vector.multi_reduction <maximumf>, %select_n3A_30, %reduce_max3A_31 [1] : vector<256x128xf32> to vector<256xf32>
    %broadcast_in_dim3A_33 = vector.shape_cast %reduce_max3A_32 : vector<256xf32> to vector<256x1xf32>
    %eq3A_34 = vector.broadcast %broadcast_in_dim3A_33 : vector<256x1xf32> to vector<256x128xf32>
    %eq3A_35 = arith.cmpf oeq, %select_n3A_30, %eq3A_34 : vector<256x128xf32>
    %jit3A_36 = arith.constant 1073741824 : i32
    %broadcast_in_dim3A_37 = vector.broadcast %jit3A_36 : i32 to vector<256x128xi32>
    %select_n3A_38 = arith.select %eq3A_35, %get3A_4, %broadcast_in_dim3A_37 : vector<256x128xi1>, vector<256x128xi32>
    %reduce_min3A_39 = arith.constant dense<2147483647> : vector<256xi32>
    %reduce_min3A_40 = vector.multi_reduction <minsi>, %select_n3A_38, %reduce_min3A_39 [1] : vector<256x128xi32> to vector<256xi32>
    %broadcast_in_dim3A_41 = vector.shape_cast %reduce_min3A_40 : vector<256xi32> to vector<256x1xi32>
    %eq3A_42 = vector.broadcast %broadcast_in_dim3A_41 : vector<256x1xi32> to vector<256x128xi32>
    %eq3A_43 = arith.cmpi eq, %get3A_4, %eq3A_42 : vector<256x128xi32>
    %and3A_44 = arith.andi %eq3A_35, %eq3A_43 : vector<256x128xi1>
    %eq3A_45 = arith.constant 1 : i32
    %eq3A_46 = vector.broadcast %eq3A_45 : i32 to vector<256x128xi32>
    %eq3A_47 = arith.cmpi eq, %iota3A, %eq3A_46 : vector<256x128xi32>
    %broadcast_in_dim3A_48 = vector.shape_cast %broadcast_in_dim3A_33 : vector<256x1xf32> to vector<256x1xf32>
    %broadcast_in_dim3A_49 = vector.broadcast %broadcast_in_dim3A_48 : vector<256x1xf32> to vector<256x128xf32>
    %select_n3A_50 = arith.select %eq3A_47, %broadcast_in_dim3A_49, %select_n3A_21 : vector<256x128xi1>, vector<256x128xf32>
    %eq3A_51 = arith.constant 1 : i32
    %eq3A_52 = vector.broadcast %eq3A_51 : i32 to vector<256x128xi32>
    %eq3A_53 = arith.cmpi eq, %iota3A, %eq3A_52 : vector<256x128xi32>
    %broadcast_in_dim3A_54 = vector.shape_cast %broadcast_in_dim3A_41 : vector<256x1xi32> to vector<256x1xi32>
    %broadcast_in_dim3A_55 = vector.broadcast %broadcast_in_dim3A_54 : vector<256x1xi32> to vector<256x128xi32>
    %select_n3A_56 = arith.select %eq3A_53, %broadcast_in_dim3A_55, %select_n3A_27 : vector<256x128xi1>, vector<256x128xi32>
    %jit3A_57 = arith.constant -4.000000e+00 : f32
    %broadcast_in_dim3A_58 = vector.broadcast %jit3A_57 : f32 to vector<256x128xf32>
    %select_n3A_59 = arith.select %and3A_44, %broadcast_in_dim3A_58, %select_n3A_30 : vector<256x128xi1>, vector<256x128xf32>
    %reduce_max3A_60 = arith.constant dense<0xFF800000> : vector<256xf32>
    %reduce_max3A_61 = vector.multi_reduction <maximumf>, %select_n3A_59, %reduce_max3A_60 [1] : vector<256x128xf32> to vector<256xf32>
    %broadcast_in_dim3A_62 = vector.shape_cast %reduce_max3A_61 : vector<256xf32> to vector<256x1xf32>
    %eq3A_63 = vector.broadcast %broadcast_in_dim3A_62 : vector<256x1xf32> to vector<256x128xf32>
    %eq3A_64 = arith.cmpf oeq, %select_n3A_59, %eq3A_63 : vector<256x128xf32>
    %jit3A_65 = arith.constant 1073741824 : i32
    %broadcast_in_dim3A_66 = vector.broadcast %jit3A_65 : i32 to vector<256x128xi32>
    %select_n3A_67 = arith.select %eq3A_64, %get3A_4, %broadcast_in_dim3A_66 : vector<256x128xi1>, vector<256x128xi32>
    %reduce_min3A_68 = arith.constant dense<2147483647> : vector<256xi32>
    %reduce_min3A_69 = vector.multi_reduction <minsi>, %select_n3A_67, %reduce_min3A_68 [1] : vector<256x128xi32> to vector<256xi32>
    %broadcast_in_dim3A_70 = vector.shape_cast %reduce_min3A_69 : vector<256xi32> to vector<256x1xi32>
    %eq3A_71 = vector.broadcast %broadcast_in_dim3A_70 : vector<256x1xi32> to vector<256x128xi32>
    %eq3A_72 = arith.cmpi eq, %get3A_4, %eq3A_71 : vector<256x128xi32>
    %and3A_73 = arith.andi %eq3A_64, %eq3A_72 : vector<256x128xi1>
    %eq3A_74 = arith.constant 2 : i32
    %eq3A_75 = vector.broadcast %eq3A_74 : i32 to vector<256x128xi32>
    %eq3A_76 = arith.cmpi eq, %iota3A, %eq3A_75 : vector<256x128xi32>
    %broadcast_in_dim3A_77 = vector.shape_cast %broadcast_in_dim3A_62 : vector<256x1xf32> to vector<256x1xf32>
    %broadcast_in_dim3A_78 = vector.broadcast %broadcast_in_dim3A_77 : vector<256x1xf32> to vector<256x128xf32>
    %select_n3A_79 = arith.select %eq3A_76, %broadcast_in_dim3A_78, %select_n3A_50 : vector<256x128xi1>, vector<256x128xf32>
    %eq3A_80 = arith.constant 2 : i32
    %eq3A_81 = vector.broadcast %eq3A_80 : i32 to vector<256x128xi32>
    %eq3A_82 = arith.cmpi eq, %iota3A, %eq3A_81 : vector<256x128xi32>
    %broadcast_in_dim3A_83 = vector.shape_cast %broadcast_in_dim3A_70 : vector<256x1xi32> to vector<256x1xi32>
    %broadcast_in_dim3A_84 = vector.broadcast %broadcast_in_dim3A_83 : vector<256x1xi32> to vector<256x128xi32>
    %select_n3A_85 = arith.select %eq3A_82, %broadcast_in_dim3A_84, %select_n3A_56 : vector<256x128xi1>, vector<256x128xi32>
    %jit3A_86 = arith.constant -4.000000e+00 : f32
    %broadcast_in_dim3A_87 = vector.broadcast %jit3A_86 : f32 to vector<256x128xf32>
    %select_n3A_88 = arith.select %and3A_73, %broadcast_in_dim3A_87, %select_n3A_59 : vector<256x128xi1>, vector<256x128xf32>
    %reduce_max3A_89 = arith.constant dense<0xFF800000> : vector<256xf32>
    %reduce_max3A_90 = vector.multi_reduction <maximumf>, %select_n3A_88, %reduce_max3A_89 [1] : vector<256x128xf32> to vector<256xf32>
    %broadcast_in_dim3A_91 = vector.shape_cast %reduce_max3A_90 : vector<256xf32> to vector<256x1xf32>
    %eq3A_92 = vector.broadcast %broadcast_in_dim3A_91 : vector<256x1xf32> to vector<256x128xf32>
    %eq3A_93 = arith.cmpf oeq, %select_n3A_88, %eq3A_92 : vector<256x128xf32>
    %jit3A_94 = arith.constant 1073741824 : i32
    %broadcast_in_dim3A_95 = vector.broadcast %jit3A_94 : i32 to vector<256x128xi32>
    %select_n3A_96 = arith.select %eq3A_93, %get3A_4, %broadcast_in_dim3A_95 : vector<256x128xi1>, vector<256x128xi32>
    %reduce_min3A_97 = arith.constant dense<2147483647> : vector<256xi32>
    %reduce_min3A_98 = vector.multi_reduction <minsi>, %select_n3A_96, %reduce_min3A_97 [1] : vector<256x128xi32> to vector<256xi32>
    %broadcast_in_dim3A_99 = vector.shape_cast %reduce_min3A_98 : vector<256xi32> to vector<256x1xi32>
    %eq3A_100 = vector.broadcast %broadcast_in_dim3A_99 : vector<256x1xi32> to vector<256x128xi32>
    %eq3A_101 = arith.cmpi eq, %get3A_4, %eq3A_100 : vector<256x128xi32>
    %and3A_102 = arith.andi %eq3A_93, %eq3A_101 : vector<256x128xi1>
    %eq3A_103 = arith.constant 3 : i32
    %eq3A_104 = vector.broadcast %eq3A_103 : i32 to vector<256x128xi32>
    %eq3A_105 = arith.cmpi eq, %iota3A, %eq3A_104 : vector<256x128xi32>
    %broadcast_in_dim3A_106 = vector.shape_cast %broadcast_in_dim3A_91 : vector<256x1xf32> to vector<256x1xf32>
    %broadcast_in_dim3A_107 = vector.broadcast %broadcast_in_dim3A_106 : vector<256x1xf32> to vector<256x128xf32>
    %select_n3A_108 = arith.select %eq3A_105, %broadcast_in_dim3A_107, %select_n3A_79 : vector<256x128xi1>, vector<256x128xf32>
    %eq3A_109 = arith.constant 3 : i32
    %eq3A_110 = vector.broadcast %eq3A_109 : i32 to vector<256x128xi32>
    %eq3A_111 = arith.cmpi eq, %iota3A, %eq3A_110 : vector<256x128xi32>
    %broadcast_in_dim3A_112 = vector.shape_cast %broadcast_in_dim3A_99 : vector<256x1xi32> to vector<256x1xi32>
    %broadcast_in_dim3A_113 = vector.broadcast %broadcast_in_dim3A_112 : vector<256x1xi32> to vector<256x128xi32>
    %select_n3A_114 = arith.select %eq3A_111, %broadcast_in_dim3A_113, %select_n3A_85 : vector<256x128xi1>, vector<256x128xi32>
    %jit3A_115 = arith.constant -4.000000e+00 : f32
    %broadcast_in_dim3A_116 = vector.broadcast %jit3A_115 : f32 to vector<256x128xf32>
    %select_n3A_117 = arith.select %and3A_102, %broadcast_in_dim3A_116, %select_n3A_88 : vector<256x128xi1>, vector<256x128xf32>
    %reduce_max3A_118 = arith.constant dense<0xFF800000> : vector<256xf32>
    %reduce_max3A_119 = vector.multi_reduction <maximumf>, %select_n3A_117, %reduce_max3A_118 [1] : vector<256x128xf32> to vector<256xf32>
    %broadcast_in_dim3A_120 = vector.shape_cast %reduce_max3A_119 : vector<256xf32> to vector<256x1xf32>
    %eq3A_121 = vector.broadcast %broadcast_in_dim3A_120 : vector<256x1xf32> to vector<256x128xf32>
    %eq3A_122 = arith.cmpf oeq, %select_n3A_117, %eq3A_121 : vector<256x128xf32>
    %jit3A_123 = arith.constant 1073741824 : i32
    %broadcast_in_dim3A_124 = vector.broadcast %jit3A_123 : i32 to vector<256x128xi32>
    %select_n3A_125 = arith.select %eq3A_122, %get3A_4, %broadcast_in_dim3A_124 : vector<256x128xi1>, vector<256x128xi32>
    %reduce_min3A_126 = arith.constant dense<2147483647> : vector<256xi32>
    %reduce_min3A_127 = vector.multi_reduction <minsi>, %select_n3A_125, %reduce_min3A_126 [1] : vector<256x128xi32> to vector<256xi32>
    %broadcast_in_dim3A_128 = vector.shape_cast %reduce_min3A_127 : vector<256xi32> to vector<256x1xi32>
    %eq3A_129 = vector.broadcast %broadcast_in_dim3A_128 : vector<256x1xi32> to vector<256x128xi32>
    %eq3A_130 = arith.cmpi eq, %get3A_4, %eq3A_129 : vector<256x128xi32>
    %and3A_131 = arith.andi %eq3A_122, %eq3A_130 : vector<256x128xi1>
    %eq3A_132 = arith.constant 4 : i32
    %eq3A_133 = vector.broadcast %eq3A_132 : i32 to vector<256x128xi32>
    %eq3A_134 = arith.cmpi eq, %iota3A, %eq3A_133 : vector<256x128xi32>
    %broadcast_in_dim3A_135 = vector.shape_cast %broadcast_in_dim3A_120 : vector<256x1xf32> to vector<256x1xf32>
    %broadcast_in_dim3A_136 = vector.broadcast %broadcast_in_dim3A_135 : vector<256x1xf32> to vector<256x128xf32>
    %select_n3A_137 = arith.select %eq3A_134, %broadcast_in_dim3A_136, %select_n3A_108 : vector<256x128xi1>, vector<256x128xf32>
    %eq3A_138 = arith.constant 4 : i32
    %eq3A_139 = vector.broadcast %eq3A_138 : i32 to vector<256x128xi32>
    %eq3A_140 = arith.cmpi eq, %iota3A, %eq3A_139 : vector<256x128xi32>
    %broadcast_in_dim3A_141 = vector.shape_cast %broadcast_in_dim3A_128 : vector<256x1xi32> to vector<256x1xi32>
    %broadcast_in_dim3A_142 = vector.broadcast %broadcast_in_dim3A_141 : vector<256x1xi32> to vector<256x128xi32>
    %select_n3A_143 = arith.select %eq3A_140, %broadcast_in_dim3A_142, %select_n3A_114 : vector<256x128xi1>, vector<256x128xi32>
    %jit3A_144 = arith.constant -4.000000e+00 : f32
    %broadcast_in_dim3A_145 = vector.broadcast %jit3A_144 : f32 to vector<256x128xf32>
    %select_n3A_146 = arith.select %and3A_131, %broadcast_in_dim3A_145, %select_n3A_117 : vector<256x128xi1>, vector<256x128xf32>
    %reduce_max3A_147 = arith.constant dense<0xFF800000> : vector<256xf32>
    %reduce_max3A_148 = vector.multi_reduction <maximumf>, %select_n3A_146, %reduce_max3A_147 [1] : vector<256x128xf32> to vector<256xf32>
    %broadcast_in_dim3A_149 = vector.shape_cast %reduce_max3A_148 : vector<256xf32> to vector<256x1xf32>
    %eq3A_150 = vector.broadcast %broadcast_in_dim3A_149 : vector<256x1xf32> to vector<256x128xf32>
    %eq3A_151 = arith.cmpf oeq, %select_n3A_146, %eq3A_150 : vector<256x128xf32>
    %jit3A_152 = arith.constant 1073741824 : i32
    %broadcast_in_dim3A_153 = vector.broadcast %jit3A_152 : i32 to vector<256x128xi32>
    %select_n3A_154 = arith.select %eq3A_151, %get3A_4, %broadcast_in_dim3A_153 : vector<256x128xi1>, vector<256x128xi32>
    %reduce_min3A_155 = arith.constant dense<2147483647> : vector<256xi32>
    %reduce_min3A_156 = vector.multi_reduction <minsi>, %select_n3A_154, %reduce_min3A_155 [1] : vector<256x128xi32> to vector<256xi32>
    %broadcast_in_dim3A_157 = vector.shape_cast %reduce_min3A_156 : vector<256xi32> to vector<256x1xi32>
    %eq3A_158 = vector.broadcast %broadcast_in_dim3A_157 : vector<256x1xi32> to vector<256x128xi32>
    %eq3A_159 = arith.cmpi eq, %get3A_4, %eq3A_158 : vector<256x128xi32>
    %and3A_160 = arith.andi %eq3A_151, %eq3A_159 : vector<256x128xi1>
    %eq3A_161 = arith.constant 5 : i32
    %eq3A_162 = vector.broadcast %eq3A_161 : i32 to vector<256x128xi32>
    %eq3A_163 = arith.cmpi eq, %iota3A, %eq3A_162 : vector<256x128xi32>
    %broadcast_in_dim3A_164 = vector.shape_cast %broadcast_in_dim3A_149 : vector<256x1xf32> to vector<256x1xf32>
    %broadcast_in_dim3A_165 = vector.broadcast %broadcast_in_dim3A_164 : vector<256x1xf32> to vector<256x128xf32>
    %select_n3A_166 = arith.select %eq3A_163, %broadcast_in_dim3A_165, %select_n3A_137 : vector<256x128xi1>, vector<256x128xf32>
    %eq3A_167 = arith.constant 5 : i32
    %eq3A_168 = vector.broadcast %eq3A_167 : i32 to vector<256x128xi32>
    %eq3A_169 = arith.cmpi eq, %iota3A, %eq3A_168 : vector<256x128xi32>
    %broadcast_in_dim3A_170 = vector.shape_cast %broadcast_in_dim3A_157 : vector<256x1xi32> to vector<256x1xi32>
    %broadcast_in_dim3A_171 = vector.broadcast %broadcast_in_dim3A_170 : vector<256x1xi32> to vector<256x128xi32>
    %select_n3A_172 = arith.select %eq3A_169, %broadcast_in_dim3A_171, %select_n3A_143 : vector<256x128xi1>, vector<256x128xi32>
    %jit3A_173 = arith.constant -4.000000e+00 : f32
    %broadcast_in_dim3A_174 = vector.broadcast %jit3A_173 : f32 to vector<256x128xf32>
    %select_n3A_175 = arith.select %and3A_160, %broadcast_in_dim3A_174, %select_n3A_146 : vector<256x128xi1>, vector<256x128xf32>
    %reduce_max3A_176 = arith.constant dense<0xFF800000> : vector<256xf32>
    %reduce_max3A_177 = vector.multi_reduction <maximumf>, %select_n3A_175, %reduce_max3A_176 [1] : vector<256x128xf32> to vector<256xf32>
    %broadcast_in_dim3A_178 = vector.shape_cast %reduce_max3A_177 : vector<256xf32> to vector<256x1xf32>
    %eq3A_179 = vector.broadcast %broadcast_in_dim3A_178 : vector<256x1xf32> to vector<256x128xf32>
    %eq3A_180 = arith.cmpf oeq, %select_n3A_175, %eq3A_179 : vector<256x128xf32>
    %jit3A_181 = arith.constant 1073741824 : i32
    %broadcast_in_dim3A_182 = vector.broadcast %jit3A_181 : i32 to vector<256x128xi32>
    %select_n3A_183 = arith.select %eq3A_180, %get3A_4, %broadcast_in_dim3A_182 : vector<256x128xi1>, vector<256x128xi32>
    %reduce_min3A_184 = arith.constant dense<2147483647> : vector<256xi32>
    %reduce_min3A_185 = vector.multi_reduction <minsi>, %select_n3A_183, %reduce_min3A_184 [1] : vector<256x128xi32> to vector<256xi32>
    %broadcast_in_dim3A_186 = vector.shape_cast %reduce_min3A_185 : vector<256xi32> to vector<256x1xi32>
    %eq3A_187 = vector.broadcast %broadcast_in_dim3A_186 : vector<256x1xi32> to vector<256x128xi32>
    %eq3A_188 = arith.cmpi eq, %get3A_4, %eq3A_187 : vector<256x128xi32>
    %and3A_189 = arith.andi %eq3A_180, %eq3A_188 : vector<256x128xi1>
    %eq3A_190 = arith.constant 6 : i32
    %eq3A_191 = vector.broadcast %eq3A_190 : i32 to vector<256x128xi32>
    %eq3A_192 = arith.cmpi eq, %iota3A, %eq3A_191 : vector<256x128xi32>
    %broadcast_in_dim3A_193 = vector.shape_cast %broadcast_in_dim3A_178 : vector<256x1xf32> to vector<256x1xf32>
    %broadcast_in_dim3A_194 = vector.broadcast %broadcast_in_dim3A_193 : vector<256x1xf32> to vector<256x128xf32>
    %select_n3A_195 = arith.select %eq3A_192, %broadcast_in_dim3A_194, %select_n3A_166 : vector<256x128xi1>, vector<256x128xf32>
    %eq3A_196 = arith.constant 6 : i32
    %eq3A_197 = vector.broadcast %eq3A_196 : i32 to vector<256x128xi32>
    %eq3A_198 = arith.cmpi eq, %iota3A, %eq3A_197 : vector<256x128xi32>
    %broadcast_in_dim3A_199 = vector.shape_cast %broadcast_in_dim3A_186 : vector<256x1xi32> to vector<256x1xi32>
    %broadcast_in_dim3A_200 = vector.broadcast %broadcast_in_dim3A_199 : vector<256x1xi32> to vector<256x128xi32>
    %select_n3A_201 = arith.select %eq3A_198, %broadcast_in_dim3A_200, %select_n3A_172 : vector<256x128xi1>, vector<256x128xi32>
    %jit3A_202 = arith.constant -4.000000e+00 : f32
    %broadcast_in_dim3A_203 = vector.broadcast %jit3A_202 : f32 to vector<256x128xf32>
    %select_n3A_204 = arith.select %and3A_189, %broadcast_in_dim3A_203, %select_n3A_175 : vector<256x128xi1>, vector<256x128xf32>
    %reduce_max3A_205 = arith.constant dense<0xFF800000> : vector<256xf32>
    %reduce_max3A_206 = vector.multi_reduction <maximumf>, %select_n3A_204, %reduce_max3A_205 [1] : vector<256x128xf32> to vector<256xf32>
    %broadcast_in_dim3A_207 = vector.shape_cast %reduce_max3A_206 : vector<256xf32> to vector<256x1xf32>
    %eq3A_208 = vector.broadcast %broadcast_in_dim3A_207 : vector<256x1xf32> to vector<256x128xf32>
    %eq3A_209 = arith.cmpf oeq, %select_n3A_204, %eq3A_208 : vector<256x128xf32>
    %jit3A_210 = arith.constant 1073741824 : i32
    %broadcast_in_dim3A_211 = vector.broadcast %jit3A_210 : i32 to vector<256x128xi32>
    %select_n3A_212 = arith.select %eq3A_209, %get3A_4, %broadcast_in_dim3A_211 : vector<256x128xi1>, vector<256x128xi32>
    %reduce_min3A_213 = arith.constant dense<2147483647> : vector<256xi32>
    %reduce_min3A_214 = vector.multi_reduction <minsi>, %select_n3A_212, %reduce_min3A_213 [1] : vector<256x128xi32> to vector<256xi32>
    %broadcast_in_dim3A_215 = vector.shape_cast %reduce_min3A_214 : vector<256xi32> to vector<256x1xi32>
    %eq3A_216 = vector.broadcast %broadcast_in_dim3A_215 : vector<256x1xi32> to vector<256x128xi32>
    %eq3A_217 = arith.cmpi eq, %get3A_4, %eq3A_216 : vector<256x128xi32>
    %and3A_218 = arith.andi %eq3A_209, %eq3A_217 : vector<256x128xi1>
    %eq3A_219 = arith.constant 7 : i32
    %eq3A_220 = vector.broadcast %eq3A_219 : i32 to vector<256x128xi32>
    %eq3A_221 = arith.cmpi eq, %iota3A, %eq3A_220 : vector<256x128xi32>
    %broadcast_in_dim3A_222 = vector.shape_cast %broadcast_in_dim3A_207 : vector<256x1xf32> to vector<256x1xf32>
    %broadcast_in_dim3A_223 = vector.broadcast %broadcast_in_dim3A_222 : vector<256x1xf32> to vector<256x128xf32>
    %select_n3A_224 = arith.select %eq3A_221, %broadcast_in_dim3A_223, %select_n3A_195 : vector<256x128xi1>, vector<256x128xf32>
    %eq3A_225 = arith.constant 7 : i32
    %eq3A_226 = vector.broadcast %eq3A_225 : i32 to vector<256x128xi32>
    %eq3A_227 = arith.cmpi eq, %iota3A, %eq3A_226 : vector<256x128xi32>
    %broadcast_in_dim3A_228 = vector.shape_cast %broadcast_in_dim3A_215 : vector<256x1xi32> to vector<256x1xi32>
    %broadcast_in_dim3A_229 = vector.broadcast %broadcast_in_dim3A_228 : vector<256x1xi32> to vector<256x128xi32>
    %select_n3A_230 = arith.select %eq3A_227, %broadcast_in_dim3A_229, %select_n3A_201 : vector<256x128xi1>, vector<256x128xi32>
    %jit3A_231 = arith.constant -4.000000e+00 : f32
    %broadcast_in_dim3A_232 = vector.broadcast %jit3A_231 : f32 to vector<256x128xf32>
    %select_n3A_233 = arith.select %and3A_218, %broadcast_in_dim3A_232, %select_n3A_204 : vector<256x128xi1>, vector<256x128xf32>
    %reduce_max3A_234 = arith.constant dense<0xFF800000> : vector<256xf32>
    %reduce_max3A_235 = vector.multi_reduction <maximumf>, %select_n3A_233, %reduce_max3A_234 [1] : vector<256x128xf32> to vector<256xf32>
    %broadcast_in_dim3A_236 = vector.shape_cast %reduce_max3A_235 : vector<256xf32> to vector<256x1xf32>
    %eq3A_237 = vector.broadcast %broadcast_in_dim3A_236 : vector<256x1xf32> to vector<256x128xf32>
    %eq3A_238 = arith.cmpf oeq, %select_n3A_233, %eq3A_237 : vector<256x128xf32>
    %jit3A_239 = arith.constant 1073741824 : i32
    %broadcast_in_dim3A_240 = vector.broadcast %jit3A_239 : i32 to vector<256x128xi32>
    %select_n3A_241 = arith.select %eq3A_238, %get3A_4, %broadcast_in_dim3A_240 : vector<256x128xi1>, vector<256x128xi32>
    %reduce_min3A_242 = arith.constant dense<2147483647> : vector<256xi32>
    %reduce_min3A_243 = vector.multi_reduction <minsi>, %select_n3A_241, %reduce_min3A_242 [1] : vector<256x128xi32> to vector<256xi32>
    %broadcast_in_dim3A_244 = vector.shape_cast %reduce_min3A_243 : vector<256xi32> to vector<256x1xi32>
    %eq3A_245 = vector.broadcast %broadcast_in_dim3A_244 : vector<256x1xi32> to vector<256x128xi32>
    %eq3A_246 = arith.cmpi eq, %get3A_4, %eq3A_245 : vector<256x128xi32>
    %and3A_247 = arith.andi %eq3A_238, %eq3A_246 : vector<256x128xi1>
    %eq3A_248 = arith.constant 8 : i32
    %eq3A_249 = vector.broadcast %eq3A_248 : i32 to vector<256x128xi32>
    %eq3A_250 = arith.cmpi eq, %iota3A, %eq3A_249 : vector<256x128xi32>
    %broadcast_in_dim3A_251 = vector.shape_cast %broadcast_in_dim3A_236 : vector<256x1xf32> to vector<256x1xf32>
    %broadcast_in_dim3A_252 = vector.broadcast %broadcast_in_dim3A_251 : vector<256x1xf32> to vector<256x128xf32>
    %select_n3A_253 = arith.select %eq3A_250, %broadcast_in_dim3A_252, %select_n3A_224 : vector<256x128xi1>, vector<256x128xf32>
    %eq3A_254 = arith.constant 8 : i32
    %eq3A_255 = vector.broadcast %eq3A_254 : i32 to vector<256x128xi32>
    %eq3A_256 = arith.cmpi eq, %iota3A, %eq3A_255 : vector<256x128xi32>
    %broadcast_in_dim3A_257 = vector.shape_cast %broadcast_in_dim3A_244 : vector<256x1xi32> to vector<256x1xi32>
    %broadcast_in_dim3A_258 = vector.broadcast %broadcast_in_dim3A_257 : vector<256x1xi32> to vector<256x128xi32>
    %select_n3A_259 = arith.select %eq3A_256, %broadcast_in_dim3A_258, %select_n3A_230 : vector<256x128xi1>, vector<256x128xi32>
    %jit3A_260 = arith.constant -4.000000e+00 : f32
    %broadcast_in_dim3A_261 = vector.broadcast %jit3A_260 : f32 to vector<256x128xf32>
    %select_n3A_262 = arith.select %and3A_247, %broadcast_in_dim3A_261, %select_n3A_233 : vector<256x128xi1>, vector<256x128xf32>
    %reduce_max3A_263 = arith.constant dense<0xFF800000> : vector<256xf32>
    %reduce_max3A_264 = vector.multi_reduction <maximumf>, %select_n3A_262, %reduce_max3A_263 [1] : vector<256x128xf32> to vector<256xf32>
    %broadcast_in_dim3A_265 = vector.shape_cast %reduce_max3A_264 : vector<256xf32> to vector<256x1xf32>
    %eq3A_266 = vector.broadcast %broadcast_in_dim3A_265 : vector<256x1xf32> to vector<256x128xf32>
    %eq3A_267 = arith.cmpf oeq, %select_n3A_262, %eq3A_266 : vector<256x128xf32>
    %jit3A_268 = arith.constant 1073741824 : i32
    %broadcast_in_dim3A_269 = vector.broadcast %jit3A_268 : i32 to vector<256x128xi32>
    %select_n3A_270 = arith.select %eq3A_267, %get3A_4, %broadcast_in_dim3A_269 : vector<256x128xi1>, vector<256x128xi32>
    %reduce_min3A_271 = arith.constant dense<2147483647> : vector<256xi32>
    %reduce_min3A_272 = vector.multi_reduction <minsi>, %select_n3A_270, %reduce_min3A_271 [1] : vector<256x128xi32> to vector<256xi32>
    %broadcast_in_dim3A_273 = vector.shape_cast %reduce_min3A_272 : vector<256xi32> to vector<256x1xi32>
    %eq3A_274 = vector.broadcast %broadcast_in_dim3A_273 : vector<256x1xi32> to vector<256x128xi32>
    %eq3A_275 = arith.cmpi eq, %get3A_4, %eq3A_274 : vector<256x128xi32>
    %and3A_276 = arith.andi %eq3A_267, %eq3A_275 : vector<256x128xi1>
    %eq3A_277 = arith.constant 9 : i32
    %eq3A_278 = vector.broadcast %eq3A_277 : i32 to vector<256x128xi32>
    %eq3A_279 = arith.cmpi eq, %iota3A, %eq3A_278 : vector<256x128xi32>
    %broadcast_in_dim3A_280 = vector.shape_cast %broadcast_in_dim3A_265 : vector<256x1xf32> to vector<256x1xf32>
    %broadcast_in_dim3A_281 = vector.broadcast %broadcast_in_dim3A_280 : vector<256x1xf32> to vector<256x128xf32>
    %select_n3A_282 = arith.select %eq3A_279, %broadcast_in_dim3A_281, %select_n3A_253 : vector<256x128xi1>, vector<256x128xf32>
    %eq3A_283 = arith.constant 9 : i32
    %eq3A_284 = vector.broadcast %eq3A_283 : i32 to vector<256x128xi32>
    %eq3A_285 = arith.cmpi eq, %iota3A, %eq3A_284 : vector<256x128xi32>
    %broadcast_in_dim3A_286 = vector.shape_cast %broadcast_in_dim3A_273 : vector<256x1xi32> to vector<256x1xi32>
    %broadcast_in_dim3A_287 = vector.broadcast %broadcast_in_dim3A_286 : vector<256x1xi32> to vector<256x128xi32>
    %select_n3A_288 = arith.select %eq3A_285, %broadcast_in_dim3A_287, %select_n3A_259 : vector<256x128xi1>, vector<256x128xi32>
    %jit3A_289 = arith.constant -4.000000e+00 : f32
    %broadcast_in_dim3A_290 = vector.broadcast %jit3A_289 : f32 to vector<256x128xf32>
    %select_n3A_291 = arith.select %and3A_276, %broadcast_in_dim3A_290, %select_n3A_262 : vector<256x128xi1>, vector<256x128xf32>
    %reduce_max3A_292 = arith.constant dense<0xFF800000> : vector<256xf32>
    %reduce_max3A_293 = vector.multi_reduction <maximumf>, %select_n3A_291, %reduce_max3A_292 [1] : vector<256x128xf32> to vector<256xf32>
    %broadcast_in_dim3A_294 = vector.shape_cast %reduce_max3A_293 : vector<256xf32> to vector<256x1xf32>
    %eq3A_295 = vector.broadcast %broadcast_in_dim3A_294 : vector<256x1xf32> to vector<256x128xf32>
    %eq3A_296 = arith.cmpf oeq, %select_n3A_291, %eq3A_295 : vector<256x128xf32>
    %jit3A_297 = arith.constant 1073741824 : i32
    %broadcast_in_dim3A_298 = vector.broadcast %jit3A_297 : i32 to vector<256x128xi32>
    %select_n3A_299 = arith.select %eq3A_296, %get3A_4, %broadcast_in_dim3A_298 : vector<256x128xi1>, vector<256x128xi32>
    %reduce_min3A_300 = arith.constant dense<2147483647> : vector<256xi32>
    %reduce_min3A_301 = vector.multi_reduction <minsi>, %select_n3A_299, %reduce_min3A_300 [1] : vector<256x128xi32> to vector<256xi32>
    %broadcast_in_dim3A_302 = vector.shape_cast %reduce_min3A_301 : vector<256xi32> to vector<256x1xi32>
    %eq3A_303 = vector.broadcast %broadcast_in_dim3A_302 : vector<256x1xi32> to vector<256x128xi32>
    %eq3A_304 = arith.cmpi eq, %get3A_4, %eq3A_303 : vector<256x128xi32>
    %and3A_305 = arith.andi %eq3A_296, %eq3A_304 : vector<256x128xi1>
    %eq3A_306 = arith.constant 10 : i32
    %eq3A_307 = vector.broadcast %eq3A_306 : i32 to vector<256x128xi32>
    %eq3A_308 = arith.cmpi eq, %iota3A, %eq3A_307 : vector<256x128xi32>
    %broadcast_in_dim3A_309 = vector.shape_cast %broadcast_in_dim3A_294 : vector<256x1xf32> to vector<256x1xf32>
    %broadcast_in_dim3A_310 = vector.broadcast %broadcast_in_dim3A_309 : vector<256x1xf32> to vector<256x128xf32>
    %select_n3A_311 = arith.select %eq3A_308, %broadcast_in_dim3A_310, %select_n3A_282 : vector<256x128xi1>, vector<256x128xf32>
    %eq3A_312 = arith.constant 10 : i32
    %eq3A_313 = vector.broadcast %eq3A_312 : i32 to vector<256x128xi32>
    %eq3A_314 = arith.cmpi eq, %iota3A, %eq3A_313 : vector<256x128xi32>
    %broadcast_in_dim3A_315 = vector.shape_cast %broadcast_in_dim3A_302 : vector<256x1xi32> to vector<256x1xi32>
    %broadcast_in_dim3A_316 = vector.broadcast %broadcast_in_dim3A_315 : vector<256x1xi32> to vector<256x128xi32>
    %select_n3A_317 = arith.select %eq3A_314, %broadcast_in_dim3A_316, %select_n3A_288 : vector<256x128xi1>, vector<256x128xi32>
    %jit3A_318 = arith.constant -4.000000e+00 : f32
    %broadcast_in_dim3A_319 = vector.broadcast %jit3A_318 : f32 to vector<256x128xf32>
    %select_n3A_320 = arith.select %and3A_305, %broadcast_in_dim3A_319, %select_n3A_291 : vector<256x128xi1>, vector<256x128xf32>
    %reduce_max3A_321 = arith.constant dense<0xFF800000> : vector<256xf32>
    %reduce_max3A_322 = vector.multi_reduction <maximumf>, %select_n3A_320, %reduce_max3A_321 [1] : vector<256x128xf32> to vector<256xf32>
    %broadcast_in_dim3A_323 = vector.shape_cast %reduce_max3A_322 : vector<256xf32> to vector<256x1xf32>
    %eq3A_324 = vector.broadcast %broadcast_in_dim3A_323 : vector<256x1xf32> to vector<256x128xf32>
    %eq3A_325 = arith.cmpf oeq, %select_n3A_320, %eq3A_324 : vector<256x128xf32>
    %jit3A_326 = arith.constant 1073741824 : i32
    %broadcast_in_dim3A_327 = vector.broadcast %jit3A_326 : i32 to vector<256x128xi32>
    %select_n3A_328 = arith.select %eq3A_325, %get3A_4, %broadcast_in_dim3A_327 : vector<256x128xi1>, vector<256x128xi32>
    %reduce_min3A_329 = arith.constant dense<2147483647> : vector<256xi32>
    %reduce_min3A_330 = vector.multi_reduction <minsi>, %select_n3A_328, %reduce_min3A_329 [1] : vector<256x128xi32> to vector<256xi32>
    %broadcast_in_dim3A_331 = vector.shape_cast %reduce_min3A_330 : vector<256xi32> to vector<256x1xi32>
    %eq3A_332 = vector.broadcast %broadcast_in_dim3A_331 : vector<256x1xi32> to vector<256x128xi32>
    %eq3A_333 = arith.cmpi eq, %get3A_4, %eq3A_332 : vector<256x128xi32>
    %and3A_334 = arith.andi %eq3A_325, %eq3A_333 : vector<256x128xi1>
    %eq3A_335 = arith.constant 11 : i32
    %eq3A_336 = vector.broadcast %eq3A_335 : i32 to vector<256x128xi32>
    %eq3A_337 = arith.cmpi eq, %iota3A, %eq3A_336 : vector<256x128xi32>
    %broadcast_in_dim3A_338 = vector.shape_cast %broadcast_in_dim3A_323 : vector<256x1xf32> to vector<256x1xf32>
    %broadcast_in_dim3A_339 = vector.broadcast %broadcast_in_dim3A_338 : vector<256x1xf32> to vector<256x128xf32>
    %select_n3A_340 = arith.select %eq3A_337, %broadcast_in_dim3A_339, %select_n3A_311 : vector<256x128xi1>, vector<256x128xf32>
    %eq3A_341 = arith.constant 11 : i32
    %eq3A_342 = vector.broadcast %eq3A_341 : i32 to vector<256x128xi32>
    %eq3A_343 = arith.cmpi eq, %iota3A, %eq3A_342 : vector<256x128xi32>
    %broadcast_in_dim3A_344 = vector.shape_cast %broadcast_in_dim3A_331 : vector<256x1xi32> to vector<256x1xi32>
    %broadcast_in_dim3A_345 = vector.broadcast %broadcast_in_dim3A_344 : vector<256x1xi32> to vector<256x128xi32>
    %select_n3A_346 = arith.select %eq3A_343, %broadcast_in_dim3A_345, %select_n3A_317 : vector<256x128xi1>, vector<256x128xi32>
    %jit3A_347 = arith.constant -4.000000e+00 : f32
    %broadcast_in_dim3A_348 = vector.broadcast %jit3A_347 : f32 to vector<256x128xf32>
    %select_n3A_349 = arith.select %and3A_334, %broadcast_in_dim3A_348, %select_n3A_320 : vector<256x128xi1>, vector<256x128xf32>
    %reduce_max3A_350 = arith.constant dense<0xFF800000> : vector<256xf32>
    %reduce_max3A_351 = vector.multi_reduction <maximumf>, %select_n3A_349, %reduce_max3A_350 [1] : vector<256x128xf32> to vector<256xf32>
    %broadcast_in_dim3A_352 = vector.shape_cast %reduce_max3A_351 : vector<256xf32> to vector<256x1xf32>
    %eq3A_353 = vector.broadcast %broadcast_in_dim3A_352 : vector<256x1xf32> to vector<256x128xf32>
    %eq3A_354 = arith.cmpf oeq, %select_n3A_349, %eq3A_353 : vector<256x128xf32>
    %jit3A_355 = arith.constant 1073741824 : i32
    %broadcast_in_dim3A_356 = vector.broadcast %jit3A_355 : i32 to vector<256x128xi32>
    %select_n3A_357 = arith.select %eq3A_354, %get3A_4, %broadcast_in_dim3A_356 : vector<256x128xi1>, vector<256x128xi32>
    %reduce_min3A_358 = arith.constant dense<2147483647> : vector<256xi32>
    %reduce_min3A_359 = vector.multi_reduction <minsi>, %select_n3A_357, %reduce_min3A_358 [1] : vector<256x128xi32> to vector<256xi32>
    %broadcast_in_dim3A_360 = vector.shape_cast %reduce_min3A_359 : vector<256xi32> to vector<256x1xi32>
    %eq3A_361 = vector.broadcast %broadcast_in_dim3A_360 : vector<256x1xi32> to vector<256x128xi32>
    %eq3A_362 = arith.cmpi eq, %get3A_4, %eq3A_361 : vector<256x128xi32>
    %and3A_363 = arith.andi %eq3A_354, %eq3A_362 : vector<256x128xi1>
    %eq3A_364 = arith.constant 12 : i32
    %eq3A_365 = vector.broadcast %eq3A_364 : i32 to vector<256x128xi32>
    %eq3A_366 = arith.cmpi eq, %iota3A, %eq3A_365 : vector<256x128xi32>
    %broadcast_in_dim3A_367 = vector.shape_cast %broadcast_in_dim3A_352 : vector<256x1xf32> to vector<256x1xf32>
    %broadcast_in_dim3A_368 = vector.broadcast %broadcast_in_dim3A_367 : vector<256x1xf32> to vector<256x128xf32>
    %select_n3A_369 = arith.select %eq3A_366, %broadcast_in_dim3A_368, %select_n3A_340 : vector<256x128xi1>, vector<256x128xf32>
    %eq3A_370 = arith.constant 12 : i32
    %eq3A_371 = vector.broadcast %eq3A_370 : i32 to vector<256x128xi32>
    %eq3A_372 = arith.cmpi eq, %iota3A, %eq3A_371 : vector<256x128xi32>
    %broadcast_in_dim3A_373 = vector.shape_cast %broadcast_in_dim3A_360 : vector<256x1xi32> to vector<256x1xi32>
    %broadcast_in_dim3A_374 = vector.broadcast %broadcast_in_dim3A_373 : vector<256x1xi32> to vector<256x128xi32>
    %select_n3A_375 = arith.select %eq3A_372, %broadcast_in_dim3A_374, %select_n3A_346 : vector<256x128xi1>, vector<256x128xi32>
    %jit3A_376 = arith.constant -4.000000e+00 : f32
    %broadcast_in_dim3A_377 = vector.broadcast %jit3A_376 : f32 to vector<256x128xf32>
    %select_n3A_378 = arith.select %and3A_363, %broadcast_in_dim3A_377, %select_n3A_349 : vector<256x128xi1>, vector<256x128xf32>
    %reduce_max3A_379 = arith.constant dense<0xFF800000> : vector<256xf32>
    %reduce_max3A_380 = vector.multi_reduction <maximumf>, %select_n3A_378, %reduce_max3A_379 [1] : vector<256x128xf32> to vector<256xf32>
    %broadcast_in_dim3A_381 = vector.shape_cast %reduce_max3A_380 : vector<256xf32> to vector<256x1xf32>
    %eq3A_382 = vector.broadcast %broadcast_in_dim3A_381 : vector<256x1xf32> to vector<256x128xf32>
    %eq3A_383 = arith.cmpf oeq, %select_n3A_378, %eq3A_382 : vector<256x128xf32>
    %jit3A_384 = arith.constant 1073741824 : i32
    %broadcast_in_dim3A_385 = vector.broadcast %jit3A_384 : i32 to vector<256x128xi32>
    %select_n3A_386 = arith.select %eq3A_383, %get3A_4, %broadcast_in_dim3A_385 : vector<256x128xi1>, vector<256x128xi32>
    %reduce_min3A_387 = arith.constant dense<2147483647> : vector<256xi32>
    %reduce_min3A_388 = vector.multi_reduction <minsi>, %select_n3A_386, %reduce_min3A_387 [1] : vector<256x128xi32> to vector<256xi32>
    %broadcast_in_dim3A_389 = vector.shape_cast %reduce_min3A_388 : vector<256xi32> to vector<256x1xi32>
    %eq3A_390 = vector.broadcast %broadcast_in_dim3A_389 : vector<256x1xi32> to vector<256x128xi32>
    %eq3A_391 = arith.cmpi eq, %get3A_4, %eq3A_390 : vector<256x128xi32>
    %and3A_392 = arith.andi %eq3A_383, %eq3A_391 : vector<256x128xi1>
    %eq3A_393 = arith.constant 13 : i32
    %eq3A_394 = vector.broadcast %eq3A_393 : i32 to vector<256x128xi32>
    %eq3A_395 = arith.cmpi eq, %iota3A, %eq3A_394 : vector<256x128xi32>
    %broadcast_in_dim3A_396 = vector.shape_cast %broadcast_in_dim3A_381 : vector<256x1xf32> to vector<256x1xf32>
    %broadcast_in_dim3A_397 = vector.broadcast %broadcast_in_dim3A_396 : vector<256x1xf32> to vector<256x128xf32>
    %select_n3A_398 = arith.select %eq3A_395, %broadcast_in_dim3A_397, %select_n3A_369 : vector<256x128xi1>, vector<256x128xf32>
    %eq3A_399 = arith.constant 13 : i32
    %eq3A_400 = vector.broadcast %eq3A_399 : i32 to vector<256x128xi32>
    %eq3A_401 = arith.cmpi eq, %iota3A, %eq3A_400 : vector<256x128xi32>
    %broadcast_in_dim3A_402 = vector.shape_cast %broadcast_in_dim3A_389 : vector<256x1xi32> to vector<256x1xi32>
    %broadcast_in_dim3A_403 = vector.broadcast %broadcast_in_dim3A_402 : vector<256x1xi32> to vector<256x128xi32>
    %select_n3A_404 = arith.select %eq3A_401, %broadcast_in_dim3A_403, %select_n3A_375 : vector<256x128xi1>, vector<256x128xi32>
    %jit3A_405 = arith.constant -4.000000e+00 : f32
    %broadcast_in_dim3A_406 = vector.broadcast %jit3A_405 : f32 to vector<256x128xf32>
    %select_n3A_407 = arith.select %and3A_392, %broadcast_in_dim3A_406, %select_n3A_378 : vector<256x128xi1>, vector<256x128xf32>
    %reduce_max3A_408 = arith.constant dense<0xFF800000> : vector<256xf32>
    %reduce_max3A_409 = vector.multi_reduction <maximumf>, %select_n3A_407, %reduce_max3A_408 [1] : vector<256x128xf32> to vector<256xf32>
    %broadcast_in_dim3A_410 = vector.shape_cast %reduce_max3A_409 : vector<256xf32> to vector<256x1xf32>
    %eq3A_411 = vector.broadcast %broadcast_in_dim3A_410 : vector<256x1xf32> to vector<256x128xf32>
    %eq3A_412 = arith.cmpf oeq, %select_n3A_407, %eq3A_411 : vector<256x128xf32>
    %jit3A_413 = arith.constant 1073741824 : i32
    %broadcast_in_dim3A_414 = vector.broadcast %jit3A_413 : i32 to vector<256x128xi32>
    %select_n3A_415 = arith.select %eq3A_412, %get3A_4, %broadcast_in_dim3A_414 : vector<256x128xi1>, vector<256x128xi32>
    %reduce_min3A_416 = arith.constant dense<2147483647> : vector<256xi32>
    %reduce_min3A_417 = vector.multi_reduction <minsi>, %select_n3A_415, %reduce_min3A_416 [1] : vector<256x128xi32> to vector<256xi32>
    %broadcast_in_dim3A_418 = vector.shape_cast %reduce_min3A_417 : vector<256xi32> to vector<256x1xi32>
    %eq3A_419 = vector.broadcast %broadcast_in_dim3A_418 : vector<256x1xi32> to vector<256x128xi32>
    %eq3A_420 = arith.cmpi eq, %get3A_4, %eq3A_419 : vector<256x128xi32>
    %and3A_421 = arith.andi %eq3A_412, %eq3A_420 : vector<256x128xi1>
    %eq3A_422 = arith.constant 14 : i32
    %eq3A_423 = vector.broadcast %eq3A_422 : i32 to vector<256x128xi32>
    %eq3A_424 = arith.cmpi eq, %iota3A, %eq3A_423 : vector<256x128xi32>
    %broadcast_in_dim3A_425 = vector.shape_cast %broadcast_in_dim3A_410 : vector<256x1xf32> to vector<256x1xf32>
    %broadcast_in_dim3A_426 = vector.broadcast %broadcast_in_dim3A_425 : vector<256x1xf32> to vector<256x128xf32>
    %select_n3A_427 = arith.select %eq3A_424, %broadcast_in_dim3A_426, %select_n3A_398 : vector<256x128xi1>, vector<256x128xf32>
    %eq3A_428 = arith.constant 14 : i32
    %eq3A_429 = vector.broadcast %eq3A_428 : i32 to vector<256x128xi32>
    %eq3A_430 = arith.cmpi eq, %iota3A, %eq3A_429 : vector<256x128xi32>
    %broadcast_in_dim3A_431 = vector.shape_cast %broadcast_in_dim3A_418 : vector<256x1xi32> to vector<256x1xi32>
    %broadcast_in_dim3A_432 = vector.broadcast %broadcast_in_dim3A_431 : vector<256x1xi32> to vector<256x128xi32>
    %select_n3A_433 = arith.select %eq3A_430, %broadcast_in_dim3A_432, %select_n3A_404 : vector<256x128xi1>, vector<256x128xi32>
    %jit3A_434 = arith.constant -4.000000e+00 : f32
    %broadcast_in_dim3A_435 = vector.broadcast %jit3A_434 : f32 to vector<256x128xf32>
    %select_n3A_436 = arith.select %and3A_421, %broadcast_in_dim3A_435, %select_n3A_407 : vector<256x128xi1>, vector<256x128xf32>
    %reduce_max3A_437 = arith.constant dense<0xFF800000> : vector<256xf32>
    %reduce_max3A_438 = vector.multi_reduction <maximumf>, %select_n3A_436, %reduce_max3A_437 [1] : vector<256x128xf32> to vector<256xf32>
    %broadcast_in_dim3A_439 = vector.shape_cast %reduce_max3A_438 : vector<256xf32> to vector<256x1xf32>
    %eq3A_440 = vector.broadcast %broadcast_in_dim3A_439 : vector<256x1xf32> to vector<256x128xf32>
    %eq3A_441 = arith.cmpf oeq, %select_n3A_436, %eq3A_440 : vector<256x128xf32>
    %jit3A_442 = arith.constant 1073741824 : i32
    %broadcast_in_dim3A_443 = vector.broadcast %jit3A_442 : i32 to vector<256x128xi32>
    %select_n3A_444 = arith.select %eq3A_441, %get3A_4, %broadcast_in_dim3A_443 : vector<256x128xi1>, vector<256x128xi32>
    %reduce_min3A_445 = arith.constant dense<2147483647> : vector<256xi32>
    %reduce_min3A_446 = vector.multi_reduction <minsi>, %select_n3A_444, %reduce_min3A_445 [1] : vector<256x128xi32> to vector<256xi32>
    %broadcast_in_dim3A_447 = vector.shape_cast %reduce_min3A_446 : vector<256xi32> to vector<256x1xi32>
    %eq3A_448 = vector.broadcast %broadcast_in_dim3A_447 : vector<256x1xi32> to vector<256x128xi32>
    %eq3A_449 = arith.cmpi eq, %get3A_4, %eq3A_448 : vector<256x128xi32>
    %and3A_450 = arith.andi %eq3A_441, %eq3A_449 : vector<256x128xi1>
    %eq3A_451 = arith.constant 15 : i32
    %eq3A_452 = vector.broadcast %eq3A_451 : i32 to vector<256x128xi32>
    %eq3A_453 = arith.cmpi eq, %iota3A, %eq3A_452 : vector<256x128xi32>
    %broadcast_in_dim3A_454 = vector.shape_cast %broadcast_in_dim3A_439 : vector<256x1xf32> to vector<256x1xf32>
    %broadcast_in_dim3A_455 = vector.broadcast %broadcast_in_dim3A_454 : vector<256x1xf32> to vector<256x128xf32>
    %select_n3A_456 = arith.select %eq3A_453, %broadcast_in_dim3A_455, %select_n3A_427 : vector<256x128xi1>, vector<256x128xf32>
    %eq3A_457 = arith.constant 15 : i32
    %eq3A_458 = vector.broadcast %eq3A_457 : i32 to vector<256x128xi32>
    %eq3A_459 = arith.cmpi eq, %iota3A, %eq3A_458 : vector<256x128xi32>
    %broadcast_in_dim3A_460 = vector.shape_cast %broadcast_in_dim3A_447 : vector<256x1xi32> to vector<256x1xi32>
    %broadcast_in_dim3A_461 = vector.broadcast %broadcast_in_dim3A_460 : vector<256x1xi32> to vector<256x128xi32>
    %select_n3A_462 = arith.select %eq3A_459, %broadcast_in_dim3A_461, %select_n3A_433 : vector<256x128xi1>, vector<256x128xi32>
    %jit3A_463 = arith.constant -4.000000e+00 : f32
    %broadcast_in_dim3A_464 = vector.broadcast %jit3A_463 : f32 to vector<256x128xf32>
    %select_n3A_465 = arith.select %and3A_450, %broadcast_in_dim3A_464, %select_n3A_436 : vector<256x128xi1>, vector<256x128xf32>
    %reduce_max3A_466 = arith.constant dense<0xFF800000> : vector<256xf32>
    %reduce_max3A_467 = vector.multi_reduction <maximumf>, %select_n3A_465, %reduce_max3A_466 [1] : vector<256x128xf32> to vector<256xf32>
    %broadcast_in_dim3A_468 = vector.shape_cast %reduce_max3A_467 : vector<256xf32> to vector<256x1xf32>
    %eq3A_469 = vector.broadcast %broadcast_in_dim3A_468 : vector<256x1xf32> to vector<256x128xf32>
    %eq3A_470 = arith.cmpf oeq, %select_n3A_465, %eq3A_469 : vector<256x128xf32>
    %jit3A_471 = arith.constant 1073741824 : i32
    %broadcast_in_dim3A_472 = vector.broadcast %jit3A_471 : i32 to vector<256x128xi32>
    %select_n3A_473 = arith.select %eq3A_470, %get3A_4, %broadcast_in_dim3A_472 : vector<256x128xi1>, vector<256x128xi32>
    %reduce_min3A_474 = arith.constant dense<2147483647> : vector<256xi32>
    %reduce_min3A_475 = vector.multi_reduction <minsi>, %select_n3A_473, %reduce_min3A_474 [1] : vector<256x128xi32> to vector<256xi32>
    %broadcast_in_dim3A_476 = vector.shape_cast %reduce_min3A_475 : vector<256xi32> to vector<256x1xi32>
    %eq3A_477 = vector.broadcast %broadcast_in_dim3A_476 : vector<256x1xi32> to vector<256x128xi32>
    %eq3A_478 = arith.cmpi eq, %get3A_4, %eq3A_477 : vector<256x128xi32>
    %and3A_479 = arith.andi %eq3A_470, %eq3A_478 : vector<256x128xi1>
    %eq3A_480 = arith.constant 16 : i32
    %eq3A_481 = vector.broadcast %eq3A_480 : i32 to vector<256x128xi32>
    %eq3A_482 = arith.cmpi eq, %iota3A, %eq3A_481 : vector<256x128xi32>
    %broadcast_in_dim3A_483 = vector.shape_cast %broadcast_in_dim3A_468 : vector<256x1xf32> to vector<256x1xf32>
    %broadcast_in_dim3A_484 = vector.broadcast %broadcast_in_dim3A_483 : vector<256x1xf32> to vector<256x128xf32>
    %select_n3A_485 = arith.select %eq3A_482, %broadcast_in_dim3A_484, %select_n3A_456 : vector<256x128xi1>, vector<256x128xf32>
    %eq3A_486 = arith.constant 16 : i32
    %eq3A_487 = vector.broadcast %eq3A_486 : i32 to vector<256x128xi32>
    %eq3A_488 = arith.cmpi eq, %iota3A, %eq3A_487 : vector<256x128xi32>
    %broadcast_in_dim3A_489 = vector.shape_cast %broadcast_in_dim3A_476 : vector<256x1xi32> to vector<256x1xi32>
    %broadcast_in_dim3A_490 = vector.broadcast %broadcast_in_dim3A_489 : vector<256x1xi32> to vector<256x128xi32>
    %select_n3A_491 = arith.select %eq3A_488, %broadcast_in_dim3A_490, %select_n3A_462 : vector<256x128xi1>, vector<256x128xi32>
    %jit3A_492 = arith.constant -4.000000e+00 : f32
    %broadcast_in_dim3A_493 = vector.broadcast %jit3A_492 : f32 to vector<256x128xf32>
    %select_n3A_494 = arith.select %and3A_479, %broadcast_in_dim3A_493, %select_n3A_465 : vector<256x128xi1>, vector<256x128xf32>
    %reduce_max3A_495 = arith.constant dense<0xFF800000> : vector<256xf32>
    %reduce_max3A_496 = vector.multi_reduction <maximumf>, %select_n3A_494, %reduce_max3A_495 [1] : vector<256x128xf32> to vector<256xf32>
    %broadcast_in_dim3A_497 = vector.shape_cast %reduce_max3A_496 : vector<256xf32> to vector<256x1xf32>
    %eq3A_498 = vector.broadcast %broadcast_in_dim3A_497 : vector<256x1xf32> to vector<256x128xf32>
    %eq3A_499 = arith.cmpf oeq, %select_n3A_494, %eq3A_498 : vector<256x128xf32>
    %jit3A_500 = arith.constant 1073741824 : i32
    %broadcast_in_dim3A_501 = vector.broadcast %jit3A_500 : i32 to vector<256x128xi32>
    %select_n3A_502 = arith.select %eq3A_499, %get3A_4, %broadcast_in_dim3A_501 : vector<256x128xi1>, vector<256x128xi32>
    %reduce_min3A_503 = arith.constant dense<2147483647> : vector<256xi32>
    %reduce_min3A_504 = vector.multi_reduction <minsi>, %select_n3A_502, %reduce_min3A_503 [1] : vector<256x128xi32> to vector<256xi32>
    %broadcast_in_dim3A_505 = vector.shape_cast %reduce_min3A_504 : vector<256xi32> to vector<256x1xi32>
    %eq3A_506 = vector.broadcast %broadcast_in_dim3A_505 : vector<256x1xi32> to vector<256x128xi32>
    %eq3A_507 = arith.cmpi eq, %get3A_4, %eq3A_506 : vector<256x128xi32>
    %and3A_508 = arith.andi %eq3A_499, %eq3A_507 : vector<256x128xi1>
    %eq3A_509 = arith.constant 17 : i32
    %eq3A_510 = vector.broadcast %eq3A_509 : i32 to vector<256x128xi32>
    %eq3A_511 = arith.cmpi eq, %iota3A, %eq3A_510 : vector<256x128xi32>
    %broadcast_in_dim3A_512 = vector.shape_cast %broadcast_in_dim3A_497 : vector<256x1xf32> to vector<256x1xf32>
    %broadcast_in_dim3A_513 = vector.broadcast %broadcast_in_dim3A_512 : vector<256x1xf32> to vector<256x128xf32>
    %select_n3A_514 = arith.select %eq3A_511, %broadcast_in_dim3A_513, %select_n3A_485 : vector<256x128xi1>, vector<256x128xf32>
    %eq3A_515 = arith.constant 17 : i32
    %eq3A_516 = vector.broadcast %eq3A_515 : i32 to vector<256x128xi32>
    %eq3A_517 = arith.cmpi eq, %iota3A, %eq3A_516 : vector<256x128xi32>
    %broadcast_in_dim3A_518 = vector.shape_cast %broadcast_in_dim3A_505 : vector<256x1xi32> to vector<256x1xi32>
    %broadcast_in_dim3A_519 = vector.broadcast %broadcast_in_dim3A_518 : vector<256x1xi32> to vector<256x128xi32>
    %select_n3A_520 = arith.select %eq3A_517, %broadcast_in_dim3A_519, %select_n3A_491 : vector<256x128xi1>, vector<256x128xi32>
    %jit3A_521 = arith.constant -4.000000e+00 : f32
    %broadcast_in_dim3A_522 = vector.broadcast %jit3A_521 : f32 to vector<256x128xf32>
    %select_n3A_523 = arith.select %and3A_508, %broadcast_in_dim3A_522, %select_n3A_494 : vector<256x128xi1>, vector<256x128xf32>
    %reduce_max3A_524 = arith.constant dense<0xFF800000> : vector<256xf32>
    %reduce_max3A_525 = vector.multi_reduction <maximumf>, %select_n3A_523, %reduce_max3A_524 [1] : vector<256x128xf32> to vector<256xf32>
    %broadcast_in_dim3A_526 = vector.shape_cast %reduce_max3A_525 : vector<256xf32> to vector<256x1xf32>
    %eq3A_527 = vector.broadcast %broadcast_in_dim3A_526 : vector<256x1xf32> to vector<256x128xf32>
    %eq3A_528 = arith.cmpf oeq, %select_n3A_523, %eq3A_527 : vector<256x128xf32>
    %jit3A_529 = arith.constant 1073741824 : i32
    %broadcast_in_dim3A_530 = vector.broadcast %jit3A_529 : i32 to vector<256x128xi32>
    %select_n3A_531 = arith.select %eq3A_528, %get3A_4, %broadcast_in_dim3A_530 : vector<256x128xi1>, vector<256x128xi32>
    %reduce_min3A_532 = arith.constant dense<2147483647> : vector<256xi32>
    %reduce_min3A_533 = vector.multi_reduction <minsi>, %select_n3A_531, %reduce_min3A_532 [1] : vector<256x128xi32> to vector<256xi32>
    %broadcast_in_dim3A_534 = vector.shape_cast %reduce_min3A_533 : vector<256xi32> to vector<256x1xi32>
    %eq3A_535 = vector.broadcast %broadcast_in_dim3A_534 : vector<256x1xi32> to vector<256x128xi32>
    %eq3A_536 = arith.cmpi eq, %get3A_4, %eq3A_535 : vector<256x128xi32>
    %and3A_537 = arith.andi %eq3A_528, %eq3A_536 : vector<256x128xi1>
    %eq3A_538 = arith.constant 18 : i32
    %eq3A_539 = vector.broadcast %eq3A_538 : i32 to vector<256x128xi32>
    %eq3A_540 = arith.cmpi eq, %iota3A, %eq3A_539 : vector<256x128xi32>
    %broadcast_in_dim3A_541 = vector.shape_cast %broadcast_in_dim3A_526 : vector<256x1xf32> to vector<256x1xf32>
    %broadcast_in_dim3A_542 = vector.broadcast %broadcast_in_dim3A_541 : vector<256x1xf32> to vector<256x128xf32>
    %select_n3A_543 = arith.select %eq3A_540, %broadcast_in_dim3A_542, %select_n3A_514 : vector<256x128xi1>, vector<256x128xf32>
    %eq3A_544 = arith.constant 18 : i32
    %eq3A_545 = vector.broadcast %eq3A_544 : i32 to vector<256x128xi32>
    %eq3A_546 = arith.cmpi eq, %iota3A, %eq3A_545 : vector<256x128xi32>
    %broadcast_in_dim3A_547 = vector.shape_cast %broadcast_in_dim3A_534 : vector<256x1xi32> to vector<256x1xi32>
    %broadcast_in_dim3A_548 = vector.broadcast %broadcast_in_dim3A_547 : vector<256x1xi32> to vector<256x128xi32>
    %select_n3A_549 = arith.select %eq3A_546, %broadcast_in_dim3A_548, %select_n3A_520 : vector<256x128xi1>, vector<256x128xi32>
    %jit3A_550 = arith.constant -4.000000e+00 : f32
    %broadcast_in_dim3A_551 = vector.broadcast %jit3A_550 : f32 to vector<256x128xf32>
    %select_n3A_552 = arith.select %and3A_537, %broadcast_in_dim3A_551, %select_n3A_523 : vector<256x128xi1>, vector<256x128xf32>
    %reduce_max3A_553 = arith.constant dense<0xFF800000> : vector<256xf32>
    %reduce_max3A_554 = vector.multi_reduction <maximumf>, %select_n3A_552, %reduce_max3A_553 [1] : vector<256x128xf32> to vector<256xf32>
    %broadcast_in_dim3A_555 = vector.shape_cast %reduce_max3A_554 : vector<256xf32> to vector<256x1xf32>
    %eq3A_556 = vector.broadcast %broadcast_in_dim3A_555 : vector<256x1xf32> to vector<256x128xf32>
    %eq3A_557 = arith.cmpf oeq, %select_n3A_552, %eq3A_556 : vector<256x128xf32>
    %jit3A_558 = arith.constant 1073741824 : i32
    %broadcast_in_dim3A_559 = vector.broadcast %jit3A_558 : i32 to vector<256x128xi32>
    %select_n3A_560 = arith.select %eq3A_557, %get3A_4, %broadcast_in_dim3A_559 : vector<256x128xi1>, vector<256x128xi32>
    %reduce_min3A_561 = arith.constant dense<2147483647> : vector<256xi32>
    %reduce_min3A_562 = vector.multi_reduction <minsi>, %select_n3A_560, %reduce_min3A_561 [1] : vector<256x128xi32> to vector<256xi32>
    %broadcast_in_dim3A_563 = vector.shape_cast %reduce_min3A_562 : vector<256xi32> to vector<256x1xi32>
    %eq3A_564 = vector.broadcast %broadcast_in_dim3A_563 : vector<256x1xi32> to vector<256x128xi32>
    %eq3A_565 = arith.cmpi eq, %get3A_4, %eq3A_564 : vector<256x128xi32>
    %and3A_566 = arith.andi %eq3A_557, %eq3A_565 : vector<256x128xi1>
    %eq3A_567 = arith.constant 19 : i32
    %eq3A_568 = vector.broadcast %eq3A_567 : i32 to vector<256x128xi32>
    %eq3A_569 = arith.cmpi eq, %iota3A, %eq3A_568 : vector<256x128xi32>
    %broadcast_in_dim3A_570 = vector.shape_cast %broadcast_in_dim3A_555 : vector<256x1xf32> to vector<256x1xf32>
    %broadcast_in_dim3A_571 = vector.broadcast %broadcast_in_dim3A_570 : vector<256x1xf32> to vector<256x128xf32>
    %select_n3A_572 = arith.select %eq3A_569, %broadcast_in_dim3A_571, %select_n3A_543 : vector<256x128xi1>, vector<256x128xf32>
    %eq3A_573 = arith.constant 19 : i32
    %eq3A_574 = vector.broadcast %eq3A_573 : i32 to vector<256x128xi32>
    %eq3A_575 = arith.cmpi eq, %iota3A, %eq3A_574 : vector<256x128xi32>
    %broadcast_in_dim3A_576 = vector.shape_cast %broadcast_in_dim3A_563 : vector<256x1xi32> to vector<256x1xi32>
    %broadcast_in_dim3A_577 = vector.broadcast %broadcast_in_dim3A_576 : vector<256x1xi32> to vector<256x128xi32>
    %select_n3A_578 = arith.select %eq3A_575, %broadcast_in_dim3A_577, %select_n3A_549 : vector<256x128xi1>, vector<256x128xi32>
    %jit3A_579 = arith.constant -4.000000e+00 : f32
    %broadcast_in_dim3A_580 = vector.broadcast %jit3A_579 : f32 to vector<256x128xf32>
    %select_n3A_581 = arith.select %and3A_566, %broadcast_in_dim3A_580, %select_n3A_552 : vector<256x128xi1>, vector<256x128xf32>
    %reduce_max3A_582 = arith.constant dense<0xFF800000> : vector<256xf32>
    %reduce_max3A_583 = vector.multi_reduction <maximumf>, %select_n3A_581, %reduce_max3A_582 [1] : vector<256x128xf32> to vector<256xf32>
    %broadcast_in_dim3A_584 = vector.shape_cast %reduce_max3A_583 : vector<256xf32> to vector<256x1xf32>
    %eq3A_585 = vector.broadcast %broadcast_in_dim3A_584 : vector<256x1xf32> to vector<256x128xf32>
    %eq3A_586 = arith.cmpf oeq, %select_n3A_581, %eq3A_585 : vector<256x128xf32>
    %jit3A_587 = arith.constant 1073741824 : i32
    %broadcast_in_dim3A_588 = vector.broadcast %jit3A_587 : i32 to vector<256x128xi32>
    %select_n3A_589 = arith.select %eq3A_586, %get3A_4, %broadcast_in_dim3A_588 : vector<256x128xi1>, vector<256x128xi32>
    %reduce_min3A_590 = arith.constant dense<2147483647> : vector<256xi32>
    %reduce_min3A_591 = vector.multi_reduction <minsi>, %select_n3A_589, %reduce_min3A_590 [1] : vector<256x128xi32> to vector<256xi32>
    %broadcast_in_dim3A_592 = vector.shape_cast %reduce_min3A_591 : vector<256xi32> to vector<256x1xi32>
    %eq3A_593 = vector.broadcast %broadcast_in_dim3A_592 : vector<256x1xi32> to vector<256x128xi32>
    %eq3A_594 = arith.cmpi eq, %get3A_4, %eq3A_593 : vector<256x128xi32>
    %and3A_595 = arith.andi %eq3A_586, %eq3A_594 : vector<256x128xi1>
    %eq3A_596 = arith.constant 20 : i32
    %eq3A_597 = vector.broadcast %eq3A_596 : i32 to vector<256x128xi32>
    %eq3A_598 = arith.cmpi eq, %iota3A, %eq3A_597 : vector<256x128xi32>
    %broadcast_in_dim3A_599 = vector.shape_cast %broadcast_in_dim3A_584 : vector<256x1xf32> to vector<256x1xf32>
    %broadcast_in_dim3A_600 = vector.broadcast %broadcast_in_dim3A_599 : vector<256x1xf32> to vector<256x128xf32>
    %select_n3A_601 = arith.select %eq3A_598, %broadcast_in_dim3A_600, %select_n3A_572 : vector<256x128xi1>, vector<256x128xf32>
    %eq3A_602 = arith.constant 20 : i32
    %eq3A_603 = vector.broadcast %eq3A_602 : i32 to vector<256x128xi32>
    %eq3A_604 = arith.cmpi eq, %iota3A, %eq3A_603 : vector<256x128xi32>
    %broadcast_in_dim3A_605 = vector.shape_cast %broadcast_in_dim3A_592 : vector<256x1xi32> to vector<256x1xi32>
    %broadcast_in_dim3A_606 = vector.broadcast %broadcast_in_dim3A_605 : vector<256x1xi32> to vector<256x128xi32>
    %select_n3A_607 = arith.select %eq3A_604, %broadcast_in_dim3A_606, %select_n3A_578 : vector<256x128xi1>, vector<256x128xi32>
    %jit3A_608 = arith.constant -4.000000e+00 : f32
    %broadcast_in_dim3A_609 = vector.broadcast %jit3A_608 : f32 to vector<256x128xf32>
    %select_n3A_610 = arith.select %and3A_595, %broadcast_in_dim3A_609, %select_n3A_581 : vector<256x128xi1>, vector<256x128xf32>
    %reduce_max3A_611 = arith.constant dense<0xFF800000> : vector<256xf32>
    %reduce_max3A_612 = vector.multi_reduction <maximumf>, %select_n3A_610, %reduce_max3A_611 [1] : vector<256x128xf32> to vector<256xf32>
    %broadcast_in_dim3A_613 = vector.shape_cast %reduce_max3A_612 : vector<256xf32> to vector<256x1xf32>
    %eq3A_614 = vector.broadcast %broadcast_in_dim3A_613 : vector<256x1xf32> to vector<256x128xf32>
    %eq3A_615 = arith.cmpf oeq, %select_n3A_610, %eq3A_614 : vector<256x128xf32>
    %jit3A_616 = arith.constant 1073741824 : i32
    %broadcast_in_dim3A_617 = vector.broadcast %jit3A_616 : i32 to vector<256x128xi32>
    %select_n3A_618 = arith.select %eq3A_615, %get3A_4, %broadcast_in_dim3A_617 : vector<256x128xi1>, vector<256x128xi32>
    %reduce_min3A_619 = arith.constant dense<2147483647> : vector<256xi32>
    %reduce_min3A_620 = vector.multi_reduction <minsi>, %select_n3A_618, %reduce_min3A_619 [1] : vector<256x128xi32> to vector<256xi32>
    %broadcast_in_dim3A_621 = vector.shape_cast %reduce_min3A_620 : vector<256xi32> to vector<256x1xi32>
    %eq3A_622 = vector.broadcast %broadcast_in_dim3A_621 : vector<256x1xi32> to vector<256x128xi32>
    %eq3A_623 = arith.cmpi eq, %get3A_4, %eq3A_622 : vector<256x128xi32>
    %and3A_624 = arith.andi %eq3A_615, %eq3A_623 : vector<256x128xi1>
    %eq3A_625 = arith.constant 21 : i32
    %eq3A_626 = vector.broadcast %eq3A_625 : i32 to vector<256x128xi32>
    %eq3A_627 = arith.cmpi eq, %iota3A, %eq3A_626 : vector<256x128xi32>
    %broadcast_in_dim3A_628 = vector.shape_cast %broadcast_in_dim3A_613 : vector<256x1xf32> to vector<256x1xf32>
    %broadcast_in_dim3A_629 = vector.broadcast %broadcast_in_dim3A_628 : vector<256x1xf32> to vector<256x128xf32>
    %select_n3A_630 = arith.select %eq3A_627, %broadcast_in_dim3A_629, %select_n3A_601 : vector<256x128xi1>, vector<256x128xf32>
    %eq3A_631 = arith.constant 21 : i32
    %eq3A_632 = vector.broadcast %eq3A_631 : i32 to vector<256x128xi32>
    %eq3A_633 = arith.cmpi eq, %iota3A, %eq3A_632 : vector<256x128xi32>
    %broadcast_in_dim3A_634 = vector.shape_cast %broadcast_in_dim3A_621 : vector<256x1xi32> to vector<256x1xi32>
    %broadcast_in_dim3A_635 = vector.broadcast %broadcast_in_dim3A_634 : vector<256x1xi32> to vector<256x128xi32>
    %select_n3A_636 = arith.select %eq3A_633, %broadcast_in_dim3A_635, %select_n3A_607 : vector<256x128xi1>, vector<256x128xi32>
    %jit3A_637 = arith.constant -4.000000e+00 : f32
    %broadcast_in_dim3A_638 = vector.broadcast %jit3A_637 : f32 to vector<256x128xf32>
    %select_n3A_639 = arith.select %and3A_624, %broadcast_in_dim3A_638, %select_n3A_610 : vector<256x128xi1>, vector<256x128xf32>
    %reduce_max3A_640 = arith.constant dense<0xFF800000> : vector<256xf32>
    %reduce_max3A_641 = vector.multi_reduction <maximumf>, %select_n3A_639, %reduce_max3A_640 [1] : vector<256x128xf32> to vector<256xf32>
    %broadcast_in_dim3A_642 = vector.shape_cast %reduce_max3A_641 : vector<256xf32> to vector<256x1xf32>
    %eq3A_643 = vector.broadcast %broadcast_in_dim3A_642 : vector<256x1xf32> to vector<256x128xf32>
    %eq3A_644 = arith.cmpf oeq, %select_n3A_639, %eq3A_643 : vector<256x128xf32>
    %jit3A_645 = arith.constant 1073741824 : i32
    %broadcast_in_dim3A_646 = vector.broadcast %jit3A_645 : i32 to vector<256x128xi32>
    %select_n3A_647 = arith.select %eq3A_644, %get3A_4, %broadcast_in_dim3A_646 : vector<256x128xi1>, vector<256x128xi32>
    %reduce_min3A_648 = arith.constant dense<2147483647> : vector<256xi32>
    %reduce_min3A_649 = vector.multi_reduction <minsi>, %select_n3A_647, %reduce_min3A_648 [1] : vector<256x128xi32> to vector<256xi32>
    %broadcast_in_dim3A_650 = vector.shape_cast %reduce_min3A_649 : vector<256xi32> to vector<256x1xi32>
    %eq3A_651 = vector.broadcast %broadcast_in_dim3A_650 : vector<256x1xi32> to vector<256x128xi32>
    %eq3A_652 = arith.cmpi eq, %get3A_4, %eq3A_651 : vector<256x128xi32>
    %and3A_653 = arith.andi %eq3A_644, %eq3A_652 : vector<256x128xi1>
    %eq3A_654 = arith.constant 22 : i32
    %eq3A_655 = vector.broadcast %eq3A_654 : i32 to vector<256x128xi32>
    %eq3A_656 = arith.cmpi eq, %iota3A, %eq3A_655 : vector<256x128xi32>
    %broadcast_in_dim3A_657 = vector.shape_cast %broadcast_in_dim3A_642 : vector<256x1xf32> to vector<256x1xf32>
    %broadcast_in_dim3A_658 = vector.broadcast %broadcast_in_dim3A_657 : vector<256x1xf32> to vector<256x128xf32>
    %select_n3A_659 = arith.select %eq3A_656, %broadcast_in_dim3A_658, %select_n3A_630 : vector<256x128xi1>, vector<256x128xf32>
    %eq3A_660 = arith.constant 22 : i32
    %eq3A_661 = vector.broadcast %eq3A_660 : i32 to vector<256x128xi32>
    %eq3A_662 = arith.cmpi eq, %iota3A, %eq3A_661 : vector<256x128xi32>
    %broadcast_in_dim3A_663 = vector.shape_cast %broadcast_in_dim3A_650 : vector<256x1xi32> to vector<256x1xi32>
    %broadcast_in_dim3A_664 = vector.broadcast %broadcast_in_dim3A_663 : vector<256x1xi32> to vector<256x128xi32>
    %select_n3A_665 = arith.select %eq3A_662, %broadcast_in_dim3A_664, %select_n3A_636 : vector<256x128xi1>, vector<256x128xi32>
    %jit3A_666 = arith.constant -4.000000e+00 : f32
    %broadcast_in_dim3A_667 = vector.broadcast %jit3A_666 : f32 to vector<256x128xf32>
    %select_n3A_668 = arith.select %and3A_653, %broadcast_in_dim3A_667, %select_n3A_639 : vector<256x128xi1>, vector<256x128xf32>
    %reduce_max3A_669 = arith.constant dense<0xFF800000> : vector<256xf32>
    %reduce_max3A_670 = vector.multi_reduction <maximumf>, %select_n3A_668, %reduce_max3A_669 [1] : vector<256x128xf32> to vector<256xf32>
    %broadcast_in_dim3A_671 = vector.shape_cast %reduce_max3A_670 : vector<256xf32> to vector<256x1xf32>
    %eq3A_672 = vector.broadcast %broadcast_in_dim3A_671 : vector<256x1xf32> to vector<256x128xf32>
    %eq3A_673 = arith.cmpf oeq, %select_n3A_668, %eq3A_672 : vector<256x128xf32>
    %jit3A_674 = arith.constant 1073741824 : i32
    %broadcast_in_dim3A_675 = vector.broadcast %jit3A_674 : i32 to vector<256x128xi32>
    %select_n3A_676 = arith.select %eq3A_673, %get3A_4, %broadcast_in_dim3A_675 : vector<256x128xi1>, vector<256x128xi32>
    %reduce_min3A_677 = arith.constant dense<2147483647> : vector<256xi32>
    %reduce_min3A_678 = vector.multi_reduction <minsi>, %select_n3A_676, %reduce_min3A_677 [1] : vector<256x128xi32> to vector<256xi32>
    %broadcast_in_dim3A_679 = vector.shape_cast %reduce_min3A_678 : vector<256xi32> to vector<256x1xi32>
    %eq3A_680 = vector.broadcast %broadcast_in_dim3A_679 : vector<256x1xi32> to vector<256x128xi32>
    %eq3A_681 = arith.cmpi eq, %get3A_4, %eq3A_680 : vector<256x128xi32>
    %and3A_682 = arith.andi %eq3A_673, %eq3A_681 : vector<256x128xi1>
    %eq3A_683 = arith.constant 23 : i32
    %eq3A_684 = vector.broadcast %eq3A_683 : i32 to vector<256x128xi32>
    %eq3A_685 = arith.cmpi eq, %iota3A, %eq3A_684 : vector<256x128xi32>
    %broadcast_in_dim3A_686 = vector.shape_cast %broadcast_in_dim3A_671 : vector<256x1xf32> to vector<256x1xf32>
    %broadcast_in_dim3A_687 = vector.broadcast %broadcast_in_dim3A_686 : vector<256x1xf32> to vector<256x128xf32>
    %select_n3A_688 = arith.select %eq3A_685, %broadcast_in_dim3A_687, %select_n3A_659 : vector<256x128xi1>, vector<256x128xf32>
    %eq3A_689 = arith.constant 23 : i32
    %eq3A_690 = vector.broadcast %eq3A_689 : i32 to vector<256x128xi32>
    %eq3A_691 = arith.cmpi eq, %iota3A, %eq3A_690 : vector<256x128xi32>
    %broadcast_in_dim3A_692 = vector.shape_cast %broadcast_in_dim3A_679 : vector<256x1xi32> to vector<256x1xi32>
    %broadcast_in_dim3A_693 = vector.broadcast %broadcast_in_dim3A_692 : vector<256x1xi32> to vector<256x128xi32>
    %select_n3A_694 = arith.select %eq3A_691, %broadcast_in_dim3A_693, %select_n3A_665 : vector<256x128xi1>, vector<256x128xi32>
    %jit3A_695 = arith.constant -4.000000e+00 : f32
    %broadcast_in_dim3A_696 = vector.broadcast %jit3A_695 : f32 to vector<256x128xf32>
    %select_n3A_697 = arith.select %and3A_682, %broadcast_in_dim3A_696, %select_n3A_668 : vector<256x128xi1>, vector<256x128xf32>
    %reduce_max3A_698 = arith.constant dense<0xFF800000> : vector<256xf32>
    %reduce_max3A_699 = vector.multi_reduction <maximumf>, %select_n3A_697, %reduce_max3A_698 [1] : vector<256x128xf32> to vector<256xf32>
    %broadcast_in_dim3A_700 = vector.shape_cast %reduce_max3A_699 : vector<256xf32> to vector<256x1xf32>
    %eq3A_701 = vector.broadcast %broadcast_in_dim3A_700 : vector<256x1xf32> to vector<256x128xf32>
    %eq3A_702 = arith.cmpf oeq, %select_n3A_697, %eq3A_701 : vector<256x128xf32>
    %jit3A_703 = arith.constant 1073741824 : i32
    %broadcast_in_dim3A_704 = vector.broadcast %jit3A_703 : i32 to vector<256x128xi32>
    %select_n3A_705 = arith.select %eq3A_702, %get3A_4, %broadcast_in_dim3A_704 : vector<256x128xi1>, vector<256x128xi32>
    %reduce_min3A_706 = arith.constant dense<2147483647> : vector<256xi32>
    %reduce_min3A_707 = vector.multi_reduction <minsi>, %select_n3A_705, %reduce_min3A_706 [1] : vector<256x128xi32> to vector<256xi32>
    %broadcast_in_dim3A_708 = vector.shape_cast %reduce_min3A_707 : vector<256xi32> to vector<256x1xi32>
    %eq3A_709 = vector.broadcast %broadcast_in_dim3A_708 : vector<256x1xi32> to vector<256x128xi32>
    %eq3A_710 = arith.cmpi eq, %get3A_4, %eq3A_709 : vector<256x128xi32>
    %and3A_711 = arith.andi %eq3A_702, %eq3A_710 : vector<256x128xi1>
    %eq3A_712 = arith.constant 24 : i32
    %eq3A_713 = vector.broadcast %eq3A_712 : i32 to vector<256x128xi32>
    %eq3A_714 = arith.cmpi eq, %iota3A, %eq3A_713 : vector<256x128xi32>
    %broadcast_in_dim3A_715 = vector.shape_cast %broadcast_in_dim3A_700 : vector<256x1xf32> to vector<256x1xf32>
    %broadcast_in_dim3A_716 = vector.broadcast %broadcast_in_dim3A_715 : vector<256x1xf32> to vector<256x128xf32>
    %select_n3A_717 = arith.select %eq3A_714, %broadcast_in_dim3A_716, %select_n3A_688 : vector<256x128xi1>, vector<256x128xf32>
    %eq3A_718 = arith.constant 24 : i32
    %eq3A_719 = vector.broadcast %eq3A_718 : i32 to vector<256x128xi32>
    %eq3A_720 = arith.cmpi eq, %iota3A, %eq3A_719 : vector<256x128xi32>
    %broadcast_in_dim3A_721 = vector.shape_cast %broadcast_in_dim3A_708 : vector<256x1xi32> to vector<256x1xi32>
    %broadcast_in_dim3A_722 = vector.broadcast %broadcast_in_dim3A_721 : vector<256x1xi32> to vector<256x128xi32>
    %select_n3A_723 = arith.select %eq3A_720, %broadcast_in_dim3A_722, %select_n3A_694 : vector<256x128xi1>, vector<256x128xi32>
    %jit3A_724 = arith.constant -4.000000e+00 : f32
    %broadcast_in_dim3A_725 = vector.broadcast %jit3A_724 : f32 to vector<256x128xf32>
    %select_n3A_726 = arith.select %and3A_711, %broadcast_in_dim3A_725, %select_n3A_697 : vector<256x128xi1>, vector<256x128xf32>
    %reduce_max3A_727 = arith.constant dense<0xFF800000> : vector<256xf32>
    %reduce_max3A_728 = vector.multi_reduction <maximumf>, %select_n3A_726, %reduce_max3A_727 [1] : vector<256x128xf32> to vector<256xf32>
    %broadcast_in_dim3A_729 = vector.shape_cast %reduce_max3A_728 : vector<256xf32> to vector<256x1xf32>
    %eq3A_730 = vector.broadcast %broadcast_in_dim3A_729 : vector<256x1xf32> to vector<256x128xf32>
    %eq3A_731 = arith.cmpf oeq, %select_n3A_726, %eq3A_730 : vector<256x128xf32>
    %jit3A_732 = arith.constant 1073741824 : i32
    %broadcast_in_dim3A_733 = vector.broadcast %jit3A_732 : i32 to vector<256x128xi32>
    %select_n3A_734 = arith.select %eq3A_731, %get3A_4, %broadcast_in_dim3A_733 : vector<256x128xi1>, vector<256x128xi32>
    %reduce_min3A_735 = arith.constant dense<2147483647> : vector<256xi32>
    %reduce_min3A_736 = vector.multi_reduction <minsi>, %select_n3A_734, %reduce_min3A_735 [1] : vector<256x128xi32> to vector<256xi32>
    %broadcast_in_dim3A_737 = vector.shape_cast %reduce_min3A_736 : vector<256xi32> to vector<256x1xi32>
    %eq3A_738 = vector.broadcast %broadcast_in_dim3A_737 : vector<256x1xi32> to vector<256x128xi32>
    %eq3A_739 = arith.cmpi eq, %get3A_4, %eq3A_738 : vector<256x128xi32>
    %and3A_740 = arith.andi %eq3A_731, %eq3A_739 : vector<256x128xi1>
    %eq3A_741 = arith.constant 25 : i32
    %eq3A_742 = vector.broadcast %eq3A_741 : i32 to vector<256x128xi32>
    %eq3A_743 = arith.cmpi eq, %iota3A, %eq3A_742 : vector<256x128xi32>
    %broadcast_in_dim3A_744 = vector.shape_cast %broadcast_in_dim3A_729 : vector<256x1xf32> to vector<256x1xf32>
    %broadcast_in_dim3A_745 = vector.broadcast %broadcast_in_dim3A_744 : vector<256x1xf32> to vector<256x128xf32>
    %select_n3A_746 = arith.select %eq3A_743, %broadcast_in_dim3A_745, %select_n3A_717 : vector<256x128xi1>, vector<256x128xf32>
    %eq3A_747 = arith.constant 25 : i32
    %eq3A_748 = vector.broadcast %eq3A_747 : i32 to vector<256x128xi32>
    %eq3A_749 = arith.cmpi eq, %iota3A, %eq3A_748 : vector<256x128xi32>
    %broadcast_in_dim3A_750 = vector.shape_cast %broadcast_in_dim3A_737 : vector<256x1xi32> to vector<256x1xi32>
    %broadcast_in_dim3A_751 = vector.broadcast %broadcast_in_dim3A_750 : vector<256x1xi32> to vector<256x128xi32>
    %select_n3A_752 = arith.select %eq3A_749, %broadcast_in_dim3A_751, %select_n3A_723 : vector<256x128xi1>, vector<256x128xi32>
    %jit3A_753 = arith.constant -4.000000e+00 : f32
    %broadcast_in_dim3A_754 = vector.broadcast %jit3A_753 : f32 to vector<256x128xf32>
    %select_n3A_755 = arith.select %and3A_740, %broadcast_in_dim3A_754, %select_n3A_726 : vector<256x128xi1>, vector<256x128xf32>
    %reduce_max3A_756 = arith.constant dense<0xFF800000> : vector<256xf32>
    %reduce_max3A_757 = vector.multi_reduction <maximumf>, %select_n3A_755, %reduce_max3A_756 [1] : vector<256x128xf32> to vector<256xf32>
    %broadcast_in_dim3A_758 = vector.shape_cast %reduce_max3A_757 : vector<256xf32> to vector<256x1xf32>
    %eq3A_759 = vector.broadcast %broadcast_in_dim3A_758 : vector<256x1xf32> to vector<256x128xf32>
    %eq3A_760 = arith.cmpf oeq, %select_n3A_755, %eq3A_759 : vector<256x128xf32>
    %jit3A_761 = arith.constant 1073741824 : i32
    %broadcast_in_dim3A_762 = vector.broadcast %jit3A_761 : i32 to vector<256x128xi32>
    %select_n3A_763 = arith.select %eq3A_760, %get3A_4, %broadcast_in_dim3A_762 : vector<256x128xi1>, vector<256x128xi32>
    %reduce_min3A_764 = arith.constant dense<2147483647> : vector<256xi32>
    %reduce_min3A_765 = vector.multi_reduction <minsi>, %select_n3A_763, %reduce_min3A_764 [1] : vector<256x128xi32> to vector<256xi32>
    %broadcast_in_dim3A_766 = vector.shape_cast %reduce_min3A_765 : vector<256xi32> to vector<256x1xi32>
    %eq3A_767 = vector.broadcast %broadcast_in_dim3A_766 : vector<256x1xi32> to vector<256x128xi32>
    %eq3A_768 = arith.cmpi eq, %get3A_4, %eq3A_767 : vector<256x128xi32>
    %and3A_769 = arith.andi %eq3A_760, %eq3A_768 : vector<256x128xi1>
    %eq3A_770 = arith.constant 26 : i32
    %eq3A_771 = vector.broadcast %eq3A_770 : i32 to vector<256x128xi32>
    %eq3A_772 = arith.cmpi eq, %iota3A, %eq3A_771 : vector<256x128xi32>
    %broadcast_in_dim3A_773 = vector.shape_cast %broadcast_in_dim3A_758 : vector<256x1xf32> to vector<256x1xf32>
    %broadcast_in_dim3A_774 = vector.broadcast %broadcast_in_dim3A_773 : vector<256x1xf32> to vector<256x128xf32>
    %select_n3A_775 = arith.select %eq3A_772, %broadcast_in_dim3A_774, %select_n3A_746 : vector<256x128xi1>, vector<256x128xf32>
    %eq3A_776 = arith.constant 26 : i32
    %eq3A_777 = vector.broadcast %eq3A_776 : i32 to vector<256x128xi32>
    %eq3A_778 = arith.cmpi eq, %iota3A, %eq3A_777 : vector<256x128xi32>
    %broadcast_in_dim3A_779 = vector.shape_cast %broadcast_in_dim3A_766 : vector<256x1xi32> to vector<256x1xi32>
    %broadcast_in_dim3A_780 = vector.broadcast %broadcast_in_dim3A_779 : vector<256x1xi32> to vector<256x128xi32>
    %select_n3A_781 = arith.select %eq3A_778, %broadcast_in_dim3A_780, %select_n3A_752 : vector<256x128xi1>, vector<256x128xi32>
    %jit3A_782 = arith.constant -4.000000e+00 : f32
    %broadcast_in_dim3A_783 = vector.broadcast %jit3A_782 : f32 to vector<256x128xf32>
    %select_n3A_784 = arith.select %and3A_769, %broadcast_in_dim3A_783, %select_n3A_755 : vector<256x128xi1>, vector<256x128xf32>
    %reduce_max3A_785 = arith.constant dense<0xFF800000> : vector<256xf32>
    %reduce_max3A_786 = vector.multi_reduction <maximumf>, %select_n3A_784, %reduce_max3A_785 [1] : vector<256x128xf32> to vector<256xf32>
    %broadcast_in_dim3A_787 = vector.shape_cast %reduce_max3A_786 : vector<256xf32> to vector<256x1xf32>
    %eq3A_788 = vector.broadcast %broadcast_in_dim3A_787 : vector<256x1xf32> to vector<256x128xf32>
    %eq3A_789 = arith.cmpf oeq, %select_n3A_784, %eq3A_788 : vector<256x128xf32>
    %jit3A_790 = arith.constant 1073741824 : i32
    %broadcast_in_dim3A_791 = vector.broadcast %jit3A_790 : i32 to vector<256x128xi32>
    %select_n3A_792 = arith.select %eq3A_789, %get3A_4, %broadcast_in_dim3A_791 : vector<256x128xi1>, vector<256x128xi32>
    %reduce_min3A_793 = arith.constant dense<2147483647> : vector<256xi32>
    %reduce_min3A_794 = vector.multi_reduction <minsi>, %select_n3A_792, %reduce_min3A_793 [1] : vector<256x128xi32> to vector<256xi32>
    %broadcast_in_dim3A_795 = vector.shape_cast %reduce_min3A_794 : vector<256xi32> to vector<256x1xi32>
    %eq3A_796 = vector.broadcast %broadcast_in_dim3A_795 : vector<256x1xi32> to vector<256x128xi32>
    %eq3A_797 = arith.cmpi eq, %get3A_4, %eq3A_796 : vector<256x128xi32>
    %and3A_798 = arith.andi %eq3A_789, %eq3A_797 : vector<256x128xi1>
    %eq3A_799 = arith.constant 27 : i32
    %eq3A_800 = vector.broadcast %eq3A_799 : i32 to vector<256x128xi32>
    %eq3A_801 = arith.cmpi eq, %iota3A, %eq3A_800 : vector<256x128xi32>
    %broadcast_in_dim3A_802 = vector.shape_cast %broadcast_in_dim3A_787 : vector<256x1xf32> to vector<256x1xf32>
    %broadcast_in_dim3A_803 = vector.broadcast %broadcast_in_dim3A_802 : vector<256x1xf32> to vector<256x128xf32>
    %select_n3A_804 = arith.select %eq3A_801, %broadcast_in_dim3A_803, %select_n3A_775 : vector<256x128xi1>, vector<256x128xf32>
    %eq3A_805 = arith.constant 27 : i32
    %eq3A_806 = vector.broadcast %eq3A_805 : i32 to vector<256x128xi32>
    %eq3A_807 = arith.cmpi eq, %iota3A, %eq3A_806 : vector<256x128xi32>
    %broadcast_in_dim3A_808 = vector.shape_cast %broadcast_in_dim3A_795 : vector<256x1xi32> to vector<256x1xi32>
    %broadcast_in_dim3A_809 = vector.broadcast %broadcast_in_dim3A_808 : vector<256x1xi32> to vector<256x128xi32>
    %select_n3A_810 = arith.select %eq3A_807, %broadcast_in_dim3A_809, %select_n3A_781 : vector<256x128xi1>, vector<256x128xi32>
    %jit3A_811 = arith.constant -4.000000e+00 : f32
    %broadcast_in_dim3A_812 = vector.broadcast %jit3A_811 : f32 to vector<256x128xf32>
    %select_n3A_813 = arith.select %and3A_798, %broadcast_in_dim3A_812, %select_n3A_784 : vector<256x128xi1>, vector<256x128xf32>
    %reduce_max3A_814 = arith.constant dense<0xFF800000> : vector<256xf32>
    %reduce_max3A_815 = vector.multi_reduction <maximumf>, %select_n3A_813, %reduce_max3A_814 [1] : vector<256x128xf32> to vector<256xf32>
    %broadcast_in_dim3A_816 = vector.shape_cast %reduce_max3A_815 : vector<256xf32> to vector<256x1xf32>
    %eq3A_817 = vector.broadcast %broadcast_in_dim3A_816 : vector<256x1xf32> to vector<256x128xf32>
    %eq3A_818 = arith.cmpf oeq, %select_n3A_813, %eq3A_817 : vector<256x128xf32>
    %jit3A_819 = arith.constant 1073741824 : i32
    %broadcast_in_dim3A_820 = vector.broadcast %jit3A_819 : i32 to vector<256x128xi32>
    %select_n3A_821 = arith.select %eq3A_818, %get3A_4, %broadcast_in_dim3A_820 : vector<256x128xi1>, vector<256x128xi32>
    %reduce_min3A_822 = arith.constant dense<2147483647> : vector<256xi32>
    %reduce_min3A_823 = vector.multi_reduction <minsi>, %select_n3A_821, %reduce_min3A_822 [1] : vector<256x128xi32> to vector<256xi32>
    %broadcast_in_dim3A_824 = vector.shape_cast %reduce_min3A_823 : vector<256xi32> to vector<256x1xi32>
    %eq3A_825 = vector.broadcast %broadcast_in_dim3A_824 : vector<256x1xi32> to vector<256x128xi32>
    %eq3A_826 = arith.cmpi eq, %get3A_4, %eq3A_825 : vector<256x128xi32>
    %and3A_827 = arith.andi %eq3A_818, %eq3A_826 : vector<256x128xi1>
    %eq3A_828 = arith.constant 28 : i32
    %eq3A_829 = vector.broadcast %eq3A_828 : i32 to vector<256x128xi32>
    %eq3A_830 = arith.cmpi eq, %iota3A, %eq3A_829 : vector<256x128xi32>
    %broadcast_in_dim3A_831 = vector.shape_cast %broadcast_in_dim3A_816 : vector<256x1xf32> to vector<256x1xf32>
    %broadcast_in_dim3A_832 = vector.broadcast %broadcast_in_dim3A_831 : vector<256x1xf32> to vector<256x128xf32>
    %select_n3A_833 = arith.select %eq3A_830, %broadcast_in_dim3A_832, %select_n3A_804 : vector<256x128xi1>, vector<256x128xf32>
    %eq3A_834 = arith.constant 28 : i32
    %eq3A_835 = vector.broadcast %eq3A_834 : i32 to vector<256x128xi32>
    %eq3A_836 = arith.cmpi eq, %iota3A, %eq3A_835 : vector<256x128xi32>
    %broadcast_in_dim3A_837 = vector.shape_cast %broadcast_in_dim3A_824 : vector<256x1xi32> to vector<256x1xi32>
    %broadcast_in_dim3A_838 = vector.broadcast %broadcast_in_dim3A_837 : vector<256x1xi32> to vector<256x128xi32>
    %select_n3A_839 = arith.select %eq3A_836, %broadcast_in_dim3A_838, %select_n3A_810 : vector<256x128xi1>, vector<256x128xi32>
    %jit3A_840 = arith.constant -4.000000e+00 : f32
    %broadcast_in_dim3A_841 = vector.broadcast %jit3A_840 : f32 to vector<256x128xf32>
    %select_n3A_842 = arith.select %and3A_827, %broadcast_in_dim3A_841, %select_n3A_813 : vector<256x128xi1>, vector<256x128xf32>
    %reduce_max3A_843 = arith.constant dense<0xFF800000> : vector<256xf32>
    %reduce_max3A_844 = vector.multi_reduction <maximumf>, %select_n3A_842, %reduce_max3A_843 [1] : vector<256x128xf32> to vector<256xf32>
    %broadcast_in_dim3A_845 = vector.shape_cast %reduce_max3A_844 : vector<256xf32> to vector<256x1xf32>
    %eq3A_846 = vector.broadcast %broadcast_in_dim3A_845 : vector<256x1xf32> to vector<256x128xf32>
    %eq3A_847 = arith.cmpf oeq, %select_n3A_842, %eq3A_846 : vector<256x128xf32>
    %jit3A_848 = arith.constant 1073741824 : i32
    %broadcast_in_dim3A_849 = vector.broadcast %jit3A_848 : i32 to vector<256x128xi32>
    %select_n3A_850 = arith.select %eq3A_847, %get3A_4, %broadcast_in_dim3A_849 : vector<256x128xi1>, vector<256x128xi32>
    %reduce_min3A_851 = arith.constant dense<2147483647> : vector<256xi32>
    %reduce_min3A_852 = vector.multi_reduction <minsi>, %select_n3A_850, %reduce_min3A_851 [1] : vector<256x128xi32> to vector<256xi32>
    %broadcast_in_dim3A_853 = vector.shape_cast %reduce_min3A_852 : vector<256xi32> to vector<256x1xi32>
    %eq3A_854 = vector.broadcast %broadcast_in_dim3A_853 : vector<256x1xi32> to vector<256x128xi32>
    %eq3A_855 = arith.cmpi eq, %get3A_4, %eq3A_854 : vector<256x128xi32>
    %and3A_856 = arith.andi %eq3A_847, %eq3A_855 : vector<256x128xi1>
    %eq3A_857 = arith.constant 29 : i32
    %eq3A_858 = vector.broadcast %eq3A_857 : i32 to vector<256x128xi32>
    %eq3A_859 = arith.cmpi eq, %iota3A, %eq3A_858 : vector<256x128xi32>
    %broadcast_in_dim3A_860 = vector.shape_cast %broadcast_in_dim3A_845 : vector<256x1xf32> to vector<256x1xf32>
    %broadcast_in_dim3A_861 = vector.broadcast %broadcast_in_dim3A_860 : vector<256x1xf32> to vector<256x128xf32>
    %select_n3A_862 = arith.select %eq3A_859, %broadcast_in_dim3A_861, %select_n3A_833 : vector<256x128xi1>, vector<256x128xf32>
    %eq3A_863 = arith.constant 29 : i32
    %eq3A_864 = vector.broadcast %eq3A_863 : i32 to vector<256x128xi32>
    %eq3A_865 = arith.cmpi eq, %iota3A, %eq3A_864 : vector<256x128xi32>
    %broadcast_in_dim3A_866 = vector.shape_cast %broadcast_in_dim3A_853 : vector<256x1xi32> to vector<256x1xi32>
    %broadcast_in_dim3A_867 = vector.broadcast %broadcast_in_dim3A_866 : vector<256x1xi32> to vector<256x128xi32>
    %select_n3A_868 = arith.select %eq3A_865, %broadcast_in_dim3A_867, %select_n3A_839 : vector<256x128xi1>, vector<256x128xi32>
    %jit3A_869 = arith.constant -4.000000e+00 : f32
    %broadcast_in_dim3A_870 = vector.broadcast %jit3A_869 : f32 to vector<256x128xf32>
    %select_n3A_871 = arith.select %and3A_856, %broadcast_in_dim3A_870, %select_n3A_842 : vector<256x128xi1>, vector<256x128xf32>
    %reduce_max3A_872 = arith.constant dense<0xFF800000> : vector<256xf32>
    %reduce_max3A_873 = vector.multi_reduction <maximumf>, %select_n3A_871, %reduce_max3A_872 [1] : vector<256x128xf32> to vector<256xf32>
    %broadcast_in_dim3A_874 = vector.shape_cast %reduce_max3A_873 : vector<256xf32> to vector<256x1xf32>
    %eq3A_875 = vector.broadcast %broadcast_in_dim3A_874 : vector<256x1xf32> to vector<256x128xf32>
    %eq3A_876 = arith.cmpf oeq, %select_n3A_871, %eq3A_875 : vector<256x128xf32>
    %jit3A_877 = arith.constant 1073741824 : i32
    %broadcast_in_dim3A_878 = vector.broadcast %jit3A_877 : i32 to vector<256x128xi32>
    %select_n3A_879 = arith.select %eq3A_876, %get3A_4, %broadcast_in_dim3A_878 : vector<256x128xi1>, vector<256x128xi32>
    %reduce_min3A_880 = arith.constant dense<2147483647> : vector<256xi32>
    %reduce_min3A_881 = vector.multi_reduction <minsi>, %select_n3A_879, %reduce_min3A_880 [1] : vector<256x128xi32> to vector<256xi32>
    %broadcast_in_dim3A_882 = vector.shape_cast %reduce_min3A_881 : vector<256xi32> to vector<256x1xi32>
    %eq3A_883 = vector.broadcast %broadcast_in_dim3A_882 : vector<256x1xi32> to vector<256x128xi32>
    %eq3A_884 = arith.cmpi eq, %get3A_4, %eq3A_883 : vector<256x128xi32>
    %and3A_885 = arith.andi %eq3A_876, %eq3A_884 : vector<256x128xi1>
    %eq3A_886 = arith.constant 30 : i32
    %eq3A_887 = vector.broadcast %eq3A_886 : i32 to vector<256x128xi32>
    %eq3A_888 = arith.cmpi eq, %iota3A, %eq3A_887 : vector<256x128xi32>
    %broadcast_in_dim3A_889 = vector.shape_cast %broadcast_in_dim3A_874 : vector<256x1xf32> to vector<256x1xf32>
    %broadcast_in_dim3A_890 = vector.broadcast %broadcast_in_dim3A_889 : vector<256x1xf32> to vector<256x128xf32>
    %select_n3A_891 = arith.select %eq3A_888, %broadcast_in_dim3A_890, %select_n3A_862 : vector<256x128xi1>, vector<256x128xf32>
    %eq3A_892 = arith.constant 30 : i32
    %eq3A_893 = vector.broadcast %eq3A_892 : i32 to vector<256x128xi32>
    %eq3A_894 = arith.cmpi eq, %iota3A, %eq3A_893 : vector<256x128xi32>
    %broadcast_in_dim3A_895 = vector.shape_cast %broadcast_in_dim3A_882 : vector<256x1xi32> to vector<256x1xi32>
    %broadcast_in_dim3A_896 = vector.broadcast %broadcast_in_dim3A_895 : vector<256x1xi32> to vector<256x128xi32>
    %select_n3A_897 = arith.select %eq3A_894, %broadcast_in_dim3A_896, %select_n3A_868 : vector<256x128xi1>, vector<256x128xi32>
    %jit3A_898 = arith.constant -4.000000e+00 : f32
    %broadcast_in_dim3A_899 = vector.broadcast %jit3A_898 : f32 to vector<256x128xf32>
    %select_n3A_900 = arith.select %and3A_885, %broadcast_in_dim3A_899, %select_n3A_871 : vector<256x128xi1>, vector<256x128xf32>
    %reduce_max3A_901 = arith.constant dense<0xFF800000> : vector<256xf32>
    %reduce_max3A_902 = vector.multi_reduction <maximumf>, %select_n3A_900, %reduce_max3A_901 [1] : vector<256x128xf32> to vector<256xf32>
    %broadcast_in_dim3A_903 = vector.shape_cast %reduce_max3A_902 : vector<256xf32> to vector<256x1xf32>
    %eq3A_904 = vector.broadcast %broadcast_in_dim3A_903 : vector<256x1xf32> to vector<256x128xf32>
    %eq3A_905 = arith.cmpf oeq, %select_n3A_900, %eq3A_904 : vector<256x128xf32>
    %jit3A_906 = arith.constant 1073741824 : i32
    %broadcast_in_dim3A_907 = vector.broadcast %jit3A_906 : i32 to vector<256x128xi32>
    %select_n3A_908 = arith.select %eq3A_905, %get3A_4, %broadcast_in_dim3A_907 : vector<256x128xi1>, vector<256x128xi32>
    %reduce_min3A_909 = arith.constant dense<2147483647> : vector<256xi32>
    %reduce_min3A_910 = vector.multi_reduction <minsi>, %select_n3A_908, %reduce_min3A_909 [1] : vector<256x128xi32> to vector<256xi32>
    %broadcast_in_dim3A_911 = vector.shape_cast %reduce_min3A_910 : vector<256xi32> to vector<256x1xi32>
    %eq3A_912 = vector.broadcast %broadcast_in_dim3A_911 : vector<256x1xi32> to vector<256x128xi32>
    %eq3A_913 = arith.cmpi eq, %get3A_4, %eq3A_912 : vector<256x128xi32>
    %and3A_914 = arith.andi %eq3A_905, %eq3A_913 : vector<256x128xi1>
    %eq3A_915 = arith.constant 31 : i32
    %eq3A_916 = vector.broadcast %eq3A_915 : i32 to vector<256x128xi32>
    %eq3A_917 = arith.cmpi eq, %iota3A, %eq3A_916 : vector<256x128xi32>
    %broadcast_in_dim3A_918 = vector.shape_cast %broadcast_in_dim3A_903 : vector<256x1xf32> to vector<256x1xf32>
    %broadcast_in_dim3A_919 = vector.broadcast %broadcast_in_dim3A_918 : vector<256x1xf32> to vector<256x128xf32>
    %select_n3A_920 = arith.select %eq3A_917, %broadcast_in_dim3A_919, %select_n3A_891 : vector<256x128xi1>, vector<256x128xf32>
    %eq3A_921 = arith.constant 31 : i32
    %eq3A_922 = vector.broadcast %eq3A_921 : i32 to vector<256x128xi32>
    %eq3A_923 = arith.cmpi eq, %iota3A, %eq3A_922 : vector<256x128xi32>
    %broadcast_in_dim3A_924 = vector.shape_cast %broadcast_in_dim3A_911 : vector<256x1xi32> to vector<256x1xi32>
    %broadcast_in_dim3A_925 = vector.broadcast %broadcast_in_dim3A_924 : vector<256x1xi32> to vector<256x128xi32>
    %select_n3A_926 = arith.select %eq3A_923, %broadcast_in_dim3A_925, %select_n3A_897 : vector<256x128xi1>, vector<256x128xi32>
    %jit3A_927 = arith.constant -4.000000e+00 : f32
    %broadcast_in_dim3A_928 = vector.broadcast %jit3A_927 : f32 to vector<256x128xf32>
    %select_n3A_929 = arith.select %and3A_914, %broadcast_in_dim3A_928, %select_n3A_900 : vector<256x128xi1>, vector<256x128xf32>
    %reduce_max3A_930 = arith.constant dense<0xFF800000> : vector<256xf32>
    %reduce_max3A_931 = vector.multi_reduction <maximumf>, %select_n3A_929, %reduce_max3A_930 [1] : vector<256x128xf32> to vector<256xf32>
    %broadcast_in_dim3A_932 = vector.shape_cast %reduce_max3A_931 : vector<256xf32> to vector<256x1xf32>
    %eq3A_933 = vector.broadcast %broadcast_in_dim3A_932 : vector<256x1xf32> to vector<256x128xf32>
    %eq3A_934 = arith.cmpf oeq, %select_n3A_929, %eq3A_933 : vector<256x128xf32>
    %jit3A_935 = arith.constant 1073741824 : i32
    %broadcast_in_dim3A_936 = vector.broadcast %jit3A_935 : i32 to vector<256x128xi32>
    %select_n3A_937 = arith.select %eq3A_934, %get3A_4, %broadcast_in_dim3A_936 : vector<256x128xi1>, vector<256x128xi32>
    %reduce_min3A_938 = arith.constant dense<2147483647> : vector<256xi32>
    %reduce_min3A_939 = vector.multi_reduction <minsi>, %select_n3A_937, %reduce_min3A_938 [1] : vector<256x128xi32> to vector<256xi32>
    %broadcast_in_dim3A_940 = vector.shape_cast %reduce_min3A_939 : vector<256xi32> to vector<256x1xi32>
    %eq3A_941 = vector.broadcast %broadcast_in_dim3A_940 : vector<256x1xi32> to vector<256x128xi32>
    %eq3A_942 = arith.cmpi eq, %get3A_4, %eq3A_941 : vector<256x128xi32>
    %and3A_943 = arith.andi %eq3A_934, %eq3A_942 : vector<256x128xi1>
    %eq3A_944 = arith.constant 32 : i32
    %eq3A_945 = vector.broadcast %eq3A_944 : i32 to vector<256x128xi32>
    %eq3A_946 = arith.cmpi eq, %iota3A, %eq3A_945 : vector<256x128xi32>
    %broadcast_in_dim3A_947 = vector.shape_cast %broadcast_in_dim3A_932 : vector<256x1xf32> to vector<256x1xf32>
    %broadcast_in_dim3A_948 = vector.broadcast %broadcast_in_dim3A_947 : vector<256x1xf32> to vector<256x128xf32>
    %select_n3A_949 = arith.select %eq3A_946, %broadcast_in_dim3A_948, %select_n3A_920 : vector<256x128xi1>, vector<256x128xf32>
    %eq3A_950 = arith.constant 32 : i32
    %eq3A_951 = vector.broadcast %eq3A_950 : i32 to vector<256x128xi32>
    %eq3A_952 = arith.cmpi eq, %iota3A, %eq3A_951 : vector<256x128xi32>
    %broadcast_in_dim3A_953 = vector.shape_cast %broadcast_in_dim3A_940 : vector<256x1xi32> to vector<256x1xi32>
    %broadcast_in_dim3A_954 = vector.broadcast %broadcast_in_dim3A_953 : vector<256x1xi32> to vector<256x128xi32>
    %select_n3A_955 = arith.select %eq3A_952, %broadcast_in_dim3A_954, %select_n3A_926 : vector<256x128xi1>, vector<256x128xi32>
    %jit3A_956 = arith.constant -4.000000e+00 : f32
    %broadcast_in_dim3A_957 = vector.broadcast %jit3A_956 : f32 to vector<256x128xf32>
    %select_n3A_958 = arith.select %and3A_943, %broadcast_in_dim3A_957, %select_n3A_929 : vector<256x128xi1>, vector<256x128xf32>
    %reduce_max3A_959 = arith.constant dense<0xFF800000> : vector<256xf32>
    %reduce_max3A_960 = vector.multi_reduction <maximumf>, %select_n3A_958, %reduce_max3A_959 [1] : vector<256x128xf32> to vector<256xf32>
    %broadcast_in_dim3A_961 = vector.shape_cast %reduce_max3A_960 : vector<256xf32> to vector<256x1xf32>
    %eq3A_962 = vector.broadcast %broadcast_in_dim3A_961 : vector<256x1xf32> to vector<256x128xf32>
    %eq3A_963 = arith.cmpf oeq, %select_n3A_958, %eq3A_962 : vector<256x128xf32>
    %jit3A_964 = arith.constant 1073741824 : i32
    %broadcast_in_dim3A_965 = vector.broadcast %jit3A_964 : i32 to vector<256x128xi32>
    %select_n3A_966 = arith.select %eq3A_963, %get3A_4, %broadcast_in_dim3A_965 : vector<256x128xi1>, vector<256x128xi32>
    %reduce_min3A_967 = arith.constant dense<2147483647> : vector<256xi32>
    %reduce_min3A_968 = vector.multi_reduction <minsi>, %select_n3A_966, %reduce_min3A_967 [1] : vector<256x128xi32> to vector<256xi32>
    %broadcast_in_dim3A_969 = vector.shape_cast %reduce_min3A_968 : vector<256xi32> to vector<256x1xi32>
    %eq3A_970 = vector.broadcast %broadcast_in_dim3A_969 : vector<256x1xi32> to vector<256x128xi32>
    %eq3A_971 = arith.cmpi eq, %get3A_4, %eq3A_970 : vector<256x128xi32>
    %and3A_972 = arith.andi %eq3A_963, %eq3A_971 : vector<256x128xi1>
    %eq3A_973 = arith.constant 33 : i32
    %eq3A_974 = vector.broadcast %eq3A_973 : i32 to vector<256x128xi32>
    %eq3A_975 = arith.cmpi eq, %iota3A, %eq3A_974 : vector<256x128xi32>
    %broadcast_in_dim3A_976 = vector.shape_cast %broadcast_in_dim3A_961 : vector<256x1xf32> to vector<256x1xf32>
    %broadcast_in_dim3A_977 = vector.broadcast %broadcast_in_dim3A_976 : vector<256x1xf32> to vector<256x128xf32>
    %select_n3A_978 = arith.select %eq3A_975, %broadcast_in_dim3A_977, %select_n3A_949 : vector<256x128xi1>, vector<256x128xf32>
    %eq3A_979 = arith.constant 33 : i32
    %eq3A_980 = vector.broadcast %eq3A_979 : i32 to vector<256x128xi32>
    %eq3A_981 = arith.cmpi eq, %iota3A, %eq3A_980 : vector<256x128xi32>
    %broadcast_in_dim3A_982 = vector.shape_cast %broadcast_in_dim3A_969 : vector<256x1xi32> to vector<256x1xi32>
    %broadcast_in_dim3A_983 = vector.broadcast %broadcast_in_dim3A_982 : vector<256x1xi32> to vector<256x128xi32>
    %select_n3A_984 = arith.select %eq3A_981, %broadcast_in_dim3A_983, %select_n3A_955 : vector<256x128xi1>, vector<256x128xi32>
    %jit3A_985 = arith.constant -4.000000e+00 : f32
    %broadcast_in_dim3A_986 = vector.broadcast %jit3A_985 : f32 to vector<256x128xf32>
    %select_n3A_987 = arith.select %and3A_972, %broadcast_in_dim3A_986, %select_n3A_958 : vector<256x128xi1>, vector<256x128xf32>
    %reduce_max3A_988 = arith.constant dense<0xFF800000> : vector<256xf32>
    %reduce_max3A_989 = vector.multi_reduction <maximumf>, %select_n3A_987, %reduce_max3A_988 [1] : vector<256x128xf32> to vector<256xf32>
    %broadcast_in_dim3A_990 = vector.shape_cast %reduce_max3A_989 : vector<256xf32> to vector<256x1xf32>
    %eq3A_991 = vector.broadcast %broadcast_in_dim3A_990 : vector<256x1xf32> to vector<256x128xf32>
    %eq3A_992 = arith.cmpf oeq, %select_n3A_987, %eq3A_991 : vector<256x128xf32>
    %jit3A_993 = arith.constant 1073741824 : i32
    %broadcast_in_dim3A_994 = vector.broadcast %jit3A_993 : i32 to vector<256x128xi32>
    %select_n3A_995 = arith.select %eq3A_992, %get3A_4, %broadcast_in_dim3A_994 : vector<256x128xi1>, vector<256x128xi32>
    %reduce_min3A_996 = arith.constant dense<2147483647> : vector<256xi32>
    %reduce_min3A_997 = vector.multi_reduction <minsi>, %select_n3A_995, %reduce_min3A_996 [1] : vector<256x128xi32> to vector<256xi32>
    %broadcast_in_dim3A_998 = vector.shape_cast %reduce_min3A_997 : vector<256xi32> to vector<256x1xi32>
    %eq3A_999 = vector.broadcast %broadcast_in_dim3A_998 : vector<256x1xi32> to vector<256x128xi32>
    %eq3A_1000 = arith.cmpi eq, %get3A_4, %eq3A_999 : vector<256x128xi32>
    %and3A_1001 = arith.andi %eq3A_992, %eq3A_1000 : vector<256x128xi1>
    %eq3A_1002 = arith.constant 34 : i32
    %eq3A_1003 = vector.broadcast %eq3A_1002 : i32 to vector<256x128xi32>
    %eq3A_1004 = arith.cmpi eq, %iota3A, %eq3A_1003 : vector<256x128xi32>
    %broadcast_in_dim3A_1005 = vector.shape_cast %broadcast_in_dim3A_990 : vector<256x1xf32> to vector<256x1xf32>
    %broadcast_in_dim3A_1006 = vector.broadcast %broadcast_in_dim3A_1005 : vector<256x1xf32> to vector<256x128xf32>
    %select_n3A_1007 = arith.select %eq3A_1004, %broadcast_in_dim3A_1006, %select_n3A_978 : vector<256x128xi1>, vector<256x128xf32>
    %eq3A_1008 = arith.constant 34 : i32
    %eq3A_1009 = vector.broadcast %eq3A_1008 : i32 to vector<256x128xi32>
    %eq3A_1010 = arith.cmpi eq, %iota3A, %eq3A_1009 : vector<256x128xi32>
    %broadcast_in_dim3A_1011 = vector.shape_cast %broadcast_in_dim3A_998 : vector<256x1xi32> to vector<256x1xi32>
    %broadcast_in_dim3A_1012 = vector.broadcast %broadcast_in_dim3A_1011 : vector<256x1xi32> to vector<256x128xi32>
    %select_n3A_1013 = arith.select %eq3A_1010, %broadcast_in_dim3A_1012, %select_n3A_984 : vector<256x128xi1>, vector<256x128xi32>
    %jit3A_1014 = arith.constant -4.000000e+00 : f32
    %broadcast_in_dim3A_1015 = vector.broadcast %jit3A_1014 : f32 to vector<256x128xf32>
    %select_n3A_1016 = arith.select %and3A_1001, %broadcast_in_dim3A_1015, %select_n3A_987 : vector<256x128xi1>, vector<256x128xf32>
    %reduce_max3A_1017 = arith.constant dense<0xFF800000> : vector<256xf32>
    %reduce_max3A_1018 = vector.multi_reduction <maximumf>, %select_n3A_1016, %reduce_max3A_1017 [1] : vector<256x128xf32> to vector<256xf32>
    %broadcast_in_dim3A_1019 = vector.shape_cast %reduce_max3A_1018 : vector<256xf32> to vector<256x1xf32>
    %eq3A_1020 = vector.broadcast %broadcast_in_dim3A_1019 : vector<256x1xf32> to vector<256x128xf32>
    %eq3A_1021 = arith.cmpf oeq, %select_n3A_1016, %eq3A_1020 : vector<256x128xf32>
    %jit3A_1022 = arith.constant 1073741824 : i32
    %broadcast_in_dim3A_1023 = vector.broadcast %jit3A_1022 : i32 to vector<256x128xi32>
    %select_n3A_1024 = arith.select %eq3A_1021, %get3A_4, %broadcast_in_dim3A_1023 : vector<256x128xi1>, vector<256x128xi32>
    %reduce_min3A_1025 = arith.constant dense<2147483647> : vector<256xi32>
    %reduce_min3A_1026 = vector.multi_reduction <minsi>, %select_n3A_1024, %reduce_min3A_1025 [1] : vector<256x128xi32> to vector<256xi32>
    %broadcast_in_dim3A_1027 = vector.shape_cast %reduce_min3A_1026 : vector<256xi32> to vector<256x1xi32>
    %eq3A_1028 = vector.broadcast %broadcast_in_dim3A_1027 : vector<256x1xi32> to vector<256x128xi32>
    %eq3A_1029 = arith.cmpi eq, %get3A_4, %eq3A_1028 : vector<256x128xi32>
    %and3A_1030 = arith.andi %eq3A_1021, %eq3A_1029 : vector<256x128xi1>
    %eq3A_1031 = arith.constant 35 : i32
    %eq3A_1032 = vector.broadcast %eq3A_1031 : i32 to vector<256x128xi32>
    %eq3A_1033 = arith.cmpi eq, %iota3A, %eq3A_1032 : vector<256x128xi32>
    %broadcast_in_dim3A_1034 = vector.shape_cast %broadcast_in_dim3A_1019 : vector<256x1xf32> to vector<256x1xf32>
    %broadcast_in_dim3A_1035 = vector.broadcast %broadcast_in_dim3A_1034 : vector<256x1xf32> to vector<256x128xf32>
    %select_n3A_1036 = arith.select %eq3A_1033, %broadcast_in_dim3A_1035, %select_n3A_1007 : vector<256x128xi1>, vector<256x128xf32>
    %eq3A_1037 = arith.constant 35 : i32
    %eq3A_1038 = vector.broadcast %eq3A_1037 : i32 to vector<256x128xi32>
    %eq3A_1039 = arith.cmpi eq, %iota3A, %eq3A_1038 : vector<256x128xi32>
    %broadcast_in_dim3A_1040 = vector.shape_cast %broadcast_in_dim3A_1027 : vector<256x1xi32> to vector<256x1xi32>
    %broadcast_in_dim3A_1041 = vector.broadcast %broadcast_in_dim3A_1040 : vector<256x1xi32> to vector<256x128xi32>
    %select_n3A_1042 = arith.select %eq3A_1039, %broadcast_in_dim3A_1041, %select_n3A_1013 : vector<256x128xi1>, vector<256x128xi32>
    %jit3A_1043 = arith.constant -4.000000e+00 : f32
    %broadcast_in_dim3A_1044 = vector.broadcast %jit3A_1043 : f32 to vector<256x128xf32>
    %select_n3A_1045 = arith.select %and3A_1030, %broadcast_in_dim3A_1044, %select_n3A_1016 : vector<256x128xi1>, vector<256x128xf32>
    %reduce_max3A_1046 = arith.constant dense<0xFF800000> : vector<256xf32>
    %reduce_max3A_1047 = vector.multi_reduction <maximumf>, %select_n3A_1045, %reduce_max3A_1046 [1] : vector<256x128xf32> to vector<256xf32>
    %broadcast_in_dim3A_1048 = vector.shape_cast %reduce_max3A_1047 : vector<256xf32> to vector<256x1xf32>
    %eq3A_1049 = vector.broadcast %broadcast_in_dim3A_1048 : vector<256x1xf32> to vector<256x128xf32>
    %eq3A_1050 = arith.cmpf oeq, %select_n3A_1045, %eq3A_1049 : vector<256x128xf32>
    %jit3A_1051 = arith.constant 1073741824 : i32
    %broadcast_in_dim3A_1052 = vector.broadcast %jit3A_1051 : i32 to vector<256x128xi32>
    %select_n3A_1053 = arith.select %eq3A_1050, %get3A_4, %broadcast_in_dim3A_1052 : vector<256x128xi1>, vector<256x128xi32>
    %reduce_min3A_1054 = arith.constant dense<2147483647> : vector<256xi32>
    %reduce_min3A_1055 = vector.multi_reduction <minsi>, %select_n3A_1053, %reduce_min3A_1054 [1] : vector<256x128xi32> to vector<256xi32>
    %broadcast_in_dim3A_1056 = vector.shape_cast %reduce_min3A_1055 : vector<256xi32> to vector<256x1xi32>
    %eq3A_1057 = vector.broadcast %broadcast_in_dim3A_1056 : vector<256x1xi32> to vector<256x128xi32>
    %eq3A_1058 = arith.cmpi eq, %get3A_4, %eq3A_1057 : vector<256x128xi32>
    %and3A_1059 = arith.andi %eq3A_1050, %eq3A_1058 : vector<256x128xi1>
    %eq3A_1060 = arith.constant 36 : i32
    %eq3A_1061 = vector.broadcast %eq3A_1060 : i32 to vector<256x128xi32>
    %eq3A_1062 = arith.cmpi eq, %iota3A, %eq3A_1061 : vector<256x128xi32>
    %broadcast_in_dim3A_1063 = vector.shape_cast %broadcast_in_dim3A_1048 : vector<256x1xf32> to vector<256x1xf32>
    %broadcast_in_dim3A_1064 = vector.broadcast %broadcast_in_dim3A_1063 : vector<256x1xf32> to vector<256x128xf32>
    %select_n3A_1065 = arith.select %eq3A_1062, %broadcast_in_dim3A_1064, %select_n3A_1036 : vector<256x128xi1>, vector<256x128xf32>
    %eq3A_1066 = arith.constant 36 : i32
    %eq3A_1067 = vector.broadcast %eq3A_1066 : i32 to vector<256x128xi32>
    %eq3A_1068 = arith.cmpi eq, %iota3A, %eq3A_1067 : vector<256x128xi32>
    %broadcast_in_dim3A_1069 = vector.shape_cast %broadcast_in_dim3A_1056 : vector<256x1xi32> to vector<256x1xi32>
    %broadcast_in_dim3A_1070 = vector.broadcast %broadcast_in_dim3A_1069 : vector<256x1xi32> to vector<256x128xi32>
    %select_n3A_1071 = arith.select %eq3A_1068, %broadcast_in_dim3A_1070, %select_n3A_1042 : vector<256x128xi1>, vector<256x128xi32>
    %jit3A_1072 = arith.constant -4.000000e+00 : f32
    %broadcast_in_dim3A_1073 = vector.broadcast %jit3A_1072 : f32 to vector<256x128xf32>
    %select_n3A_1074 = arith.select %and3A_1059, %broadcast_in_dim3A_1073, %select_n3A_1045 : vector<256x128xi1>, vector<256x128xf32>
    %reduce_max3A_1075 = arith.constant dense<0xFF800000> : vector<256xf32>
    %reduce_max3A_1076 = vector.multi_reduction <maximumf>, %select_n3A_1074, %reduce_max3A_1075 [1] : vector<256x128xf32> to vector<256xf32>
    %broadcast_in_dim3A_1077 = vector.shape_cast %reduce_max3A_1076 : vector<256xf32> to vector<256x1xf32>
    %eq3A_1078 = vector.broadcast %broadcast_in_dim3A_1077 : vector<256x1xf32> to vector<256x128xf32>
    %eq3A_1079 = arith.cmpf oeq, %select_n3A_1074, %eq3A_1078 : vector<256x128xf32>
    %jit3A_1080 = arith.constant 1073741824 : i32
    %broadcast_in_dim3A_1081 = vector.broadcast %jit3A_1080 : i32 to vector<256x128xi32>
    %select_n3A_1082 = arith.select %eq3A_1079, %get3A_4, %broadcast_in_dim3A_1081 : vector<256x128xi1>, vector<256x128xi32>
    %reduce_min3A_1083 = arith.constant dense<2147483647> : vector<256xi32>
    %reduce_min3A_1084 = vector.multi_reduction <minsi>, %select_n3A_1082, %reduce_min3A_1083 [1] : vector<256x128xi32> to vector<256xi32>
    %broadcast_in_dim3A_1085 = vector.shape_cast %reduce_min3A_1084 : vector<256xi32> to vector<256x1xi32>
    %eq3A_1086 = vector.broadcast %broadcast_in_dim3A_1085 : vector<256x1xi32> to vector<256x128xi32>
    %eq3A_1087 = arith.cmpi eq, %get3A_4, %eq3A_1086 : vector<256x128xi32>
    %and3A_1088 = arith.andi %eq3A_1079, %eq3A_1087 : vector<256x128xi1>
    %eq3A_1089 = arith.constant 37 : i32
    %eq3A_1090 = vector.broadcast %eq3A_1089 : i32 to vector<256x128xi32>
    %eq3A_1091 = arith.cmpi eq, %iota3A, %eq3A_1090 : vector<256x128xi32>
    %broadcast_in_dim3A_1092 = vector.shape_cast %broadcast_in_dim3A_1077 : vector<256x1xf32> to vector<256x1xf32>
    %broadcast_in_dim3A_1093 = vector.broadcast %broadcast_in_dim3A_1092 : vector<256x1xf32> to vector<256x128xf32>
    %select_n3A_1094 = arith.select %eq3A_1091, %broadcast_in_dim3A_1093, %select_n3A_1065 : vector<256x128xi1>, vector<256x128xf32>
    %eq3A_1095 = arith.constant 37 : i32
    %eq3A_1096 = vector.broadcast %eq3A_1095 : i32 to vector<256x128xi32>
    %eq3A_1097 = arith.cmpi eq, %iota3A, %eq3A_1096 : vector<256x128xi32>
    %broadcast_in_dim3A_1098 = vector.shape_cast %broadcast_in_dim3A_1085 : vector<256x1xi32> to vector<256x1xi32>
    %broadcast_in_dim3A_1099 = vector.broadcast %broadcast_in_dim3A_1098 : vector<256x1xi32> to vector<256x128xi32>
    %select_n3A_1100 = arith.select %eq3A_1097, %broadcast_in_dim3A_1099, %select_n3A_1071 : vector<256x128xi1>, vector<256x128xi32>
    %jit3A_1101 = arith.constant -4.000000e+00 : f32
    %broadcast_in_dim3A_1102 = vector.broadcast %jit3A_1101 : f32 to vector<256x128xf32>
    %select_n3A_1103 = arith.select %and3A_1088, %broadcast_in_dim3A_1102, %select_n3A_1074 : vector<256x128xi1>, vector<256x128xf32>
    %reduce_max3A_1104 = arith.constant dense<0xFF800000> : vector<256xf32>
    %reduce_max3A_1105 = vector.multi_reduction <maximumf>, %select_n3A_1103, %reduce_max3A_1104 [1] : vector<256x128xf32> to vector<256xf32>
    %broadcast_in_dim3A_1106 = vector.shape_cast %reduce_max3A_1105 : vector<256xf32> to vector<256x1xf32>
    %eq3A_1107 = vector.broadcast %broadcast_in_dim3A_1106 : vector<256x1xf32> to vector<256x128xf32>
    %eq3A_1108 = arith.cmpf oeq, %select_n3A_1103, %eq3A_1107 : vector<256x128xf32>
    %jit3A_1109 = arith.constant 1073741824 : i32
    %broadcast_in_dim3A_1110 = vector.broadcast %jit3A_1109 : i32 to vector<256x128xi32>
    %select_n3A_1111 = arith.select %eq3A_1108, %get3A_4, %broadcast_in_dim3A_1110 : vector<256x128xi1>, vector<256x128xi32>
    %reduce_min3A_1112 = arith.constant dense<2147483647> : vector<256xi32>
    %reduce_min3A_1113 = vector.multi_reduction <minsi>, %select_n3A_1111, %reduce_min3A_1112 [1] : vector<256x128xi32> to vector<256xi32>
    %broadcast_in_dim3A_1114 = vector.shape_cast %reduce_min3A_1113 : vector<256xi32> to vector<256x1xi32>
    %eq3A_1115 = vector.broadcast %broadcast_in_dim3A_1114 : vector<256x1xi32> to vector<256x128xi32>
    %eq3A_1116 = arith.cmpi eq, %get3A_4, %eq3A_1115 : vector<256x128xi32>
    %and3A_1117 = arith.andi %eq3A_1108, %eq3A_1116 : vector<256x128xi1>
    %eq3A_1118 = arith.constant 38 : i32
    %eq3A_1119 = vector.broadcast %eq3A_1118 : i32 to vector<256x128xi32>
    %eq3A_1120 = arith.cmpi eq, %iota3A, %eq3A_1119 : vector<256x128xi32>
    %broadcast_in_dim3A_1121 = vector.shape_cast %broadcast_in_dim3A_1106 : vector<256x1xf32> to vector<256x1xf32>
    %broadcast_in_dim3A_1122 = vector.broadcast %broadcast_in_dim3A_1121 : vector<256x1xf32> to vector<256x128xf32>
    %select_n3A_1123 = arith.select %eq3A_1120, %broadcast_in_dim3A_1122, %select_n3A_1094 : vector<256x128xi1>, vector<256x128xf32>
    %eq3A_1124 = arith.constant 38 : i32
    %eq3A_1125 = vector.broadcast %eq3A_1124 : i32 to vector<256x128xi32>
    %eq3A_1126 = arith.cmpi eq, %iota3A, %eq3A_1125 : vector<256x128xi32>
    %broadcast_in_dim3A_1127 = vector.shape_cast %broadcast_in_dim3A_1114 : vector<256x1xi32> to vector<256x1xi32>
    %broadcast_in_dim3A_1128 = vector.broadcast %broadcast_in_dim3A_1127 : vector<256x1xi32> to vector<256x128xi32>
    %select_n3A_1129 = arith.select %eq3A_1126, %broadcast_in_dim3A_1128, %select_n3A_1100 : vector<256x128xi1>, vector<256x128xi32>
    %jit3A_1130 = arith.constant -4.000000e+00 : f32
    %broadcast_in_dim3A_1131 = vector.broadcast %jit3A_1130 : f32 to vector<256x128xf32>
    %select_n3A_1132 = arith.select %and3A_1117, %broadcast_in_dim3A_1131, %select_n3A_1103 : vector<256x128xi1>, vector<256x128xf32>
    %reduce_max3A_1133 = arith.constant dense<0xFF800000> : vector<256xf32>
    %reduce_max3A_1134 = vector.multi_reduction <maximumf>, %select_n3A_1132, %reduce_max3A_1133 [1] : vector<256x128xf32> to vector<256xf32>
    %broadcast_in_dim3A_1135 = vector.shape_cast %reduce_max3A_1134 : vector<256xf32> to vector<256x1xf32>
    %eq3A_1136 = vector.broadcast %broadcast_in_dim3A_1135 : vector<256x1xf32> to vector<256x128xf32>
    %eq3A_1137 = arith.cmpf oeq, %select_n3A_1132, %eq3A_1136 : vector<256x128xf32>
    %jit3A_1138 = arith.constant 1073741824 : i32
    %broadcast_in_dim3A_1139 = vector.broadcast %jit3A_1138 : i32 to vector<256x128xi32>
    %select_n3A_1140 = arith.select %eq3A_1137, %get3A_4, %broadcast_in_dim3A_1139 : vector<256x128xi1>, vector<256x128xi32>
    %reduce_min3A_1141 = arith.constant dense<2147483647> : vector<256xi32>
    %reduce_min3A_1142 = vector.multi_reduction <minsi>, %select_n3A_1140, %reduce_min3A_1141 [1] : vector<256x128xi32> to vector<256xi32>
    %broadcast_in_dim3A_1143 = vector.shape_cast %reduce_min3A_1142 : vector<256xi32> to vector<256x1xi32>
    %eq3A_1144 = vector.broadcast %broadcast_in_dim3A_1143 : vector<256x1xi32> to vector<256x128xi32>
    %eq3A_1145 = arith.cmpi eq, %get3A_4, %eq3A_1144 : vector<256x128xi32>
    %and3A_1146 = arith.andi %eq3A_1137, %eq3A_1145 : vector<256x128xi1>
    %eq3A_1147 = arith.constant 39 : i32
    %eq3A_1148 = vector.broadcast %eq3A_1147 : i32 to vector<256x128xi32>
    %eq3A_1149 = arith.cmpi eq, %iota3A, %eq3A_1148 : vector<256x128xi32>
    %broadcast_in_dim3A_1150 = vector.shape_cast %broadcast_in_dim3A_1135 : vector<256x1xf32> to vector<256x1xf32>
    %broadcast_in_dim3A_1151 = vector.broadcast %broadcast_in_dim3A_1150 : vector<256x1xf32> to vector<256x128xf32>
    %select_n3A_1152 = arith.select %eq3A_1149, %broadcast_in_dim3A_1151, %select_n3A_1123 : vector<256x128xi1>, vector<256x128xf32>
    %eq3A_1153 = arith.constant 39 : i32
    %eq3A_1154 = vector.broadcast %eq3A_1153 : i32 to vector<256x128xi32>
    %eq3A_1155 = arith.cmpi eq, %iota3A, %eq3A_1154 : vector<256x128xi32>
    %broadcast_in_dim3A_1156 = vector.shape_cast %broadcast_in_dim3A_1143 : vector<256x1xi32> to vector<256x1xi32>
    %broadcast_in_dim3A_1157 = vector.broadcast %broadcast_in_dim3A_1156 : vector<256x1xi32> to vector<256x128xi32>
    %select_n3A_1158 = arith.select %eq3A_1155, %broadcast_in_dim3A_1157, %select_n3A_1129 : vector<256x128xi1>, vector<256x128xi32>
    %jit3A_1159 = arith.constant -4.000000e+00 : f32
    %broadcast_in_dim3A_1160 = vector.broadcast %jit3A_1159 : f32 to vector<256x128xf32>
    %select_n3A_1161 = arith.select %and3A_1146, %broadcast_in_dim3A_1160, %select_n3A_1132 : vector<256x128xi1>, vector<256x128xf32>
    %reduce_max3A_1162 = arith.constant dense<0xFF800000> : vector<256xf32>
    %reduce_max3A_1163 = vector.multi_reduction <maximumf>, %select_n3A_1161, %reduce_max3A_1162 [1] : vector<256x128xf32> to vector<256xf32>
    %broadcast_in_dim3A_1164 = vector.shape_cast %reduce_max3A_1163 : vector<256xf32> to vector<256x1xf32>
    %eq3A_1165 = vector.broadcast %broadcast_in_dim3A_1164 : vector<256x1xf32> to vector<256x128xf32>
    %eq3A_1166 = arith.cmpf oeq, %select_n3A_1161, %eq3A_1165 : vector<256x128xf32>
    %jit3A_1167 = arith.constant 1073741824 : i32
    %broadcast_in_dim3A_1168 = vector.broadcast %jit3A_1167 : i32 to vector<256x128xi32>
    %select_n3A_1169 = arith.select %eq3A_1166, %get3A_4, %broadcast_in_dim3A_1168 : vector<256x128xi1>, vector<256x128xi32>
    %reduce_min3A_1170 = arith.constant dense<2147483647> : vector<256xi32>
    %reduce_min3A_1171 = vector.multi_reduction <minsi>, %select_n3A_1169, %reduce_min3A_1170 [1] : vector<256x128xi32> to vector<256xi32>
    %broadcast_in_dim3A_1172 = vector.shape_cast %reduce_min3A_1171 : vector<256xi32> to vector<256x1xi32>
    %eq3A_1173 = vector.broadcast %broadcast_in_dim3A_1172 : vector<256x1xi32> to vector<256x128xi32>
    %eq3A_1174 = arith.cmpi eq, %get3A_4, %eq3A_1173 : vector<256x128xi32>
    %and3A_1175 = arith.andi %eq3A_1166, %eq3A_1174 : vector<256x128xi1>
    %eq3A_1176 = arith.constant 40 : i32
    %eq3A_1177 = vector.broadcast %eq3A_1176 : i32 to vector<256x128xi32>
    %eq3A_1178 = arith.cmpi eq, %iota3A, %eq3A_1177 : vector<256x128xi32>
    %broadcast_in_dim3A_1179 = vector.shape_cast %broadcast_in_dim3A_1164 : vector<256x1xf32> to vector<256x1xf32>
    %broadcast_in_dim3A_1180 = vector.broadcast %broadcast_in_dim3A_1179 : vector<256x1xf32> to vector<256x128xf32>
    %select_n3A_1181 = arith.select %eq3A_1178, %broadcast_in_dim3A_1180, %select_n3A_1152 : vector<256x128xi1>, vector<256x128xf32>
    %eq3A_1182 = arith.constant 40 : i32
    %eq3A_1183 = vector.broadcast %eq3A_1182 : i32 to vector<256x128xi32>
    %eq3A_1184 = arith.cmpi eq, %iota3A, %eq3A_1183 : vector<256x128xi32>
    %broadcast_in_dim3A_1185 = vector.shape_cast %broadcast_in_dim3A_1172 : vector<256x1xi32> to vector<256x1xi32>
    %broadcast_in_dim3A_1186 = vector.broadcast %broadcast_in_dim3A_1185 : vector<256x1xi32> to vector<256x128xi32>
    %select_n3A_1187 = arith.select %eq3A_1184, %broadcast_in_dim3A_1186, %select_n3A_1158 : vector<256x128xi1>, vector<256x128xi32>
    %jit3A_1188 = arith.constant -4.000000e+00 : f32
    %broadcast_in_dim3A_1189 = vector.broadcast %jit3A_1188 : f32 to vector<256x128xf32>
    %select_n3A_1190 = arith.select %and3A_1175, %broadcast_in_dim3A_1189, %select_n3A_1161 : vector<256x128xi1>, vector<256x128xf32>
    %reduce_max3A_1191 = arith.constant dense<0xFF800000> : vector<256xf32>
    %reduce_max3A_1192 = vector.multi_reduction <maximumf>, %select_n3A_1190, %reduce_max3A_1191 [1] : vector<256x128xf32> to vector<256xf32>
    %broadcast_in_dim3A_1193 = vector.shape_cast %reduce_max3A_1192 : vector<256xf32> to vector<256x1xf32>
    %eq3A_1194 = vector.broadcast %broadcast_in_dim3A_1193 : vector<256x1xf32> to vector<256x128xf32>
    %eq3A_1195 = arith.cmpf oeq, %select_n3A_1190, %eq3A_1194 : vector<256x128xf32>
    %jit3A_1196 = arith.constant 1073741824 : i32
    %broadcast_in_dim3A_1197 = vector.broadcast %jit3A_1196 : i32 to vector<256x128xi32>
    %select_n3A_1198 = arith.select %eq3A_1195, %get3A_4, %broadcast_in_dim3A_1197 : vector<256x128xi1>, vector<256x128xi32>
    %reduce_min3A_1199 = arith.constant dense<2147483647> : vector<256xi32>
    %reduce_min3A_1200 = vector.multi_reduction <minsi>, %select_n3A_1198, %reduce_min3A_1199 [1] : vector<256x128xi32> to vector<256xi32>
    %broadcast_in_dim3A_1201 = vector.shape_cast %reduce_min3A_1200 : vector<256xi32> to vector<256x1xi32>
    %eq3A_1202 = vector.broadcast %broadcast_in_dim3A_1201 : vector<256x1xi32> to vector<256x128xi32>
    %eq3A_1203 = arith.cmpi eq, %get3A_4, %eq3A_1202 : vector<256x128xi32>
    %and3A_1204 = arith.andi %eq3A_1195, %eq3A_1203 : vector<256x128xi1>
    %eq3A_1205 = arith.constant 41 : i32
    %eq3A_1206 = vector.broadcast %eq3A_1205 : i32 to vector<256x128xi32>
    %eq3A_1207 = arith.cmpi eq, %iota3A, %eq3A_1206 : vector<256x128xi32>
    %broadcast_in_dim3A_1208 = vector.shape_cast %broadcast_in_dim3A_1193 : vector<256x1xf32> to vector<256x1xf32>
    %broadcast_in_dim3A_1209 = vector.broadcast %broadcast_in_dim3A_1208 : vector<256x1xf32> to vector<256x128xf32>
    %select_n3A_1210 = arith.select %eq3A_1207, %broadcast_in_dim3A_1209, %select_n3A_1181 : vector<256x128xi1>, vector<256x128xf32>
    %eq3A_1211 = arith.constant 41 : i32
    %eq3A_1212 = vector.broadcast %eq3A_1211 : i32 to vector<256x128xi32>
    %eq3A_1213 = arith.cmpi eq, %iota3A, %eq3A_1212 : vector<256x128xi32>
    %broadcast_in_dim3A_1214 = vector.shape_cast %broadcast_in_dim3A_1201 : vector<256x1xi32> to vector<256x1xi32>
    %broadcast_in_dim3A_1215 = vector.broadcast %broadcast_in_dim3A_1214 : vector<256x1xi32> to vector<256x128xi32>
    %select_n3A_1216 = arith.select %eq3A_1213, %broadcast_in_dim3A_1215, %select_n3A_1187 : vector<256x128xi1>, vector<256x128xi32>
    %jit3A_1217 = arith.constant -4.000000e+00 : f32
    %broadcast_in_dim3A_1218 = vector.broadcast %jit3A_1217 : f32 to vector<256x128xf32>
    %select_n3A_1219 = arith.select %and3A_1204, %broadcast_in_dim3A_1218, %select_n3A_1190 : vector<256x128xi1>, vector<256x128xf32>
    %reduce_max3A_1220 = arith.constant dense<0xFF800000> : vector<256xf32>
    %reduce_max3A_1221 = vector.multi_reduction <maximumf>, %select_n3A_1219, %reduce_max3A_1220 [1] : vector<256x128xf32> to vector<256xf32>
    %broadcast_in_dim3A_1222 = vector.shape_cast %reduce_max3A_1221 : vector<256xf32> to vector<256x1xf32>
    %eq3A_1223 = vector.broadcast %broadcast_in_dim3A_1222 : vector<256x1xf32> to vector<256x128xf32>
    %eq3A_1224 = arith.cmpf oeq, %select_n3A_1219, %eq3A_1223 : vector<256x128xf32>
    %jit3A_1225 = arith.constant 1073741824 : i32
    %broadcast_in_dim3A_1226 = vector.broadcast %jit3A_1225 : i32 to vector<256x128xi32>
    %select_n3A_1227 = arith.select %eq3A_1224, %get3A_4, %broadcast_in_dim3A_1226 : vector<256x128xi1>, vector<256x128xi32>
    %reduce_min3A_1228 = arith.constant dense<2147483647> : vector<256xi32>
    %reduce_min3A_1229 = vector.multi_reduction <minsi>, %select_n3A_1227, %reduce_min3A_1228 [1] : vector<256x128xi32> to vector<256xi32>
    %broadcast_in_dim3A_1230 = vector.shape_cast %reduce_min3A_1229 : vector<256xi32> to vector<256x1xi32>
    %eq3A_1231 = vector.broadcast %broadcast_in_dim3A_1230 : vector<256x1xi32> to vector<256x128xi32>
    %eq3A_1232 = arith.cmpi eq, %get3A_4, %eq3A_1231 : vector<256x128xi32>
    %and3A_1233 = arith.andi %eq3A_1224, %eq3A_1232 : vector<256x128xi1>
    %eq3A_1234 = arith.constant 42 : i32
    %eq3A_1235 = vector.broadcast %eq3A_1234 : i32 to vector<256x128xi32>
    %eq3A_1236 = arith.cmpi eq, %iota3A, %eq3A_1235 : vector<256x128xi32>
    %broadcast_in_dim3A_1237 = vector.shape_cast %broadcast_in_dim3A_1222 : vector<256x1xf32> to vector<256x1xf32>
    %broadcast_in_dim3A_1238 = vector.broadcast %broadcast_in_dim3A_1237 : vector<256x1xf32> to vector<256x128xf32>
    %select_n3A_1239 = arith.select %eq3A_1236, %broadcast_in_dim3A_1238, %select_n3A_1210 : vector<256x128xi1>, vector<256x128xf32>
    %eq3A_1240 = arith.constant 42 : i32
    %eq3A_1241 = vector.broadcast %eq3A_1240 : i32 to vector<256x128xi32>
    %eq3A_1242 = arith.cmpi eq, %iota3A, %eq3A_1241 : vector<256x128xi32>
    %broadcast_in_dim3A_1243 = vector.shape_cast %broadcast_in_dim3A_1230 : vector<256x1xi32> to vector<256x1xi32>
    %broadcast_in_dim3A_1244 = vector.broadcast %broadcast_in_dim3A_1243 : vector<256x1xi32> to vector<256x128xi32>
    %select_n3A_1245 = arith.select %eq3A_1242, %broadcast_in_dim3A_1244, %select_n3A_1216 : vector<256x128xi1>, vector<256x128xi32>
    %jit3A_1246 = arith.constant -4.000000e+00 : f32
    %broadcast_in_dim3A_1247 = vector.broadcast %jit3A_1246 : f32 to vector<256x128xf32>
    %select_n3A_1248 = arith.select %and3A_1233, %broadcast_in_dim3A_1247, %select_n3A_1219 : vector<256x128xi1>, vector<256x128xf32>
    %reduce_max3A_1249 = arith.constant dense<0xFF800000> : vector<256xf32>
    %reduce_max3A_1250 = vector.multi_reduction <maximumf>, %select_n3A_1248, %reduce_max3A_1249 [1] : vector<256x128xf32> to vector<256xf32>
    %broadcast_in_dim3A_1251 = vector.shape_cast %reduce_max3A_1250 : vector<256xf32> to vector<256x1xf32>
    %eq3A_1252 = vector.broadcast %broadcast_in_dim3A_1251 : vector<256x1xf32> to vector<256x128xf32>
    %eq3A_1253 = arith.cmpf oeq, %select_n3A_1248, %eq3A_1252 : vector<256x128xf32>
    %jit3A_1254 = arith.constant 1073741824 : i32
    %broadcast_in_dim3A_1255 = vector.broadcast %jit3A_1254 : i32 to vector<256x128xi32>
    %select_n3A_1256 = arith.select %eq3A_1253, %get3A_4, %broadcast_in_dim3A_1255 : vector<256x128xi1>, vector<256x128xi32>
    %reduce_min3A_1257 = arith.constant dense<2147483647> : vector<256xi32>
    %reduce_min3A_1258 = vector.multi_reduction <minsi>, %select_n3A_1256, %reduce_min3A_1257 [1] : vector<256x128xi32> to vector<256xi32>
    %broadcast_in_dim3A_1259 = vector.shape_cast %reduce_min3A_1258 : vector<256xi32> to vector<256x1xi32>
    %eq3A_1260 = vector.broadcast %broadcast_in_dim3A_1259 : vector<256x1xi32> to vector<256x128xi32>
    %eq3A_1261 = arith.cmpi eq, %get3A_4, %eq3A_1260 : vector<256x128xi32>
    %and3A_1262 = arith.andi %eq3A_1253, %eq3A_1261 : vector<256x128xi1>
    %eq3A_1263 = arith.constant 43 : i32
    %eq3A_1264 = vector.broadcast %eq3A_1263 : i32 to vector<256x128xi32>
    %eq3A_1265 = arith.cmpi eq, %iota3A, %eq3A_1264 : vector<256x128xi32>
    %broadcast_in_dim3A_1266 = vector.shape_cast %broadcast_in_dim3A_1251 : vector<256x1xf32> to vector<256x1xf32>
    %broadcast_in_dim3A_1267 = vector.broadcast %broadcast_in_dim3A_1266 : vector<256x1xf32> to vector<256x128xf32>
    %select_n3A_1268 = arith.select %eq3A_1265, %broadcast_in_dim3A_1267, %select_n3A_1239 : vector<256x128xi1>, vector<256x128xf32>
    %eq3A_1269 = arith.constant 43 : i32
    %eq3A_1270 = vector.broadcast %eq3A_1269 : i32 to vector<256x128xi32>
    %eq3A_1271 = arith.cmpi eq, %iota3A, %eq3A_1270 : vector<256x128xi32>
    %broadcast_in_dim3A_1272 = vector.shape_cast %broadcast_in_dim3A_1259 : vector<256x1xi32> to vector<256x1xi32>
    %broadcast_in_dim3A_1273 = vector.broadcast %broadcast_in_dim3A_1272 : vector<256x1xi32> to vector<256x128xi32>
    %select_n3A_1274 = arith.select %eq3A_1271, %broadcast_in_dim3A_1273, %select_n3A_1245 : vector<256x128xi1>, vector<256x128xi32>
    %jit3A_1275 = arith.constant -4.000000e+00 : f32
    %broadcast_in_dim3A_1276 = vector.broadcast %jit3A_1275 : f32 to vector<256x128xf32>
    %select_n3A_1277 = arith.select %and3A_1262, %broadcast_in_dim3A_1276, %select_n3A_1248 : vector<256x128xi1>, vector<256x128xf32>
    %reduce_max3A_1278 = arith.constant dense<0xFF800000> : vector<256xf32>
    %reduce_max3A_1279 = vector.multi_reduction <maximumf>, %select_n3A_1277, %reduce_max3A_1278 [1] : vector<256x128xf32> to vector<256xf32>
    %broadcast_in_dim3A_1280 = vector.shape_cast %reduce_max3A_1279 : vector<256xf32> to vector<256x1xf32>
    %eq3A_1281 = vector.broadcast %broadcast_in_dim3A_1280 : vector<256x1xf32> to vector<256x128xf32>
    %eq3A_1282 = arith.cmpf oeq, %select_n3A_1277, %eq3A_1281 : vector<256x128xf32>
    %jit3A_1283 = arith.constant 1073741824 : i32
    %broadcast_in_dim3A_1284 = vector.broadcast %jit3A_1283 : i32 to vector<256x128xi32>
    %select_n3A_1285 = arith.select %eq3A_1282, %get3A_4, %broadcast_in_dim3A_1284 : vector<256x128xi1>, vector<256x128xi32>
    %reduce_min3A_1286 = arith.constant dense<2147483647> : vector<256xi32>
    %reduce_min3A_1287 = vector.multi_reduction <minsi>, %select_n3A_1285, %reduce_min3A_1286 [1] : vector<256x128xi32> to vector<256xi32>
    %broadcast_in_dim3A_1288 = vector.shape_cast %reduce_min3A_1287 : vector<256xi32> to vector<256x1xi32>
    %eq3A_1289 = vector.broadcast %broadcast_in_dim3A_1288 : vector<256x1xi32> to vector<256x128xi32>
    %eq3A_1290 = arith.cmpi eq, %get3A_4, %eq3A_1289 : vector<256x128xi32>
    %and3A_1291 = arith.andi %eq3A_1282, %eq3A_1290 : vector<256x128xi1>
    %eq3A_1292 = arith.constant 44 : i32
    %eq3A_1293 = vector.broadcast %eq3A_1292 : i32 to vector<256x128xi32>
    %eq3A_1294 = arith.cmpi eq, %iota3A, %eq3A_1293 : vector<256x128xi32>
    %broadcast_in_dim3A_1295 = vector.shape_cast %broadcast_in_dim3A_1280 : vector<256x1xf32> to vector<256x1xf32>
    %broadcast_in_dim3A_1296 = vector.broadcast %broadcast_in_dim3A_1295 : vector<256x1xf32> to vector<256x128xf32>
    %select_n3A_1297 = arith.select %eq3A_1294, %broadcast_in_dim3A_1296, %select_n3A_1268 : vector<256x128xi1>, vector<256x128xf32>
    %eq3A_1298 = arith.constant 44 : i32
    %eq3A_1299 = vector.broadcast %eq3A_1298 : i32 to vector<256x128xi32>
    %eq3A_1300 = arith.cmpi eq, %iota3A, %eq3A_1299 : vector<256x128xi32>
    %broadcast_in_dim3A_1301 = vector.shape_cast %broadcast_in_dim3A_1288 : vector<256x1xi32> to vector<256x1xi32>
    %broadcast_in_dim3A_1302 = vector.broadcast %broadcast_in_dim3A_1301 : vector<256x1xi32> to vector<256x128xi32>
    %select_n3A_1303 = arith.select %eq3A_1300, %broadcast_in_dim3A_1302, %select_n3A_1274 : vector<256x128xi1>, vector<256x128xi32>
    %jit3A_1304 = arith.constant -4.000000e+00 : f32
    %broadcast_in_dim3A_1305 = vector.broadcast %jit3A_1304 : f32 to vector<256x128xf32>
    %select_n3A_1306 = arith.select %and3A_1291, %broadcast_in_dim3A_1305, %select_n3A_1277 : vector<256x128xi1>, vector<256x128xf32>
    %reduce_max3A_1307 = arith.constant dense<0xFF800000> : vector<256xf32>
    %reduce_max3A_1308 = vector.multi_reduction <maximumf>, %select_n3A_1306, %reduce_max3A_1307 [1] : vector<256x128xf32> to vector<256xf32>
    %broadcast_in_dim3A_1309 = vector.shape_cast %reduce_max3A_1308 : vector<256xf32> to vector<256x1xf32>
    %eq3A_1310 = vector.broadcast %broadcast_in_dim3A_1309 : vector<256x1xf32> to vector<256x128xf32>
    %eq3A_1311 = arith.cmpf oeq, %select_n3A_1306, %eq3A_1310 : vector<256x128xf32>
    %jit3A_1312 = arith.constant 1073741824 : i32
    %broadcast_in_dim3A_1313 = vector.broadcast %jit3A_1312 : i32 to vector<256x128xi32>
    %select_n3A_1314 = arith.select %eq3A_1311, %get3A_4, %broadcast_in_dim3A_1313 : vector<256x128xi1>, vector<256x128xi32>
    %reduce_min3A_1315 = arith.constant dense<2147483647> : vector<256xi32>
    %reduce_min3A_1316 = vector.multi_reduction <minsi>, %select_n3A_1314, %reduce_min3A_1315 [1] : vector<256x128xi32> to vector<256xi32>
    %broadcast_in_dim3A_1317 = vector.shape_cast %reduce_min3A_1316 : vector<256xi32> to vector<256x1xi32>
    %eq3A_1318 = vector.broadcast %broadcast_in_dim3A_1317 : vector<256x1xi32> to vector<256x128xi32>
    %eq3A_1319 = arith.cmpi eq, %get3A_4, %eq3A_1318 : vector<256x128xi32>
    %and3A_1320 = arith.andi %eq3A_1311, %eq3A_1319 : vector<256x128xi1>
    %eq3A_1321 = arith.constant 45 : i32
    %eq3A_1322 = vector.broadcast %eq3A_1321 : i32 to vector<256x128xi32>
    %eq3A_1323 = arith.cmpi eq, %iota3A, %eq3A_1322 : vector<256x128xi32>
    %broadcast_in_dim3A_1324 = vector.shape_cast %broadcast_in_dim3A_1309 : vector<256x1xf32> to vector<256x1xf32>
    %broadcast_in_dim3A_1325 = vector.broadcast %broadcast_in_dim3A_1324 : vector<256x1xf32> to vector<256x128xf32>
    %select_n3A_1326 = arith.select %eq3A_1323, %broadcast_in_dim3A_1325, %select_n3A_1297 : vector<256x128xi1>, vector<256x128xf32>
    %eq3A_1327 = arith.constant 45 : i32
    %eq3A_1328 = vector.broadcast %eq3A_1327 : i32 to vector<256x128xi32>
    %eq3A_1329 = arith.cmpi eq, %iota3A, %eq3A_1328 : vector<256x128xi32>
    %broadcast_in_dim3A_1330 = vector.shape_cast %broadcast_in_dim3A_1317 : vector<256x1xi32> to vector<256x1xi32>
    %broadcast_in_dim3A_1331 = vector.broadcast %broadcast_in_dim3A_1330 : vector<256x1xi32> to vector<256x128xi32>
    %select_n3A_1332 = arith.select %eq3A_1329, %broadcast_in_dim3A_1331, %select_n3A_1303 : vector<256x128xi1>, vector<256x128xi32>
    %jit3A_1333 = arith.constant -4.000000e+00 : f32
    %broadcast_in_dim3A_1334 = vector.broadcast %jit3A_1333 : f32 to vector<256x128xf32>
    %select_n3A_1335 = arith.select %and3A_1320, %broadcast_in_dim3A_1334, %select_n3A_1306 : vector<256x128xi1>, vector<256x128xf32>
    %reduce_max3A_1336 = arith.constant dense<0xFF800000> : vector<256xf32>
    %reduce_max3A_1337 = vector.multi_reduction <maximumf>, %select_n3A_1335, %reduce_max3A_1336 [1] : vector<256x128xf32> to vector<256xf32>
    %broadcast_in_dim3A_1338 = vector.shape_cast %reduce_max3A_1337 : vector<256xf32> to vector<256x1xf32>
    %eq3A_1339 = vector.broadcast %broadcast_in_dim3A_1338 : vector<256x1xf32> to vector<256x128xf32>
    %eq3A_1340 = arith.cmpf oeq, %select_n3A_1335, %eq3A_1339 : vector<256x128xf32>
    %jit3A_1341 = arith.constant 1073741824 : i32
    %broadcast_in_dim3A_1342 = vector.broadcast %jit3A_1341 : i32 to vector<256x128xi32>
    %select_n3A_1343 = arith.select %eq3A_1340, %get3A_4, %broadcast_in_dim3A_1342 : vector<256x128xi1>, vector<256x128xi32>
    %reduce_min3A_1344 = arith.constant dense<2147483647> : vector<256xi32>
    %reduce_min3A_1345 = vector.multi_reduction <minsi>, %select_n3A_1343, %reduce_min3A_1344 [1] : vector<256x128xi32> to vector<256xi32>
    %broadcast_in_dim3A_1346 = vector.shape_cast %reduce_min3A_1345 : vector<256xi32> to vector<256x1xi32>
    %eq3A_1347 = vector.broadcast %broadcast_in_dim3A_1346 : vector<256x1xi32> to vector<256x128xi32>
    %eq3A_1348 = arith.cmpi eq, %get3A_4, %eq3A_1347 : vector<256x128xi32>
    %and3A_1349 = arith.andi %eq3A_1340, %eq3A_1348 : vector<256x128xi1>
    %eq3A_1350 = arith.constant 46 : i32
    %eq3A_1351 = vector.broadcast %eq3A_1350 : i32 to vector<256x128xi32>
    %eq3A_1352 = arith.cmpi eq, %iota3A, %eq3A_1351 : vector<256x128xi32>
    %broadcast_in_dim3A_1353 = vector.shape_cast %broadcast_in_dim3A_1338 : vector<256x1xf32> to vector<256x1xf32>
    %broadcast_in_dim3A_1354 = vector.broadcast %broadcast_in_dim3A_1353 : vector<256x1xf32> to vector<256x128xf32>
    %select_n3A_1355 = arith.select %eq3A_1352, %broadcast_in_dim3A_1354, %select_n3A_1326 : vector<256x128xi1>, vector<256x128xf32>
    %eq3A_1356 = arith.constant 46 : i32
    %eq3A_1357 = vector.broadcast %eq3A_1356 : i32 to vector<256x128xi32>
    %eq3A_1358 = arith.cmpi eq, %iota3A, %eq3A_1357 : vector<256x128xi32>
    %broadcast_in_dim3A_1359 = vector.shape_cast %broadcast_in_dim3A_1346 : vector<256x1xi32> to vector<256x1xi32>
    %broadcast_in_dim3A_1360 = vector.broadcast %broadcast_in_dim3A_1359 : vector<256x1xi32> to vector<256x128xi32>
    %select_n3A_1361 = arith.select %eq3A_1358, %broadcast_in_dim3A_1360, %select_n3A_1332 : vector<256x128xi1>, vector<256x128xi32>
    %jit3A_1362 = arith.constant -4.000000e+00 : f32
    %broadcast_in_dim3A_1363 = vector.broadcast %jit3A_1362 : f32 to vector<256x128xf32>
    %select_n3A_1364 = arith.select %and3A_1349, %broadcast_in_dim3A_1363, %select_n3A_1335 : vector<256x128xi1>, vector<256x128xf32>
    %reduce_max3A_1365 = arith.constant dense<0xFF800000> : vector<256xf32>
    %reduce_max3A_1366 = vector.multi_reduction <maximumf>, %select_n3A_1364, %reduce_max3A_1365 [1] : vector<256x128xf32> to vector<256xf32>
    %broadcast_in_dim3A_1367 = vector.shape_cast %reduce_max3A_1366 : vector<256xf32> to vector<256x1xf32>
    %eq3A_1368 = vector.broadcast %broadcast_in_dim3A_1367 : vector<256x1xf32> to vector<256x128xf32>
    %eq3A_1369 = arith.cmpf oeq, %select_n3A_1364, %eq3A_1368 : vector<256x128xf32>
    %jit3A_1370 = arith.constant 1073741824 : i32
    %broadcast_in_dim3A_1371 = vector.broadcast %jit3A_1370 : i32 to vector<256x128xi32>
    %select_n3A_1372 = arith.select %eq3A_1369, %get3A_4, %broadcast_in_dim3A_1371 : vector<256x128xi1>, vector<256x128xi32>
    %reduce_min3A_1373 = arith.constant dense<2147483647> : vector<256xi32>
    %reduce_min3A_1374 = vector.multi_reduction <minsi>, %select_n3A_1372, %reduce_min3A_1373 [1] : vector<256x128xi32> to vector<256xi32>
    %broadcast_in_dim3A_1375 = vector.shape_cast %reduce_min3A_1374 : vector<256xi32> to vector<256x1xi32>
    %eq3A_1376 = vector.broadcast %broadcast_in_dim3A_1375 : vector<256x1xi32> to vector<256x128xi32>
    %eq3A_1377 = arith.cmpi eq, %get3A_4, %eq3A_1376 : vector<256x128xi32>
    %and3A_1378 = arith.andi %eq3A_1369, %eq3A_1377 : vector<256x128xi1>
    %eq3A_1379 = arith.constant 47 : i32
    %eq3A_1380 = vector.broadcast %eq3A_1379 : i32 to vector<256x128xi32>
    %eq3A_1381 = arith.cmpi eq, %iota3A, %eq3A_1380 : vector<256x128xi32>
    %broadcast_in_dim3A_1382 = vector.shape_cast %broadcast_in_dim3A_1367 : vector<256x1xf32> to vector<256x1xf32>
    %broadcast_in_dim3A_1383 = vector.broadcast %broadcast_in_dim3A_1382 : vector<256x1xf32> to vector<256x128xf32>
    %select_n3A_1384 = arith.select %eq3A_1381, %broadcast_in_dim3A_1383, %select_n3A_1355 : vector<256x128xi1>, vector<256x128xf32>
    %eq3A_1385 = arith.constant 47 : i32
    %eq3A_1386 = vector.broadcast %eq3A_1385 : i32 to vector<256x128xi32>
    %eq3A_1387 = arith.cmpi eq, %iota3A, %eq3A_1386 : vector<256x128xi32>
    %broadcast_in_dim3A_1388 = vector.shape_cast %broadcast_in_dim3A_1375 : vector<256x1xi32> to vector<256x1xi32>
    %broadcast_in_dim3A_1389 = vector.broadcast %broadcast_in_dim3A_1388 : vector<256x1xi32> to vector<256x128xi32>
    %select_n3A_1390 = arith.select %eq3A_1387, %broadcast_in_dim3A_1389, %select_n3A_1361 : vector<256x128xi1>, vector<256x128xi32>
    %jit3A_1391 = arith.constant -4.000000e+00 : f32
    %broadcast_in_dim3A_1392 = vector.broadcast %jit3A_1391 : f32 to vector<256x128xf32>
    %select_n3A_1393 = arith.select %and3A_1378, %broadcast_in_dim3A_1392, %select_n3A_1364 : vector<256x128xi1>, vector<256x128xf32>
    %reduce_max3A_1394 = arith.constant dense<0xFF800000> : vector<256xf32>
    %reduce_max3A_1395 = vector.multi_reduction <maximumf>, %select_n3A_1393, %reduce_max3A_1394 [1] : vector<256x128xf32> to vector<256xf32>
    %broadcast_in_dim3A_1396 = vector.shape_cast %reduce_max3A_1395 : vector<256xf32> to vector<256x1xf32>
    %eq3A_1397 = vector.broadcast %broadcast_in_dim3A_1396 : vector<256x1xf32> to vector<256x128xf32>
    %eq3A_1398 = arith.cmpf oeq, %select_n3A_1393, %eq3A_1397 : vector<256x128xf32>
    %jit3A_1399 = arith.constant 1073741824 : i32
    %broadcast_in_dim3A_1400 = vector.broadcast %jit3A_1399 : i32 to vector<256x128xi32>
    %select_n3A_1401 = arith.select %eq3A_1398, %get3A_4, %broadcast_in_dim3A_1400 : vector<256x128xi1>, vector<256x128xi32>
    %reduce_min3A_1402 = arith.constant dense<2147483647> : vector<256xi32>
    %reduce_min3A_1403 = vector.multi_reduction <minsi>, %select_n3A_1401, %reduce_min3A_1402 [1] : vector<256x128xi32> to vector<256xi32>
    %broadcast_in_dim3A_1404 = vector.shape_cast %reduce_min3A_1403 : vector<256xi32> to vector<256x1xi32>
    %eq3A_1405 = vector.broadcast %broadcast_in_dim3A_1404 : vector<256x1xi32> to vector<256x128xi32>
    %eq3A_1406 = arith.cmpi eq, %get3A_4, %eq3A_1405 : vector<256x128xi32>
    %and3A_1407 = arith.andi %eq3A_1398, %eq3A_1406 : vector<256x128xi1>
    %eq3A_1408 = arith.constant 48 : i32
    %eq3A_1409 = vector.broadcast %eq3A_1408 : i32 to vector<256x128xi32>
    %eq3A_1410 = arith.cmpi eq, %iota3A, %eq3A_1409 : vector<256x128xi32>
    %broadcast_in_dim3A_1411 = vector.shape_cast %broadcast_in_dim3A_1396 : vector<256x1xf32> to vector<256x1xf32>
    %broadcast_in_dim3A_1412 = vector.broadcast %broadcast_in_dim3A_1411 : vector<256x1xf32> to vector<256x128xf32>
    %select_n3A_1413 = arith.select %eq3A_1410, %broadcast_in_dim3A_1412, %select_n3A_1384 : vector<256x128xi1>, vector<256x128xf32>
    %eq3A_1414 = arith.constant 48 : i32
    %eq3A_1415 = vector.broadcast %eq3A_1414 : i32 to vector<256x128xi32>
    %eq3A_1416 = arith.cmpi eq, %iota3A, %eq3A_1415 : vector<256x128xi32>
    %broadcast_in_dim3A_1417 = vector.shape_cast %broadcast_in_dim3A_1404 : vector<256x1xi32> to vector<256x1xi32>
    %broadcast_in_dim3A_1418 = vector.broadcast %broadcast_in_dim3A_1417 : vector<256x1xi32> to vector<256x128xi32>
    %select_n3A_1419 = arith.select %eq3A_1416, %broadcast_in_dim3A_1418, %select_n3A_1390 : vector<256x128xi1>, vector<256x128xi32>
    %jit3A_1420 = arith.constant -4.000000e+00 : f32
    %broadcast_in_dim3A_1421 = vector.broadcast %jit3A_1420 : f32 to vector<256x128xf32>
    %select_n3A_1422 = arith.select %and3A_1407, %broadcast_in_dim3A_1421, %select_n3A_1393 : vector<256x128xi1>, vector<256x128xf32>
    %reduce_max3A_1423 = arith.constant dense<0xFF800000> : vector<256xf32>
    %reduce_max3A_1424 = vector.multi_reduction <maximumf>, %select_n3A_1422, %reduce_max3A_1423 [1] : vector<256x128xf32> to vector<256xf32>
    %broadcast_in_dim3A_1425 = vector.shape_cast %reduce_max3A_1424 : vector<256xf32> to vector<256x1xf32>
    %eq3A_1426 = vector.broadcast %broadcast_in_dim3A_1425 : vector<256x1xf32> to vector<256x128xf32>
    %eq3A_1427 = arith.cmpf oeq, %select_n3A_1422, %eq3A_1426 : vector<256x128xf32>
    %jit3A_1428 = arith.constant 1073741824 : i32
    %broadcast_in_dim3A_1429 = vector.broadcast %jit3A_1428 : i32 to vector<256x128xi32>
    %select_n3A_1430 = arith.select %eq3A_1427, %get3A_4, %broadcast_in_dim3A_1429 : vector<256x128xi1>, vector<256x128xi32>
    %reduce_min3A_1431 = arith.constant dense<2147483647> : vector<256xi32>
    %reduce_min3A_1432 = vector.multi_reduction <minsi>, %select_n3A_1430, %reduce_min3A_1431 [1] : vector<256x128xi32> to vector<256xi32>
    %broadcast_in_dim3A_1433 = vector.shape_cast %reduce_min3A_1432 : vector<256xi32> to vector<256x1xi32>
    %eq3A_1434 = vector.broadcast %broadcast_in_dim3A_1433 : vector<256x1xi32> to vector<256x128xi32>
    %eq3A_1435 = arith.cmpi eq, %get3A_4, %eq3A_1434 : vector<256x128xi32>
    %and3A_1436 = arith.andi %eq3A_1427, %eq3A_1435 : vector<256x128xi1>
    %eq3A_1437 = arith.constant 49 : i32
    %eq3A_1438 = vector.broadcast %eq3A_1437 : i32 to vector<256x128xi32>
    %eq3A_1439 = arith.cmpi eq, %iota3A, %eq3A_1438 : vector<256x128xi32>
    %broadcast_in_dim3A_1440 = vector.shape_cast %broadcast_in_dim3A_1425 : vector<256x1xf32> to vector<256x1xf32>
    %broadcast_in_dim3A_1441 = vector.broadcast %broadcast_in_dim3A_1440 : vector<256x1xf32> to vector<256x128xf32>
    %select_n3A_1442 = arith.select %eq3A_1439, %broadcast_in_dim3A_1441, %select_n3A_1413 : vector<256x128xi1>, vector<256x128xf32>
    %eq3A_1443 = arith.constant 49 : i32
    %eq3A_1444 = vector.broadcast %eq3A_1443 : i32 to vector<256x128xi32>
    %eq3A_1445 = arith.cmpi eq, %iota3A, %eq3A_1444 : vector<256x128xi32>
    %broadcast_in_dim3A_1446 = vector.shape_cast %broadcast_in_dim3A_1433 : vector<256x1xi32> to vector<256x1xi32>
    %broadcast_in_dim3A_1447 = vector.broadcast %broadcast_in_dim3A_1446 : vector<256x1xi32> to vector<256x128xi32>
    %select_n3A_1448 = arith.select %eq3A_1445, %broadcast_in_dim3A_1447, %select_n3A_1419 : vector<256x128xi1>, vector<256x128xi32>
    %jit3A_1449 = arith.constant -4.000000e+00 : f32
    %broadcast_in_dim3A_1450 = vector.broadcast %jit3A_1449 : f32 to vector<256x128xf32>
    %select_n3A_1451 = arith.select %and3A_1436, %broadcast_in_dim3A_1450, %select_n3A_1422 : vector<256x128xi1>, vector<256x128xf32>
    %reduce_max3A_1452 = arith.constant dense<0xFF800000> : vector<256xf32>
    %reduce_max3A_1453 = vector.multi_reduction <maximumf>, %select_n3A_1451, %reduce_max3A_1452 [1] : vector<256x128xf32> to vector<256xf32>
    %broadcast_in_dim3A_1454 = vector.shape_cast %reduce_max3A_1453 : vector<256xf32> to vector<256x1xf32>
    %eq3A_1455 = vector.broadcast %broadcast_in_dim3A_1454 : vector<256x1xf32> to vector<256x128xf32>
    %eq3A_1456 = arith.cmpf oeq, %select_n3A_1451, %eq3A_1455 : vector<256x128xf32>
    %jit3A_1457 = arith.constant 1073741824 : i32
    %broadcast_in_dim3A_1458 = vector.broadcast %jit3A_1457 : i32 to vector<256x128xi32>
    %select_n3A_1459 = arith.select %eq3A_1456, %get3A_4, %broadcast_in_dim3A_1458 : vector<256x128xi1>, vector<256x128xi32>
    %reduce_min3A_1460 = arith.constant dense<2147483647> : vector<256xi32>
    %reduce_min3A_1461 = vector.multi_reduction <minsi>, %select_n3A_1459, %reduce_min3A_1460 [1] : vector<256x128xi32> to vector<256xi32>
    %broadcast_in_dim3A_1462 = vector.shape_cast %reduce_min3A_1461 : vector<256xi32> to vector<256x1xi32>
    %eq3A_1463 = vector.broadcast %broadcast_in_dim3A_1462 : vector<256x1xi32> to vector<256x128xi32>
    %eq3A_1464 = arith.cmpi eq, %get3A_4, %eq3A_1463 : vector<256x128xi32>
    %and3A_1465 = arith.andi %eq3A_1456, %eq3A_1464 : vector<256x128xi1>
    %eq3A_1466 = arith.constant 50 : i32
    %eq3A_1467 = vector.broadcast %eq3A_1466 : i32 to vector<256x128xi32>
    %eq3A_1468 = arith.cmpi eq, %iota3A, %eq3A_1467 : vector<256x128xi32>
    %broadcast_in_dim3A_1469 = vector.shape_cast %broadcast_in_dim3A_1454 : vector<256x1xf32> to vector<256x1xf32>
    %broadcast_in_dim3A_1470 = vector.broadcast %broadcast_in_dim3A_1469 : vector<256x1xf32> to vector<256x128xf32>
    %select_n3A_1471 = arith.select %eq3A_1468, %broadcast_in_dim3A_1470, %select_n3A_1442 : vector<256x128xi1>, vector<256x128xf32>
    %eq3A_1472 = arith.constant 50 : i32
    %eq3A_1473 = vector.broadcast %eq3A_1472 : i32 to vector<256x128xi32>
    %eq3A_1474 = arith.cmpi eq, %iota3A, %eq3A_1473 : vector<256x128xi32>
    %broadcast_in_dim3A_1475 = vector.shape_cast %broadcast_in_dim3A_1462 : vector<256x1xi32> to vector<256x1xi32>
    %broadcast_in_dim3A_1476 = vector.broadcast %broadcast_in_dim3A_1475 : vector<256x1xi32> to vector<256x128xi32>
    %select_n3A_1477 = arith.select %eq3A_1474, %broadcast_in_dim3A_1476, %select_n3A_1448 : vector<256x128xi1>, vector<256x128xi32>
    %jit3A_1478 = arith.constant -4.000000e+00 : f32
    %broadcast_in_dim3A_1479 = vector.broadcast %jit3A_1478 : f32 to vector<256x128xf32>
    %select_n3A_1480 = arith.select %and3A_1465, %broadcast_in_dim3A_1479, %select_n3A_1451 : vector<256x128xi1>, vector<256x128xf32>
    %reduce_max3A_1481 = arith.constant dense<0xFF800000> : vector<256xf32>
    %reduce_max3A_1482 = vector.multi_reduction <maximumf>, %select_n3A_1480, %reduce_max3A_1481 [1] : vector<256x128xf32> to vector<256xf32>
    %broadcast_in_dim3A_1483 = vector.shape_cast %reduce_max3A_1482 : vector<256xf32> to vector<256x1xf32>
    %eq3A_1484 = vector.broadcast %broadcast_in_dim3A_1483 : vector<256x1xf32> to vector<256x128xf32>
    %eq3A_1485 = arith.cmpf oeq, %select_n3A_1480, %eq3A_1484 : vector<256x128xf32>
    %jit3A_1486 = arith.constant 1073741824 : i32
    %broadcast_in_dim3A_1487 = vector.broadcast %jit3A_1486 : i32 to vector<256x128xi32>
    %select_n3A_1488 = arith.select %eq3A_1485, %get3A_4, %broadcast_in_dim3A_1487 : vector<256x128xi1>, vector<256x128xi32>
    %reduce_min3A_1489 = arith.constant dense<2147483647> : vector<256xi32>
    %reduce_min3A_1490 = vector.multi_reduction <minsi>, %select_n3A_1488, %reduce_min3A_1489 [1] : vector<256x128xi32> to vector<256xi32>
    %broadcast_in_dim3A_1491 = vector.shape_cast %reduce_min3A_1490 : vector<256xi32> to vector<256x1xi32>
    %eq3A_1492 = vector.broadcast %broadcast_in_dim3A_1491 : vector<256x1xi32> to vector<256x128xi32>
    %eq3A_1493 = arith.cmpi eq, %get3A_4, %eq3A_1492 : vector<256x128xi32>
    %and3A_1494 = arith.andi %eq3A_1485, %eq3A_1493 : vector<256x128xi1>
    %eq3A_1495 = arith.constant 51 : i32
    %eq3A_1496 = vector.broadcast %eq3A_1495 : i32 to vector<256x128xi32>
    %eq3A_1497 = arith.cmpi eq, %iota3A, %eq3A_1496 : vector<256x128xi32>
    %broadcast_in_dim3A_1498 = vector.shape_cast %broadcast_in_dim3A_1483 : vector<256x1xf32> to vector<256x1xf32>
    %broadcast_in_dim3A_1499 = vector.broadcast %broadcast_in_dim3A_1498 : vector<256x1xf32> to vector<256x128xf32>
    %select_n3A_1500 = arith.select %eq3A_1497, %broadcast_in_dim3A_1499, %select_n3A_1471 : vector<256x128xi1>, vector<256x128xf32>
    %eq3A_1501 = arith.constant 51 : i32
    %eq3A_1502 = vector.broadcast %eq3A_1501 : i32 to vector<256x128xi32>
    %eq3A_1503 = arith.cmpi eq, %iota3A, %eq3A_1502 : vector<256x128xi32>
    %broadcast_in_dim3A_1504 = vector.shape_cast %broadcast_in_dim3A_1491 : vector<256x1xi32> to vector<256x1xi32>
    %broadcast_in_dim3A_1505 = vector.broadcast %broadcast_in_dim3A_1504 : vector<256x1xi32> to vector<256x128xi32>
    %select_n3A_1506 = arith.select %eq3A_1503, %broadcast_in_dim3A_1505, %select_n3A_1477 : vector<256x128xi1>, vector<256x128xi32>
    %jit3A_1507 = arith.constant -4.000000e+00 : f32
    %broadcast_in_dim3A_1508 = vector.broadcast %jit3A_1507 : f32 to vector<256x128xf32>
    %select_n3A_1509 = arith.select %and3A_1494, %broadcast_in_dim3A_1508, %select_n3A_1480 : vector<256x128xi1>, vector<256x128xf32>
    %reduce_max3A_1510 = arith.constant dense<0xFF800000> : vector<256xf32>
    %reduce_max3A_1511 = vector.multi_reduction <maximumf>, %select_n3A_1509, %reduce_max3A_1510 [1] : vector<256x128xf32> to vector<256xf32>
    %broadcast_in_dim3A_1512 = vector.shape_cast %reduce_max3A_1511 : vector<256xf32> to vector<256x1xf32>
    %eq3A_1513 = vector.broadcast %broadcast_in_dim3A_1512 : vector<256x1xf32> to vector<256x128xf32>
    %eq3A_1514 = arith.cmpf oeq, %select_n3A_1509, %eq3A_1513 : vector<256x128xf32>
    %jit3A_1515 = arith.constant 1073741824 : i32
    %broadcast_in_dim3A_1516 = vector.broadcast %jit3A_1515 : i32 to vector<256x128xi32>
    %select_n3A_1517 = arith.select %eq3A_1514, %get3A_4, %broadcast_in_dim3A_1516 : vector<256x128xi1>, vector<256x128xi32>
    %reduce_min3A_1518 = arith.constant dense<2147483647> : vector<256xi32>
    %reduce_min3A_1519 = vector.multi_reduction <minsi>, %select_n3A_1517, %reduce_min3A_1518 [1] : vector<256x128xi32> to vector<256xi32>
    %broadcast_in_dim3A_1520 = vector.shape_cast %reduce_min3A_1519 : vector<256xi32> to vector<256x1xi32>
    %eq3A_1521 = vector.broadcast %broadcast_in_dim3A_1520 : vector<256x1xi32> to vector<256x128xi32>
    %eq3A_1522 = arith.cmpi eq, %get3A_4, %eq3A_1521 : vector<256x128xi32>
    %and3A_1523 = arith.andi %eq3A_1514, %eq3A_1522 : vector<256x128xi1>
    %eq3A_1524 = arith.constant 52 : i32
    %eq3A_1525 = vector.broadcast %eq3A_1524 : i32 to vector<256x128xi32>
    %eq3A_1526 = arith.cmpi eq, %iota3A, %eq3A_1525 : vector<256x128xi32>
    %broadcast_in_dim3A_1527 = vector.shape_cast %broadcast_in_dim3A_1512 : vector<256x1xf32> to vector<256x1xf32>
    %broadcast_in_dim3A_1528 = vector.broadcast %broadcast_in_dim3A_1527 : vector<256x1xf32> to vector<256x128xf32>
    %select_n3A_1529 = arith.select %eq3A_1526, %broadcast_in_dim3A_1528, %select_n3A_1500 : vector<256x128xi1>, vector<256x128xf32>
    %eq3A_1530 = arith.constant 52 : i32
    %eq3A_1531 = vector.broadcast %eq3A_1530 : i32 to vector<256x128xi32>
    %eq3A_1532 = arith.cmpi eq, %iota3A, %eq3A_1531 : vector<256x128xi32>
    %broadcast_in_dim3A_1533 = vector.shape_cast %broadcast_in_dim3A_1520 : vector<256x1xi32> to vector<256x1xi32>
    %broadcast_in_dim3A_1534 = vector.broadcast %broadcast_in_dim3A_1533 : vector<256x1xi32> to vector<256x128xi32>
    %select_n3A_1535 = arith.select %eq3A_1532, %broadcast_in_dim3A_1534, %select_n3A_1506 : vector<256x128xi1>, vector<256x128xi32>
    %jit3A_1536 = arith.constant -4.000000e+00 : f32
    %broadcast_in_dim3A_1537 = vector.broadcast %jit3A_1536 : f32 to vector<256x128xf32>
    %select_n3A_1538 = arith.select %and3A_1523, %broadcast_in_dim3A_1537, %select_n3A_1509 : vector<256x128xi1>, vector<256x128xf32>
    %reduce_max3A_1539 = arith.constant dense<0xFF800000> : vector<256xf32>
    %reduce_max3A_1540 = vector.multi_reduction <maximumf>, %select_n3A_1538, %reduce_max3A_1539 [1] : vector<256x128xf32> to vector<256xf32>
    %broadcast_in_dim3A_1541 = vector.shape_cast %reduce_max3A_1540 : vector<256xf32> to vector<256x1xf32>
    %eq3A_1542 = vector.broadcast %broadcast_in_dim3A_1541 : vector<256x1xf32> to vector<256x128xf32>
    %eq3A_1543 = arith.cmpf oeq, %select_n3A_1538, %eq3A_1542 : vector<256x128xf32>
    %jit3A_1544 = arith.constant 1073741824 : i32
    %broadcast_in_dim3A_1545 = vector.broadcast %jit3A_1544 : i32 to vector<256x128xi32>
    %select_n3A_1546 = arith.select %eq3A_1543, %get3A_4, %broadcast_in_dim3A_1545 : vector<256x128xi1>, vector<256x128xi32>
    %reduce_min3A_1547 = arith.constant dense<2147483647> : vector<256xi32>
    %reduce_min3A_1548 = vector.multi_reduction <minsi>, %select_n3A_1546, %reduce_min3A_1547 [1] : vector<256x128xi32> to vector<256xi32>
    %broadcast_in_dim3A_1549 = vector.shape_cast %reduce_min3A_1548 : vector<256xi32> to vector<256x1xi32>
    %eq3A_1550 = vector.broadcast %broadcast_in_dim3A_1549 : vector<256x1xi32> to vector<256x128xi32>
    %eq3A_1551 = arith.cmpi eq, %get3A_4, %eq3A_1550 : vector<256x128xi32>
    %and3A_1552 = arith.andi %eq3A_1543, %eq3A_1551 : vector<256x128xi1>
    %eq3A_1553 = arith.constant 53 : i32
    %eq3A_1554 = vector.broadcast %eq3A_1553 : i32 to vector<256x128xi32>
    %eq3A_1555 = arith.cmpi eq, %iota3A, %eq3A_1554 : vector<256x128xi32>
    %broadcast_in_dim3A_1556 = vector.shape_cast %broadcast_in_dim3A_1541 : vector<256x1xf32> to vector<256x1xf32>
    %broadcast_in_dim3A_1557 = vector.broadcast %broadcast_in_dim3A_1556 : vector<256x1xf32> to vector<256x128xf32>
    %select_n3A_1558 = arith.select %eq3A_1555, %broadcast_in_dim3A_1557, %select_n3A_1529 : vector<256x128xi1>, vector<256x128xf32>
    %eq3A_1559 = arith.constant 53 : i32
    %eq3A_1560 = vector.broadcast %eq3A_1559 : i32 to vector<256x128xi32>
    %eq3A_1561 = arith.cmpi eq, %iota3A, %eq3A_1560 : vector<256x128xi32>
    %broadcast_in_dim3A_1562 = vector.shape_cast %broadcast_in_dim3A_1549 : vector<256x1xi32> to vector<256x1xi32>
    %broadcast_in_dim3A_1563 = vector.broadcast %broadcast_in_dim3A_1562 : vector<256x1xi32> to vector<256x128xi32>
    %select_n3A_1564 = arith.select %eq3A_1561, %broadcast_in_dim3A_1563, %select_n3A_1535 : vector<256x128xi1>, vector<256x128xi32>
    %jit3A_1565 = arith.constant -4.000000e+00 : f32
    %broadcast_in_dim3A_1566 = vector.broadcast %jit3A_1565 : f32 to vector<256x128xf32>
    %select_n3A_1567 = arith.select %and3A_1552, %broadcast_in_dim3A_1566, %select_n3A_1538 : vector<256x128xi1>, vector<256x128xf32>
    %reduce_max3A_1568 = arith.constant dense<0xFF800000> : vector<256xf32>
    %reduce_max3A_1569 = vector.multi_reduction <maximumf>, %select_n3A_1567, %reduce_max3A_1568 [1] : vector<256x128xf32> to vector<256xf32>
    %broadcast_in_dim3A_1570 = vector.shape_cast %reduce_max3A_1569 : vector<256xf32> to vector<256x1xf32>
    %eq3A_1571 = vector.broadcast %broadcast_in_dim3A_1570 : vector<256x1xf32> to vector<256x128xf32>
    %eq3A_1572 = arith.cmpf oeq, %select_n3A_1567, %eq3A_1571 : vector<256x128xf32>
    %jit3A_1573 = arith.constant 1073741824 : i32
    %broadcast_in_dim3A_1574 = vector.broadcast %jit3A_1573 : i32 to vector<256x128xi32>
    %select_n3A_1575 = arith.select %eq3A_1572, %get3A_4, %broadcast_in_dim3A_1574 : vector<256x128xi1>, vector<256x128xi32>
    %reduce_min3A_1576 = arith.constant dense<2147483647> : vector<256xi32>
    %reduce_min3A_1577 = vector.multi_reduction <minsi>, %select_n3A_1575, %reduce_min3A_1576 [1] : vector<256x128xi32> to vector<256xi32>
    %broadcast_in_dim3A_1578 = vector.shape_cast %reduce_min3A_1577 : vector<256xi32> to vector<256x1xi32>
    %eq3A_1579 = vector.broadcast %broadcast_in_dim3A_1578 : vector<256x1xi32> to vector<256x128xi32>
    %eq3A_1580 = arith.cmpi eq, %get3A_4, %eq3A_1579 : vector<256x128xi32>
    %and3A_1581 = arith.andi %eq3A_1572, %eq3A_1580 : vector<256x128xi1>
    %eq3A_1582 = arith.constant 54 : i32
    %eq3A_1583 = vector.broadcast %eq3A_1582 : i32 to vector<256x128xi32>
    %eq3A_1584 = arith.cmpi eq, %iota3A, %eq3A_1583 : vector<256x128xi32>
    %broadcast_in_dim3A_1585 = vector.shape_cast %broadcast_in_dim3A_1570 : vector<256x1xf32> to vector<256x1xf32>
    %broadcast_in_dim3A_1586 = vector.broadcast %broadcast_in_dim3A_1585 : vector<256x1xf32> to vector<256x128xf32>
    %select_n3A_1587 = arith.select %eq3A_1584, %broadcast_in_dim3A_1586, %select_n3A_1558 : vector<256x128xi1>, vector<256x128xf32>
    %eq3A_1588 = arith.constant 54 : i32
    %eq3A_1589 = vector.broadcast %eq3A_1588 : i32 to vector<256x128xi32>
    %eq3A_1590 = arith.cmpi eq, %iota3A, %eq3A_1589 : vector<256x128xi32>
    %broadcast_in_dim3A_1591 = vector.shape_cast %broadcast_in_dim3A_1578 : vector<256x1xi32> to vector<256x1xi32>
    %broadcast_in_dim3A_1592 = vector.broadcast %broadcast_in_dim3A_1591 : vector<256x1xi32> to vector<256x128xi32>
    %select_n3A_1593 = arith.select %eq3A_1590, %broadcast_in_dim3A_1592, %select_n3A_1564 : vector<256x128xi1>, vector<256x128xi32>
    %jit3A_1594 = arith.constant -4.000000e+00 : f32
    %broadcast_in_dim3A_1595 = vector.broadcast %jit3A_1594 : f32 to vector<256x128xf32>
    %select_n3A_1596 = arith.select %and3A_1581, %broadcast_in_dim3A_1595, %select_n3A_1567 : vector<256x128xi1>, vector<256x128xf32>
    %reduce_max3A_1597 = arith.constant dense<0xFF800000> : vector<256xf32>
    %reduce_max3A_1598 = vector.multi_reduction <maximumf>, %select_n3A_1596, %reduce_max3A_1597 [1] : vector<256x128xf32> to vector<256xf32>
    %broadcast_in_dim3A_1599 = vector.shape_cast %reduce_max3A_1598 : vector<256xf32> to vector<256x1xf32>
    %eq3A_1600 = vector.broadcast %broadcast_in_dim3A_1599 : vector<256x1xf32> to vector<256x128xf32>
    %eq3A_1601 = arith.cmpf oeq, %select_n3A_1596, %eq3A_1600 : vector<256x128xf32>
    %jit3A_1602 = arith.constant 1073741824 : i32
    %broadcast_in_dim3A_1603 = vector.broadcast %jit3A_1602 : i32 to vector<256x128xi32>
    %select_n3A_1604 = arith.select %eq3A_1601, %get3A_4, %broadcast_in_dim3A_1603 : vector<256x128xi1>, vector<256x128xi32>
    %reduce_min3A_1605 = arith.constant dense<2147483647> : vector<256xi32>
    %reduce_min3A_1606 = vector.multi_reduction <minsi>, %select_n3A_1604, %reduce_min3A_1605 [1] : vector<256x128xi32> to vector<256xi32>
    %broadcast_in_dim3A_1607 = vector.shape_cast %reduce_min3A_1606 : vector<256xi32> to vector<256x1xi32>
    %eq3A_1608 = vector.broadcast %broadcast_in_dim3A_1607 : vector<256x1xi32> to vector<256x128xi32>
    %eq3A_1609 = arith.cmpi eq, %get3A_4, %eq3A_1608 : vector<256x128xi32>
    %and3A_1610 = arith.andi %eq3A_1601, %eq3A_1609 : vector<256x128xi1>
    %eq3A_1611 = arith.constant 55 : i32
    %eq3A_1612 = vector.broadcast %eq3A_1611 : i32 to vector<256x128xi32>
    %eq3A_1613 = arith.cmpi eq, %iota3A, %eq3A_1612 : vector<256x128xi32>
    %broadcast_in_dim3A_1614 = vector.shape_cast %broadcast_in_dim3A_1599 : vector<256x1xf32> to vector<256x1xf32>
    %broadcast_in_dim3A_1615 = vector.broadcast %broadcast_in_dim3A_1614 : vector<256x1xf32> to vector<256x128xf32>
    %select_n3A_1616 = arith.select %eq3A_1613, %broadcast_in_dim3A_1615, %select_n3A_1587 : vector<256x128xi1>, vector<256x128xf32>
    %eq3A_1617 = arith.constant 55 : i32
    %eq3A_1618 = vector.broadcast %eq3A_1617 : i32 to vector<256x128xi32>
    %eq3A_1619 = arith.cmpi eq, %iota3A, %eq3A_1618 : vector<256x128xi32>
    %broadcast_in_dim3A_1620 = vector.shape_cast %broadcast_in_dim3A_1607 : vector<256x1xi32> to vector<256x1xi32>
    %broadcast_in_dim3A_1621 = vector.broadcast %broadcast_in_dim3A_1620 : vector<256x1xi32> to vector<256x128xi32>
    %select_n3A_1622 = arith.select %eq3A_1619, %broadcast_in_dim3A_1621, %select_n3A_1593 : vector<256x128xi1>, vector<256x128xi32>
    %jit3A_1623 = arith.constant -4.000000e+00 : f32
    %broadcast_in_dim3A_1624 = vector.broadcast %jit3A_1623 : f32 to vector<256x128xf32>
    %select_n3A_1625 = arith.select %and3A_1610, %broadcast_in_dim3A_1624, %select_n3A_1596 : vector<256x128xi1>, vector<256x128xf32>
    %reduce_max3A_1626 = arith.constant dense<0xFF800000> : vector<256xf32>
    %reduce_max3A_1627 = vector.multi_reduction <maximumf>, %select_n3A_1625, %reduce_max3A_1626 [1] : vector<256x128xf32> to vector<256xf32>
    %broadcast_in_dim3A_1628 = vector.shape_cast %reduce_max3A_1627 : vector<256xf32> to vector<256x1xf32>
    %eq3A_1629 = vector.broadcast %broadcast_in_dim3A_1628 : vector<256x1xf32> to vector<256x128xf32>
    %eq3A_1630 = arith.cmpf oeq, %select_n3A_1625, %eq3A_1629 : vector<256x128xf32>
    %jit3A_1631 = arith.constant 1073741824 : i32
    %broadcast_in_dim3A_1632 = vector.broadcast %jit3A_1631 : i32 to vector<256x128xi32>
    %select_n3A_1633 = arith.select %eq3A_1630, %get3A_4, %broadcast_in_dim3A_1632 : vector<256x128xi1>, vector<256x128xi32>
    %reduce_min3A_1634 = arith.constant dense<2147483647> : vector<256xi32>
    %reduce_min3A_1635 = vector.multi_reduction <minsi>, %select_n3A_1633, %reduce_min3A_1634 [1] : vector<256x128xi32> to vector<256xi32>
    %broadcast_in_dim3A_1636 = vector.shape_cast %reduce_min3A_1635 : vector<256xi32> to vector<256x1xi32>
    %eq3A_1637 = vector.broadcast %broadcast_in_dim3A_1636 : vector<256x1xi32> to vector<256x128xi32>
    %eq3A_1638 = arith.cmpi eq, %get3A_4, %eq3A_1637 : vector<256x128xi32>
    %and3A_1639 = arith.andi %eq3A_1630, %eq3A_1638 : vector<256x128xi1>
    %eq3A_1640 = arith.constant 56 : i32
    %eq3A_1641 = vector.broadcast %eq3A_1640 : i32 to vector<256x128xi32>
    %eq3A_1642 = arith.cmpi eq, %iota3A, %eq3A_1641 : vector<256x128xi32>
    %broadcast_in_dim3A_1643 = vector.shape_cast %broadcast_in_dim3A_1628 : vector<256x1xf32> to vector<256x1xf32>
    %broadcast_in_dim3A_1644 = vector.broadcast %broadcast_in_dim3A_1643 : vector<256x1xf32> to vector<256x128xf32>
    %select_n3A_1645 = arith.select %eq3A_1642, %broadcast_in_dim3A_1644, %select_n3A_1616 : vector<256x128xi1>, vector<256x128xf32>
    %eq3A_1646 = arith.constant 56 : i32
    %eq3A_1647 = vector.broadcast %eq3A_1646 : i32 to vector<256x128xi32>
    %eq3A_1648 = arith.cmpi eq, %iota3A, %eq3A_1647 : vector<256x128xi32>
    %broadcast_in_dim3A_1649 = vector.shape_cast %broadcast_in_dim3A_1636 : vector<256x1xi32> to vector<256x1xi32>
    %broadcast_in_dim3A_1650 = vector.broadcast %broadcast_in_dim3A_1649 : vector<256x1xi32> to vector<256x128xi32>
    %select_n3A_1651 = arith.select %eq3A_1648, %broadcast_in_dim3A_1650, %select_n3A_1622 : vector<256x128xi1>, vector<256x128xi32>
    %jit3A_1652 = arith.constant -4.000000e+00 : f32
    %broadcast_in_dim3A_1653 = vector.broadcast %jit3A_1652 : f32 to vector<256x128xf32>
    %select_n3A_1654 = arith.select %and3A_1639, %broadcast_in_dim3A_1653, %select_n3A_1625 : vector<256x128xi1>, vector<256x128xf32>
    %reduce_max3A_1655 = arith.constant dense<0xFF800000> : vector<256xf32>
    %reduce_max3A_1656 = vector.multi_reduction <maximumf>, %select_n3A_1654, %reduce_max3A_1655 [1] : vector<256x128xf32> to vector<256xf32>
    %broadcast_in_dim3A_1657 = vector.shape_cast %reduce_max3A_1656 : vector<256xf32> to vector<256x1xf32>
    %eq3A_1658 = vector.broadcast %broadcast_in_dim3A_1657 : vector<256x1xf32> to vector<256x128xf32>
    %eq3A_1659 = arith.cmpf oeq, %select_n3A_1654, %eq3A_1658 : vector<256x128xf32>
    %jit3A_1660 = arith.constant 1073741824 : i32
    %broadcast_in_dim3A_1661 = vector.broadcast %jit3A_1660 : i32 to vector<256x128xi32>
    %select_n3A_1662 = arith.select %eq3A_1659, %get3A_4, %broadcast_in_dim3A_1661 : vector<256x128xi1>, vector<256x128xi32>
    %reduce_min3A_1663 = arith.constant dense<2147483647> : vector<256xi32>
    %reduce_min3A_1664 = vector.multi_reduction <minsi>, %select_n3A_1662, %reduce_min3A_1663 [1] : vector<256x128xi32> to vector<256xi32>
    %broadcast_in_dim3A_1665 = vector.shape_cast %reduce_min3A_1664 : vector<256xi32> to vector<256x1xi32>
    %eq3A_1666 = vector.broadcast %broadcast_in_dim3A_1665 : vector<256x1xi32> to vector<256x128xi32>
    %eq3A_1667 = arith.cmpi eq, %get3A_4, %eq3A_1666 : vector<256x128xi32>
    %and3A_1668 = arith.andi %eq3A_1659, %eq3A_1667 : vector<256x128xi1>
    %eq3A_1669 = arith.constant 57 : i32
    %eq3A_1670 = vector.broadcast %eq3A_1669 : i32 to vector<256x128xi32>
    %eq3A_1671 = arith.cmpi eq, %iota3A, %eq3A_1670 : vector<256x128xi32>
    %broadcast_in_dim3A_1672 = vector.shape_cast %broadcast_in_dim3A_1657 : vector<256x1xf32> to vector<256x1xf32>
    %broadcast_in_dim3A_1673 = vector.broadcast %broadcast_in_dim3A_1672 : vector<256x1xf32> to vector<256x128xf32>
    %select_n3A_1674 = arith.select %eq3A_1671, %broadcast_in_dim3A_1673, %select_n3A_1645 : vector<256x128xi1>, vector<256x128xf32>
    %eq3A_1675 = arith.constant 57 : i32
    %eq3A_1676 = vector.broadcast %eq3A_1675 : i32 to vector<256x128xi32>
    %eq3A_1677 = arith.cmpi eq, %iota3A, %eq3A_1676 : vector<256x128xi32>
    %broadcast_in_dim3A_1678 = vector.shape_cast %broadcast_in_dim3A_1665 : vector<256x1xi32> to vector<256x1xi32>
    %broadcast_in_dim3A_1679 = vector.broadcast %broadcast_in_dim3A_1678 : vector<256x1xi32> to vector<256x128xi32>
    %select_n3A_1680 = arith.select %eq3A_1677, %broadcast_in_dim3A_1679, %select_n3A_1651 : vector<256x128xi1>, vector<256x128xi32>
    %jit3A_1681 = arith.constant -4.000000e+00 : f32
    %broadcast_in_dim3A_1682 = vector.broadcast %jit3A_1681 : f32 to vector<256x128xf32>
    %select_n3A_1683 = arith.select %and3A_1668, %broadcast_in_dim3A_1682, %select_n3A_1654 : vector<256x128xi1>, vector<256x128xf32>
    %reduce_max3A_1684 = arith.constant dense<0xFF800000> : vector<256xf32>
    %reduce_max3A_1685 = vector.multi_reduction <maximumf>, %select_n3A_1683, %reduce_max3A_1684 [1] : vector<256x128xf32> to vector<256xf32>
    %broadcast_in_dim3A_1686 = vector.shape_cast %reduce_max3A_1685 : vector<256xf32> to vector<256x1xf32>
    %eq3A_1687 = vector.broadcast %broadcast_in_dim3A_1686 : vector<256x1xf32> to vector<256x128xf32>
    %eq3A_1688 = arith.cmpf oeq, %select_n3A_1683, %eq3A_1687 : vector<256x128xf32>
    %jit3A_1689 = arith.constant 1073741824 : i32
    %broadcast_in_dim3A_1690 = vector.broadcast %jit3A_1689 : i32 to vector<256x128xi32>
    %select_n3A_1691 = arith.select %eq3A_1688, %get3A_4, %broadcast_in_dim3A_1690 : vector<256x128xi1>, vector<256x128xi32>
    %reduce_min3A_1692 = arith.constant dense<2147483647> : vector<256xi32>
    %reduce_min3A_1693 = vector.multi_reduction <minsi>, %select_n3A_1691, %reduce_min3A_1692 [1] : vector<256x128xi32> to vector<256xi32>
    %broadcast_in_dim3A_1694 = vector.shape_cast %reduce_min3A_1693 : vector<256xi32> to vector<256x1xi32>
    %eq3A_1695 = vector.broadcast %broadcast_in_dim3A_1694 : vector<256x1xi32> to vector<256x128xi32>
    %eq3A_1696 = arith.cmpi eq, %get3A_4, %eq3A_1695 : vector<256x128xi32>
    %and3A_1697 = arith.andi %eq3A_1688, %eq3A_1696 : vector<256x128xi1>
    %eq3A_1698 = arith.constant 58 : i32
    %eq3A_1699 = vector.broadcast %eq3A_1698 : i32 to vector<256x128xi32>
    %eq3A_1700 = arith.cmpi eq, %iota3A, %eq3A_1699 : vector<256x128xi32>
    %broadcast_in_dim3A_1701 = vector.shape_cast %broadcast_in_dim3A_1686 : vector<256x1xf32> to vector<256x1xf32>
    %broadcast_in_dim3A_1702 = vector.broadcast %broadcast_in_dim3A_1701 : vector<256x1xf32> to vector<256x128xf32>
    %select_n3A_1703 = arith.select %eq3A_1700, %broadcast_in_dim3A_1702, %select_n3A_1674 : vector<256x128xi1>, vector<256x128xf32>
    %eq3A_1704 = arith.constant 58 : i32
    %eq3A_1705 = vector.broadcast %eq3A_1704 : i32 to vector<256x128xi32>
    %eq3A_1706 = arith.cmpi eq, %iota3A, %eq3A_1705 : vector<256x128xi32>
    %broadcast_in_dim3A_1707 = vector.shape_cast %broadcast_in_dim3A_1694 : vector<256x1xi32> to vector<256x1xi32>
    %broadcast_in_dim3A_1708 = vector.broadcast %broadcast_in_dim3A_1707 : vector<256x1xi32> to vector<256x128xi32>
    %select_n3A_1709 = arith.select %eq3A_1706, %broadcast_in_dim3A_1708, %select_n3A_1680 : vector<256x128xi1>, vector<256x128xi32>
    %jit3A_1710 = arith.constant -4.000000e+00 : f32
    %broadcast_in_dim3A_1711 = vector.broadcast %jit3A_1710 : f32 to vector<256x128xf32>
    %select_n3A_1712 = arith.select %and3A_1697, %broadcast_in_dim3A_1711, %select_n3A_1683 : vector<256x128xi1>, vector<256x128xf32>
    %reduce_max3A_1713 = arith.constant dense<0xFF800000> : vector<256xf32>
    %reduce_max3A_1714 = vector.multi_reduction <maximumf>, %select_n3A_1712, %reduce_max3A_1713 [1] : vector<256x128xf32> to vector<256xf32>
    %broadcast_in_dim3A_1715 = vector.shape_cast %reduce_max3A_1714 : vector<256xf32> to vector<256x1xf32>
    %eq3A_1716 = vector.broadcast %broadcast_in_dim3A_1715 : vector<256x1xf32> to vector<256x128xf32>
    %eq3A_1717 = arith.cmpf oeq, %select_n3A_1712, %eq3A_1716 : vector<256x128xf32>
    %jit3A_1718 = arith.constant 1073741824 : i32
    %broadcast_in_dim3A_1719 = vector.broadcast %jit3A_1718 : i32 to vector<256x128xi32>
    %select_n3A_1720 = arith.select %eq3A_1717, %get3A_4, %broadcast_in_dim3A_1719 : vector<256x128xi1>, vector<256x128xi32>
    %reduce_min3A_1721 = arith.constant dense<2147483647> : vector<256xi32>
    %reduce_min3A_1722 = vector.multi_reduction <minsi>, %select_n3A_1720, %reduce_min3A_1721 [1] : vector<256x128xi32> to vector<256xi32>
    %broadcast_in_dim3A_1723 = vector.shape_cast %reduce_min3A_1722 : vector<256xi32> to vector<256x1xi32>
    %eq3A_1724 = vector.broadcast %broadcast_in_dim3A_1723 : vector<256x1xi32> to vector<256x128xi32>
    %eq3A_1725 = arith.cmpi eq, %get3A_4, %eq3A_1724 : vector<256x128xi32>
    %and3A_1726 = arith.andi %eq3A_1717, %eq3A_1725 : vector<256x128xi1>
    %eq3A_1727 = arith.constant 59 : i32
    %eq3A_1728 = vector.broadcast %eq3A_1727 : i32 to vector<256x128xi32>
    %eq3A_1729 = arith.cmpi eq, %iota3A, %eq3A_1728 : vector<256x128xi32>
    %broadcast_in_dim3A_1730 = vector.shape_cast %broadcast_in_dim3A_1715 : vector<256x1xf32> to vector<256x1xf32>
    %broadcast_in_dim3A_1731 = vector.broadcast %broadcast_in_dim3A_1730 : vector<256x1xf32> to vector<256x128xf32>
    %select_n3A_1732 = arith.select %eq3A_1729, %broadcast_in_dim3A_1731, %select_n3A_1703 : vector<256x128xi1>, vector<256x128xf32>
    %eq3A_1733 = arith.constant 59 : i32
    %eq3A_1734 = vector.broadcast %eq3A_1733 : i32 to vector<256x128xi32>
    %eq3A_1735 = arith.cmpi eq, %iota3A, %eq3A_1734 : vector<256x128xi32>
    %broadcast_in_dim3A_1736 = vector.shape_cast %broadcast_in_dim3A_1723 : vector<256x1xi32> to vector<256x1xi32>
    %broadcast_in_dim3A_1737 = vector.broadcast %broadcast_in_dim3A_1736 : vector<256x1xi32> to vector<256x128xi32>
    %select_n3A_1738 = arith.select %eq3A_1735, %broadcast_in_dim3A_1737, %select_n3A_1709 : vector<256x128xi1>, vector<256x128xi32>
    %jit3A_1739 = arith.constant -4.000000e+00 : f32
    %broadcast_in_dim3A_1740 = vector.broadcast %jit3A_1739 : f32 to vector<256x128xf32>
    %select_n3A_1741 = arith.select %and3A_1726, %broadcast_in_dim3A_1740, %select_n3A_1712 : vector<256x128xi1>, vector<256x128xf32>
    %reduce_max3A_1742 = arith.constant dense<0xFF800000> : vector<256xf32>
    %reduce_max3A_1743 = vector.multi_reduction <maximumf>, %select_n3A_1741, %reduce_max3A_1742 [1] : vector<256x128xf32> to vector<256xf32>
    %broadcast_in_dim3A_1744 = vector.shape_cast %reduce_max3A_1743 : vector<256xf32> to vector<256x1xf32>
    %eq3A_1745 = vector.broadcast %broadcast_in_dim3A_1744 : vector<256x1xf32> to vector<256x128xf32>
    %eq3A_1746 = arith.cmpf oeq, %select_n3A_1741, %eq3A_1745 : vector<256x128xf32>
    %jit3A_1747 = arith.constant 1073741824 : i32
    %broadcast_in_dim3A_1748 = vector.broadcast %jit3A_1747 : i32 to vector<256x128xi32>
    %select_n3A_1749 = arith.select %eq3A_1746, %get3A_4, %broadcast_in_dim3A_1748 : vector<256x128xi1>, vector<256x128xi32>
    %reduce_min3A_1750 = arith.constant dense<2147483647> : vector<256xi32>
    %reduce_min3A_1751 = vector.multi_reduction <minsi>, %select_n3A_1749, %reduce_min3A_1750 [1] : vector<256x128xi32> to vector<256xi32>
    %broadcast_in_dim3A_1752 = vector.shape_cast %reduce_min3A_1751 : vector<256xi32> to vector<256x1xi32>
    %eq3A_1753 = vector.broadcast %broadcast_in_dim3A_1752 : vector<256x1xi32> to vector<256x128xi32>
    %eq3A_1754 = arith.cmpi eq, %get3A_4, %eq3A_1753 : vector<256x128xi32>
    %and3A_1755 = arith.andi %eq3A_1746, %eq3A_1754 : vector<256x128xi1>
    %eq3A_1756 = arith.constant 60 : i32
    %eq3A_1757 = vector.broadcast %eq3A_1756 : i32 to vector<256x128xi32>
    %eq3A_1758 = arith.cmpi eq, %iota3A, %eq3A_1757 : vector<256x128xi32>
    %broadcast_in_dim3A_1759 = vector.shape_cast %broadcast_in_dim3A_1744 : vector<256x1xf32> to vector<256x1xf32>
    %broadcast_in_dim3A_1760 = vector.broadcast %broadcast_in_dim3A_1759 : vector<256x1xf32> to vector<256x128xf32>
    %select_n3A_1761 = arith.select %eq3A_1758, %broadcast_in_dim3A_1760, %select_n3A_1732 : vector<256x128xi1>, vector<256x128xf32>
    %eq3A_1762 = arith.constant 60 : i32
    %eq3A_1763 = vector.broadcast %eq3A_1762 : i32 to vector<256x128xi32>
    %eq3A_1764 = arith.cmpi eq, %iota3A, %eq3A_1763 : vector<256x128xi32>
    %broadcast_in_dim3A_1765 = vector.shape_cast %broadcast_in_dim3A_1752 : vector<256x1xi32> to vector<256x1xi32>
    %broadcast_in_dim3A_1766 = vector.broadcast %broadcast_in_dim3A_1765 : vector<256x1xi32> to vector<256x128xi32>
    %select_n3A_1767 = arith.select %eq3A_1764, %broadcast_in_dim3A_1766, %select_n3A_1738 : vector<256x128xi1>, vector<256x128xi32>
    %jit3A_1768 = arith.constant -4.000000e+00 : f32
    %broadcast_in_dim3A_1769 = vector.broadcast %jit3A_1768 : f32 to vector<256x128xf32>
    %select_n3A_1770 = arith.select %and3A_1755, %broadcast_in_dim3A_1769, %select_n3A_1741 : vector<256x128xi1>, vector<256x128xf32>
    %reduce_max3A_1771 = arith.constant dense<0xFF800000> : vector<256xf32>
    %reduce_max3A_1772 = vector.multi_reduction <maximumf>, %select_n3A_1770, %reduce_max3A_1771 [1] : vector<256x128xf32> to vector<256xf32>
    %broadcast_in_dim3A_1773 = vector.shape_cast %reduce_max3A_1772 : vector<256xf32> to vector<256x1xf32>
    %eq3A_1774 = vector.broadcast %broadcast_in_dim3A_1773 : vector<256x1xf32> to vector<256x128xf32>
    %eq3A_1775 = arith.cmpf oeq, %select_n3A_1770, %eq3A_1774 : vector<256x128xf32>
    %jit3A_1776 = arith.constant 1073741824 : i32
    %broadcast_in_dim3A_1777 = vector.broadcast %jit3A_1776 : i32 to vector<256x128xi32>
    %select_n3A_1778 = arith.select %eq3A_1775, %get3A_4, %broadcast_in_dim3A_1777 : vector<256x128xi1>, vector<256x128xi32>
    %reduce_min3A_1779 = arith.constant dense<2147483647> : vector<256xi32>
    %reduce_min3A_1780 = vector.multi_reduction <minsi>, %select_n3A_1778, %reduce_min3A_1779 [1] : vector<256x128xi32> to vector<256xi32>
    %broadcast_in_dim3A_1781 = vector.shape_cast %reduce_min3A_1780 : vector<256xi32> to vector<256x1xi32>
    %eq3A_1782 = vector.broadcast %broadcast_in_dim3A_1781 : vector<256x1xi32> to vector<256x128xi32>
    %eq3A_1783 = arith.cmpi eq, %get3A_4, %eq3A_1782 : vector<256x128xi32>
    %and3A_1784 = arith.andi %eq3A_1775, %eq3A_1783 : vector<256x128xi1>
    %eq3A_1785 = arith.constant 61 : i32
    %eq3A_1786 = vector.broadcast %eq3A_1785 : i32 to vector<256x128xi32>
    %eq3A_1787 = arith.cmpi eq, %iota3A, %eq3A_1786 : vector<256x128xi32>
    %broadcast_in_dim3A_1788 = vector.shape_cast %broadcast_in_dim3A_1773 : vector<256x1xf32> to vector<256x1xf32>
    %broadcast_in_dim3A_1789 = vector.broadcast %broadcast_in_dim3A_1788 : vector<256x1xf32> to vector<256x128xf32>
    %select_n3A_1790 = arith.select %eq3A_1787, %broadcast_in_dim3A_1789, %select_n3A_1761 : vector<256x128xi1>, vector<256x128xf32>
    %eq3A_1791 = arith.constant 61 : i32
    %eq3A_1792 = vector.broadcast %eq3A_1791 : i32 to vector<256x128xi32>
    %eq3A_1793 = arith.cmpi eq, %iota3A, %eq3A_1792 : vector<256x128xi32>
    %broadcast_in_dim3A_1794 = vector.shape_cast %broadcast_in_dim3A_1781 : vector<256x1xi32> to vector<256x1xi32>
    %broadcast_in_dim3A_1795 = vector.broadcast %broadcast_in_dim3A_1794 : vector<256x1xi32> to vector<256x128xi32>
    %select_n3A_1796 = arith.select %eq3A_1793, %broadcast_in_dim3A_1795, %select_n3A_1767 : vector<256x128xi1>, vector<256x128xi32>
    %jit3A_1797 = arith.constant -4.000000e+00 : f32
    %broadcast_in_dim3A_1798 = vector.broadcast %jit3A_1797 : f32 to vector<256x128xf32>
    %select_n3A_1799 = arith.select %and3A_1784, %broadcast_in_dim3A_1798, %select_n3A_1770 : vector<256x128xi1>, vector<256x128xf32>
    %reduce_max3A_1800 = arith.constant dense<0xFF800000> : vector<256xf32>
    %reduce_max3A_1801 = vector.multi_reduction <maximumf>, %select_n3A_1799, %reduce_max3A_1800 [1] : vector<256x128xf32> to vector<256xf32>
    %broadcast_in_dim3A_1802 = vector.shape_cast %reduce_max3A_1801 : vector<256xf32> to vector<256x1xf32>
    %eq3A_1803 = vector.broadcast %broadcast_in_dim3A_1802 : vector<256x1xf32> to vector<256x128xf32>
    %eq3A_1804 = arith.cmpf oeq, %select_n3A_1799, %eq3A_1803 : vector<256x128xf32>
    %jit3A_1805 = arith.constant 1073741824 : i32
    %broadcast_in_dim3A_1806 = vector.broadcast %jit3A_1805 : i32 to vector<256x128xi32>
    %select_n3A_1807 = arith.select %eq3A_1804, %get3A_4, %broadcast_in_dim3A_1806 : vector<256x128xi1>, vector<256x128xi32>
    %reduce_min3A_1808 = arith.constant dense<2147483647> : vector<256xi32>
    %reduce_min3A_1809 = vector.multi_reduction <minsi>, %select_n3A_1807, %reduce_min3A_1808 [1] : vector<256x128xi32> to vector<256xi32>
    %broadcast_in_dim3A_1810 = vector.shape_cast %reduce_min3A_1809 : vector<256xi32> to vector<256x1xi32>
    %eq3A_1811 = vector.broadcast %broadcast_in_dim3A_1810 : vector<256x1xi32> to vector<256x128xi32>
    %eq3A_1812 = arith.cmpi eq, %get3A_4, %eq3A_1811 : vector<256x128xi32>
    %and3A_1813 = arith.andi %eq3A_1804, %eq3A_1812 : vector<256x128xi1>
    %eq3A_1814 = arith.constant 62 : i32
    %eq3A_1815 = vector.broadcast %eq3A_1814 : i32 to vector<256x128xi32>
    %eq3A_1816 = arith.cmpi eq, %iota3A, %eq3A_1815 : vector<256x128xi32>
    %broadcast_in_dim3A_1817 = vector.shape_cast %broadcast_in_dim3A_1802 : vector<256x1xf32> to vector<256x1xf32>
    %broadcast_in_dim3A_1818 = vector.broadcast %broadcast_in_dim3A_1817 : vector<256x1xf32> to vector<256x128xf32>
    %select_n3A_1819 = arith.select %eq3A_1816, %broadcast_in_dim3A_1818, %select_n3A_1790 : vector<256x128xi1>, vector<256x128xf32>
    %eq3A_1820 = arith.constant 62 : i32
    %eq3A_1821 = vector.broadcast %eq3A_1820 : i32 to vector<256x128xi32>
    %eq3A_1822 = arith.cmpi eq, %iota3A, %eq3A_1821 : vector<256x128xi32>
    %broadcast_in_dim3A_1823 = vector.shape_cast %broadcast_in_dim3A_1810 : vector<256x1xi32> to vector<256x1xi32>
    %broadcast_in_dim3A_1824 = vector.broadcast %broadcast_in_dim3A_1823 : vector<256x1xi32> to vector<256x128xi32>
    %select_n3A_1825 = arith.select %eq3A_1822, %broadcast_in_dim3A_1824, %select_n3A_1796 : vector<256x128xi1>, vector<256x128xi32>
    %jit3A_1826 = arith.constant -4.000000e+00 : f32
    %broadcast_in_dim3A_1827 = vector.broadcast %jit3A_1826 : f32 to vector<256x128xf32>
    %select_n3A_1828 = arith.select %and3A_1813, %broadcast_in_dim3A_1827, %select_n3A_1799 : vector<256x128xi1>, vector<256x128xf32>
    %reduce_max3A_1829 = arith.constant dense<0xFF800000> : vector<256xf32>
    %reduce_max3A_1830 = vector.multi_reduction <maximumf>, %select_n3A_1828, %reduce_max3A_1829 [1] : vector<256x128xf32> to vector<256xf32>
    %broadcast_in_dim3A_1831 = vector.shape_cast %reduce_max3A_1830 : vector<256xf32> to vector<256x1xf32>
    %eq3A_1832 = vector.broadcast %broadcast_in_dim3A_1831 : vector<256x1xf32> to vector<256x128xf32>
    %eq3A_1833 = arith.cmpf oeq, %select_n3A_1828, %eq3A_1832 : vector<256x128xf32>
    %jit3A_1834 = arith.constant 1073741824 : i32
    %broadcast_in_dim3A_1835 = vector.broadcast %jit3A_1834 : i32 to vector<256x128xi32>
    %select_n3A_1836 = arith.select %eq3A_1833, %get3A_4, %broadcast_in_dim3A_1835 : vector<256x128xi1>, vector<256x128xi32>
    %reduce_min3A_1837 = arith.constant dense<2147483647> : vector<256xi32>
    %reduce_min3A_1838 = vector.multi_reduction <minsi>, %select_n3A_1836, %reduce_min3A_1837 [1] : vector<256x128xi32> to vector<256xi32>
    %broadcast_in_dim3A_1839 = vector.shape_cast %reduce_min3A_1838 : vector<256xi32> to vector<256x1xi32>
    %eq3A_1840 = vector.broadcast %broadcast_in_dim3A_1839 : vector<256x1xi32> to vector<256x128xi32>
    %eq3A_1841 = arith.cmpi eq, %get3A_4, %eq3A_1840 : vector<256x128xi32>
    %and3A_1842 = arith.andi %eq3A_1833, %eq3A_1841 : vector<256x128xi1>
    %eq3A_1843 = arith.constant 63 : i32
    %eq3A_1844 = vector.broadcast %eq3A_1843 : i32 to vector<256x128xi32>
    %eq3A_1845 = arith.cmpi eq, %iota3A, %eq3A_1844 : vector<256x128xi32>
    %broadcast_in_dim3A_1846 = vector.shape_cast %broadcast_in_dim3A_1831 : vector<256x1xf32> to vector<256x1xf32>
    %broadcast_in_dim3A_1847 = vector.broadcast %broadcast_in_dim3A_1846 : vector<256x1xf32> to vector<256x128xf32>
    %select_n3A_1848 = arith.select %eq3A_1845, %broadcast_in_dim3A_1847, %select_n3A_1819 : vector<256x128xi1>, vector<256x128xf32>
    %eq3A_1849 = arith.constant 63 : i32
    %eq3A_1850 = vector.broadcast %eq3A_1849 : i32 to vector<256x128xi32>
    %eq3A_1851 = arith.cmpi eq, %iota3A, %eq3A_1850 : vector<256x128xi32>
    %broadcast_in_dim3A_1852 = vector.shape_cast %broadcast_in_dim3A_1839 : vector<256x1xi32> to vector<256x1xi32>
    %broadcast_in_dim3A_1853 = vector.broadcast %broadcast_in_dim3A_1852 : vector<256x1xi32> to vector<256x128xi32>
    %select_n3A_1854 = arith.select %eq3A_1851, %broadcast_in_dim3A_1853, %select_n3A_1825 : vector<256x128xi1>, vector<256x128xi32>
    %jit3A_1855 = arith.constant -4.000000e+00 : f32
    %broadcast_in_dim3A_1856 = vector.broadcast %jit3A_1855 : f32 to vector<256x128xf32>
    %select_n3A_1857 = arith.select %and3A_1842, %broadcast_in_dim3A_1856, %select_n3A_1828 : vector<256x128xi1>, vector<256x128xf32>
    %reduce_max3A_1858 = arith.constant dense<0xFF800000> : vector<256xf32>
    %reduce_max3A_1859 = vector.multi_reduction <maximumf>, %select_n3A_1857, %reduce_max3A_1858 [1] : vector<256x128xf32> to vector<256xf32>
    %broadcast_in_dim3A_1860 = vector.shape_cast %reduce_max3A_1859 : vector<256xf32> to vector<256x1xf32>
    %eq3A_1861 = vector.broadcast %broadcast_in_dim3A_1860 : vector<256x1xf32> to vector<256x128xf32>
    %eq3A_1862 = arith.cmpf oeq, %select_n3A_1857, %eq3A_1861 : vector<256x128xf32>
    %jit3A_1863 = arith.constant 1073741824 : i32
    %broadcast_in_dim3A_1864 = vector.broadcast %jit3A_1863 : i32 to vector<256x128xi32>
    %select_n3A_1865 = arith.select %eq3A_1862, %get3A_4, %broadcast_in_dim3A_1864 : vector<256x128xi1>, vector<256x128xi32>
    %reduce_min3A_1866 = arith.constant dense<2147483647> : vector<256xi32>
    %reduce_min3A_1867 = vector.multi_reduction <minsi>, %select_n3A_1865, %reduce_min3A_1866 [1] : vector<256x128xi32> to vector<256xi32>
    %broadcast_in_dim3A_1868 = vector.shape_cast %reduce_min3A_1867 : vector<256xi32> to vector<256x1xi32>
    %eq3A_1869 = vector.broadcast %broadcast_in_dim3A_1868 : vector<256x1xi32> to vector<256x128xi32>
    %eq3A_1870 = arith.cmpi eq, %get3A_4, %eq3A_1869 : vector<256x128xi32>
    %and3A_1871 = arith.andi %eq3A_1862, %eq3A_1870 : vector<256x128xi1>
    %eq3A_1872 = arith.constant 64 : i32
    %eq3A_1873 = vector.broadcast %eq3A_1872 : i32 to vector<256x128xi32>
    %eq3A_1874 = arith.cmpi eq, %iota3A, %eq3A_1873 : vector<256x128xi32>
    %broadcast_in_dim3A_1875 = vector.shape_cast %broadcast_in_dim3A_1860 : vector<256x1xf32> to vector<256x1xf32>
    %broadcast_in_dim3A_1876 = vector.broadcast %broadcast_in_dim3A_1875 : vector<256x1xf32> to vector<256x128xf32>
    %select_n3A_1877 = arith.select %eq3A_1874, %broadcast_in_dim3A_1876, %select_n3A_1848 : vector<256x128xi1>, vector<256x128xf32>
    %eq3A_1878 = arith.constant 64 : i32
    %eq3A_1879 = vector.broadcast %eq3A_1878 : i32 to vector<256x128xi32>
    %eq3A_1880 = arith.cmpi eq, %iota3A, %eq3A_1879 : vector<256x128xi32>
    %broadcast_in_dim3A_1881 = vector.shape_cast %broadcast_in_dim3A_1868 : vector<256x1xi32> to vector<256x1xi32>
    %broadcast_in_dim3A_1882 = vector.broadcast %broadcast_in_dim3A_1881 : vector<256x1xi32> to vector<256x128xi32>
    %select_n3A_1883 = arith.select %eq3A_1880, %broadcast_in_dim3A_1882, %select_n3A_1854 : vector<256x128xi1>, vector<256x128xi32>
    %jit3A_1884 = arith.constant -4.000000e+00 : f32
    %broadcast_in_dim3A_1885 = vector.broadcast %jit3A_1884 : f32 to vector<256x128xf32>
    %select_n3A_1886 = arith.select %and3A_1871, %broadcast_in_dim3A_1885, %select_n3A_1857 : vector<256x128xi1>, vector<256x128xf32>
    %reduce_max3A_1887 = arith.constant dense<0xFF800000> : vector<256xf32>
    %reduce_max3A_1888 = vector.multi_reduction <maximumf>, %select_n3A_1886, %reduce_max3A_1887 [1] : vector<256x128xf32> to vector<256xf32>
    %broadcast_in_dim3A_1889 = vector.shape_cast %reduce_max3A_1888 : vector<256xf32> to vector<256x1xf32>
    %eq3A_1890 = vector.broadcast %broadcast_in_dim3A_1889 : vector<256x1xf32> to vector<256x128xf32>
    %eq3A_1891 = arith.cmpf oeq, %select_n3A_1886, %eq3A_1890 : vector<256x128xf32>
    %jit3A_1892 = arith.constant 1073741824 : i32
    %broadcast_in_dim3A_1893 = vector.broadcast %jit3A_1892 : i32 to vector<256x128xi32>
    %select_n3A_1894 = arith.select %eq3A_1891, %get3A_4, %broadcast_in_dim3A_1893 : vector<256x128xi1>, vector<256x128xi32>
    %reduce_min3A_1895 = arith.constant dense<2147483647> : vector<256xi32>
    %reduce_min3A_1896 = vector.multi_reduction <minsi>, %select_n3A_1894, %reduce_min3A_1895 [1] : vector<256x128xi32> to vector<256xi32>
    %broadcast_in_dim3A_1897 = vector.shape_cast %reduce_min3A_1896 : vector<256xi32> to vector<256x1xi32>
    %eq3A_1898 = vector.broadcast %broadcast_in_dim3A_1897 : vector<256x1xi32> to vector<256x128xi32>
    %eq3A_1899 = arith.cmpi eq, %get3A_4, %eq3A_1898 : vector<256x128xi32>
    %and3A_1900 = arith.andi %eq3A_1891, %eq3A_1899 : vector<256x128xi1>
    %eq3A_1901 = arith.constant 65 : i32
    %eq3A_1902 = vector.broadcast %eq3A_1901 : i32 to vector<256x128xi32>
    %eq3A_1903 = arith.cmpi eq, %iota3A, %eq3A_1902 : vector<256x128xi32>
    %broadcast_in_dim3A_1904 = vector.shape_cast %broadcast_in_dim3A_1889 : vector<256x1xf32> to vector<256x1xf32>
    %broadcast_in_dim3A_1905 = vector.broadcast %broadcast_in_dim3A_1904 : vector<256x1xf32> to vector<256x128xf32>
    %select_n3A_1906 = arith.select %eq3A_1903, %broadcast_in_dim3A_1905, %select_n3A_1877 : vector<256x128xi1>, vector<256x128xf32>
    %eq3A_1907 = arith.constant 65 : i32
    %eq3A_1908 = vector.broadcast %eq3A_1907 : i32 to vector<256x128xi32>
    %eq3A_1909 = arith.cmpi eq, %iota3A, %eq3A_1908 : vector<256x128xi32>
    %broadcast_in_dim3A_1910 = vector.shape_cast %broadcast_in_dim3A_1897 : vector<256x1xi32> to vector<256x1xi32>
    %broadcast_in_dim3A_1911 = vector.broadcast %broadcast_in_dim3A_1910 : vector<256x1xi32> to vector<256x128xi32>
    %select_n3A_1912 = arith.select %eq3A_1909, %broadcast_in_dim3A_1911, %select_n3A_1883 : vector<256x128xi1>, vector<256x128xi32>
    %jit3A_1913 = arith.constant -4.000000e+00 : f32
    %broadcast_in_dim3A_1914 = vector.broadcast %jit3A_1913 : f32 to vector<256x128xf32>
    %select_n3A_1915 = arith.select %and3A_1900, %broadcast_in_dim3A_1914, %select_n3A_1886 : vector<256x128xi1>, vector<256x128xf32>
    %reduce_max3A_1916 = arith.constant dense<0xFF800000> : vector<256xf32>
    %reduce_max3A_1917 = vector.multi_reduction <maximumf>, %select_n3A_1915, %reduce_max3A_1916 [1] : vector<256x128xf32> to vector<256xf32>
    %broadcast_in_dim3A_1918 = vector.shape_cast %reduce_max3A_1917 : vector<256xf32> to vector<256x1xf32>
    %eq3A_1919 = vector.broadcast %broadcast_in_dim3A_1918 : vector<256x1xf32> to vector<256x128xf32>
    %eq3A_1920 = arith.cmpf oeq, %select_n3A_1915, %eq3A_1919 : vector<256x128xf32>
    %jit3A_1921 = arith.constant 1073741824 : i32
    %broadcast_in_dim3A_1922 = vector.broadcast %jit3A_1921 : i32 to vector<256x128xi32>
    %select_n3A_1923 = arith.select %eq3A_1920, %get3A_4, %broadcast_in_dim3A_1922 : vector<256x128xi1>, vector<256x128xi32>
    %reduce_min3A_1924 = arith.constant dense<2147483647> : vector<256xi32>
    %reduce_min3A_1925 = vector.multi_reduction <minsi>, %select_n3A_1923, %reduce_min3A_1924 [1] : vector<256x128xi32> to vector<256xi32>
    %broadcast_in_dim3A_1926 = vector.shape_cast %reduce_min3A_1925 : vector<256xi32> to vector<256x1xi32>
    %eq3A_1927 = vector.broadcast %broadcast_in_dim3A_1926 : vector<256x1xi32> to vector<256x128xi32>
    %eq3A_1928 = arith.cmpi eq, %get3A_4, %eq3A_1927 : vector<256x128xi32>
    %and3A_1929 = arith.andi %eq3A_1920, %eq3A_1928 : vector<256x128xi1>
    %eq3A_1930 = arith.constant 66 : i32
    %eq3A_1931 = vector.broadcast %eq3A_1930 : i32 to vector<256x128xi32>
    %eq3A_1932 = arith.cmpi eq, %iota3A, %eq3A_1931 : vector<256x128xi32>
    %broadcast_in_dim3A_1933 = vector.shape_cast %broadcast_in_dim3A_1918 : vector<256x1xf32> to vector<256x1xf32>
    %broadcast_in_dim3A_1934 = vector.broadcast %broadcast_in_dim3A_1933 : vector<256x1xf32> to vector<256x128xf32>
    %select_n3A_1935 = arith.select %eq3A_1932, %broadcast_in_dim3A_1934, %select_n3A_1906 : vector<256x128xi1>, vector<256x128xf32>
    %eq3A_1936 = arith.constant 66 : i32
    %eq3A_1937 = vector.broadcast %eq3A_1936 : i32 to vector<256x128xi32>
    %eq3A_1938 = arith.cmpi eq, %iota3A, %eq3A_1937 : vector<256x128xi32>
    %broadcast_in_dim3A_1939 = vector.shape_cast %broadcast_in_dim3A_1926 : vector<256x1xi32> to vector<256x1xi32>
    %broadcast_in_dim3A_1940 = vector.broadcast %broadcast_in_dim3A_1939 : vector<256x1xi32> to vector<256x128xi32>
    %select_n3A_1941 = arith.select %eq3A_1938, %broadcast_in_dim3A_1940, %select_n3A_1912 : vector<256x128xi1>, vector<256x128xi32>
    %jit3A_1942 = arith.constant -4.000000e+00 : f32
    %broadcast_in_dim3A_1943 = vector.broadcast %jit3A_1942 : f32 to vector<256x128xf32>
    %select_n3A_1944 = arith.select %and3A_1929, %broadcast_in_dim3A_1943, %select_n3A_1915 : vector<256x128xi1>, vector<256x128xf32>
    %reduce_max3A_1945 = arith.constant dense<0xFF800000> : vector<256xf32>
    %reduce_max3A_1946 = vector.multi_reduction <maximumf>, %select_n3A_1944, %reduce_max3A_1945 [1] : vector<256x128xf32> to vector<256xf32>
    %broadcast_in_dim3A_1947 = vector.shape_cast %reduce_max3A_1946 : vector<256xf32> to vector<256x1xf32>
    %eq3A_1948 = vector.broadcast %broadcast_in_dim3A_1947 : vector<256x1xf32> to vector<256x128xf32>
    %eq3A_1949 = arith.cmpf oeq, %select_n3A_1944, %eq3A_1948 : vector<256x128xf32>
    %jit3A_1950 = arith.constant 1073741824 : i32
    %broadcast_in_dim3A_1951 = vector.broadcast %jit3A_1950 : i32 to vector<256x128xi32>
    %select_n3A_1952 = arith.select %eq3A_1949, %get3A_4, %broadcast_in_dim3A_1951 : vector<256x128xi1>, vector<256x128xi32>
    %reduce_min3A_1953 = arith.constant dense<2147483647> : vector<256xi32>
    %reduce_min3A_1954 = vector.multi_reduction <minsi>, %select_n3A_1952, %reduce_min3A_1953 [1] : vector<256x128xi32> to vector<256xi32>
    %broadcast_in_dim3A_1955 = vector.shape_cast %reduce_min3A_1954 : vector<256xi32> to vector<256x1xi32>
    %eq3A_1956 = vector.broadcast %broadcast_in_dim3A_1955 : vector<256x1xi32> to vector<256x128xi32>
    %eq3A_1957 = arith.cmpi eq, %get3A_4, %eq3A_1956 : vector<256x128xi32>
    %and3A_1958 = arith.andi %eq3A_1949, %eq3A_1957 : vector<256x128xi1>
    %eq3A_1959 = arith.constant 67 : i32
    %eq3A_1960 = vector.broadcast %eq3A_1959 : i32 to vector<256x128xi32>
    %eq3A_1961 = arith.cmpi eq, %iota3A, %eq3A_1960 : vector<256x128xi32>
    %broadcast_in_dim3A_1962 = vector.shape_cast %broadcast_in_dim3A_1947 : vector<256x1xf32> to vector<256x1xf32>
    %broadcast_in_dim3A_1963 = vector.broadcast %broadcast_in_dim3A_1962 : vector<256x1xf32> to vector<256x128xf32>
    %select_n3A_1964 = arith.select %eq3A_1961, %broadcast_in_dim3A_1963, %select_n3A_1935 : vector<256x128xi1>, vector<256x128xf32>
    %eq3A_1965 = arith.constant 67 : i32
    %eq3A_1966 = vector.broadcast %eq3A_1965 : i32 to vector<256x128xi32>
    %eq3A_1967 = arith.cmpi eq, %iota3A, %eq3A_1966 : vector<256x128xi32>
    %broadcast_in_dim3A_1968 = vector.shape_cast %broadcast_in_dim3A_1955 : vector<256x1xi32> to vector<256x1xi32>
    %broadcast_in_dim3A_1969 = vector.broadcast %broadcast_in_dim3A_1968 : vector<256x1xi32> to vector<256x128xi32>
    %select_n3A_1970 = arith.select %eq3A_1967, %broadcast_in_dim3A_1969, %select_n3A_1941 : vector<256x128xi1>, vector<256x128xi32>
    %jit3A_1971 = arith.constant -4.000000e+00 : f32
    %broadcast_in_dim3A_1972 = vector.broadcast %jit3A_1971 : f32 to vector<256x128xf32>
    %select_n3A_1973 = arith.select %and3A_1958, %broadcast_in_dim3A_1972, %select_n3A_1944 : vector<256x128xi1>, vector<256x128xf32>
    %reduce_max3A_1974 = arith.constant dense<0xFF800000> : vector<256xf32>
    %reduce_max3A_1975 = vector.multi_reduction <maximumf>, %select_n3A_1973, %reduce_max3A_1974 [1] : vector<256x128xf32> to vector<256xf32>
    %broadcast_in_dim3A_1976 = vector.shape_cast %reduce_max3A_1975 : vector<256xf32> to vector<256x1xf32>
    %eq3A_1977 = vector.broadcast %broadcast_in_dim3A_1976 : vector<256x1xf32> to vector<256x128xf32>
    %eq3A_1978 = arith.cmpf oeq, %select_n3A_1973, %eq3A_1977 : vector<256x128xf32>
    %jit3A_1979 = arith.constant 1073741824 : i32
    %broadcast_in_dim3A_1980 = vector.broadcast %jit3A_1979 : i32 to vector<256x128xi32>
    %select_n3A_1981 = arith.select %eq3A_1978, %get3A_4, %broadcast_in_dim3A_1980 : vector<256x128xi1>, vector<256x128xi32>
    %reduce_min3A_1982 = arith.constant dense<2147483647> : vector<256xi32>
    %reduce_min3A_1983 = vector.multi_reduction <minsi>, %select_n3A_1981, %reduce_min3A_1982 [1] : vector<256x128xi32> to vector<256xi32>
    %broadcast_in_dim3A_1984 = vector.shape_cast %reduce_min3A_1983 : vector<256xi32> to vector<256x1xi32>
    %eq3A_1985 = vector.broadcast %broadcast_in_dim3A_1984 : vector<256x1xi32> to vector<256x128xi32>
    %eq3A_1986 = arith.cmpi eq, %get3A_4, %eq3A_1985 : vector<256x128xi32>
    %and3A_1987 = arith.andi %eq3A_1978, %eq3A_1986 : vector<256x128xi1>
    %eq3A_1988 = arith.constant 68 : i32
    %eq3A_1989 = vector.broadcast %eq3A_1988 : i32 to vector<256x128xi32>
    %eq3A_1990 = arith.cmpi eq, %iota3A, %eq3A_1989 : vector<256x128xi32>
    %broadcast_in_dim3A_1991 = vector.shape_cast %broadcast_in_dim3A_1976 : vector<256x1xf32> to vector<256x1xf32>
    %broadcast_in_dim3A_1992 = vector.broadcast %broadcast_in_dim3A_1991 : vector<256x1xf32> to vector<256x128xf32>
    %select_n3A_1993 = arith.select %eq3A_1990, %broadcast_in_dim3A_1992, %select_n3A_1964 : vector<256x128xi1>, vector<256x128xf32>
    %eq3A_1994 = arith.constant 68 : i32
    %eq3A_1995 = vector.broadcast %eq3A_1994 : i32 to vector<256x128xi32>
    %eq3A_1996 = arith.cmpi eq, %iota3A, %eq3A_1995 : vector<256x128xi32>
    %broadcast_in_dim3A_1997 = vector.shape_cast %broadcast_in_dim3A_1984 : vector<256x1xi32> to vector<256x1xi32>
    %broadcast_in_dim3A_1998 = vector.broadcast %broadcast_in_dim3A_1997 : vector<256x1xi32> to vector<256x128xi32>
    %select_n3A_1999 = arith.select %eq3A_1996, %broadcast_in_dim3A_1998, %select_n3A_1970 : vector<256x128xi1>, vector<256x128xi32>
    %jit3A_2000 = arith.constant -4.000000e+00 : f32
    %broadcast_in_dim3A_2001 = vector.broadcast %jit3A_2000 : f32 to vector<256x128xf32>
    %select_n3A_2002 = arith.select %and3A_1987, %broadcast_in_dim3A_2001, %select_n3A_1973 : vector<256x128xi1>, vector<256x128xf32>
    %reduce_max3A_2003 = arith.constant dense<0xFF800000> : vector<256xf32>
    %reduce_max3A_2004 = vector.multi_reduction <maximumf>, %select_n3A_2002, %reduce_max3A_2003 [1] : vector<256x128xf32> to vector<256xf32>
    %broadcast_in_dim3A_2005 = vector.shape_cast %reduce_max3A_2004 : vector<256xf32> to vector<256x1xf32>
    %eq3A_2006 = vector.broadcast %broadcast_in_dim3A_2005 : vector<256x1xf32> to vector<256x128xf32>
    %eq3A_2007 = arith.cmpf oeq, %select_n3A_2002, %eq3A_2006 : vector<256x128xf32>
    %jit3A_2008 = arith.constant 1073741824 : i32
    %broadcast_in_dim3A_2009 = vector.broadcast %jit3A_2008 : i32 to vector<256x128xi32>
    %select_n3A_2010 = arith.select %eq3A_2007, %get3A_4, %broadcast_in_dim3A_2009 : vector<256x128xi1>, vector<256x128xi32>
    %reduce_min3A_2011 = arith.constant dense<2147483647> : vector<256xi32>
    %reduce_min3A_2012 = vector.multi_reduction <minsi>, %select_n3A_2010, %reduce_min3A_2011 [1] : vector<256x128xi32> to vector<256xi32>
    %broadcast_in_dim3A_2013 = vector.shape_cast %reduce_min3A_2012 : vector<256xi32> to vector<256x1xi32>
    %eq3A_2014 = arith.constant 69 : i32
    %eq3A_2015 = vector.broadcast %eq3A_2014 : i32 to vector<256x128xi32>
    %eq3A_2016 = arith.cmpi eq, %iota3A, %eq3A_2015 : vector<256x128xi32>
    %broadcast_in_dim3A_2017 = vector.shape_cast %broadcast_in_dim3A_2005 : vector<256x1xf32> to vector<256x1xf32>
    %broadcast_in_dim3A_2018 = vector.broadcast %broadcast_in_dim3A_2017 : vector<256x1xf32> to vector<256x128xf32>
    %select_n3A_2019 = arith.select %eq3A_2016, %broadcast_in_dim3A_2018, %select_n3A_1993 : vector<256x128xi1>, vector<256x128xf32>
    %eq3A_2020 = arith.constant 69 : i32
    %eq3A_2021 = vector.broadcast %eq3A_2020 : i32 to vector<256x128xi32>
    %eq3A_2022 = arith.cmpi eq, %iota3A, %eq3A_2021 : vector<256x128xi32>
    %broadcast_in_dim3A_2023 = vector.shape_cast %broadcast_in_dim3A_2013 : vector<256x1xi32> to vector<256x1xi32>
    %broadcast_in_dim3A_2024 = vector.broadcast %broadcast_in_dim3A_2023 : vector<256x1xi32> to vector<256x128xi32>
    %select_n3A_2025 = arith.select %eq3A_2022, %broadcast_in_dim3A_2024, %select_n3A_1999 : vector<256x128xi1>, vector<256x128xi32>
    %get3A_2026 = arith.constant 0 : index
    %get3A_2027 = arith.constant 0 : index
    %get3A_2028 = vector.load %arg3[%get3A_2026, %get3A_2027] : memref<256x128xf32, #tpu.memory_space<vmem>>, vector<256x128xf32>
    %lt3A = arith.constant 70 : i32
    %lt3A_2029 = vector.broadcast %lt3A : i32 to vector<256x128xi32>
    %lt3A_2030 = arith.cmpi slt, %iota3A, %lt3A_2029 : vector<256x128xi32>
    %add3A = arith.addf %select_n3A_2019, %get3A_2028 : vector<256x128xf32>
    %div3A = arith.constant 1.000000e-01 : f32
    %div3A_2031 = vector.broadcast %div3A : f32 to vector<256x128xf32>
    %div3A_2032 = arith.divf %add3A, %div3A_2031 : vector<256x128xf32>
    %jit3A_2033 = arith.constant -1.000000e+30 : f32
    %broadcast_in_dim3A_2034 = vector.broadcast %jit3A_2033 : f32 to vector<256x128xf32>
    %select_n3A_2035 = arith.select %lt3A_2030, %div3A_2032, %broadcast_in_dim3A_2034 : vector<256x128xi1>, vector<256x128xf32>
    %reduce_max3A_2036 = arith.constant dense<0xFF800000> : vector<256xf32>
    %reduce_max3A_2037 = vector.multi_reduction <maximumf>, %select_n3A_2035, %reduce_max3A_2036 [1] : vector<256x128xf32> to vector<256xf32>
    %broadcast_in_dim3A_2038 = vector.shape_cast %reduce_max3A_2037 : vector<256xf32> to vector<256x1xf32>
    %sub3A = vector.broadcast %broadcast_in_dim3A_2038 : vector<256x1xf32> to vector<256x128xf32>
    %sub3A_2039 = arith.subf %select_n3A_2035, %sub3A : vector<256x128xf32>
    %exp3A = math.exp %sub3A_2039 : vector<256x128xf32>
    %reduce_sum3A = arith.constant dense<0.000000e+00> : vector<256xf32>
    %reduce_sum3A_2040 = vector.multi_reduction <add>, %exp3A, %reduce_sum3A [1] : vector<256x128xf32> to vector<256xf32>
    %broadcast_in_dim3A_2041 = vector.shape_cast %reduce_sum3A_2040 : vector<256xf32> to vector<256x1xf32>
    %div3A_2042 = vector.broadcast %broadcast_in_dim3A_2041 : vector<256x1xf32> to vector<256x128xf32>
    %div3A_2043 = arith.divf %exp3A, %div3A_2042 : vector<256x128xf32>
    %swap3A = arith.constant 0 : index
    %swap3A_2044 = arith.constant 0 : index
    %swap3A_2045 = vector.load %arg4[%swap3A, %swap3A_2044] : memref<256x128xf32, #tpu.memory_space<vmem>>, vector<256x128xf32>
    tpu.vector_store %arg4[%swap3A, %swap3A_2044], %div3A_2043 {strides = array<i32>} : memref<256x128xf32, #tpu.memory_space<vmem>>, vector<256x128xf32>,
    %swap3A_2046 = arith.constant 0 : index
    %swap3A_2047 = arith.constant 0 : index
    %swap3A_2048 = vector.load %arg5[%swap3A_2046, %swap3A_2047] : memref<256x128xi32, #tpu.memory_space<vmem>>, vector<256x128xi32>
    tpu.vector_store %arg5[%swap3A_2046, %swap3A_2047], %select_n3A_2025 {strides = array<i32>} : memref<256x128xi32, #tpu.memory_space<vmem>>, vector<256x128xi32>,
    return
  }
  func.func @transform_0(%arg0: i32) -> (i32, i32) {
    %c0_i32 = arith.constant 0 : i32
    %c0_i32_0 = arith.constant 0 : i32
    return %arg0, %c0_i32 : i32, i32
  }
  func.func @transform_1(%arg0: i32) -> (i32, i32) {
    %c0_i32 = arith.constant 0 : i32
    %c0_i32_0 = arith.constant 0 : i32
    return %arg0, %c0_i32 : i32, i32
  }
  func.func @transform_2(%arg0: i32) -> (i32, i32) {
    %c0_i32 = arith.constant 0 : i32
    %c0_i32_0 = arith.constant 0 : i32
    return %arg0, %c0_i32 : i32, i32
  }
  func.func @transform_3(%arg0: i32) -> (i32, i32) {
    %c0_i32 = arith.constant 0 : i32
    %c0_i32_0 = arith.constant 0 : i32
    return %arg0, %c0_i32 : i32, i32
  }
  func.func @transform_4(%arg0: i32) -> (i32, i32) {
    %c0_i32 = arith.constant 0 : i32
    %c0_i32_0 = arith.constant 0 : i32
    return %arg0, %c0_i32 : i32, i32
  }
}

</mosaic_0001>

<sc_bundles>
// kernel: kernel.10.cloned.1.call-start
scs
__scs_entry_jumppad:
0x0: {  	(pc) =	sbr.rel $0x88, $3  }
0x1: {  	(tag) =	ssettag $0x0;
	lr =	simm.s32 $0x1  }
0x2: {  	[smem:$0x3F9E] =	sst lr;
	_ =	strace $0xD0000000  }
0x3: {  	_ = 	snop  }
0x4: {  	_ = 	snop  }
0x5: {  	_ = 	snop  }
0x6: {  	_ = 	snop  }
0x7: {  	_ = 	snop  }
__scs_overlays_trampoline_lowered:
0x8: {  	[smem:$0x3FAD] =	sst s0  }
0x9: {  	[smem:$0x3FAE] =	sst s1  }
0xa: {  	[smem:$0x3FAF] =	sst s2  }
0xb: {  	[smem:$0x3FB0] =	sst s3  }
0xc: {  	[smem:$0x3FB1] =	sst s4  }
0xd: {  	[smem:$0x3FB2] =	sst s5  }
0xe: {  	[smem:$0x3FB3] =	sst s6  }
0xf: {  	[smem:$0x3FB4] =	sst s7  }
0x10: {  	[smem:$0x3FB5] =	sst s8  }
0x11: {  	[smem:$0x3FB6] =	sst s9;
	s0 =	simm.s32 @!p0 $0x0  }
0x12: {  	s1 =	sld [smem:$0x3F9C];
	s0 =	simm.s32 @p0 $0x1  }
0x13: {  	[smem:$0x3FB7] =	sst s0;
	s0 =	simm.s32 @!p1 $0x0  }
0x14: {  	s2 =	sld [smem:$0x3F9B];
	s0 =	simm.s32 @p1 $0x1  }
0x15: {  	[smem:$0x3FB8] =	sst s0;
	s0 =	simm.s32 @!p2 $0x0  }
0x16: {  	s3 =	sld [smem:$0x3FDB];
	s0 =	simm.s32 @p2 $0x1  }
0x17: {  	s4 =	simm.s32 $0x1BF5;
	[smem:$0x3FBA] =	sst s0  }
0x18: {  	s0 =	sld [smem:$0x3F9D];
	_ =	swait.ge [sflag:s4], $0x0  }
0x19: {  	s7 =	sld [smem:$0x3F9E]  }
0x1a: {  	s8 =	sadd.s32 $0xFFFFE003, lr  }
0x1b: {  	s9 =	sadd.s32 $0xFFFFFEF7, lr;
	s5 =	simm.s32 $0xFFFFFFFF;
	p2 =	slt.u32 s8, $0xFFFFF086  }
0x1c: {  	p1 =	slt.u32 s9, $0xF7A;
	s5 =	simm.s32 @!p2 $0x0  }
0x1d: {  	s5 =	simm.s32 @p1 $0x1;
	p0 =	seq.s32 s7, s2  }
0x1e: {  	s7 =	smul.u32 @!p0 $0xF7A, s2;
	p2 =	seq.s32 @!p0 s5, $0x0  }
0x1f: {  	s9 =	smul.u32 $0xF7A, s1;
	s8 =	simm.s32 @!p0 $0x1BF5;
	p2 =	por !p2, p0  }
0x20: {  	[sflag:s8] =	ssyncset.s32 @!p0 $0xFFFFF086;
	s6 =	sadd.s32 @!p0 s3, s7;
	s7 =	simm.s32 @!p0 $0x108  }
0x21: {  	s3 =	sadd.s32 s3, s9;
	s6 =	sadd.s32 @!p0 $0x88, s6;
	s7 =	simm.s32 @p2 $0x1082  }
0x22: {  	[simem:s7], [sflag:s8] =	dma.local @!p0 [hbm:s6], $0xF7A  }
0x23: {  	s9 =	sor.u32 $0xD0000000, s2;
	s6 =	simm.s32 $0x108;
	_ =	swait.ge @!p0 [sflag:s8], $0x0  }
0x24: {  	s3 =	sadd.s32 $0x88, s3;
	s6 =	simm.s32 @!p1 $0x1082;
	[sflag:s4] =	ssyncset.s32 $0xFFFFF086  }
0x25: {  	[simem:s6], [sflag:s4] =	dma.local [hbm:s3], $0xF7A  }
0x26: {  	[smem:$0x3F9E] =	sst s1;
	(tag) =	ssettag s2;
	_ =	strace s9  }
0x27: {  	s1 =	sld [smem:$0x3FAE]  }
0x28: {  	s2 =	sld [smem:$0x3FAF]  }
0x29: {  	s4 =	sld [smem:$0x3FB1]  }
0x2a: {  	p0 =	seq.s32 s5, $0x0;
	s5 =	sld [smem:$0x3FB2]  }
0x2b: {  	s6 =	sld [smem:$0x3FB3]  }
0x2c: {  	s7 =	sld [smem:$0x3FB4]  }
0x2d: {  	s3 =	simm.s32 $0x108;
	s8 =	sld [smem:$0x3FB5]  }
0x2e: {  	s3 =	simm.s32 @!p0 $0x1082;
	s9 =	sld [smem:$0x3FB6]  }
0x2f: {  	lr =	sadd.s32 s0, s3;
	s0 =	sld [smem:$0x3FAD]  }
0x30: {  	s3 =	sld [smem:$0x3FB0]  }
0x31: {  	[smem:$0x3FB9] =	sst s10  }
0x32: {  	s10 =	sld [smem:$0x3FB7];
	_ =	sdelay $0x3  }
0x33: {  	p0 =	seq.s32 s10, $0x1;
	s10 =	sld [smem:$0x3FB9];
	_ =	sdelay $0x3  }
0x34: {  	[smem:$0x3FB9] =	sst s10  }
0x35: {  	s10 =	sld [smem:$0x3FB8];
	_ =	sdelay $0x3  }
0x36: {  	p1 =	seq.s32 s10, $0x1;
	s10 =	sld [smem:$0x3FB9];
	_ =	sdelay $0x3  }
0x37: {  	[smem:$0x3FB9] =	sst s10  }
0x38: {  	s10 =	sld [smem:$0x3FBA]  }
0x39: {  	_ = 	snop;
	(pc) =	sbr.ind lr, $3  }
0x3a: {  	_ = 	snop  }
0x3b: {  	_ = 	snop  }
0x3c: {  	p2 =	seq.s32 s10, $0x1;
	s10 =	sld [smem:$0x3FB9]  }
0x3d: {  	_ =	shalt  }
0x3e: {  	_ =	shalt  }
0x3f: {  	_ =	shalt  }
0x40: {  	_ =	shalt  }
0x41: {  	_ =	shalt  }
0x42: {  	_ =	shalt  }
0x43: {  	_ =	shalt  }
0x44: {  	_ =	shalt  }
0x45: {  	_ =	shalt  }
0x46: {  	_ =	shalt  }
0x47: {  	_ =	shalt  }
0x48: {  	_ =	shalt  }
0x49: {  	_ =	shalt  }
0x4a: {  	_ =	shalt  }
0x4b: {  	_ =	shalt  }
0x4c: {  	_ =	shalt  }
0x4d: {  	_ =	shalt  }
0x4e: {  	_ =	shalt  }
0x4f: {  	_ =	shalt  }
0x50: {  	_ =	shalt  }
0x51: {  	_ =	shalt  }
0x52: {  	_ =	shalt  }
0x53: {  	_ =	shalt  }
0x54: {  	_ =	shalt  }
0x55: {  	_ =	shalt  }
0x56: {  	_ =	shalt  }
0x57: {  	_ =	shalt  }
0x58: {  	_ =	shalt  }
0x59: {  	_ =	shalt  }
0x5a: {  	_ =	shalt  }
0x5b: {  	_ =	shalt  }
0x5c: {  	_ =	shalt  }
0x5d: {  	_ =	shalt  }
0x5e: {  	_ =	shalt  }
0x5f: {  	_ =	shalt  }
0x60: {  	_ =	shalt  }
0x61: {  	_ =	shalt  }
0x62: {  	_ =	shalt  }
0x63: {  	_ =	shalt  }
0x64: {  	_ =	shalt  }
0x65: {  	_ =	shalt  }
0x66: {  	_ =	shalt  }
0x67: {  	_ =	shalt  }
0x68: {  	_ =	shalt  }
0x69: {  	_ =	shalt  }
0x6a: {  	_ =	shalt  }
0x6b: {  	_ =	shalt  }
0x6c: {  	_ =	shalt  }
0x6d: {  	_ =	shalt  }
0x6e: {  	_ =	shalt  }
0x6f: {  	_ =	shalt  }
0x70: {  	_ =	shalt  }
0x71: {  	_ =	shalt  }
0x72: {  	_ =	shalt  }
0x73: {  	_ =	shalt  }
0x74: {  	_ =	shalt  }
0x75: {  	_ =	shalt  }
0x76: {  	_ =	shalt  }
0x77: {  	_ =	shalt  }
0x78: {  	_ =	shalt  }
0x79: {  	_ =	shalt  }
0x7a: {  	_ =	shalt  }
0x7b: {  	_ =	shalt  }
0x7c: {  	_ =	shalt  }
0x7d: {  	_ =	shalt  }
0x7e: {  	_ =	shalt  }
0x7f: {  	_ =	shalt  }
0x80: {  	_ =	shalt  }
0x81: {  	_ =	shalt  }
0x82: {  	_ =	shalt  }
0x83: {  	_ =	shalt  }
0x84: {  	_ =	shalt  }
0x85: {  	_ =	shalt  }
0x86: {  	_ =	shalt  }
0x87: {  	_ =	shalt  }
.Lfunc_end0:
.L_simem_size_0:
called_computation.3_lowered:
.L_overlay_start_0:
0x88: {  	s2 =	sld [smem:$0x3FD9]  }
0x89: {  	s3 =	sld [smem:$0x3FFE];
	_ =	sdelay $0x1  }
0x8a: {  	s1 =	srdreg.scid  }
0x8b: {  	s0 =	sand.u32 $0x1, s1  }
0x8c: {  	s17 =	sshll.u32 s0, $0xA;
	s2 =	sadd.s32 s3, s2  }
0x8d: {  	s2 =	sadd.s32 s2, s17  }
0x8e: {  	[smem:$0x3FC5] =	sst s2  }
0x8f: {  	_ = 	snop  }
0x90: {  	s2 =	sld [smem:$0x3FD0];
	(tm) =	ssettm $0x1  }
0x91: {  	s18 =	sld [smem:$0x3FFB];
	_ =	sdelay $0x3  }
0x92: {  	_ =	strace s18  }
0x93: {  	s3 =	sld [smem:$0x3FFC];
	_ =	sdelay $0x3  }
0x94: {  	_ =	strace s3  }
0x95: {  	s3 =	sld [smem:$0x3FFD];
	_ =	sdelay $0x3  }
0x96: {  	_ =	strace s3  }
0x97: {  	_ =	strace $0x8FFFFFFF  }
0x98: {  	s19 =	sld [smem:$0x3FDB];
	_ =	sdelay $0x1  }
0x99: {  	s4 =	simm.s32 $_scs_section_size  }
0x9a: {  	s5 =	simm.s32 $_size__tile_overlayer_lowered;
	s6 =	simm.s32 $_tile_overlayer_lowered  }
0x9b: {  	s22 =	simm.s32 $0x1BFF;
	s21 =	sshll.u32 s6, $0x1;
	s3 =	sadd.s32 s4, s19  }
0x9c: {  	s7 =	simm.s32 $0x0;
	s20 =	sshll.u32 s5, $0x1;
	s5 =	sadd.s32 s21, s3  }
0x9d: {  	[timem:s7], [sflag:s22] =	dma.local [hbm:s5], s20  }
0x9e: {  	_ =	swait.ge [sflag:s22], s20  }
0x9f: {  	s4 =	ssub.s32 $0x0, s20;
	[sflag:s22] =	ssyncset.done $0x0  }
0xa0: {  	[sflag:s22] =	ssyncadd.s32 s4;
	_ =	sdelay $0x1  }
0xa1: {  	s23 =	simm.s32 $0x1B8B  }
0xa2: {  	_ =	swait.ge [sflag:s23], $0x1  }
0xa3: {  	[sflag:s23] =	ssyncset.done $0x0  }
0xa4: {  	s25 =	simm.s32 $0x1B8E;
	s24 =	sld [smem:$0x3FFE];
	[sflag:s23] =	ssyncadd.s32 $0xFFFFFFFF  }
0xa5: {  	s26 =	simm.s32 $execute0_lowered;
	[smem:$0x3FD2] =	sst s25  }
0xa6: {  	s5 =	sshll.u32 s26, $0x1;
	_ =	strace $0x8000004F;
	[dreg:$0x1] =	wrdreg $0xFFFFFFFF  }
0xa7: {  	s28 =	simm.s32 $_size_execute0_lowered;
	s3 =	sadd.s32 s3, s5;
	[dreg:$0x0] =	wrdreg $0x0  }
0xa8: {  	s5 =	sshll.u32 s28, $0x1;
	[dreg:$0x2] =	wrdreg s3  }
0xa9: {  	[dreg:$0x3] =	wrdreg s5  }
0xaa: {  	[dreg:$0x4] =	wrdreg $0xC0  }
0xab: {  	_ =	task [dreg:s7], $0x5FFFF  }
0xac: {  	[dreg:$0x1] =	wrdreg $0xFFFFFFFF  }
0xad: {  	[dreg:$0x0] =	wrdreg $0x60  }
0xae: {  	[dreg:$0x2] =	wrdreg s24  }
0xaf: {  	[dreg:$0x3] =	wrdreg s2  }
0xb0: {  	[dreg:$0x4] =	wrdreg $0x9  }
0xb1: {  	_ =	task.clear_ibuf [dreg:s7], $0x5FFFF;
	_ =	strace $0x9000004F  }
0xb2: {  	s29 =	simm.s32 $0x9;
	_ =	strace $0x80000051  }
0xb3: {  	_ =	swait.ge [sflag:s29], $0x1  }
0xb4: {  	[sflag:s29] =	ssyncadd.s32 $0xFFFFFFFF  }
0xb5: {  	_ =	strace $0x90000051  }
0xb6: {  	_ =	sfence  }
0xb7: {  	s30 =	sld [smem:$0x0];
	_ =	sdelay $0x2  }
0xb8: {  	s31 =	sshll.u32 s1, $0xD;
	s1 =	sshrl.u32 s1, $0x2  }
0xb9: {  	s3 =	sand.u32 $0x4000, s31;
	s1 =	sadd.s32 s1, s30  }
0xba: {  	s0 =	sor.u32 s3, s0;
	s1 =	sshll.u32 s1, $0x11  }
0xbb: {  	s0 =	sor.u32 s1, s0  }
0xbc: {  	s0 =	sadd.s32 $0x8F2B, s0  }
0xbd: {  	[sflag:s0] =	ssyncadd.remote.s32 $0x1  }
0xbe: {  	_ =	sfence.sel $0xFFFF  }
0xbf: {  	[dreg:$0x0] =	wrdreg $0xFFFFFFFF;
	(pc) =	sbr.abs _section_cstart, $3  }
0xc0: {  	[dreg:$0x1] =	wrdreg $0xFFFFFFFF  }
0xc1: {  	_ =	task.clear_ibuf [dreg:s7], $0x2FFFF;
	_ =	strace $0x9FFFFFFF  }
0xc2: {  	(tm) =	ssettm $0x7FFFFFFF  }
0xc3: {  	_ =	shalt  }
tec
execute0_lowered:
.L_overlay_start_1:
0x0: {  	(tag) =	ssettag $0x1  }
0x1: {  	s6 =	rddreg [dreg:$0x0]  }
0x2: {  	s1 =	rddreg [dreg:$0x1]  }
0x3: {  	s0 =	rddreg [dreg:$0x2];
	s2 =	simm.s32 $0x0  }
0x4: {  	s3 =	srdreg.scid;
	s11 =	simm.s32 $0x90;
	s12 =	simm.s32 $0x1  }
0x5: {  	s13 =	simm.s32 $0x0;
	s18 =	simm.s32 $0x0;
	[smem:$0x7FF] =	sst s2  }
0x6: {  	s4 =	sadd.s32 $0x321A00, s6;
	s7 =	sand.u32 $0x1, s3;
	s5 =	sadd.s32 $0x1A00, s6  }
0x7: {  	s3 =	stileid.u32;
	s6 =	sadd.s32 $0x11A00, s6;
	s8 =	ssub.s32 $0x2, s7  }
0x8: {  	s10 =	sshll.u32 s3, $0x8;
	s7 =	sshll.u32 s7, $0x7;
	s9 =	sshrl.u32 s8, $0x1  }
0x9: {  	_ =	strace $0x80000050;
	s7 =	sor.u32 s7, s10;
	s8 =	ssub.s32 s8, s9  }
0xa: {  	s10 =	simm.s32 $0x48;
	s9 =	simm.s32 $0x2;
	s8 =	smax.u32 s8, $0x1  }
.LBB2_1:
0xb: {  	s14 =	simm.s32 $0x0  }
.LBB2_2:
0xc: {  	s15 =	sadd.s32 s7, s14  }
0xd: {  	s16 =	sshll.u32 s15, $0x4  }
0xe: {  	s17 =	sadd.s32 s1, s16  }
0xf: {  	[tilespmem:s18], [sflag:$0x2] =	stream.linear.gather [hbm4b:s17+s18], $0x48, $0x38;
	[tilespmem:$0x9090] =	vst v63  }
0x10: {  	_ =	swait.ge [sflag:s9], $0x48  }
0x11: {  	[sflag:s9] =	ssyncset.done $0x0  }
0x12: {  	s16 =	sadd.s32 s5, s16;
	[sflag:s9] =	ssyncadd.s32 $0xFFFFFFB8  }
0x13: {  	[tilespmem:s10], [sflag:$0x2] =	stream.linear.gather [hbm4b:s16+s18], $0x48, $0x38;
	[tilespmem:$0x9090] =	vst v63  }
0x14: {  	_ =	swait.ge [sflag:s9], $0x48  }
0x15: {  	[sflag:s9] =	ssyncset.done $0x0  }
0x16: {  	v0 =	vmov s18;
	[sflag:s9] =	ssyncadd.s32 $0xFFFFFFB8  }
0x17: {  	[tilespmem:s11], [sflag:$0x1] =	stream.indirect.gather [hbm4b:s4+s10], $0x200, s18, s10, $0xb8;
	[tilespmem:$0x9090] =	vst v63  }
0x18: {  	_ =	swait.ge [sflag:s12], $0x9000  }
0x19: {  	[sflag:s12] =	ssyncset.done $0x0  }
0x1a: {  	[sflag:s12] =	ssyncadd.s32 $0xFFFF7000  }
0x1b: {  	s16 =	simm.s32 $0x190;
	v1 =	vld.idx.msk [tilespmem:v0+s10+$0x0], $0xffff  }
0x1c: {  	v0 =	vld [tilespmem:s16+$0xF0]  }
0x1d: {  	v2 =	vld [tilespmem:s16+$0xFFFFFF00]  }
0x1e: {  	v3 =	vld [tilespmem:s16+$0xFFFFFF10]  }
0x1f: {  	v5 =	vld [tilespmem:s16+$0xFFFFFF20]  }
0x20: {  	v6 =	vld [tilespmem:s16+$0xFFFFFF30]  }
0x21: {  	v7 =	vld [tilespmem:s16+$0xFFFFFF40]  }
0x22: {  	v8 =	vld [tilespmem:s16+$0xFFFFFF50]  }
0x23: {  	v9 =	vld [tilespmem:s16+$0xFFFFFF60]  }
0x24: {  	v30 =	vld [tilespmem:s16+$0x50]  }
0x25: {  	v10 =	vld [tilespmem:s16+$0xFFFFFF70]  }
0x26: {  	v11 =	vld [tilespmem:s16+$0xFFFFFF80]  }
0x27: {  	v4 =	vimm.f32 $0.0e+00;
	v32 =	vimm.f32 $0.0e+00;
	v12 =	vld [tilespmem:s16+$0xFFFFFF90]  }
0x28: {  	s31 =	simm.s32 $0x1;
	v31 =	vimm.f32 $0.0e+00;
	v13 =	vld [tilespmem:s16+$0xFFFFFFA0];
	v0 =	vmul.f32 v0, v1;
	v2 =	vmul.f32 v2, v1  }
0x29: {  	v33 =	vmov s31;
	v14 =	vld [tilespmem:s16+$0xFFFFFFB0];
	v3 =	vmul.f32 v3, v1;
	v42 =	vmul.f32 v30, v1  }
0x2a: {  	v15 =	vld [tilespmem:s16+$0xFFFFFFC0];
	v30 =	vimm.f32 $0.0e+00;
	v24 =	vadd.f32 v2, v4;
	v2 =	vmul.f32 v5, v1  }
0x2b: {  	v5 =	vmul.f32 v6, v1;
	v6 =	vld [tilespmem:s16+$0xFFFFFFD0];
	v28 =	vadd.f32 v3, v4;
	v3 =	vmul.f32 v7, v1  }
0x2c: {  	v7 =	vmul.f32 v8, v1;
	v8 =	vld [tilespmem:s16+$0xFFFFFFE0];
	v29 =	vadd.f32 v2, v4;
	v2 =	vmul.f32 v9, v1  }
0x2d: {  	v25 =	vadd.f32 v5, v4;
	v5 =	vld [tilespmem:s16+$0xFFFFFFF0];
	v26 =	vadd.f32 v3, v4;
	v3 =	vmul.f32 v10, v1  }
0x2e: {  	v21 =	vadd.f32 v7, v4;
	v7 =	vld [tilespmem:s16+$0x0];
	v22 =	vadd.f32 v2, v4;
	v2 =	vmul.f32 v11, v1  }
0x2f: {  	v0 =	vadd.f32 v0, v4;
	v10 =	vld [tilespmem:s16+$0x10];
	v23 =	vadd.f32 v3, v4;
	v3 =	vmul.f32 v13, v1  }
0x30: {  	v9 =	vmul.f32 v12, v1;
	v11 =	vmul.f32 v14, v1;
	v27 =	vadd.f32 v2, v4  }
0x31: {  	v14 =	vld [tilespmem:s16+$0x20];
	v2 =	vmul.f32 v15, v1;
	v18 =	vadd.f32 v3, v4;
	v3 =	vmul.f32 v6, v1  }
0x32: {  	v20 =	vld [tilespmem:s16+$0x30];
	v19 =	vadd.f32 v9, v4;
	v17 =	vadd.f32 v11, v4;
	v5 =	vmul.f32 v5, v1  }
0x33: {  	v6 =	vld [tilespmem:s16+$0x40];
	v16 =	vadd.f32 v2, v4;
	v2 =	vmul.f32 v8, v1;
	v15 =	vadd.f32 v3, v4  }
0x34: {  	v3 =	vmul.f32 v7, v1;
	v7 =	vmul.f32 v10, v1;
	v10 =	vimm.f32 $0.0e+00  }
0x35: {  	v39 =	vld [tilespmem:s16+$0x60];
	v12 =	vadd.f32 v5, v4;
	v5 =	vimm.f32 $0.0e+00;
	v13 =	vadd.f32 v2, v4  }
0x36: {  	v40 =	vld [tilespmem:s16+$0x70];
	v2 =	vmul.f32 v14, v1;
	v11 =	vadd.f32 v3, v4;
	v9 =	vadd.f32 v7, v4  }
0x37: {  	v36 =	vld [tilespmem:s16+$0x80];
	v3 =	vmul.f32 v20, v1;
	v20 =	vimm.f32 $0.0e+00;
	v14 =	vimm.f32 $0.0e+00  }
0x38: {  	v37 =	vld [tilespmem:s16+$0x90];
	v41 =	vmul.f32 v6, v1;
	v6 =	vimm.f32 $0.0e+00;
	v7 =	vadd.f32 v2, v4  }
0x39: {  	s17 =	simm.s32 $0x2;
	v38 =	vld [tilespmem:s16+$0xA0];
	v8 =	vadd.f32 v3, v4;
	v3 =	vimm.f32 $0.0e+00;
	v2 =	vimm.f32 $0.0e+00  }
.LBB2_3:
0x3a: {  	p0 =	sne.s32 s17, $0x45;
	v4 =	vadd.f32 v41, v4;
	v34 =	vmul.f32 v39, v1;
	v35 =	vld [tilespmem:s16+$0xB0]  }
0x3b: {  	v32 =	vadd.f32 v42, v32;
	v39 =	vmul.f32 v40, v1;
	v40 =	vld [tilespmem:s16+$0xC0]  }
0x3c: {  	v31 =	vadd.f32 v34, v31;
	v34 =	vmul.f32 v36, v1;
	v36 =	vld [tilespmem:s16+$0xD0]  }
0x3d: {  	v30 =	vadd.f32 v39, v30;
	v37 =	vmul.f32 v37, v1;
	v39 =	vld [tilespmem:s16+$0xE0]  }
0x3e: {  	s16 =	sadd.s32 $0x200, s16;
	v33 =	vld.idx.msk [tilespmem:v33+s10+$0x0], $0xffff;
	v20 =	vadd.f32 v34, v20;
	v34 =	vmul.f32 v38, v1  }
0x3f: {  	v38 =	vld [tilespmem:s16+$0xF0];
	v14 =	vadd.f32 v37, v14;
	v35 =	vmul.f32 v35, v1  }
0x40: {  	v37 =	vld [tilespmem:s16+$0xFFFFFF00];
	v10 =	vadd.f32 v34, v10;
	v34 =	vmul.f32 v40, v1  }
0x41: {  	v40 =	vld [tilespmem:s16+$0xFFFFFF10];
	v6 =	vadd.f32 v35, v6;
	v35 =	vmul.f32 v36, v1  }
0x42: {  	v36 =	vld [tilespmem:s16+$0xFFFFFF20];
	v5 =	vadd.f32 v34, v5;
	v39 =	vmul.f32 v39, v1  }
0x43: {  	v34 =	vld [tilespmem:s16+$0xFFFFFF30];
	v3 =	vadd.f32 v35, v3  }
0x44: {  	v1 =	vmov v33;
	v35 =	vld [tilespmem:s16+$0xFFFFFF40];
	v38 =	vmul.f32 v38, v33;
	v2 =	vadd.f32 v39, v2  }
0x45: {  	v33 =	vmul.f32 v37, v1;
	v37 =	vld [tilespmem:s16+$0xFFFFFF50]  }
0x46: {  	v39 =	vmul.f32 v40, v1;
	v40 =	vld [tilespmem:s16+$0xFFFFFF60];
	v0 =	vadd.f32 v38, v0  }
0x47: {  	v24 =	vadd.f32 v33, v24;
	v33 =	vmul.f32 v36, v1;
	v36 =	vld [tilespmem:s16+$0xFFFFFF70]  }
0x48: {  	v28 =	vadd.f32 v39, v28;
	v34 =	vmul.f32 v34, v1;
	v38 =	vld [tilespmem:s16+$0xFFFFFF80]  }
0x49: {  	v29 =	vadd.f32 v33, v29;
	v33 =	vmul.f32 v35, v1;
	v35 =	vld [tilespmem:s16+$0xFFFFFF90]  }
0x4a: {  	v25 =	vadd.f32 v34, v25;
	v34 =	vmul.f32 v37, v1;
	v37 =	vld [tilespmem:s16+$0xFFFFFFA0]  }
0x4b: {  	v26 =	vadd.f32 v33, v26;
	v33 =	vmul.f32 v40, v1;
	v39 =	vld [tilespmem:s16+$0xFFFFFFB0]  }
0x4c: {  	v21 =	vadd.f32 v34, v21;
	v34 =	vmul.f32 v36, v1;
	v36 =	vld [tilespmem:s16+$0xFFFFFFC0]  }
0x4d: {  	v22 =	vadd.f32 v33, v22;
	v33 =	vmul.f32 v38, v1;
	v38 =	vld [tilespmem:s16+$0xFFFFFFD0]  }
0x4e: {  	v23 =	vadd.f32 v34, v23;
	v34 =	vmul.f32 v35, v1;
	v35 =	vld [tilespmem:s16+$0xFFFFFFE0]  }
0x4f: {  	v27 =	vadd.f32 v33, v27;
	v33 =	vmul.f32 v37, v1;
	v37 =	vld [tilespmem:s16+$0xFFFFFFF0]  }
0x50: {  	v19 =	vadd.f32 v34, v19;
	v34 =	vmul.f32 v39, v1;
	v39 =	vld [tilespmem:s16+$0x0]  }
0x51: {  	v18 =	vadd.f32 v33, v18;
	v33 =	vmul.f32 v36, v1;
	v36 =	vld [tilespmem:s16+$0x10]  }
0x52: {  	v17 =	vadd.f32 v34, v17;
	v34 =	vmul.f32 v38, v1;
	v38 =	vld [tilespmem:s16+$0x20]  }
0x53: {  	v16 =	vadd.f32 v33, v16;
	v33 =	vmul.f32 v35, v1;
	v35 =	vld [tilespmem:s16+$0x30]  }
0x54: {  	v15 =	vadd.f32 v34, v15;
	v34 =	vmul.f32 v37, v1;
	v37 =	vld [tilespmem:s16+$0x40]  }
0x55: {  	v13 =	vadd.f32 v33, v13;
	v33 =	vmul.f32 v39, v1;
	v42 =	vld [tilespmem:s16+$0x50]  }
.Ltmp0:
0x56: {  	v12 =	vadd.f32 v34, v12;
	v34 =	vmul.f32 v36, v1;
	v39 =	vld [tilespmem:s16+$0x60];
	(pc) =	sbr.rel @p0 .LBB2_3-.Ltmp0, $4  }
0x57: {  	v11 =	vadd.f32 v33, v11;
	v33 =	vmul.f32 v38, v1;
	v40 =	vld [tilespmem:s16+$0x70]  }
0x58: {  	v9 =	vadd.f32 v34, v9;
	v34 =	vmul.f32 v35, v1;
	v36 =	vld [tilespmem:s16+$0x80]  }
0x59: {  	v7 =	vadd.f32 v33, v7;
	v41 =	vmul.f32 v37, v1;
	v37 =	vld [tilespmem:s16+$0x90]  }
0x5a: {  	v33 =	vmov s17;
	s17 =	sadd.s32 $0x1, s17;
	v8 =	vadd.f32 v34, v8;
	v42 =	vmul.f32 v42, v1;
	v38 =	vld [tilespmem:s16+$0xA0]  }
0x5b: {  	s31 =	sadd.s32 $0x200, s16  }
0x5c: {  	v45 =	vld [tilespmem:s31+$0xF0]  }
0x5d: {  	v34 =	vld [tilespmem:s16+$0xB0]  }
0x5e: {  	v63 =	vld [tilespmem:s16+$0xC0]  }
0x5f: {  	v43 =	vld [tilespmem:s16+$0xD0]  }
0x60: {  	v44 =	vld [tilespmem:s16+$0xE0]  }
0x61: {  	[tilespmem:$0x1FFF0] =	vst v45;
	v45 =	vld [tilespmem:s31+$0x60]  }
0x62: {  	v33 =	vld.idx.msk [tilespmem:v33+s10+$0x0], $0xffff  }
0x63: {  	v46 =	vld [tilespmem:s31+$0xFFFFFF00]  }
0x64: {  	v47 =	vld [tilespmem:s31+$0xFFFFFF10]  }
0x65: {  	v48 =	vld [tilespmem:s31+$0xFFFFFF20]  }
0x66: {  	[tilespmem:$0x1FF50] =	vst v45;
	v45 =	vld [tilespmem:s31+$0x70]  }
0x67: {  	v49 =	vld [tilespmem:s31+$0xFFFFFF30]  }
0x68: {  	v50 =	vld [tilespmem:s31+$0xFFFFFF40]  }
0x69: {  	v51 =	vld [tilespmem:s31+$0xFFFFFF50]  }
0x6a: {  	v52 =	vld [tilespmem:s31+$0xFFFFFF60]  }
0x6b: {  	[tilespmem:$0x1FF60] =	vst v45;
	v45 =	vld [tilespmem:s31+$0x80]  }
0x6c: {  	v53 =	vld [tilespmem:s31+$0xFFFFFF70]  }
0x6d: {  	v54 =	vld [tilespmem:s31+$0xFFFFFF80]  }
0x6e: {  	v55 =	vld [tilespmem:s31+$0xFFFFFF90]  }
0x6f: {  	v56 =	vld [tilespmem:s31+$0xFFFFFFA0]  }
0x70: {  	[tilespmem:$0x1FF80] =	vst v45;
	v45 =	vld [tilespmem:s31+$0x90]  }
0x71: {  	v57 =	vld [tilespmem:s31+$0xFFFFFFB0]  }
0x72: {  	v58 =	vld [tilespmem:s31+$0xFFFFFFC0]  }
0x73: {  	v59 =	vld [tilespmem:s31+$0xFFFFFFD0]  }
0x74: {  	v60 =	vld [tilespmem:s31+$0xFFFFFFE0]  }
0x75: {  	[tilespmem:$0x1FF90] =	vst v45;
	v45 =	vld [tilespmem:s31+$0xA0]  }
0x76: {  	v61 =	vld [tilespmem:s31+$0xFFFFFFF0]  }
0x77: {  	v62 =	vld [tilespmem:s31+$0x0]  }
0x78: {  	v35 =	vld [tilespmem:s31+$0x30]  }
0x79: {  	[tilespmem:$0x1FF70] =	vst v63;
	v63 =	vld [tilespmem:s31+$0x10]  }
0x7a: {  	[tilespmem:$0x1FFB0] =	vst v45;
	v45 =	vld [tilespmem:s31+$0xB0]  }
0x7b: {  	[tilespmem:$0x1FF40] =	vst v34;
	v34 =	vld [tilespmem:s31+$0x20];
	v46 =	vmul.f32 v46, v33  }
0x7c: {  	[tilespmem:$0x1FFA0] =	vst v43;
	v43 =	vld [tilespmem:s31+$0x40];
	v47 =	vmul.f32 v47, v33  }
0x7d: {  	[tilespmem:$0x1FFD0] =	vst v44;
	v44 =	vld [tilespmem:s31+$0x50];
	v24 =	vadd.f32 v46, v24  }
0x7e: {  	v46 =	vmul.f32 v48, v33;
	v48 =	vld [tilespmem:s31+$0xD0];
	v28 =	vadd.f32 v47, v28;
	v47 =	vmul.f32 v49, v33  }
0x7f: {  	v49 =	vld [tilespmem:s31+$0xE0];
	[tilespmem:$0x1FFC0] =	vst v45  }
0x80: {  	v29 =	vadd.f32 v46, v29;
	v25 =	vadd.f32 v47, v25;
	v47 =	vmul.f32 v51, v33;
	v45 =	vld [tilespmem:s31+$0xC0];
	[tilespmem:$0x90] =	vst v24  }
0x81: {  	v46 =	vmul.f32 v50, v33;
	v50 =	vmul.f32 v52, v33;
	[tilespmem:$0xA0] =	vst v28  }
0x82: {  	v51 =	vmul.f32 v53, v33;
	v21 =	vadd.f32 v47, v21;
	[tilespmem:$0xB0] =	vst v29  }
0x83: {  	v53 =	vmul.f32 v55, v33;
	v22 =	vadd.f32 v50, v22;
	[tilespmem:$0xC0] =	vst v25  }
0x84: {  	v52 =	vmul.f32 v54, v33;
	v54 =	vmul.f32 v56, v33;
	v23 =	vadd.f32 v51, v23;
	[tilespmem:$0xE0] =	vst v21  }
0x85: {  	v55 =	vmul.f32 v57, v33;
	v19 =	vadd.f32 v53, v19;
	[tilespmem:$0xF0] =	vst v22  }
0x86: {  	v57 =	vmul.f32 v58, v33;
	v18 =	vadd.f32 v54, v18;
	[tilespmem:$0x100] =	vst v23  }
0x87: {  	v59 =	vmul.f32 v59, v33;
	v17 =	vadd.f32 v55, v17;
	[tilespmem:$0x120] =	vst v19  }
0x88: {  	v56 =	vadd.f32 v42, v32;
	v32 =	vmul.f32 v35, v33;
	v16 =	vadd.f32 v57, v16;
	[tilespmem:$0x130] =	vst v18  }
0x89: {  	v4 =	vadd.f32 v41, v4;
	v15 =	vadd.f32 v59, v15;
	[tilespmem:$0x140] =	vst v17  }
0x8a: {  	v58 =	vmul.f32 v39, v1;
	v35 =	vmul.f32 v43, v33;
	v8 =	vadd.f32 v32, v8;
	[tilespmem:$0x150] =	vst v16  }
0x8b: {  	v43 =	vld [tilespmem:$0x1FF70];
	v24 =	vadd.f32 v46, v26;
	[tilespmem:$0x160] =	vst v15  }
0x8c: {  	v4 =	vadd.f32 v35, v4;
	v51 =	vld [tilespmem:$0x1FFA0];
	v25 =	vmul.f32 v60, v33;
	v19 =	vadd.f32 v58, v31;
	[tilespmem:$0x1C0] =	vst v8  }
0x8d: {  	v42 =	vld [tilespmem:$0x1FF60];
	v26 =	vmul.f32 v61, v33;
	v29 =	vmul.f32 v63, v33;
	[tilespmem:$0xD0] =	vst v24;
	v24 =	vadd.f32 v52, v27  }
0x8e: {  	v31 =	vmul.f32 v34, v33;
	v34 =	vmul.f32 v38, v1;
	v38 =	vld [tilespmem:$0x1FF40];
	[tilespmem:$0x1D0] =	vst v4;
	v13 =	vadd.f32 v25, v13  }
0x8f: {  	v39 =	vld [tilespmem:$0x1FF50];
	v28 =	vmul.f32 v36, v1;
	v12 =	vadd.f32 v26, v12;
	[tilespmem:$0x110] =	vst v24  }
0x90: {  	v63 =	vld [tilespmem:$0x1FFF0];
	v27 =	vmul.f32 v62, v33;
	v9 =	vadd.f32 v29, v9;
	v24 =	vmul.f32 v40, v1;
	[tilespmem:$0x170] =	vst v13  }
0x91: {  	v50 =	vld [tilespmem:$0x1FF90];
	v7 =	vadd.f32 v31, v7;
	[tilespmem:$0x180] =	vst v12;
	v40 =	vadd.f32 v34, v10;
	v10 =	vmul.f32 v51, v1  }
0x92: {  	v55 =	vld [tilespmem:$0x1FFC0];
	[tilespmem:$0x1A0] =	vst v9;
	v18 =	vadd.f32 v24, v30;
	v30 =	vmul.f32 v37, v1;
	v37 =	vmul.f32 v44, v33  }
0x93: {  	v11 =	vadd.f32 v27, v11;
	v12 =	vmul.f32 v42, v33;
	[tilespmem:$0x1FFE0] =	vst v45;
	v9 =	vmul.f32 v38, v1;
	v45 =	vld [tilespmem:$0x1FF80]  }
0x94: {  	v60 =	vmul.f32 v48, v33;
	[tilespmem:$0x1B0] =	vst v7;
	v59 =	vld [tilespmem:$0x1FFE0];
	v3 =	vadd.f32 v10, v3;
	v41 =	vadd.f32 v37, v56  }
0x95: {  	[tilespmem:$0x190] =	vst v11;
	v46 =	vadd.f32 v9, v6;
	v6 =	vmul.f32 v63, v33;
	v47 =	vadd.f32 v12, v18;
	v56 =	vld [tilespmem:$0x1FFD0]  }
0x96: {  	v53 =	vld [tilespmem:$0x1FFB0];
	v36 =	vadd.f32 v30, v14;
	v14 =	vmul.f32 v39, v33;
	v3 =	vadd.f32 v60, v3;
	[tilespmem:$0x1E0] =	vst v41  }
0x97: {  	v8 =	vmul.f32 v43, v1;
	v9 =	vmul.f32 v50, v33;
	v0 =	vadd.f32 v6, v0;
	[tilespmem:$0x200] =	vst v47  }
0x98: {  	v15 =	vadd.f32 v28, v20;
	v44 =	vadd.f32 v14, v19;
	v14 =	vmul.f32 v45, v33;
	[tilespmem:$0x260] =	vst v3  }
0x99: {  	v5 =	vadd.f32 v8, v5;
	v54 =	vadd.f32 v9, v36;
	v9 =	vmul.f32 v55, v33;
	[tilespmem:$0x280] =	vst v0  }
0x9a: {  	v7 =	vmul.f32 v59, v33;
	v52 =	vadd.f32 v14, v15;
	[tilespmem:$0x1F0] =	vst v44;
	v57 =	vmul.f32 v56, v1  }
0x9b: {  	v14 =	vmul.f32 v53, v33;
	v4 =	vadd.f32 v9, v46;
	[tilespmem:$0x220] =	vst v54  }
0x9c: {  	v62 =	vmul.f32 v49, v33;
	v61 =	vadd.f32 v7, v5;
	[tilespmem:$0x210] =	vst v52;
	v1 =	vadd.f32 v57, v2  }
0x9d: {  	v58 =	vadd.f32 v14, v40;
	[tilespmem:$0x240] =	vst v4  }
0x9e: {  	s14 =	sadd.s32 $0x1, s14;
	[tilespmem:$0x250] =	vst v61;
	v1 =	vadd.f32 v62, v1  }
0x9f: {  	s15 =	sshll.u32 s15, $0x6;
	p0 =	sne.s32 s14, $0x80;
	[tilespmem:$0x230] =	vst v58  }
.Ltmp1:
0xa0: {  	s15 =	sadd.s32 s6, s15;
	[tilespmem:$0x270] =	vst v1;
	(pc) =	sbr.rel @p0 .LBB2_2-.Ltmp1, $4  }
0xa1: {  	[hbm4b:s15+s2] =	stream.linear.scatter [tilespmem:s11], [sflag:$0x2], $0x200, $0x38;
	[tilespmem:$0x9090] =	vst v63  }
0xa2: {  	_ =	swait.ge [sflag:s9], $0x200  }
0xa3: {  	[sflag:s9] =	ssyncset.done $0x0  }
0xa4: {  	[sflag:s9] =	ssyncadd.s32 $0xFFFFFE00  }
0xa5: {  	s13 =	sadd.s32 $0x1, s13  }
0xa6: {  	p0 =	sne.s32 s13, s8  }
.Ltmp2:
0xa7: {  	_ = 	snop;
	(pc) =	sbr.rel @p0 .LBB2_1-.Ltmp2, $1  }
0xa8: {  	_ =	sdelay $0x3  }
0xa9: {  	_ =	sfence.sel $0x180000  }
0xaa: {  	[bflag:$0x0] =	sbarrier.arrive $0xFFFF  }
0xab: {  	p0 =	sne.s32 s3, $0x0;
	_ =	strace $0x90000050  }
0xac: {  	s0 =	sadd.s32 @!p0 $0x100000, s0;
	[bflag:$0x2] =	sbarrier.arrive $0xFFFF  }
0xad: {  	[sflag:s0] =	ssyncadd.tile.s32 @!p0 $0x1;
	_ =	shalt  }
.Lfunc_end2:
_tile_overlayer_lowered:
.L_overlay_start_2:
0xae: {  	(tag) =	ssettag $0x2  }
0xaf: {  	s0 =	rddreg [dreg:$0x0];
	s2 =	stileid.u32  }
0xb0: {  	s1 =	rddreg [dreg:$0x1];
	p0 =	sne.s32 s2, $0x0  }
0xb1: {  	s3 =	rddreg [dreg:$0x2];
	[bflag:$0x3] =	sbarrier.arrive $0xFFFF;
	s2 =	simm.s32 @!p0 $0x1C02  }
0xb2: {  	[timem:s3], [sflag:s2] =	dma.local @!p0 [hbm:s0], s1  }
0xb3: {  	s0 =	simm.s32 @!p0 $0x2  }
0xb4: {  	_ =	swait.ge @!p0 [sflag:s0], s1  }
0xb5: {  	s1 =	ssub.s32 @!p0 $0x0, s1;
	[sflag:s0] =	ssyncset.done @!p0 $0x0  }
0xb6: {  	[sflag:s0] =	ssyncadd.s32 @!p0 s1  }
0xb7: {  	[bflag:$0x3] =	sbarrier.arrive $0xFFFF  }
0xb8: {  	_ =	shalt  }

// kernel: kernel.7.cloned.1.call-start
scs
__scs_entry_jumppad:
0x0: {  	(pc) =	sbr.rel $0x88, $3  }
0x1: {  	(tag) =	ssettag $0x0;
	lr =	simm.s32 $0x1  }
0x2: {  	[smem:$0x3F9E] =	sst lr;
	_ =	strace $0xD0000000  }
0x3: {  	_ = 	snop  }
0x4: {  	_ = 	snop  }
0x5: {  	_ = 	snop  }
0x6: {  	_ = 	snop  }
0x7: {  	_ = 	snop  }
__scs_overlays_trampoline_lowered:
0x8: {  	[smem:$0x3FAD] =	sst s0  }
0x9: {  	[smem:$0x3FAE] =	sst s1  }
0xa: {  	[smem:$0x3FAF] =	sst s2  }
0xb: {  	[smem:$0x3FB0] =	sst s3  }
0xc: {  	[smem:$0x3FB1] =	sst s4  }
0xd: {  	[smem:$0x3FB2] =	sst s5  }
0xe: {  	[smem:$0x3FB3] =	sst s6  }
0xf: {  	[smem:$0x3FB4] =	sst s7  }
0x10: {  	[smem:$0x3FB5] =	sst s8  }
0x11: {  	[smem:$0x3FB6] =	sst s9;
	s0 =	simm.s32 @!p0 $0x0  }
0x12: {  	s1 =	sld [smem:$0x3F9C];
	s0 =	simm.s32 @p0 $0x1  }
0x13: {  	[smem:$0x3FB7] =	sst s0;
	s0 =	simm.s32 @!p1 $0x0  }
0x14: {  	s2 =	sld [smem:$0x3F9B];
	s0 =	simm.s32 @p1 $0x1  }
0x15: {  	[smem:$0x3FB8] =	sst s0;
	s0 =	simm.s32 @!p2 $0x0  }
0x16: {  	s3 =	sld [smem:$0x3FDB];
	s0 =	simm.s32 @p2 $0x1  }
0x17: {  	s4 =	simm.s32 $0x1BF5;
	[smem:$0x3FBA] =	sst s0  }
0x18: {  	s0 =	sld [smem:$0x3F9D];
	_ =	swait.ge [sflag:s4], $0x0  }
0x19: {  	s7 =	sld [smem:$0x3F9E]  }
0x1a: {  	s8 =	sadd.s32 $0xFFFFE003, lr  }
0x1b: {  	s9 =	sadd.s32 $0xFFFFFEF7, lr;
	s5 =	simm.s32 $0xFFFFFFFF;
	p2 =	slt.u32 s8, $0xFFFFF086  }
0x1c: {  	p1 =	slt.u32 s9, $0xF7A;
	s5 =	simm.s32 @!p2 $0x0  }
0x1d: {  	s5 =	simm.s32 @p1 $0x1;
	p0 =	seq.s32 s7, s2  }
0x1e: {  	s7 =	smul.u32 @!p0 $0xF7A, s2;
	p2 =	seq.s32 @!p0 s5, $0x0  }
0x1f: {  	s9 =	smul.u32 $0xF7A, s1;
	s8 =	simm.s32 @!p0 $0x1BF5;
	p2 =	por !p2, p0  }
0x20: {  	[sflag:s8] =	ssyncset.s32 @!p0 $0xFFFFF086;
	s6 =	sadd.s32 @!p0 s3, s7;
	s7 =	simm.s32 @!p0 $0x108  }
0x21: {  	s3 =	sadd.s32 s3, s9;
	s6 =	sadd.s32 @!p0 $0x88, s6;
	s7 =	simm.s32 @p2 $0x1082  }
0x22: {  	[simem:s7], [sflag:s8] =	dma.local @!p0 [hbm:s6], $0xF7A  }
0x23: {  	s9 =	sor.u32 $0xD0000000, s2;
	s6 =	simm.s32 $0x108;
	_ =	swait.ge @!p0 [sflag:s8], $0x0  }
0x24: {  	s3 =	sadd.s32 $0x88, s3;
	s6 =	simm.s32 @!p1 $0x1082;
	[sflag:s4] =	ssyncset.s32 $0xFFFFF086  }
0x25: {  	[simem:s6], [sflag:s4] =	dma.local [hbm:s3], $0xF7A  }
0x26: {  	[smem:$0x3F9E] =	sst s1;
	(tag) =	ssettag s2;
	_ =	strace s9  }
0x27: {  	s1 =	sld [smem:$0x3FAE]  }
0x28: {  	s2 =	sld [smem:$0x3FAF]  }
0x29: {  	s4 =	sld [smem:$0x3FB1]  }
0x2a: {  	p0 =	seq.s32 s5, $0x0;
	s5 =	sld [smem:$0x3FB2]  }
0x2b: {  	s6 =	sld [smem:$0x3FB3]  }
0x2c: {  	s7 =	sld [smem:$0x3FB4]  }
0x2d: {  	s3 =	simm.s32 $0x108;
	s8 =	sld [smem:$0x3FB5]  }
0x2e: {  	s3 =	simm.s32 @!p0 $0x1082;
	s9 =	sld [smem:$0x3FB6]  }
0x2f: {  	lr =	sadd.s32 s0, s3;
	s0 =	sld [smem:$0x3FAD]  }
0x30: {  	s3 =	sld [smem:$0x3FB0]  }
0x31: {  	[smem:$0x3FB9] =	sst s10  }
0x32: {  	s10 =	sld [smem:$0x3FB7];
	_ =	sdelay $0x3  }
0x33: {  	p0 =	seq.s32 s10, $0x1;
	s10 =	sld [smem:$0x3FB9];
	_ =	sdelay $0x3  }
0x34: {  	[smem:$0x3FB9] =	sst s10  }
0x35: {  	s10 =	sld [smem:$0x3FB8];
	_ =	sdelay $0x3  }
0x36: {  	p1 =	seq.s32 s10, $0x1;
	s10 =	sld [smem:$0x3FB9];
	_ =	sdelay $0x3  }
0x37: {  	[smem:$0x3FB9] =	sst s10  }
0x38: {  	s10 =	sld [smem:$0x3FBA]  }
0x39: {  	_ = 	snop;
	(pc) =	sbr.ind lr, $3  }
0x3a: {  	_ = 	snop  }
0x3b: {  	_ = 	snop  }
0x3c: {  	p2 =	seq.s32 s10, $0x1;
	s10 =	sld [smem:$0x3FB9]  }
0x3d: {  	_ =	shalt  }
0x3e: {  	_ =	shalt  }
0x3f: {  	_ =	shalt  }
0x40: {  	_ =	shalt  }
0x41: {  	_ =	shalt  }
0x42: {  	_ =	shalt  }
0x43: {  	_ =	shalt  }
0x44: {  	_ =	shalt  }
0x45: {  	_ =	shalt  }
0x46: {  	_ =	shalt  }
0x47: {  	_ =	shalt  }
0x48: {  	_ =	shalt  }
0x49: {  	_ =	shalt  }
0x4a: {  	_ =	shalt  }
0x4b: {  	_ =	shalt  }
0x4c: {  	_ =	shalt  }
0x4d: {  	_ =	shalt  }
0x4e: {  	_ =	shalt  }
0x4f: {  	_ =	shalt  }
0x50: {  	_ =	shalt  }
0x51: {  	_ =	shalt  }
0x52: {  	_ =	shalt  }
0x53: {  	_ =	shalt  }
0x54: {  	_ =	shalt  }
0x55: {  	_ =	shalt  }
0x56: {  	_ =	shalt  }
0x57: {  	_ =	shalt  }
0x58: {  	_ =	shalt  }
0x59: {  	_ =	shalt  }
0x5a: {  	_ =	shalt  }
0x5b: {  	_ =	shalt  }
0x5c: {  	_ =	shalt  }
0x5d: {  	_ =	shalt  }
0x5e: {  	_ =	shalt  }
0x5f: {  	_ =	shalt  }
0x60: {  	_ =	shalt  }
0x61: {  	_ =	shalt  }
0x62: {  	_ =	shalt  }
0x63: {  	_ =	shalt  }
0x64: {  	_ =	shalt  }
0x65: {  	_ =	shalt  }
0x66: {  	_ =	shalt  }
0x67: {  	_ =	shalt  }
0x68: {  	_ =	shalt  }
0x69: {  	_ =	shalt  }
0x6a: {  	_ =	shalt  }
0x6b: {  	_ =	shalt  }
0x6c: {  	_ =	shalt  }
0x6d: {  	_ =	shalt  }
0x6e: {  	_ =	shalt  }
0x6f: {  	_ =	shalt  }
0x70: {  	_ =	shalt  }
0x71: {  	_ =	shalt  }
0x72: {  	_ =	shalt  }
0x73: {  	_ =	shalt  }
0x74: {  	_ =	shalt  }
0x75: {  	_ =	shalt  }
0x76: {  	_ =	shalt  }
0x77: {  	_ =	shalt  }
0x78: {  	_ =	shalt  }
0x79: {  	_ =	shalt  }
0x7a: {  	_ =	shalt  }
0x7b: {  	_ =	shalt  }
0x7c: {  	_ =	shalt  }
0x7d: {  	_ =	shalt  }
0x7e: {  	_ =	shalt  }
0x7f: {  	_ =	shalt  }
0x80: {  	_ =	shalt  }
0x81: {  	_ =	shalt  }
0x82: {  	_ =	shalt  }
0x83: {  	_ =	shalt  }
0x84: {  	_ =	shalt  }
0x85: {  	_ =	shalt  }
0x86: {  	_ =	shalt  }
0x87: {  	_ =	shalt  }
.Lfunc_end0:
.L_simem_size_0:
called_computation.2_lowered:
.L_overlay_start_0:
0x88: {  	s2 =	sld [smem:$0x3FD9]  }
0x89: {  	s3 =	sld [smem:$0x3FFE];
	_ =	sdelay $0x1  }
0x8a: {  	s1 =	srdreg.scid  }
0x8b: {  	s0 =	sand.u32 $0x1, s1  }
0x8c: {  	s17 =	sshll.u32 s0, $0xA;
	s2 =	sadd.s32 s3, s2  }
0x8d: {  	s2 =	sadd.s32 s2, s17  }
0x8e: {  	[smem:$0x3FC5] =	sst s2  }
0x8f: {  	_ = 	snop  }
0x90: {  	s2 =	sld [smem:$0x3FD0];
	(tm) =	ssettm $0x1  }
0x91: {  	s18 =	sld [smem:$0x3FFB];
	_ =	sdelay $0x3  }
0x92: {  	_ =	strace s18  }
0x93: {  	s3 =	sld [smem:$0x3FFC];
	_ =	sdelay $0x3  }
0x94: {  	_ =	strace s3  }
0x95: {  	s3 =	sld [smem:$0x3FFD];
	_ =	sdelay $0x3  }
0x96: {  	_ =	strace s3  }
0x97: {  	_ =	strace $0x8FFFFFFF  }
0x98: {  	s19 =	sld [smem:$0x3FDB];
	_ =	sdelay $0x1  }
0x99: {  	s4 =	simm.s32 $_scs_section_size  }
0x9a: {  	s5 =	simm.s32 $_size__tile_overlayer_lowered;
	s6 =	simm.s32 $_tile_overlayer_lowered  }
0x9b: {  	s22 =	simm.s32 $0x1BFF;
	s21 =	sshll.u32 s6, $0x1;
	s3 =	sadd.s32 s4, s19  }
0x9c: {  	s7 =	simm.s32 $0x0;
	s20 =	sshll.u32 s5, $0x1;
	s5 =	sadd.s32 s21, s3  }
0x9d: {  	[timem:s7], [sflag:s22] =	dma.local [hbm:s5], s20  }
0x9e: {  	_ =	swait.ge [sflag:s22], s20  }
0x9f: {  	s4 =	ssub.s32 $0x0, s20;
	[sflag:s22] =	ssyncset.done $0x0  }
0xa0: {  	[sflag:s22] =	ssyncadd.s32 s4;
	_ =	sdelay $0x1  }
0xa1: {  	s23 =	simm.s32 $0x1B8B  }
0xa2: {  	_ =	swait.ge [sflag:s23], $0x1  }
0xa3: {  	[sflag:s23] =	ssyncset.done $0x0  }
0xa4: {  	s25 =	simm.s32 $0x1B8E;
	s24 =	sld [smem:$0x3FFE];
	[sflag:s23] =	ssyncadd.s32 $0xFFFFFFFF  }
0xa5: {  	s26 =	simm.s32 $execute0_lowered;
	[smem:$0x3FD2] =	sst s25  }
0xa6: {  	s5 =	sshll.u32 s26, $0x1;
	_ =	strace $0x80000049;
	[dreg:$0x1] =	wrdreg $0xFFFFFFFF  }
0xa7: {  	s28 =	simm.s32 $_size_execute0_lowered;
	s3 =	sadd.s32 s3, s5;
	[dreg:$0x0] =	wrdreg $0x0  }
0xa8: {  	s5 =	sshll.u32 s28, $0x1;
	[dreg:$0x2] =	wrdreg s3  }
0xa9: {  	[dreg:$0x3] =	wrdreg s5  }
0xaa: {  	[dreg:$0x4] =	wrdreg $0xC0  }
0xab: {  	_ =	task [dreg:s7], $0x5FFFF  }
0xac: {  	[dreg:$0x1] =	wrdreg $0xFFFFFFFF  }
0xad: {  	[dreg:$0x0] =	wrdreg $0x60  }
0xae: {  	[dreg:$0x2] =	wrdreg s24  }
0xaf: {  	[dreg:$0x3] =	wrdreg s2  }
0xb0: {  	[dreg:$0x4] =	wrdreg $0xA  }
0xb1: {  	_ =	task.clear_ibuf [dreg:s7], $0x5FFFF;
	_ =	strace $0x90000049  }
0xb2: {  	s29 =	simm.s32 $0xA;
	_ =	strace $0x8000004B  }
0xb3: {  	_ =	swait.ge [sflag:s29], $0x1  }
0xb4: {  	[sflag:s29] =	ssyncadd.s32 $0xFFFFFFFF  }
0xb5: {  	_ =	strace $0x9000004B  }
0xb6: {  	_ =	sfence  }
0xb7: {  	s30 =	sld [smem:$0x0];
	_ =	sdelay $0x2  }
0xb8: {  	s31 =	sshll.u32 s1, $0xD;
	s1 =	sshrl.u32 s1, $0x2  }
0xb9: {  	s3 =	sand.u32 $0x4000, s31;
	s1 =	sadd.s32 s1, s30  }
0xba: {  	s0 =	sor.u32 s3, s0;
	s1 =	sshll.u32 s1, $0x11  }
0xbb: {  	s0 =	sor.u32 s1, s0  }
0xbc: {  	s0 =	sadd.s32 $0x8F2B, s0  }
0xbd: {  	[sflag:s0] =	ssyncadd.remote.s32 $0x1  }
0xbe: {  	_ =	sfence.sel $0xFFFF  }
0xbf: {  	[dreg:$0x0] =	wrdreg $0xFFFFFFFF;
	(pc) =	sbr.abs _section_cstart, $3  }
0xc0: {  	[dreg:$0x1] =	wrdreg $0xFFFFFFFF  }
0xc1: {  	_ =	task.clear_ibuf [dreg:s7], $0x2FFFF;
	_ =	strace $0x9FFFFFFF  }
0xc2: {  	(tm) =	ssettm $0x7FFFFFFF  }
0xc3: {  	_ =	shalt  }
tec
execute0_lowered:
.L_overlay_start_1:
0x0: {  	(tag) =	ssettag $0x1  }
0x1: {  	s7 =	rddreg [dreg:$0x0]  }
0x2: {  	s1 =	rddreg [dreg:$0x1]  }
0x3: {  	s0 =	rddreg [dreg:$0x2];
	s2 =	simm.s32 $0x0  }
0x4: {  	s3 =	srdreg.scid;
	s12 =	simm.s32 $0x80;
	s13 =	simm.s32 $0xD10  }
0x5: {  	s14 =	simm.s32 $0x1;
	s15 =	simm.s32 $0x1D10;
	s16 =	simm.s32 $0x1D90  }
0x6: {  	s17 =	simm.s32 $0x0;
	[smem:$0x7FF] =	sst s2;
	s4 =	sadd.s32 $0x3E5C200, s7  }
0x7: {  	s5 =	sadd.s32 $0x191A00, s7;
	s8 =	sand.u32 $0x1, s3;
	s6 =	sadd.s32 $0x1A00, s7  }
0x8: {  	s3 =	stileid.u32;
	s7 =	sadd.s32 $0x3A00, s7;
	s9 =	ssub.s32 $0x2, s8  }
0x9: {  	s11 =	sshll.u32 s3, $0x8;
	s8 =	sshll.u32 s8, $0x7;
	s10 =	sshrl.u32 s9, $0x1  }
0xa: {  	_ =	strace $0x8000004A;
	s8 =	sor.u32 s8, s11;
	s9 =	ssub.s32 s9, s10  }
0xb: {  	v0 =	vimm.f32 $-1.000000020e+30;
	v1 =	vimm.s32 $0x0;
	v2 =	vlaneseq.u32;
	s11 =	simm.s32 $0xC90;
	s10 =	simm.s32 $0x2;
	s9 =	smax.u32 s9, $0x1  }
.LBB2_1:
0xc: {  	s18 =	simm.s32 $0x0  }
.LBB2_2:
0xd: {  	s19 =	sadd.s32 s8, s18  }
0xe: {  	s21 =	sshll.u32 s19, $0x1  }
0xf: {  	s20 =	smul.u32 $0xC80, s19;
	s22 =	sadd.s32 s6, s21;
	s21 =	simm.s32 $0x0  }
0x10: {  	[tilespmem:s21], [sflag:$0x2] =	stream.linear.gather [hbm4b:s22+s21], $0x10, $0x38;
	[tilespmem:$0x1E10] =	vst v63  }
0x11: {  	_ =	swait.ge [sflag:s10], $0x10  }
0x12: {  	s31 =	sshrl.u32 s20, $0x3;
	[sflag:s10] =	ssyncset.done $0x0  }
0x13: {  	s22 =	simm.s32 $0x10;
	s23 =	sadd.s32 s5, s31;
	[sflag:s10] =	ssyncadd.s32 $0xFFFFFFF0  }
0x14: {  	[tilespmem:s22], [sflag:$0x2] =	stream.linear.gather [hbm4b:s23+s21], $0xC80, $0x38;
	[tilespmem:$0x1E10] =	vst v63  }
0x15: {  	_ =	swait.ge [sflag:s10], $0xC80  }
0x16: {  	[sflag:s10] =	ssyncset.done $0x0  }
0x17: {  	v3 =	vmov s20;
	[sflag:s10] =	ssyncadd.s32 $0xFFFFF380  }
0x18: {  	[tilespmem:$0xC90] =	vst v3  }
0x19: {  	v5 =	vimm.s32 $0x0;
	[tilespmem:$0x1D10] =	vst v0  }
0x1a: {  	[tilespmem:$0x1D90] =	vst v5  }
0x1b: {  	[tilespmem:$0xCA0] =	vst v3  }
0x1c: {  	[tilespmem:$0x1D20] =	vst v0  }
0x1d: {  	[tilespmem:$0x1DA0] =	vst v5  }
0x1e: {  	[tilespmem:$0xCB0] =	vst v3  }
0x1f: {  	[tilespmem:$0x1D30] =	vst v0  }
0x20: {  	[tilespmem:$0x1DB0] =	vst v5  }
0x21: {  	[tilespmem:$0xCC0] =	vst v3  }
0x22: {  	[tilespmem:$0x1D40] =	vst v0  }
0x23: {  	[tilespmem:$0x1DC0] =	vst v5  }
0x24: {  	[tilespmem:$0xCD0] =	vst v3  }
0x25: {  	[tilespmem:$0x1D50] =	vst v0  }
0x26: {  	[tilespmem:$0x1DD0] =	vst v5  }
0x27: {  	[tilespmem:$0xCE0] =	vst v3  }
0x28: {  	[tilespmem:$0x1D60] =	vst v0  }
0x29: {  	[tilespmem:$0x1DE0] =	vst v5  }
0x2a: {  	[tilespmem:$0xCF0] =	vst v3  }
0x2b: {  	[tilespmem:$0x1D70] =	vst v0  }
0x2c: {  	[tilespmem:$0x1DF0] =	vst v5  }
0x2d: {  	[tilespmem:$0xD00] =	vst v3  }
0x2e: {  	[tilespmem:$0x1D80] =	vst v0  }
0x2f: {  	v4 =	vld [tilespmem:$0x0];
	[tilespmem:$0x1E00] =	vst v5  }
0x30: {  	v6 =	vimm.s32 $0x0;
	s23 =	simm.s32 $0x10;
	v7 =	vld [tilespmem:s22+$0x0]  }
.LBB2_3:
0x31: {  	p0 =	sne.s32 s23, $0xC70;
	_ =	sdelay $0x3  }
0x32: {  	vm0 =	vge.f32 v7, v4  }
0x33: {  	v7 =	vsel vm0, $0x1, v1;
	v8 =	vmpcnt.ones.xlane vm0  }
0x34: {  	(xrf0) =	vadd.scan.msk.s32 $0xffff, v7  }
0x35: {  	v5 =	vadd.s32 v5, v8;
	_ =	sdelay $0x4  }
0x36: {  	v7, _, _ =	vpop (xrf0)  }
0x37: {  	v7 =	vadd.s32 v7, v6;
	v6 =	vmov v5  }
0x38: {  	v7 =	vadd.s32 $0xFFFFFFFF, v7  }
0x39: {  	vm1 =	vlt.s32 v7, $0x80  }
0x3a: {  	vm0 =	vmand vm0, vm1;
	_ =	sdelay $0x2  }
.Ltmp0:
0x3b: {  	(pc) =	sbr.rel @p0 .LBB2_3-.Ltmp0, $4  }
0x3c: {  	s24 =	sadd.s32 s20, s21;
	s21 =	smov.u32 s23  }
0x3d: {  	v8 =	vor.u32 s24, v2  }
0x3e: {  	s22 =	sadd.s32 $0x10, s22;
	[tilespmem:v7+s11+$0x0] =	vst.idx.msk vm0, v8  }
0x3f: {  	s23 =	sadd.s32 $0x10, s23;
	v7 =	vld [tilespmem:s22+$0x0]  }
0x40: {  	_ =	sdelay $0x3  }
0x41: {  	vm0 =	vge.f32 v7, v4  }
0x42: {  	v7 =	vsel vm0, $0x1, v1  }
0x43: {  	(xrf0) =	vadd.scan.msk.s32 $0xffff, v7;
	_ =	sdelay $0x5  }
0x44: {  	v7, _, _ =	vpop (xrf0)  }
0x45: {  	v6 =	vadd.s32 v7, v6  }
0x46: {  	v6 =	vadd.s32 $0xFFFFFFFF, v6  }
0x47: {  	vm1 =	vlt.s32 v6, $0x80  }
0x48: {  	vm1 =	vmand vm0, vm1;
	_ =	sdelay $0x3  }
0x49: {  	s20 =	sadd.s32 s20, s21  }
0x4a: {  	v7 =	vor.u32 s20, v2  }
0x4b: {  	s20 =	simm.s32 $0xC90;
	[tilespmem:v6+s11+$0x0] =	vst.idx.msk vm1, v7  }
0x4c: {  	[tilespmem:s13], [sflag:$0x1] =	stream.indirect.gather [hbm4b:s4+s12], $0x20, s20, s12, $0xb8;
	[tilespmem:$0x1E10] =	vst v63  }
0x4d: {  	v6 =	vmpcnt.ones.xlane vm0;
	_ =	swait.ge [sflag:s14], $0x1000  }
0x4e: {  	[sflag:s14] =	ssyncset.done $0x0  }
0x4f: {  	v8 =	vimm.s32 $0x0;
	s21 =	simm.s32 $0x0;
	v5 =	vadd.s32 v5, v6;
	[sflag:s14] =	ssyncadd.s32 $0xFFFFF000  }
.LBB2_5:
0x50: {  	v6 =	vor.u32 s21, v2  }
0x51: {  	v7 =	vshll.u32 v6, $0x5;
	_ =	sdelay $0x4  }
0x52: {  	v9 =	vld.idx.msk [tilespmem:v7+s13+$0x0], $0xffff;
	_ =	sdelay $0x4  }
0x53: {  	vm0 =	vlt.s32 v6, v5;
	vm1 =	vge.f32 v9, v4  }
0x54: {  	vm1 =	vmand vm0, vm1  }
0x55: {  	v6 =	vsel vm1, $0x1, v1  }
0x56: {  	(xrf0) =	vadd.scan.msk.s32 $0xffff, v6;
	_ =	sdelay $0x5  }
0x57: {  	v6, _, _ =	vpop (xrf0)  }
0x58: {  	v6 =	vadd.s32 v6, v8  }
0x59: {  	v10 =	vadd.s32 $0xFFFFFFFF, v6  }
0x5a: {  	vm2 =	vlt.s32 v10, $0x80  }
0x5b: {  	v6 =	vld [tilespmem:s20+$0x0];
	vm2 =	vmand vm1, vm2;
	_ =	sdelay $0x2  }
0x5c: {  	v11 =	vor.u32 $0x1, v7;
	_ =	sdelay $0x1  }
0x5d: {  	v6 =	vsub.s32 v6, v3  }
0x5e: {  	v6 =	vshll.u32 v6, $0x5;
	[tilespmem:v10+s15+$0x0] =	vst.idx.msk vm2, v9  }
0x5f: {  	[tilespmem:v10+s16+$0x0] =	vst.idx.msk vm2, v6  }
0x60: {  	v9 =	vld.idx.msk [tilespmem:v11+s13+$0x0], $0xffff;
	_ =	sdelay $0x4  }
0x61: {  	vm14 =	vge.f32 v9, v4  }
0x62: {  	vm2 =	vmand vm0, vm14  }
0x63: {  	v10 =	vsel vm2, $0x1, v1  }
0x64: {  	(xrf0) =	vadd.scan.msk.s32 $0xffff, v10;
	_ =	sdelay $0x1  }
0x65: {  	v10 =	vmpcnt.ones.xlane vm1;
	_ =	sdelay $0x3  }
0x66: {  	v8 =	vadd.s32 v8, v10;
	v10, _, _ =	vpop (xrf0)  }
0x67: {  	v10 =	vadd.s32 v10, v8  }
0x68: {  	v10 =	vadd.s32 $0xFFFFFFFF, v10  }
0x69: {  	vm15 =	vlt.s32 v10, $0x80  }
0x6a: {  	vm1 =	vmand vm2, vm15;
	_ =	sdelay $0x2  }
0x6b: {  	v11 =	vor.u32 $0x2, v7;
	_ =	sdelay $0x2  }
0x6c: {  	[tilespmem:v10+s15+$0x0] =	vst.idx.msk vm1, v9;
	v9 =	vor.u32 $0x1, v6  }
0x6d: {  	[tilespmem:v10+s16+$0x0] =	vst.idx.msk vm1, v9  }
0x6e: {  	v9 =	vld.idx.msk [tilespmem:v11+s13+$0x0], $0xffff;
	_ =	sdelay $0x4  }
0x6f: {  	vm4 =	vge.f32 v9, v4  }
0x70: {  	vm1 =	vmand vm0, vm4  }
0x71: {  	v10 =	vsel vm1, $0x1, v1  }
0x72: {  	(xrf0) =	vadd.scan.msk.s32 $0xffff, v10;
	_ =	sdelay $0x1  }
0x73: {  	v10 =	vmpcnt.ones.xlane vm2;
	_ =	sdelay $0x3  }
0x74: {  	v8 =	vadd.s32 v8, v10;
	v10, _, _ =	vpop (xrf0)  }
0x75: {  	v10 =	vadd.s32 v10, v8  }
0x76: {  	v10 =	vadd.s32 $0xFFFFFFFF, v10  }
0x77: {  	vm5 =	vlt.s32 v10, $0x80  }
0x78: {  	vm2 =	vmand vm1, vm5;
	_ =	sdelay $0x2  }
0x79: {  	v11 =	vor.u32 $0x3, v7;
	_ =	sdelay $0x2  }
0x7a: {  	[tilespmem:v10+s15+$0x0] =	vst.idx.msk vm2, v9;
	v9 =	vor.u32 $0x2, v6  }
0x7b: {  	[tilespmem:v10+s16+$0x0] =	vst.idx.msk vm2, v9  }
0x7c: {  	v9 =	vld.idx.msk [tilespmem:v11+s13+$0x0], $0xffff;
	_ =	sdelay $0x4  }
0x7d: {  	vm6 =	vge.f32 v9, v4  }
0x7e: {  	vm2 =	vmand vm0, vm6  }
0x7f: {  	v10 =	vsel vm2, $0x1, v1  }
0x80: {  	(xrf0) =	vadd.scan.msk.s32 $0xffff, v10;
	_ =	sdelay $0x1  }
0x81: {  	v10 =	vmpcnt.ones.xlane vm1;
	_ =	sdelay $0x3  }
0x82: {  	v8 =	vadd.s32 v8, v10;
	v10, _, _ =	vpop (xrf0)  }
0x83: {  	v10 =	vadd.s32 v10, v8  }
0x84: {  	v10 =	vadd.s32 $0xFFFFFFFF, v10  }
0x85: {  	vm7 =	vlt.s32 v10, $0x80  }
0x86: {  	vm1 =	vmand vm2, vm7;
	_ =	sdelay $0x2  }
0x87: {  	v11 =	vor.u32 $0x4, v7;
	_ =	sdelay $0x2  }
0x88: {  	[tilespmem:v10+s15+$0x0] =	vst.idx.msk vm1, v9;
	v9 =	vor.u32 $0x3, v6  }
0x89: {  	[tilespmem:v10+s16+$0x0] =	vst.idx.msk vm1, v9  }
0x8a: {  	v9 =	vld.idx.msk [tilespmem:v11+s13+$0x0], $0xffff;
	_ =	sdelay $0x4  }
0x8b: {  	vm8 =	vge.f32 v9, v4  }
0x8c: {  	vm1 =	vmand vm0, vm8  }
0x8d: {  	v10 =	vsel vm1, $0x1, v1  }
0x8e: {  	(xrf0) =	vadd.scan.msk.s32 $0xffff, v10;
	_ =	sdelay $0x1  }
0x8f: {  	v10 =	vmpcnt.ones.xlane vm2;
	_ =	sdelay $0x3  }
0x90: {  	v8 =	vadd.s32 v8, v10;
	v10, _, _ =	vpop (xrf0)  }
0x91: {  	v10 =	vadd.s32 v10, v8  }
0x92: {  	v10 =	vadd.s32 $0xFFFFFFFF, v10  }
0x93: {  	vm9 =	vlt.s32 v10, $0x80  }
0x94: {  	vm2 =	vmand vm1, vm9;
	_ =	sdelay $0x2  }
0x95: {  	v11 =	vor.u32 $0x5, v7;
	_ =	sdelay $0x2  }
0x96: {  	[tilespmem:v10+s15+$0x0] =	vst.idx.msk vm2, v9;
	v9 =	vor.u32 $0x4, v6  }
0x97: {  	[tilespmem:v10+s16+$0x0] =	vst.idx.msk vm2, v9  }
0x98: {  	v9 =	vld.idx.msk [tilespmem:v11+s13+$0x0], $0xffff;
	_ =	sdelay $0x4  }
0x99: {  	vm10 =	vge.f32 v9, v4  }
0x9a: {  	vm2 =	vmand vm0, vm10  }
0x9b: {  	v10 =	vsel vm2, $0x1, v1  }
0x9c: {  	(xrf0) =	vadd.scan.msk.s32 $0xffff, v10;
	_ =	sdelay $0x1  }
0x9d: {  	v10 =	vmpcnt.ones.xlane vm1;
	_ =	sdelay $0x3  }
0x9e: {  	v8 =	vadd.s32 v8, v10;
	v10, _, _ =	vpop (xrf0)  }
0x9f: {  	v10 =	vadd.s32 v10, v8  }
0xa0: {  	v10 =	vadd.s32 $0xFFFFFFFF, v10  }
0xa1: {  	vm11 =	vlt.s32 v10, $0x80  }
0xa2: {  	vm1 =	vmand vm2, vm11;
	_ =	sdelay $0x2  }
0xa3: {  	v11 =	vor.u32 $0x6, v7;
	_ =	sdelay $0x2  }
0xa4: {  	[tilespmem:v10+s15+$0x0] =	vst.idx.msk vm1, v9;
	v9 =	vor.u32 $0x5, v6  }
0xa5: {  	[tilespmem:v10+s16+$0x0] =	vst.idx.msk vm1, v9  }
0xa6: {  	v9 =	vld.idx.msk [tilespmem:v11+s13+$0x0], $0xffff;
	_ =	sdelay $0x4  }
0xa7: {  	vm12 =	vge.f32 v9, v4  }
0xa8: {  	vm1 =	vmand vm0, vm12  }
0xa9: {  	v10 =	vsel vm1, $0x1, v1  }
0xaa: {  	(xrf0) =	vadd.scan.msk.s32 $0xffff, v10;
	_ =	sdelay $0x1  }
0xab: {  	v10 =	vmpcnt.ones.xlane vm2;
	_ =	sdelay $0x3  }
0xac: {  	v8 =	vadd.s32 v8, v10;
	v10, _, _ =	vpop (xrf0)  }
0xad: {  	v10 =	vadd.s32 v10, v8  }
0xae: {  	v10 =	vadd.s32 $0xFFFFFFFF, v10  }
0xaf: {  	vm13 =	vlt.s32 v10, $0x80  }
0xb0: {  	vm2 =	vmand vm1, vm13;
	_ =	sdelay $0x2  }
0xb1: {  	v11 =	vor.u32 $0x7, v7;
	_ =	sdelay $0x2  }
0xb2: {  	[tilespmem:v10+s15+$0x0] =	vst.idx.msk vm2, v9;
	v9 =	vor.u32 $0x6, v6  }
0xb3: {  	[tilespmem:v10+s16+$0x0] =	vst.idx.msk vm2, v9  }
0xb4: {  	v9 =	vld.idx.msk [tilespmem:v11+s13+$0x0], $0xffff;
	_ =	sdelay $0x4  }
0xb5: {  	vm14 =	vge.f32 v9, v4  }
0xb6: {  	vm2 =	vmand vm0, vm14  }
0xb7: {  	v10 =	vsel vm2, $0x1, v1  }
0xb8: {  	(xrf0) =	vadd.scan.msk.s32 $0xffff, v10;
	_ =	sdelay $0x1  }
0xb9: {  	v10 =	vmpcnt.ones.xlane vm1;
	_ =	sdelay $0x3  }
0xba: {  	v8 =	vadd.s32 v8, v10;
	v10, _, _ =	vpop (xrf0)  }
0xbb: {  	v10 =	vadd.s32 v10, v8  }
0xbc: {  	v10 =	vadd.s32 $0xFFFFFFFF, v10  }
0xbd: {  	vm15 =	vlt.s32 v10, $0x80  }
0xbe: {  	vm1 =	vmand vm2, vm15;
	_ =	sdelay $0x2  }
0xbf: {  	v11 =	vor.u32 $0x8, v7;
	_ =	sdelay $0x2  }
0xc0: {  	[tilespmem:v10+s15+$0x0] =	vst.idx.msk vm1, v9;
	v9 =	vor.u32 $0x7, v6  }
0xc1: {  	[tilespmem:v10+s16+$0x0] =	vst.idx.msk vm1, v9  }
0xc2: {  	v9 =	vld.idx.msk [tilespmem:v11+s13+$0x0], $0xffff;
	_ =	sdelay $0x4  }
0xc3: {  	vm4 =	vge.f32 v9, v4  }
0xc4: {  	vm1 =	vmand vm0, vm4  }
0xc5: {  	v10 =	vsel vm1, $0x1, v1  }
0xc6: {  	(xrf0) =	vadd.scan.msk.s32 $0xffff, v10;
	_ =	sdelay $0x1  }
0xc7: {  	v10 =	vmpcnt.ones.xlane vm2;
	_ =	sdelay $0x3  }
0xc8: {  	v8 =	vadd.s32 v8, v10;
	v10, _, _ =	vpop (xrf0)  }
0xc9: {  	v10 =	vadd.s32 v10, v8  }
0xca: {  	v10 =	vadd.s32 $0xFFFFFFFF, v10  }
0xcb: {  	vm5 =	vlt.s32 v10, $0x80  }
0xcc: {  	vm2 =	vmand vm1, vm5;
	_ =	sdelay $0x2  }
0xcd: {  	v11 =	vor.u32 $0x9, v7;
	_ =	sdelay $0x2  }
0xce: {  	[tilespmem:v10+s15+$0x0] =	vst.idx.msk vm2, v9;
	v9 =	vor.u32 $0x8, v6  }
0xcf: {  	[tilespmem:v10+s16+$0x0] =	vst.idx.msk vm2, v9  }
0xd0: {  	v9 =	vld.idx.msk [tilespmem:v11+s13+$0x0], $0xffff;
	_ =	sdelay $0x4  }
0xd1: {  	vm6 =	vge.f32 v9, v4  }
0xd2: {  	vm2 =	vmand vm0, vm6  }
0xd3: {  	v10 =	vsel vm2, $0x1, v1  }
0xd4: {  	(xrf0) =	vadd.scan.msk.s32 $0xffff, v10;
	_ =	sdelay $0x1  }
0xd5: {  	v10 =	vmpcnt.ones.xlane vm1;
	_ =	sdelay $0x3  }
0xd6: {  	v8 =	vadd.s32 v8, v10;
	v10, _, _ =	vpop (xrf0)  }
0xd7: {  	v10 =	vadd.s32 v10, v8  }
0xd8: {  	v10 =	vadd.s32 $0xFFFFFFFF, v10  }
0xd9: {  	vm7 =	vlt.s32 v10, $0x80  }
0xda: {  	vm1 =	vmand vm2, vm7;
	_ =	sdelay $0x2  }
0xdb: {  	v11 =	vor.u32 $0xA, v7;
	_ =	sdelay $0x2  }
0xdc: {  	[tilespmem:v10+s15+$0x0] =	vst.idx.msk vm1, v9;
	v9 =	vor.u32 $0x9, v6  }
0xdd: {  	[tilespmem:v10+s16+$0x0] =	vst.idx.msk vm1, v9  }
0xde: {  	v9 =	vld.idx.msk [tilespmem:v11+s13+$0x0], $0xffff;
	_ =	sdelay $0x4  }
0xdf: {  	vm8 =	vge.f32 v9, v4  }
0xe0: {  	vm1 =	vmand vm0, vm8  }
0xe1: {  	v10 =	vsel vm1, $0x1, v1  }
0xe2: {  	(xrf0) =	vadd.scan.msk.s32 $0xffff, v10;
	_ =	sdelay $0x1  }
0xe3: {  	v10 =	vmpcnt.ones.xlane vm2;
	_ =	sdelay $0x3  }
0xe4: {  	v8 =	vadd.s32 v8, v10;
	v10, _, _ =	vpop (xrf0)  }
0xe5: {  	v10 =	vadd.s32 v10, v8  }
0xe6: {  	v10 =	vadd.s32 $0xFFFFFFFF, v10  }
0xe7: {  	vm9 =	vlt.s32 v10, $0x80  }
0xe8: {  	vm2 =	vmand vm1, vm9;
	_ =	sdelay $0x2  }
0xe9: {  	v11 =	vor.u32 $0xB, v7;
	_ =	sdelay $0x2  }
0xea: {  	[tilespmem:v10+s15+$0x0] =	vst.idx.msk vm2, v9;
	v9 =	vor.u32 $0xA, v6  }
0xeb: {  	[tilespmem:v10+s16+$0x0] =	vst.idx.msk vm2, v9  }
0xec: {  	v9 =	vld.idx.msk [tilespmem:v11+s13+$0x0], $0xffff;
	_ =	sdelay $0x4  }
0xed: {  	vm10 =	vge.f32 v9, v4  }
0xee: {  	vm2 =	vmand vm0, vm10  }
0xef: {  	v10 =	vsel vm2, $0x1, v1  }
0xf0: {  	(xrf0) =	vadd.scan.msk.s32 $0xffff, v10;
	_ =	sdelay $0x1  }
0xf1: {  	v10 =	vmpcnt.ones.xlane vm1;
	_ =	sdelay $0x3  }
0xf2: {  	v8 =	vadd.s32 v8, v10;
	v10, _, _ =	vpop (xrf0)  }
0xf3: {  	v10 =	vadd.s32 v10, v8  }
0xf4: {  	v10 =	vadd.s32 $0xFFFFFFFF, v10  }
0xf5: {  	vm11 =	vlt.s32 v10, $0x80  }
0xf6: {  	vm1 =	vmand vm2, vm11;
	_ =	sdelay $0x2  }
0xf7: {  	v11 =	vor.u32 $0xC, v7;
	_ =	sdelay $0x2  }
0xf8: {  	[tilespmem:v10+s15+$0x0] =	vst.idx.msk vm1, v9;
	v9 =	vor.u32 $0xB, v6  }
0xf9: {  	[tilespmem:v10+s16+$0x0] =	vst.idx.msk vm1, v9  }
0xfa: {  	v9 =	vld.idx.msk [tilespmem:v11+s13+$0x0], $0xffff;
	_ =	sdelay $0x4  }
0xfb: {  	vm12 =	vge.f32 v9, v4  }
0xfc: {  	vm1 =	vmand vm0, vm12  }
0xfd: {  	v10 =	vsel vm1, $0x1, v1  }
0xfe: {  	(xrf0) =	vadd.scan.msk.s32 $0xffff, v10;
	_ =	sdelay $0x1  }
0xff: {  	v10 =	vmpcnt.ones.xlane vm2;
	_ =	sdelay $0x3  }
0x100: {  	v8 =	vadd.s32 v8, v10;
	v10, _, _ =	vpop (xrf0)  }
0x101: {  	v10 =	vadd.s32 v10, v8  }
0x102: {  	v10 =	vadd.s32 $0xFFFFFFFF, v10  }
0x103: {  	vm13 =	vlt.s32 v10, $0x80  }
0x104: {  	vm2 =	vmand vm1, vm13;
	_ =	sdelay $0x2  }
0x105: {  	v11 =	vor.u32 $0xD, v7;
	_ =	sdelay $0x2  }
0x106: {  	[tilespmem:v10+s15+$0x0] =	vst.idx.msk vm2, v9;
	v9 =	vor.u32 $0xC, v6  }
0x107: {  	[tilespmem:v10+s16+$0x0] =	vst.idx.msk vm2, v9  }
0x108: {  	v9 =	vld.idx.msk [tilespmem:v11+s13+$0x0], $0xffff;
	_ =	sdelay $0x4  }
0x109: {  	vm14 =	vge.f32 v9, v4  }
0x10a: {  	vm2 =	vmand vm0, vm14  }
0x10b: {  	v10 =	vsel vm2, $0x1, v1  }
0x10c: {  	(xrf0) =	vadd.scan.msk.s32 $0xffff, v10;
	_ =	sdelay $0x1  }
0x10d: {  	v10 =	vmpcnt.ones.xlane vm1;
	_ =	sdelay $0x3  }
0x10e: {  	v8 =	vadd.s32 v8, v10;
	v10, _, _ =	vpop (xrf0)  }
0x10f: {  	v10 =	vadd.s32 v10, v8  }
0x110: {  	v10 =	vadd.s32 $0xFFFFFFFF, v10  }
0x111: {  	vm15 =	vlt.s32 v10, $0x80  }
0x112: {  	vm1 =	vmand vm2, vm15;
	_ =	sdelay $0x2  }
0x113: {  	v11 =	vor.u32 $0xE, v7;
	_ =	sdelay $0x2  }
0x114: {  	[tilespmem:v10+s15+$0x0] =	vst.idx.msk vm1, v9;
	v9 =	vor.u32 $0xD, v6  }
0x115: {  	[tilespmem:v10+s16+$0x0] =	vst.idx.msk vm1, v9  }
0x116: {  	v9 =	vld.idx.msk [tilespmem:v11+s13+$0x0], $0xffff;
	_ =	sdelay $0x4  }
0x117: {  	vm4 =	vge.f32 v9, v4  }
0x118: {  	vm1 =	vmand vm0, vm4  }
0x119: {  	v10 =	vsel vm1, $0x1, v1  }
0x11a: {  	(xrf0) =	vadd.scan.msk.s32 $0xffff, v10;
	_ =	sdelay $0x1  }
0x11b: {  	v10 =	vmpcnt.ones.xlane vm2;
	_ =	sdelay $0x3  }
0x11c: {  	v8 =	vadd.s32 v8, v10;
	v10, _, _ =	vpop (xrf0)  }
0x11d: {  	v10 =	vadd.s32 v10, v8  }
0x11e: {  	v10 =	vadd.s32 $0xFFFFFFFF, v10  }
0x11f: {  	vm5 =	vlt.s32 v10, $0x80  }
0x120: {  	vm2 =	vmand vm1, vm5;
	_ =	sdelay $0x2  }
0x121: {  	v11 =	vor.u32 $0xF, v7;
	_ =	sdelay $0x2  }
0x122: {  	[tilespmem:v10+s15+$0x0] =	vst.idx.msk vm2, v9;
	v9 =	vor.u32 $0xE, v6  }
0x123: {  	[tilespmem:v10+s16+$0x0] =	vst.idx.msk vm2, v9  }
0x124: {  	v9 =	vld.idx.msk [tilespmem:v11+s13+$0x0], $0xffff;
	_ =	sdelay $0x4  }
0x125: {  	vm6 =	vge.f32 v9, v4  }
0x126: {  	vm2 =	vmand vm0, vm6  }
0x127: {  	v10 =	vsel vm2, $0x1, v1  }
0x128: {  	(xrf0) =	vadd.scan.msk.s32 $0xffff, v10;
	_ =	sdelay $0x1  }
0x129: {  	v10 =	vmpcnt.ones.xlane vm1;
	_ =	sdelay $0x3  }
0x12a: {  	v8 =	vadd.s32 v8, v10;
	v10, _, _ =	vpop (xrf0)  }
0x12b: {  	v10 =	vadd.s32 v10, v8  }
0x12c: {  	v10 =	vadd.s32 $0xFFFFFFFF, v10  }
0x12d: {  	vm7 =	vlt.s32 v10, $0x80  }
0x12e: {  	vm1 =	vmand vm2, vm7;
	_ =	sdelay $0x2  }
0x12f: {  	v11 =	vor.u32 $0x10, v7;
	_ =	sdelay $0x2  }
0x130: {  	[tilespmem:v10+s15+$0x0] =	vst.idx.msk vm1, v9;
	v9 =	vor.u32 $0xF, v6  }
0x131: {  	[tilespmem:v10+s16+$0x0] =	vst.idx.msk vm1, v9  }
0x132: {  	v9 =	vld.idx.msk [tilespmem:v11+s13+$0x0], $0xffff;
	_ =	sdelay $0x4  }
0x133: {  	vm8 =	vge.f32 v9, v4  }
0x134: {  	vm1 =	vmand vm0, vm8  }
0x135: {  	v10 =	vsel vm1, $0x1, v1  }
0x136: {  	(xrf0) =	vadd.scan.msk.s32 $0xffff, v10;
	_ =	sdelay $0x1  }
0x137: {  	v10 =	vmpcnt.ones.xlane vm2;
	_ =	sdelay $0x3  }
0x138: {  	v8 =	vadd.s32 v8, v10;
	v10, _, _ =	vpop (xrf0)  }
0x139: {  	v10 =	vadd.s32 v10, v8  }
0x13a: {  	v10 =	vadd.s32 $0xFFFFFFFF, v10  }
0x13b: {  	vm9 =	vlt.s32 v10, $0x80  }
0x13c: {  	vm2 =	vmand vm1, vm9;
	_ =	sdelay $0x2  }
0x13d: {  	v11 =	vor.u32 $0x11, v7;
	_ =	sdelay $0x2  }
0x13e: {  	[tilespmem:v10+s15+$0x0] =	vst.idx.msk vm2, v9;
	v9 =	vor.u32 $0x10, v6  }
0x13f: {  	[tilespmem:v10+s16+$0x0] =	vst.idx.msk vm2, v9  }
0x140: {  	v9 =	vld.idx.msk [tilespmem:v11+s13+$0x0], $0xffff;
	_ =	sdelay $0x4  }
0x141: {  	vm10 =	vge.f32 v9, v4  }
0x142: {  	vm2 =	vmand vm0, vm10  }
0x143: {  	v10 =	vsel vm2, $0x1, v1  }
0x144: {  	(xrf0) =	vadd.scan.msk.s32 $0xffff, v10;
	_ =	sdelay $0x1  }
0x145: {  	v10 =	vmpcnt.ones.xlane vm1;
	_ =	sdelay $0x3  }
0x146: {  	v8 =	vadd.s32 v8, v10;
	v10, _, _ =	vpop (xrf0)  }
0x147: {  	v10 =	vadd.s32 v10, v8  }
0x148: {  	v10 =	vadd.s32 $0xFFFFFFFF, v10  }
0x149: {  	vm11 =	vlt.s32 v10, $0x80  }
0x14a: {  	vm1 =	vmand vm2, vm11;
	_ =	sdelay $0x2  }
0x14b: {  	v11 =	vor.u32 $0x12, v7;
	_ =	sdelay $0x2  }
0x14c: {  	[tilespmem:v10+s15+$0x0] =	vst.idx.msk vm1, v9;
	v9 =	vor.u32 $0x11, v6  }
0x14d: {  	[tilespmem:v10+s16+$0x0] =	vst.idx.msk vm1, v9  }
0x14e: {  	v9 =	vld.idx.msk [tilespmem:v11+s13+$0x0], $0xffff;
	_ =	sdelay $0x4  }
0x14f: {  	vm12 =	vge.f32 v9, v4  }
0x150: {  	vm1 =	vmand vm0, vm12  }
0x151: {  	v10 =	vsel vm1, $0x1, v1  }
0x152: {  	(xrf0) =	vadd.scan.msk.s32 $0xffff, v10;
	_ =	sdelay $0x1  }
0x153: {  	v10 =	vmpcnt.ones.xlane vm2;
	_ =	sdelay $0x3  }
0x154: {  	v8 =	vadd.s32 v8, v10;
	v10, _, _ =	vpop (xrf0)  }
0x155: {  	v10 =	vadd.s32 v10, v8  }
0x156: {  	v10 =	vadd.s32 $0xFFFFFFFF, v10  }
0x157: {  	vm13 =	vlt.s32 v10, $0x80  }
0x158: {  	vm2 =	vmand vm1, vm13;
	_ =	sdelay $0x2  }
0x159: {  	v11 =	vor.u32 $0x13, v7;
	_ =	sdelay $0x2  }
0x15a: {  	[tilespmem:v10+s15+$0x0] =	vst.idx.msk vm2, v9;
	v9 =	vor.u32 $0x12, v6  }
0x15b: {  	[tilespmem:v10+s16+$0x0] =	vst.idx.msk vm2, v9  }
0x15c: {  	v9 =	vld.idx.msk [tilespmem:v11+s13+$0x0], $0xffff;
	_ =	sdelay $0x4  }
0x15d: {  	vm14 =	vge.f32 v9, v4  }
0x15e: {  	vm2 =	vmand vm0, vm14  }
0x15f: {  	v10 =	vsel vm2, $0x1, v1  }
0x160: {  	(xrf0) =	vadd.scan.msk.s32 $0xffff, v10;
	_ =	sdelay $0x1  }
0x161: {  	v10 =	vmpcnt.ones.xlane vm1;
	_ =	sdelay $0x3  }
0x162: {  	v8 =	vadd.s32 v8, v10;
	v10, _, _ =	vpop (xrf0)  }
0x163: {  	v10 =	vadd.s32 v10, v8  }
0x164: {  	v10 =	vadd.s32 $0xFFFFFFFF, v10  }
0x165: {  	vm15 =	vlt.s32 v10, $0x80  }
0x166: {  	vm1 =	vmand vm2, vm15;
	_ =	sdelay $0x2  }
0x167: {  	v11 =	vor.u32 $0x14, v7;
	_ =	sdelay $0x2  }
0x168: {  	[tilespmem:v10+s15+$0x0] =	vst.idx.msk vm1, v9;
	v9 =	vor.u32 $0x13, v6  }
0x169: {  	[tilespmem:v10+s16+$0x0] =	vst.idx.msk vm1, v9  }
0x16a: {  	v9 =	vld.idx.msk [tilespmem:v11+s13+$0x0], $0xffff;
	_ =	sdelay $0x4  }
0x16b: {  	vm4 =	vge.f32 v9, v4  }
0x16c: {  	vm1 =	vmand vm0, vm4  }
0x16d: {  	v10 =	vsel vm1, $0x1, v1  }
0x16e: {  	(xrf0) =	vadd.scan.msk.s32 $0xffff, v10;
	_ =	sdelay $0x1  }
0x16f: {  	v10 =	vmpcnt.ones.xlane vm2;
	_ =	sdelay $0x3  }
0x170: {  	v8 =	vadd.s32 v8, v10;
	v10, _, _ =	vpop (xrf0)  }
0x171: {  	v10 =	vadd.s32 v10, v8  }
0x172: {  	v10 =	vadd.s32 $0xFFFFFFFF, v10  }
0x173: {  	vm5 =	vlt.s32 v10, $0x80  }
0x174: {  	vm2 =	vmand vm1, vm5;
	_ =	sdelay $0x2  }
0x175: {  	v11 =	vor.u32 $0x15, v7;
	_ =	sdelay $0x2  }
0x176: {  	[tilespmem:v10+s15+$0x0] =	vst.idx.msk vm2, v9;
	v9 =	vor.u32 $0x14, v6  }
0x177: {  	[tilespmem:v10+s16+$0x0] =	vst.idx.msk vm2, v9  }
0x178: {  	v9 =	vld.idx.msk [tilespmem:v11+s13+$0x0], $0xffff;
	_ =	sdelay $0x4  }
0x179: {  	vm6 =	vge.f32 v9, v4  }
0x17a: {  	vm2 =	vmand vm0, vm6  }
0x17b: {  	v10 =	vsel vm2, $0x1, v1  }
0x17c: {  	(xrf0) =	vadd.scan.msk.s32 $0xffff, v10;
	_ =	sdelay $0x1  }
0x17d: {  	v10 =	vmpcnt.ones.xlane vm1;
	_ =	sdelay $0x3  }
0x17e: {  	v8 =	vadd.s32 v8, v10;
	v10, _, _ =	vpop (xrf0)  }
0x17f: {  	v10 =	vadd.s32 v10, v8  }
0x180: {  	v10 =	vadd.s32 $0xFFFFFFFF, v10  }
0x181: {  	vm7 =	vlt.s32 v10, $0x80  }
0x182: {  	vm1 =	vmand vm2, vm7;
	_ =	sdelay $0x2  }
0x183: {  	v11 =	vor.u32 $0x16, v7;
	_ =	sdelay $0x2  }
0x184: {  	[tilespmem:v10+s15+$0x0] =	vst.idx.msk vm1, v9;
	v9 =	vor.u32 $0x15, v6  }
0x185: {  	[tilespmem:v10+s16+$0x0] =	vst.idx.msk vm1, v9  }
0x186: {  	v9 =	vld.idx.msk [tilespmem:v11+s13+$0x0], $0xffff;
	_ =	sdelay $0x4  }
0x187: {  	vm8 =	vge.f32 v9, v4  }
0x188: {  	vm1 =	vmand vm0, vm8  }
0x189: {  	v10 =	vsel vm1, $0x1, v1  }
0x18a: {  	(xrf0) =	vadd.scan.msk.s32 $0xffff, v10;
	_ =	sdelay $0x1  }
0x18b: {  	v10 =	vmpcnt.ones.xlane vm2;
	_ =	sdelay $0x3  }
0x18c: {  	v8 =	vadd.s32 v8, v10;
	v10, _, _ =	vpop (xrf0)  }
0x18d: {  	v10 =	vadd.s32 v10, v8  }
0x18e: {  	v10 =	vadd.s32 $0xFFFFFFFF, v10  }
0x18f: {  	vm9 =	vlt.s32 v10, $0x80  }
0x190: {  	vm2 =	vmand vm1, vm9;
	_ =	sdelay $0x2  }
0x191: {  	v11 =	vor.u32 $0x17, v7;
	_ =	sdelay $0x2  }
0x192: {  	[tilespmem:v10+s15+$0x0] =	vst.idx.msk vm2, v9;
	v9 =	vor.u32 $0x16, v6  }
0x193: {  	[tilespmem:v10+s16+$0x0] =	vst.idx.msk vm2, v9  }
0x194: {  	v9 =	vld.idx.msk [tilespmem:v11+s13+$0x0], $0xffff;
	_ =	sdelay $0x4  }
0x195: {  	vm10 =	vge.f32 v9, v4  }
0x196: {  	vm2 =	vmand vm0, vm10  }
0x197: {  	v10 =	vsel vm2, $0x1, v1  }
0x198: {  	(xrf0) =	vadd.scan.msk.s32 $0xffff, v10;
	_ =	sdelay $0x1  }
0x199: {  	v10 =	vmpcnt.ones.xlane vm1;
	_ =	sdelay $0x3  }
0x19a: {  	v8 =	vadd.s32 v8, v10;
	v10, _, _ =	vpop (xrf0)  }
0x19b: {  	v10 =	vadd.s32 v10, v8  }
0x19c: {  	v10 =	vadd.s32 $0xFFFFFFFF, v10  }
0x19d: {  	vm11 =	vlt.s32 v10, $0x80  }
0x19e: {  	vm1 =	vmand vm2, vm11;
	_ =	sdelay $0x2  }
0x19f: {  	v11 =	vor.u32 $0x18, v7;
	_ =	sdelay $0x2  }
0x1a0: {  	[tilespmem:v10+s15+$0x0] =	vst.idx.msk vm1, v9;
	v9 =	vor.u32 $0x17, v6  }
0x1a1: {  	[tilespmem:v10+s16+$0x0] =	vst.idx.msk vm1, v9  }
0x1a2: {  	v9 =	vld.idx.msk [tilespmem:v11+s13+$0x0], $0xffff;
	_ =	sdelay $0x4  }
0x1a3: {  	vm12 =	vge.f32 v9, v4  }
0x1a4: {  	vm1 =	vmand vm0, vm12  }
0x1a5: {  	v10 =	vsel vm1, $0x1, v1  }
0x1a6: {  	(xrf0) =	vadd.scan.msk.s32 $0xffff, v10;
	_ =	sdelay $0x1  }
0x1a7: {  	v10 =	vmpcnt.ones.xlane vm2;
	_ =	sdelay $0x3  }
0x1a8: {  	v8 =	vadd.s32 v8, v10;
	v10, _, _ =	vpop (xrf0)  }
0x1a9: {  	v10 =	vadd.s32 v10, v8  }
0x1aa: {  	v10 =	vadd.s32 $0xFFFFFFFF, v10  }
0x1ab: {  	vm13 =	vlt.s32 v10, $0x80  }
0x1ac: {  	vm2 =	vmand vm1, vm13;
	_ =	sdelay $0x2  }
0x1ad: {  	v11 =	vor.u32 $0x19, v7;
	_ =	sdelay $0x2  }
0x1ae: {  	[tilespmem:v10+s15+$0x0] =	vst.idx.msk vm2, v9;
	v9 =	vor.u32 $0x18, v6  }
0x1af: {  	[tilespmem:v10+s16+$0x0] =	vst.idx.msk vm2, v9  }
0x1b0: {  	v9 =	vld.idx.msk [tilespmem:v11+s13+$0x0], $0xffff;
	_ =	sdelay $0x4  }
0x1b1: {  	vm14 =	vge.f32 v9, v4  }
0x1b2: {  	vm2 =	vmand vm0, vm14  }
0x1b3: {  	v10 =	vsel vm2, $0x1, v1  }
0x1b4: {  	(xrf0) =	vadd.scan.msk.s32 $0xffff, v10;
	_ =	sdelay $0x1  }
0x1b5: {  	v10 =	vmpcnt.ones.xlane vm1;
	_ =	sdelay $0x3  }
0x1b6: {  	v8 =	vadd.s32 v8, v10;
	v10, _, _ =	vpop (xrf0)  }
0x1b7: {  	v10 =	vadd.s32 v10, v8  }
0x1b8: {  	v10 =	vadd.s32 $0xFFFFFFFF, v10  }
0x1b9: {  	vm15 =	vlt.s32 v10, $0x80  }
0x1ba: {  	vm1 =	vmand vm2, vm15;
	_ =	sdelay $0x2  }
0x1bb: {  	v11 =	vor.u32 $0x1A, v7;
	_ =	sdelay $0x2  }
0x1bc: {  	[tilespmem:v10+s15+$0x0] =	vst.idx.msk vm1, v9;
	v9 =	vor.u32 $0x19, v6  }
0x1bd: {  	[tilespmem:v10+s16+$0x0] =	vst.idx.msk vm1, v9  }
0x1be: {  	v9 =	vld.idx.msk [tilespmem:v11+s13+$0x0], $0xffff;
	_ =	sdelay $0x4  }
0x1bf: {  	vm4 =	vge.f32 v9, v4  }
0x1c0: {  	vm1 =	vmand vm0, vm4  }
0x1c1: {  	v10 =	vsel vm1, $0x1, v1  }
0x1c2: {  	(xrf0) =	vadd.scan.msk.s32 $0xffff, v10;
	_ =	sdelay $0x1  }
0x1c3: {  	v10 =	vmpcnt.ones.xlane vm2;
	_ =	sdelay $0x3  }
0x1c4: {  	v8 =	vadd.s32 v8, v10;
	v10, _, _ =	vpop (xrf0)  }
0x1c5: {  	v10 =	vadd.s32 v10, v8  }
0x1c6: {  	v10 =	vadd.s32 $0xFFFFFFFF, v10  }
0x1c7: {  	vm5 =	vlt.s32 v10, $0x80  }
0x1c8: {  	vm2 =	vmand vm1, vm5;
	_ =	sdelay $0x2  }
0x1c9: {  	v11 =	vor.u32 $0x1B, v7;
	_ =	sdelay $0x2  }
0x1ca: {  	[tilespmem:v10+s15+$0x0] =	vst.idx.msk vm2, v9;
	v9 =	vor.u32 $0x1A, v6  }
0x1cb: {  	[tilespmem:v10+s16+$0x0] =	vst.idx.msk vm2, v9  }
0x1cc: {  	v9 =	vld.idx.msk [tilespmem:v11+s13+$0x0], $0xffff;
	_ =	sdelay $0x4  }
0x1cd: {  	vm6 =	vge.f32 v9, v4  }
0x1ce: {  	vm2 =	vmand vm0, vm6  }
0x1cf: {  	v10 =	vsel vm2, $0x1, v1  }
0x1d0: {  	(xrf0) =	vadd.scan.msk.s32 $0xffff, v10;
	_ =	sdelay $0x1  }
0x1d1: {  	v10 =	vmpcnt.ones.xlane vm1;
	_ =	sdelay $0x3  }
0x1d2: {  	v8 =	vadd.s32 v8, v10;
	v10, _, _ =	vpop (xrf0)  }
0x1d3: {  	v10 =	vadd.s32 v10, v8  }
0x1d4: {  	v10 =	vadd.s32 $0xFFFFFFFF, v10  }
0x1d5: {  	vm7 =	vlt.s32 v10, $0x80  }
0x1d6: {  	vm1 =	vmand vm2, vm7;
	_ =	sdelay $0x2  }
0x1d7: {  	v11 =	vor.u32 $0x1C, v7;
	_ =	sdelay $0x2  }
0x1d8: {  	[tilespmem:v10+s15+$0x0] =	vst.idx.msk vm1, v9;
	v9 =	vor.u32 $0x1B, v6  }
0x1d9: {  	[tilespmem:v10+s16+$0x0] =	vst.idx.msk vm1, v9  }
0x1da: {  	v9 =	vld.idx.msk [tilespmem:v11+s13+$0x0], $0xffff;
	_ =	sdelay $0x4  }
0x1db: {  	vm8 =	vge.f32 v9, v4  }
0x1dc: {  	vm1 =	vmand vm0, vm8  }
0x1dd: {  	v10 =	vsel vm1, $0x1, v1  }
0x1de: {  	(xrf0) =	vadd.scan.msk.s32 $0xffff, v10;
	_ =	sdelay $0x1  }
0x1df: {  	v10 =	vmpcnt.ones.xlane vm2;
	_ =	sdelay $0x3  }
0x1e0: {  	v8 =	vadd.s32 v8, v10;
	v10, _, _ =	vpop (xrf0)  }
0x1e1: {  	v10 =	vadd.s32 v10, v8  }
0x1e2: {  	v10 =	vadd.s32 $0xFFFFFFFF, v10  }
0x1e3: {  	vm9 =	vlt.s32 v10, $0x80  }
0x1e4: {  	vm2 =	vmand vm1, vm9;
	_ =	sdelay $0x2  }
0x1e5: {  	v11 =	vor.u32 $0x1D, v7;
	_ =	sdelay $0x2  }
0x1e6: {  	[tilespmem:v10+s15+$0x0] =	vst.idx.msk vm2, v9;
	v9 =	vor.u32 $0x1C, v6  }
0x1e7: {  	[tilespmem:v10+s16+$0x0] =	vst.idx.msk vm2, v9  }
0x1e8: {  	v9 =	vld.idx.msk [tilespmem:v11+s13+$0x0], $0xffff;
	_ =	sdelay $0x4  }
0x1e9: {  	vm10 =	vge.f32 v9, v4  }
0x1ea: {  	vm2 =	vmand vm0, vm10  }
0x1eb: {  	v10 =	vsel vm2, $0x1, v1  }
0x1ec: {  	(xrf0) =	vadd.scan.msk.s32 $0xffff, v10;
	_ =	sdelay $0x1  }
0x1ed: {  	v10 =	vmpcnt.ones.xlane vm1;
	_ =	sdelay $0x3  }
0x1ee: {  	v8 =	vadd.s32 v8, v10;
	v10, _, _ =	vpop (xrf0)  }
0x1ef: {  	v10 =	vadd.s32 v10, v8  }
0x1f0: {  	v10 =	vadd.s32 $0xFFFFFFFF, v10  }
0x1f1: {  	vm11 =	vlt.s32 v10, $0x80  }
0x1f2: {  	vm1 =	vmand vm2, vm11;
	_ =	sdelay $0x2  }
0x1f3: {  	v11 =	vor.u32 $0x1E, v7;
	_ =	sdelay $0x2  }
0x1f4: {  	[tilespmem:v10+s15+$0x0] =	vst.idx.msk vm1, v9;
	v9 =	vor.u32 $0x1D, v6  }
0x1f5: {  	[tilespmem:v10+s16+$0x0] =	vst.idx.msk vm1, v9  }
0x1f6: {  	v9 =	vld.idx.msk [tilespmem:v11+s13+$0x0], $0xffff;
	_ =	sdelay $0x4  }
0x1f7: {  	vm12 =	vge.f32 v9, v4  }
0x1f8: {  	vm1 =	vmand vm0, vm12  }
0x1f9: {  	v10 =	vsel vm1, $0x1, v1  }
0x1fa: {  	(xrf0) =	vadd.scan.msk.s32 $0xffff, v10;
	_ =	sdelay $0x1  }
0x1fb: {  	v10 =	vmpcnt.ones.xlane vm2;
	_ =	sdelay $0x3  }
0x1fc: {  	v8 =	vadd.s32 v8, v10;
	v10, _, _ =	vpop (xrf0)  }
0x1fd: {  	v10 =	vadd.s32 v10, v8  }
0x1fe: {  	v10 =	vadd.s32 $0xFFFFFFFF, v10  }
0x1ff: {  	vm13 =	vlt.s32 v10, $0x80  }
0x200: {  	vm2 =	vmand vm1, vm13;
	_ =	sdelay $0x2  }
0x201: {  	v7 =	vor.u32 $0x1F, v7;
	_ =	sdelay $0x2  }
0x202: {  	[tilespmem:v10+s15+$0x0] =	vst.idx.msk vm2, v9;
	v9 =	vor.u32 $0x1E, v6  }
0x203: {  	[tilespmem:v10+s16+$0x0] =	vst.idx.msk vm2, v9  }
0x204: {  	v7 =	vld.idx.msk [tilespmem:v7+s13+$0x0], $0xffff;
	_ =	sdelay $0x4  }
0x205: {  	vm14 =	vge.f32 v7, v4  }
0x206: {  	vm0 =	vmand vm0, vm14  }
0x207: {  	v9 =	vsel vm0, $0x1, v1  }
0x208: {  	(xrf0) =	vadd.scan.msk.s32 $0xffff, v9;
	_ =	sdelay $0x1  }
0x209: {  	v9 =	vmpcnt.ones.xlane vm1;
	_ =	sdelay $0x3  }
0x20a: {  	v8 =	vadd.s32 v8, v9;
	v9, _, _ =	vpop (xrf0)  }
0x20b: {  	v9 =	vadd.s32 v9, v8  }
0x20c: {  	v9 =	vadd.s32 $0xFFFFFFFF, v9  }
0x20d: {  	vm15 =	vlt.s32 v9, $0x80  }
0x20e: {  	vm1 =	vmand vm0, vm15;
	_ =	sdelay $0x1  }
0x20f: {  	p0 =	sne.s32 s21, $0x70  }
.Ltmp1:
0x210: {  	_ = 	snop;
	(pc) =	sbr.rel @p0 .LBB2_5-.Ltmp1, $4  }
0x211: {  	_ = 	snop  }
0x212: {  	v10 =	vmpcnt.ones.xlane vm0  }
0x213: {  	v6 =	vor.u32 $0x1F, v6;
	[tilespmem:v9+s15+$0x0] =	vst.idx.msk vm1, v7  }
0x214: {  	s21 =	sadd.s32 $0x10, s21;
	s20 =	sadd.s32 $0x10, s20;
	v8 =	vadd.s32 v8, v10;
	[tilespmem:v9+s16+$0x0] =	vst.idx.msk vm1, v6  }
0x215: {  	s19 =	sshll.u32 s19, $0x4  }
0x216: {  	s20 =	sadd.s32 s1, s19  }
0x217: {  	[hbm4b:s20+s2] =	stream.linear.scatter [tilespmem:s15], [sflag:$0x2], $0x80, $0x38;
	[tilespmem:$0x1E10] =	vst v63  }
0x218: {  	s18 =	sadd.s32 $0x1, s18;
	_ =	swait.ge [sflag:s10], $0x80  }
0x219: {  	p0 =	sne.s32 s18, $0x80;
	[sflag:s10] =	ssyncset.done $0x0  }
.Ltmp2:
0x21a: {  	s19 =	sadd.s32 s7, s19;
	[sflag:s10] =	ssyncadd.s32 $0xFFFFFF80;
	(pc) =	sbr.rel @p0 .LBB2_2-.Ltmp2, $4  }
0x21b: {  	[hbm4b:s19+s2] =	stream.linear.scatter [tilespmem:s16], [sflag:$0x2], $0x80, $0x38;
	[tilespmem:$0x1E10] =	vst v63  }
0x21c: {  	_ =	swait.ge [sflag:s10], $0x80  }
0x21d: {  	[sflag:s10] =	ssyncset.done $0x0  }
0x21e: {  	[sflag:s10] =	ssyncadd.s32 $0xFFFFFF80  }
0x21f: {  	s17 =	sadd.s32 $0x1, s17  }
0x220: {  	p0 =	sne.s32 s17, s9  }
.Ltmp3:
0x221: {  	_ = 	snop;
	(pc) =	sbr.rel @p0 .LBB2_1-.Ltmp3, $1  }
0x222: {  	_ =	sdelay $0x3  }
0x223: {  	_ =	sfence.sel $0x180000  }
0x224: {  	[bflag:$0x0] =	sbarrier.arrive $0xFFFF  }
0x225: {  	p0 =	sne.s32 s3, $0x0;
	_ =	strace $0x9000004A  }
0x226: {  	s0 =	sadd.s32 @!p0 $0x100000, s0;
	[bflag:$0x2] =	sbarrier.arrive $0xFFFF  }
0x227: {  	[sflag:s0] =	ssyncadd.tile.s32 @!p0 $0x1;
	_ =	shalt  }
.Lfunc_end2:
_tile_overlayer_lowered:
.L_overlay_start_2:
0x228: {  	(tag) =	ssettag $0x2  }
0x229: {  	s0 =	rddreg [dreg:$0x0];
	s2 =	stileid.u32  }
0x22a: {  	s1 =	rddreg [dreg:$0x1];
	p0 =	sne.s32 s2, $0x0  }
0x22b: {  	s3 =	rddreg [dreg:$0x2];
	[bflag:$0x3] =	sbarrier.arrive $0xFFFF;
	s2 =	simm.s32 @!p0 $0x1C02  }
0x22c: {  	[timem:s3], [sflag:s2] =	dma.local @!p0 [hbm:s0], s1  }
0x22d: {  	s0 =	simm.s32 @!p0 $0x2  }
0x22e: {  	_ =	swait.ge @!p0 [sflag:s0], s1  }
0x22f: {  	s1 =	ssub.s32 @!p0 $0x0, s1;
	[sflag:s0] =	ssyncset.done @!p0 $0x0  }
0x230: {  	[sflag:s0] =	ssyncadd.s32 @!p0 s1  }
0x231: {  	[bflag:$0x3] =	sbarrier.arrive $0xFFFF  }
0x232: {  	_ =	shalt  }

// kernel: sparse-core-data-format-call.1.cloned.1.call-start
scs
called_computation.1_lowered:
.L_overlay_start_0:
0x0: {  	s2 =	sld [smem:$0x3FD9]  }
0x1: {  	s3 =	sld [smem:$0x3FFE];
	_ =	sdelay $0x1  }
0x2: {  	s1 =	srdreg.scid  }
0x3: {  	s0 =	sand.u32 $0x1, s1  }
0x4: {  	s18 =	sshll.u32 s0, $0xA;
	s2 =	sadd.s32 s3, s2  }
0x5: {  	s2 =	sadd.s32 s2, s18  }
0x6: {  	[smem:$0x3FC5] =	sst s2  }
0x7: {  	_ = 	snop  }
0x8: {  	s19 =	sld [smem:$0x3FC7];
	(tm) =	ssettm $0x1  }
0x9: {  	s20 =	sld [smem:$0x3FFB];
	_ =	sdelay $0x3  }
0xa: {  	_ =	strace s20  }
0xb: {  	s2 =	sld [smem:$0x3FFC];
	_ =	sdelay $0x3  }
0xc: {  	_ =	strace s2  }
0xd: {  	s2 =	sld [smem:$0x3FFD];
	_ =	sdelay $0x3  }
0xe: {  	_ =	strace s2  }
0xf: {  	_ =	strace $0x8FFFFFFF  }
0x10: {  	s21 =	sld [smem:$0x3FDB];
	_ =	sdelay $0x1  }
0x11: {  	s4 =	simm.s32 $_scs_section_size  }
0x12: {  	s5 =	simm.s32 $_size__tile_overlayer_lowered;
	s6 =	simm.s32 $_tile_overlayer_lowered  }
0x13: {  	s7 =	simm.s32 $0x1BFF;
	s22 =	sshll.u32 s6, $0x1;
	s4 =	sadd.s32 s4, s21  }
0x14: {  	s23 =	simm.s32 $0x0;
	s5 =	sshll.u32 s5, $0x1;
	s6 =	sadd.s32 s22, s4  }
0x15: {  	[timem:s23], [sflag:s7] =	dma.local [hbm:s6], s5  }
0x16: {  	_ =	swait.ge [sflag:s7], s5  }
0x17: {  	s5 =	ssub.s32 $0x0, s5;
	[sflag:s7] =	ssyncset.done $0x0  }
0x18: {  	[sflag:s7] =	ssyncadd.s32 s5;
	_ =	sdelay $0x1  }
0x19: {  	s24 =	simm.s32 $0x1B8B  }
0x1a: {  	_ =	swait.ge [sflag:s24], $0x1  }
0x1b: {  	[sflag:s24] =	ssyncset.done $0x0  }
0x1c: {  	[sflag:s24] =	ssyncadd.s32 $0xFFFFFFFF  }
0x1d: {  	s5 =	sld [smem:$0x0]  }
0x1e: {  	s6 =	sand.u32 $0xFFFFFFFE, s1  }
0x1f: {  	p0 =	sne.s32 s1, s6  }
0x20: {  	s6 =	sshll.u32 @p0 s6, $0xE  }
0x21: {  	s6 =	sadd.s32 @p0 $0x11B8D, s6;
	s7 =	sshll.u32 @p0 s5, $0x11  }
0x22: {  	s6 =	sor.u32 @p0 s7, s6  }
0x23: {  	[sflag:s6] =	ssyncadd.remote.s32 @p0 $0x1;
	_ =	sdelay $0x1  }
0x24: {  	s6 =	simm.s32 @p0 $0x1B8D  }
0x25: {  	_ =	swait.eq @p0 [sflag:s6], $0x1  }
0x26: {  	[sflag:s6] =	ssyncadd.s32 @p0 $0xFFFFFFFF  }
0x27: {  	s7 =	sshll.u32 @!p0 s1, $0xE  }
0x28: {  	s7 =	sor.u32 @!p0 $0x4000, s7;
	s6 =	simm.s32 @!p0 $0x1B8D  }
0x29: {  	s5 =	sshll.u32 @!p0 s5, $0x11;
	s7 =	sadd.s32 @!p0 $0x11B8D, s7;
	_ =	swait.eq @!p0 [sflag:s6], $0x1  }
0x2a: {  	s5 =	sor.u32 @!p0 s5, s7;
	[sflag:s6] =	ssyncadd.s32 @!p0 $0xFFFFFFFF  }
0x2b: {  	s26 =	simm.s32 $0x1B8E;
	s25 =	sld [smem:$0x3FFE];
	[sflag:s5] =	ssyncadd.remote.s32 @!p0 $0x1  }
0x2c: {  	s27 =	simm.s32 $execute0_lowered;
	[smem:$0x3FD2] =	sst s26  }
0x2d: {  	s6 =	sshll.u32 s27, $0x1;
	_ =	strace $0x8000004C;
	[dreg:$0x1] =	wrdreg $0xFFFFFFFF  }
0x2e: {  	s28 =	simm.s32 $_size_execute0_lowered;
	s4 =	sadd.s32 s4, s6;
	[dreg:$0x0] =	wrdreg $0x0  }
0x2f: {  	s6 =	sshll.u32 s28, $0x1;
	[dreg:$0x2] =	wrdreg s4  }
0x30: {  	[dreg:$0x3] =	wrdreg s6  }
0x31: {  	[dreg:$0x4] =	wrdreg $0xC0  }
0x32: {  	_ =	task [dreg:s23], $0x5FFFF  }
0x33: {  	[dreg:$0x1] =	wrdreg $0xFFFFFFFF  }
0x34: {  	[dreg:$0x0] =	wrdreg $0x60  }
0x35: {  	[dreg:$0x2] =	wrdreg s19  }
0x36: {  	[dreg:$0x3] =	wrdreg s25  }
0x37: {  	[dreg:$0x4] =	wrdreg $0x9  }
0x38: {  	_ =	task.clear_ibuf [dreg:s23], $0x5FFFF;
	_ =	strace $0x9000004C  }
0x39: {  	s29 =	simm.s32 $0x9;
	_ =	strace $0x8000004E  }
0x3a: {  	_ =	swait.ge [sflag:s29], $0x1  }
0x3b: {  	[sflag:s29] =	ssyncadd.s32 $0xFFFFFFFF  }
0x3c: {  	_ =	strace $0x9000004E  }
0x3d: {  	_ =	sfence  }
0x3e: {  	s30 =	sld [smem:$0x0];
	_ =	sdelay $0x2  }
0x3f: {  	s31 =	sshll.u32 s1, $0xD;
	s1 =	sshrl.u32 s1, $0x2  }
0x40: {  	s4 =	sand.u32 $0x4000, s31;
	s1 =	sadd.s32 s1, s30  }
0x41: {  	s0 =	sor.u32 s4, s0;
	s1 =	sshll.u32 s1, $0x11  }
0x42: {  	s0 =	sor.u32 s1, s0  }
0x43: {  	s0 =	sadd.s32 $0x8F2B, s0  }
0x44: {  	[sflag:s0] =	ssyncadd.remote.s32 $0x1  }
0x45: {  	_ =	sfence.sel $0xFFFF  }
0x46: {  	[dreg:$0x0] =	wrdreg $0xFFFFFFFF;
	(pc) =	sbr.abs _section_cstart, $3  }
0x47: {  	[dreg:$0x1] =	wrdreg $0xFFFFFFFF  }
0x48: {  	_ =	task.clear_ibuf [dreg:s23], $0x2FFFF;
	_ =	strace $0x9FFFFFFF  }
0x49: {  	(tm) =	ssettm $0x7FFFFFFF  }
tec
execute0_lowered:
.L_overlay_start_1:
0x0: {  	(tag) =	ssettag $0x1  }
0x1: {  	s0 =	srdreg.scid  }
0x2: {  	s1 =	sshll.u32 s0, $0x4  }
0x3: {  	s2 =	rddreg [dreg:$0x0];
	s0 =	stileid.u32;
	s1 =	sand.u32 $0x10, s1  }
0x4: {  	s4 =	rddreg [dreg:$0x1];
	s7 =	simm.s32 $0x1;
	s1 =	sor.u32 s0, s1  }
0x5: {  	s8 =	simm.s32 $0x2;
	s9 =	simm.s32 $0x0;
	s3 =	sshll.u32 s1, $0x2  }
0x6: {  	s12 =	simm.s32 $0x0;
	s11 =	simm.s32 $0x0;
	s6 =	ssub.s32 $0x30D4, s3  }
.Ltmp0:
0x7: {  	s4 =	sadd.s32 $0x321A00, s4;
	s5 =	sand.u32 $0x7C, s6;
	(pc) =	sbr.rel .LBB1_1-.Ltmp0, $4  }
0x8: {  	s1 =	rddreg [dreg:$0x2];
	_ =	strace $0x8000004D;
	p0 =	sne.s32 s5, $0x0  }
0x9: {  	s6 =	sshrl.u32 s6, $0x7;
	s5 =	simm.s32 $0x1;
	s7 =	simm.s32 @!p0 $0x0  }
0xa: {  	s10 =	smov.u32 s3;
	[sflag:s5] =	ssyncpa.u1 $0x0;
	s6 =	sadd.s32 s7, s6  }
0xb: {  	[sflag:s8] =	ssyncpa.u1 $0x0;
	s8 =	simm.s32 $0x0;
	s7 =	sadd.s32 $0x1, s6  }
.LBB1_9:
0xc: {  	s14 =	sadd.s32 $0x80, s10  }
0xd: {  	p1 =	sgt.s32 s14, $0x30D3  }
0xe: {  	s14 =	smov.u32 @p1 s3;
	p1 =	sne.s32 s11, s7  }
.Ltmp1:
0xf: {  	p0 =	slt.u32 s11, $0x2;
	(pc) =	sbr.rel @!p1 .LBB1_10-.Ltmp1, $4  }
0x10: {  	s13 =	simm.s32 @!p0 $0x2  }
0x11: {  	s15 =	sadd.s32 $0x1, s11;
	_ =	swait.ge @!p0 [sflag:s13], $0x4000  }
0x12: {  	s12 =	smov.u32 s10;
	s9 =	sadd.s32 $0x4000, s9;
	[sflag:s13] =	ssyncset.done @!p0 $0x0  }
0x13: {  	s11 =	smov.u32 s15;
	s10 =	smov.u32 s14;
	[sflag:s13] =	ssyncadd.s32 @!p0 $0xFFFFC000  }
.LBB1_1:
0x14: {  	p0 =	sge.u32 s11, s6  }
0x15: {  	s13 =	sxor.u32 @!p0 $0xFFFFFFFF, s11  }
0x16: {  	s31 =	sadd.s32 $0xFFFFFFFF, s11;
	s14 =	sshll.u32 @!p0 s10, $0x9;
	s13 =	sshll.u32 @!p0 s13, $0xE  }
0x17: {  	s15 =	simm.s32 @!p0 $0x0;
	s14 =	sadd.s32 @!p0 s2, s14;
	s13 =	sand.u32 @!p0 $0x4000, s13  }
0x18: {  	[tilespmem:s13], [sflag:$0x1] =	stream.linear.gather @!p0 [hbm4b:s14+s15], $0x4000, $0x38;
	[tilespmem:$0x10000] =	vst v63  }
0x19: {  	p0 =	sge.u32 s31, s6  }
.Ltmp2:
0x1a: {  	_ = 	snop;
	(pc) =	sbr.rel @p0 .LBB1_9-.Ltmp2, $1  }
0x1b: {  	_ =	sdelay $0x3  }
0x1c: {  	s14 =	sand.u32 $0x4000, s9  }
0x1d: {  	_ =	swait.ge [sflag:s5], $0x4000;
	s15 =	sshll.u32 s11, $0xE;
	s16 =	simm.s32 $0x0  }
0x1e: {  	s13 =	sor.u32 $0x40, s14;
	[sflag:s5] =	ssyncset.done $0x0;
	s15 =	sand.u32 $0x4000, s15  }
0x1f: {  	s14 =	sor.u32 $0x8040, s14;
	[sflag:s5] =	ssyncadd.s32 $0xFFFFC000;
	s15 =	sor.u32 $0x8000, s15  }
.LBB1_3:
0x20: {  	s17 =	smov.u32 s14;
	s18 =	smov.u32 s13;
	s19 =	simm.s32 $0x0  }
.LBB1_4:
0x21: {  	v0 =	vmov s17;
	v2 =	vld [tilespmem:s18+$0x30]  }
0x22: {  	v4 =	vld [tilespmem:s18+$0xFFFFFFD0]  }
0x23: {  	v6 =	vld [tilespmem:s18+$0xFFFFFFE0]  }
0x24: {  	v7 =	vld [tilespmem:s18+$0xFFFFFFF0]  }
0x25: {  	s20 =	simm.s32 $0x0;
	v1 =	vld [tilespmem:s18+$0x0]  }
0x26: {  	v3 =	vld [tilespmem:s18+$0x10];
	[tilespmem:v0+s20+$0x30 ss:$0x1] =	vst.idx.msk $0xffff, v2  }
0x27: {  	v5 =	vld [tilespmem:s18+$0x20];
	[tilespmem:v0+s20+$0xFFFFFFD0 ss:$0x1] =	vst.idx.msk $0xffff, v4  }
0x28: {  	s21 =	sadd.s32 $0x80, s18;
	v2 =	vld [tilespmem:s18+$0xFFFFFFC0];
	[tilespmem:v0+s20+$0xFFFFFFE0 ss:$0x1] =	vst.idx.msk $0xffff, v6  }
0x29: {  	s22 =	simm.s32 $0x800;
	s23 =	simm.s32 $0x1000;
	v4 =	vld [tilespmem:s21+$0x30];
	[tilespmem:v0+s20+$0xFFFFFFF0 ss:$0x1] =	vst.idx.msk $0xffff, v7  }
.LBB1_5:
0x2a: {  	p0 =	sne.s32 s23, $0x3800;
	v6 =	vld [tilespmem:s21+$0xFFFFFFD0];
	[tilespmem:v0+s20+$0x0 ss:$0x1] =	vst.idx.msk $0xffff, v1  }
0x2b: {  	v7 =	vld [tilespmem:s21+$0xFFFFFFE0];
	[tilespmem:v0+s20+$0x10 ss:$0x1] =	vst.idx.msk $0xffff, v3  }
0x2c: {  	v8 =	vld [tilespmem:s21+$0xFFFFFFF0];
	[tilespmem:v0+s20+$0x20 ss:$0x1] =	vst.idx.msk $0xffff, v5  }
.Ltmp3:
0x2d: {  	v1 =	vld [tilespmem:s21+$0x0];
	[tilespmem:v0+s20+$0xFFFFFFC0 ss:$0x1] =	vst.idx.msk $0xffff, v2;
	s20 =	sshra.s32 s22, $0x2;
	s22 =	smov.u32 s23;
	(pc) =	sbr.rel @p0 .LBB1_5-.Ltmp3, $4  }
0x2e: {  	v3 =	vld [tilespmem:s21+$0x10];
	[tilespmem:v0+s20+$0x30 ss:$0x1] =	vst.idx.msk $0xffff, v4  }
0x2f: {  	[tilespmem:v0+s20+$0xFFFFFFD0 ss:$0x1] =	vst.idx.msk $0xffff, v6;
	v5 =	vld [tilespmem:s21+$0x20]  }
0x30: {  	v2 =	vld [tilespmem:s21+$0xFFFFFFC0];
	[tilespmem:v0+s20+$0xFFFFFFE0 ss:$0x1] =	vst.idx.msk $0xffff, v7;
	s21 =	sadd.s32 $0x80, s21  }
0x31: {  	s23 =	sadd.s32 $0x800, s23;
	v4 =	vld [tilespmem:s21+$0x30];
	[tilespmem:v0+s20+$0xFFFFFFF0 ss:$0x1] =	vst.idx.msk $0xffff, v8  }
0x32: {  	_ =	sdelay $0x3  }
0x33: {  	v6 =	vld [tilespmem:s21+$0xFFFFFFD0];
	[tilespmem:v0+s20+$0x0 ss:$0x1] =	vst.idx.msk $0xffff, v1  }
0x34: {  	v58 =	vld [tilespmem:s21+$0xFFFFFFE0];
	[tilespmem:v0+s20+$0x10 ss:$0x1] =	vst.idx.msk $0xffff, v3  }
0x35: {  	v59 =	vld [tilespmem:s21+$0xFFFFFFF0];
	[tilespmem:v0+s20+$0x20 ss:$0x1] =	vst.idx.msk $0xffff, v5  }
0x36: {  	s22 =	sshra.s32 s22, $0x2;
	v60 =	vld [tilespmem:s21+$0x0];
	[tilespmem:v0+s20+$0xFFFFFFC0 ss:$0x1] =	vst.idx.msk $0xffff, v2  }
0x37: {  	v61 =	vld [tilespmem:s21+$0x10];
	[tilespmem:v0+s22+$0x30 ss:$0x1] =	vst.idx.msk $0xffff, v4  }
0x38: {  	v62 =	vld [tilespmem:s21+$0x20];
	s19 =	sadd.s32 $0x1, s19;
	[tilespmem:v0+s22+$0xFFFFFFD0 ss:$0x1] =	vst.idx.msk $0xffff, v6  }
0x39: {  	v63 =	vld [tilespmem:s21+$0xFFFFFFC0];
	p0 =	sne.s32 s19, $0x4;
	[tilespmem:v0+s22+$0xFFFFFFE0 ss:$0x1] =	vst.idx.msk $0xffff, v58  }
.Ltmp4:
0x3a: {  	[tilespmem:v0+s22+$0xFFFFFFF0 ss:$0x1] =	vst.idx.msk $0xffff, v59;
	(pc) =	sbr.rel @p0 .LBB1_4-.Ltmp4, $4  }
0x3b: {  	[tilespmem:v0+s22+$0x0 ss:$0x1] =	vst.idx.msk $0xffff, v60  }
0x3c: {  	[tilespmem:v0+s22+$0x10 ss:$0x1] =	vst.idx.msk $0xffff, v61  }
0x3d: {  	[tilespmem:v0+s22+$0x20 ss:$0x1] =	vst.idx.msk $0xffff, v62  }
0x3e: {  	s18 =	sadd.s32 $0x400, s18;
	s17 =	sadd.s32 $0x80, s17;
	[tilespmem:v0+s22+$0xFFFFFFC0 ss:$0x1] =	vst.idx.msk $0xffff, v63  }
0x3f: {  	s16 =	sadd.s32 $0x1, s16  }
0x40: {  	p0 =	sne.s32 s16, $0x4  }
.Ltmp5:
0x41: {  	_ = 	snop;
	(pc) =	sbr.rel @p0 .LBB1_3-.Ltmp5, $2  }
0x42: {  	_ =	sdelay $0x2  }
0x43: {  	s13 =	sadd.s32 $0x1000, s13;
	s14 =	sadd.s32 $0x1000, s14  }
.Ltmp6:
0x44: {  	(pc) =	sbr.rel .LBB1_9-.Ltmp6, $4  }
0x45: {  	_ = 	snop  }
0x46: {  	s12 =	sshll.u32 s12, $0x9  }
0x47: {  	s12 =	sadd.s32 s4, s12  }
0x48: {  	[hbm4b:s12+s8] =	stream.linear.scatter [tilespmem:s15], [sflag:$0x2], $0x4000, $0x38;
	[tilespmem:$0x10000] =	vst v63  }
.LBB1_10:
0x49: {  	_ =	sfence.sel $0x180000  }
0x4a: {  	s2 =	simm.s32 $0x1;
	[bflag:$0x0] =	sbarrier.arrive $0xFFFF  }
0x4b: {  	s31 =	simm.s32 $0x2;
	[sflag:s2] =	ssyncpa.u1 $0x1  }
0x4c: {  	[sflag:s31] =	ssyncpa.u1 $0x1  }
0x4d: {  	p0 =	sne.s32 s0, $0x0;
	_ =	strace $0x9000004D  }
0x4e: {  	s0 =	sadd.s32 @!p0 $0x100000, s1;
	[bflag:$0x2] =	sbarrier.arrive $0xFFFF  }
0x4f: {  	[sflag:s0] =	ssyncadd.tile.s32 @!p0 $0x1;
	_ =	shalt  }
.Lfunc_end1:
_tile_overlayer_lowered:
.L_overlay_start_2:
0x50: {  	(tag) =	ssettag $0x2  }
0x51: {  	s0 =	rddreg [dreg:$0x0];
	s2 =	stileid.u32  }
0x52: {  	s1 =	rddreg [dreg:$0x1];
	p0 =	sne.s32 s2, $0x0  }
0x53: {  	s3 =	rddreg [dreg:$0x2];
	[bflag:$0x3] =	sbarrier.arrive $0xFFFF;
	s2 =	simm.s32 @!p0 $0x1C01  }
0x54: {  	[timem:s3], [sflag:s2] =	dma.local @!p0 [hbm:s0], s1  }
0x55: {  	s0 =	simm.s32 @!p0 $0x1  }
0x56: {  	_ =	swait.ge @!p0 [sflag:s0], s1  }
0x57: {  	s1 =	ssub.s32 @!p0 $0x0, s1;
	[sflag:s0] =	ssyncset.done @!p0 $0x0  }
0x58: {  	[sflag:s0] =	ssyncadd.s32 @!p0 s1  }
0x59: {  	[bflag:$0x3] =	sbarrier.arrive $0xFFFF  }
0x5a: {  	_ =	shalt  }

// kernel: sparse-core-data-format-call.cloned.1.call-start
scs
called_computation_lowered:
.L_overlay_start_0:
0x0: {  	s1 =	sld [smem:$0x3FD9]  }
0x1: {  	s2 =	sld [smem:$0x3FFE];
	_ =	sdelay $0x1  }
0x2: {  	s3 =	srdreg.scid  }
0x3: {  	s0 =	sand.u32 $0x1, s3  }
0x4: {  	s17 =	sshll.u32 s0, $0xA;
	s1 =	sadd.s32 s2, s1  }
0x5: {  	s1 =	sadd.s32 s1, s17  }
0x6: {  	[smem:$0x3FC5] =	sst s1  }
0x7: {  	_ = 	snop  }
0x8: {  	(tm) =	ssettm $0x1  }
0x9: {  	s18 =	sld [smem:$0x3FFB];
	_ =	sdelay $0x3  }
0xa: {  	_ =	strace s18  }
0xb: {  	s1 =	sld [smem:$0x3FFC];
	_ =	sdelay $0x3  }
0xc: {  	_ =	strace s1  }
0xd: {  	s1 =	sld [smem:$0x3FFD];
	_ =	sdelay $0x3  }
0xe: {  	_ =	strace s1  }
0xf: {  	_ =	strace $0x8FFFFFFF  }
0x10: {  	s19 =	sld [smem:$0x3FDB];
	_ =	sdelay $0x1  }
0x11: {  	s20 =	simm.s32 $_scs_section_size  }
0x12: {  	s4 =	simm.s32 $_size__tile_overlayer_lowered;
	s5 =	simm.s32 $_tile_overlayer_lowered  }
0x13: {  	s23 =	simm.s32 $0x1BFF;
	s22 =	sshll.u32 s5, $0x1;
	s1 =	sadd.s32 s20, s19  }
0x14: {  	s6 =	simm.s32 $0x0;
	s21 =	sshll.u32 s4, $0x1;
	s4 =	sadd.s32 s22, s1  }
0x15: {  	[timem:s6], [sflag:s23] =	dma.local [hbm:s4], s21  }
0x16: {  	_ =	swait.ge [sflag:s23], s21  }
0x17: {  	s2 =	ssub.s32 $0x0, s21;
	[sflag:s23] =	ssyncset.done $0x0  }
0x18: {  	[sflag:s23] =	ssyncadd.s32 s2;
	_ =	sdelay $0x1  }
0x19: {  	s24 =	simm.s32 $0x1B8B  }
0x1a: {  	_ =	swait.ge [sflag:s24], $0x1  }
0x1b: {  	[sflag:s24] =	ssyncset.done $0x0  }
0x1c: {  	s26 =	simm.s32 $0x1B8E;
	s25 =	sld [smem:$0x3FFE];
	[sflag:s24] =	ssyncadd.s32 $0xFFFFFFFF  }
0x1d: {  	s27 =	simm.s32 $execute0_lowered;
	[smem:$0x3FD2] =	sst s26  }
0x1e: {  	s4 =	sshll.u32 s27, $0x1;
	_ =	strace $0x80000046;
	[dreg:$0x1] =	wrdreg $0xFFFFFFFF  }
0x1f: {  	s28 =	simm.s32 $_size_execute0_lowered;
	s1 =	sadd.s32 s1, s4;
	[dreg:$0x0] =	wrdreg $0x0  }
0x20: {  	s4 =	sshll.u32 s28, $0x1;
	[dreg:$0x2] =	wrdreg s1  }
0x21: {  	[dreg:$0x3] =	wrdreg s4  }
0x22: {  	[dreg:$0x4] =	wrdreg $0xC0  }
0x23: {  	_ =	task [dreg:s6], $0x5FFFF  }
0x24: {  	[dreg:$0x1] =	wrdreg $0xFFFFFFFF  }
0x25: {  	[dreg:$0x0] =	wrdreg $0x60  }
0x26: {  	[dreg:$0x2] =	wrdreg s25  }
0x27: {  	[dreg:$0x3] =	wrdreg $0x9  }
0x28: {  	_ =	task.clear_ibuf [dreg:s6], $0x4FFFF;
	_ =	strace $0x90000046  }
0x29: {  	s29 =	simm.s32 $0x9;
	_ =	strace $0x80000048  }
0x2a: {  	_ =	swait.ge [sflag:s29], $0x1  }
0x2b: {  	[sflag:s29] =	ssyncadd.s32 $0xFFFFFFFF  }
0x2c: {  	_ =	strace $0x90000048  }
0x2d: {  	_ =	sfence  }
0x2e: {  	s30 =	sld [smem:$0x0];
	_ =	sdelay $0x2  }
0x2f: {  	s31 =	sshll.u32 s3, $0xD;
	s3 =	sshrl.u32 s3, $0x2  }
0x30: {  	s2 =	sand.u32 $0x4000, s31;
	s1 =	sadd.s32 s3, s30  }
0x31: {  	s0 =	sor.u32 s2, s0;
	s1 =	sshll.u32 s1, $0x11  }
0x32: {  	s0 =	sor.u32 s1, s0  }
0x33: {  	s0 =	sadd.s32 $0x8F2B, s0  }
0x34: {  	[sflag:s0] =	ssyncadd.remote.s32 $0x1  }
0x35: {  	_ =	sfence.sel $0xFFFF  }
0x36: {  	[dreg:$0x0] =	wrdreg $0xFFFFFFFF;
	(pc) =	sbr.abs _section_cstart, $3  }
0x37: {  	[dreg:$0x1] =	wrdreg $0xFFFFFFFF  }
0x38: {  	_ =	task.clear_ibuf [dreg:s6], $0x2FFFF;
	_ =	strace $0x9FFFFFFF  }
0x39: {  	(tm) =	ssettm $0x7FFFFFFF  }
tec
execute0_lowered:
.L_overlay_start_1:
0x0: {  	(tag) =	ssettag $0x1  }
0x1: {  	s1 =	rddreg [dreg:$0x0]  }
0x2: {  	s0 =	rddreg [dreg:$0x1]  }
0x3: {  	_ =	strace $0x80000047;
	s4 =	srdreg.scid;
	s6 =	simm.s32 $0x2  }
0x4: {  	s11 =	simm.s32 $0x0;
	p0 =	por $0x0, $0x0;
	s7 =	simm.s32 $0x19000  }
.Ltmp0:
0x5: {  	s12 =	simm.s32 $0x0;
	s9 =	simm.s32 $0x0;
	(pc) =	sbr.rel .LBB1_1-.Ltmp0, $4  }
0x6: {  	s2 =	sadd.s32 $0xC5C200, s1;
	s3 =	sadd.s32 $0x3E5C200, s1;
	s5 =	sshll.u32 s4, $0x4  }
0x7: {  	s1 =	stileid.u32;
	s4 =	simm.s32 $0x1;
	s5 =	sand.u32 $0x10, s5  }
0x8: {  	s8 =	simm.s32 $0x0;
	[sflag:s4] =	ssyncpa.u1 $0x0;
	s5 =	sor.u32 s1, s5  }
0x9: {  	[sflag:s6] =	ssyncpa.u1 $0x0;
	s6 =	simm.s32 $0x800;
	s10 =	smov.u32 s5  }
.LBB1_7:
0xa: {  	s13 =	sadd.s32 $0x10, s9  }
0xb: {  	s11 =	sadd.s32 $0x20, s10;
	s15 =	smov.u32 s10;
	p2 =	sgt.s32 s13, $0x31F  }
0xc: {  	p1 =	slt.u32 s8, $0x2;
	s15 =	smov.u32 @p2 s11  }
0xd: {  	s8 =	sadd.s32 $0x1, s8;
	s13 =	simm.s32 @p2 $0x0;
	p2 =	sgt.s32 s15, $0x1FF  }
0xe: {  	s15 =	smov.u32 @p2 s5;
	p2 =	sne.s32 s8, $0x322  }
.Ltmp1:
0xf: {  	_ = 	snop;
	(pc) =	sbr.rel @!p2 .LBB1_8-.Ltmp1, $4  }
0x10: {  	s14 =	simm.s32 @!p1 $0x2  }
0x11: {  	s12 =	smov.u32 s10;
	_ =	swait.ge @!p1 [sflag:s14], $0x4000  }
0x12: {  	p0 =	por !p0, !p0;
	s11 =	smov.u32 s9;
	[sflag:s14] =	ssyncset.done @!p1 $0x0  }
0x13: {  	s9 =	smov.u32 s13;
	[sflag:s14] =	ssyncadd.s32 @!p1 $0xFFFFC000;
	s10 =	smov.u32 s15  }
.LBB1_1:
0x14: {  	p1 =	sgt.u32 s8, $0x31F  }
0x15: {  	s13 =	smul.u32 @!p1 $0x19000, s10  }
0x16: {  	s14 =	sxor.u32 @!p1 $0xFFFFFFFF, s8  }
0x17: {  	s15 =	sshll.u32 @!p1 s9, $0x7;
	s14 =	sshll.u32 @!p1 s14, $0xE;
	s13 =	sadd.s32 @!p1 s2, s13  }
0x18: {  	s14 =	sand.u32 @!p1 $0x4000, s14;
	s13 =	sadd.s32 @!p1 s15, s13;
	s15 =	simm.s32 @!p1 $0x0  }
0x19: {  	[tilespmem:s14], [sflag:$0x1] =	stream.linear.gather @!p1 [hbm4b:s13+s15], $0x4000, $0x38;
	[tilespmem:$0x10000] =	vst v63  }
0x1a: {  	p1 =	seq.s32 s8, $0x0  }
0x1b: {  	p2 =	seq.s32 @!p1 s8, $0x321  }
0x1c: {  	p1 =	por p1, p2  }
.Ltmp2:
0x1d: {  	_ = 	snop;
	(pc) =	sbr.rel @p1 .LBB1_7-.Ltmp2, $1  }
0x1e: {  	_ =	sdelay $0x3  }
0x1f: {  	s13 =	simm.s32 $0x1;
	_ =	swait.ge [sflag:s4], $0x4000;
	s16 =	sshll.u32 s8, $0xE  }
0x20: {  	s13 =	simm.s32 @!p0 $0x0;
	[sflag:s4] =	ssyncset.done $0x0;
	s31 =	sand.u32 $0x4000, s16  }
0x21: {  	s16 =	simm.s32 $0x0;
	s13 =	sshll.u32 s13, $0xE;
	[sflag:s4] =	ssyncadd.s32 $0xFFFFC000  }
0x22: {  	s14 =	sor.u32 $0x8040, s13;
	s15 =	sor.u32 $0x40, s13;
	s13 =	sor.u32 $0x8000, s31  }
.LBB1_3:
0x23: {  	v0 =	vmov s15;
	_ =	sdelay $0x3  }
0x24: {  	s18 =	simm.s32 $0x0  }
0x25: {  	v6 =	vld.idx.msk [tilespmem:v0+s18+$0x30 ss:$0x1], $0xffff  }
0x26: {  	v7 =	vld.idx.msk [tilespmem:v0+s18+$0xFFFFFFC0 ss:$0x1], $0xffff  }
0x27: {  	v5 =	vld.idx.msk [tilespmem:v0+s18+$0xFFFFFFD0 ss:$0x1], $0xffff  }
0x28: {  	v4 =	vld.idx.msk [tilespmem:v0+s18+$0xFFFFFFE0 ss:$0x1], $0xffff  }
0x29: {  	v3 =	vld.idx.msk [tilespmem:v0+s18+$0xFFFFFFF0 ss:$0x1], $0xffff  }
0x2a: {  	v1 =	vld.idx.msk [tilespmem:v0+s18+$0x0 ss:$0x1], $0xffff  }
0x2b: {  	v2 =	vld.idx.msk [tilespmem:v0+s18+$0x10 ss:$0x1], $0xffff;
	[tilespmem:s14+$0x30] =	vst v6  }
0x2c: {  	s17 =	simm.s32 $0x80;
	s19 =	simm.s32 $0x400;
	[tilespmem:s14+$0xFFFFFFC0] =	vst v7;
	v6 =	vld.idx.msk [tilespmem:v0+s18+$0x20 ss:$0x1], $0xffff;
	s18 =	smov.u32 s14  }
.LBB1_4:
0x2d: {  	p1 =	sne.s32 s19, $0xE00;
	v7 =	vld.idx.msk [tilespmem:v0+s17+$0x30 ss:$0x1], $0xffff;
	[tilespmem:s18+$0xFFFFFFD0] =	vst v5  }
0x2e: {  	v8 =	vld.idx.msk [tilespmem:v0+s17+$0xFFFFFFC0 ss:$0x1], $0xffff;
	[tilespmem:s18+$0xFFFFFFE0] =	vst v4  }
0x2f: {  	v5 =	vld.idx.msk [tilespmem:v0+s17+$0xFFFFFFD0 ss:$0x1], $0xffff;
	[tilespmem:s18+$0xFFFFFFF0] =	vst v3  }
.Ltmp3:
0x30: {  	v4 =	vld.idx.msk [tilespmem:v0+s17+$0xFFFFFFE0 ss:$0x1], $0xffff;
	[tilespmem:s18+$0x0] =	vst v1;
	(pc) =	sbr.rel @p1 .LBB1_4-.Ltmp3, $4  }
0x31: {  	v3 =	vld.idx.msk [tilespmem:v0+s17+$0xFFFFFFF0 ss:$0x1], $0xffff;
	[tilespmem:s18+$0x10] =	vst v2  }
0x32: {  	v1 =	vld.idx.msk [tilespmem:v0+s17+$0x0 ss:$0x1], $0xffff;
	[tilespmem:s18+$0x20] =	vst v6;
	s18 =	sadd.s32 $0x800, s18  }
0x33: {  	v2 =	vld.idx.msk [tilespmem:v0+s17+$0x10 ss:$0x1], $0xffff;
	[tilespmem:s18+$0x30] =	vst v7  }
0x34: {  	[tilespmem:s18+$0xFFFFFFC0] =	vst v8;
	v6 =	vld.idx.msk [tilespmem:v0+s17+$0x20 ss:$0x1], $0xffff;
	s17 =	sshra.s32 s19, $0x2;
	s19 =	sadd.s32 $0x200, s19  }
0x35: {  	_ =	sdelay $0x2  }
0x36: {  	[tilespmem:s18+$0xFFFFFFD0] =	vst v5  }
0x37: {  	v56 =	vld.idx.msk [tilespmem:v0+s17+$0x30 ss:$0x1], $0xffff;
	[tilespmem:s18+$0xFFFFFFE0] =	vst v4  }
0x38: {  	v57 =	vld.idx.msk [tilespmem:v0+s17+$0xFFFFFFC0 ss:$0x1], $0xffff;
	[tilespmem:s18+$0xFFFFFFF0] =	vst v3  }
0x39: {  	v58 =	vld.idx.msk [tilespmem:v0+s17+$0xFFFFFFD0 ss:$0x1], $0xffff;
	[tilespmem:s18+$0x0] =	vst v1  }
0x3a: {  	v59 =	vld.idx.msk [tilespmem:v0+s17+$0xFFFFFFE0 ss:$0x1], $0xffff;
	[tilespmem:s18+$0x10] =	vst v2  }
0x3b: {  	v60 =	vld.idx.msk [tilespmem:v0+s17+$0xFFFFFFF0 ss:$0x1], $0xffff;
	s31 =	sadd.s32 $0x800, s18;
	[tilespmem:s18+$0x20] =	vst v6  }
0x3c: {  	v61 =	vld.idx.msk [tilespmem:v0+s17+$0x0 ss:$0x1], $0xffff;
	[tilespmem:s31+$0x30] =	vst v56  }
0x3d: {  	v62 =	vld.idx.msk [tilespmem:v0+s17+$0x10 ss:$0x1], $0xffff;
	s16 =	sadd.s32 $0x1, s16;
	[tilespmem:s31+$0xFFFFFFC0] =	vst v57  }
0x3e: {  	v63 =	vld.idx.msk [tilespmem:v0+s17+$0x20 ss:$0x1], $0xffff;
	p1 =	sne.s32 s16, $0x10;
	[tilespmem:s31+$0xFFFFFFD0] =	vst v58  }
.Ltmp4:
0x3f: {  	[tilespmem:s31+$0xFFFFFFE0] =	vst v59;
	(pc) =	sbr.rel @p1 .LBB1_3-.Ltmp4, $4  }
0x40: {  	[tilespmem:s31+$0xFFFFFFF0] =	vst v60  }
0x41: {  	[tilespmem:s31+$0x0] =	vst v61  }
0x42: {  	[tilespmem:s31+$0x10] =	vst v62  }
0x43: {  	s14 =	sadd.s32 $0x80, s14;
	s15 =	sadd.s32 $0x400, s15;
	[tilespmem:s31+$0x20] =	vst v63  }
0x44: {  	s11 =	sand.u32 $0x1FFFFFF, s11  }
0x45: {  	s14 =	smulhi.u32 $0x147AE15, s11;
	_ =	sdelay $0x1  }
0x46: {  	s12 =	smul.u32 $0x19000, s12;
	s14 =	sshrl.u32 s14, $0x2  }
0x47: {  	s14 =	smul.u32 $0x320, s14  }
.Ltmp5:
0x48: {  	_ = 	snop;
	(pc) =	sbr.rel .LBB1_7-.Ltmp5, $4  }
0x49: {  	s11 =	ssub.s32 s11, s14  }
0x4a: {  	s12 =	sadd.s32 s3, s12;
	s11 =	sshll.u32 s11, $0x4  }
0x4b: {  	s11 =	sadd.s32 s11, s12  }
0x4c: {  	[hbm4b:s11+s6] =	stream.strided.scatter [tilespmem:s13], [sflag:$0x2], $0x4000, s7, s6, $0x38;
	[tilespmem:$0x10000] =	vst v63  }
.LBB1_8:
0x4d: {  	_ =	sfence.sel $0x180000  }
0x4e: {  	s2 =	simm.s32 $0x1;
	[bflag:$0x0] =	sbarrier.arrive $0xFFFF  }
0x4f: {  	s31 =	simm.s32 $0x2;
	[sflag:s2] =	ssyncpa.u1 $0x1  }
0x50: {  	[sflag:s31] =	ssyncpa.u1 $0x1  }
0x51: {  	p0 =	sne.s32 s1, $0x0;
	_ =	strace $0x90000047  }
0x52: {  	s0 =	sadd.s32 @!p0 $0x100000, s0;
	[bflag:$0x2] =	sbarrier.arrive $0xFFFF  }
0x53: {  	[sflag:s0] =	ssyncadd.tile.s32 @!p0 $0x1;
	_ =	shalt  }
.Lfunc_end1:
_tile_overlayer_lowered:
.L_overlay_start_2:
0x54: {  	(tag) =	ssettag $0x2  }
0x55: {  	s0 =	rddreg [dreg:$0x0];
	s2 =	stileid.u32  }
0x56: {  	s1 =	rddreg [dreg:$0x1];
	p0 =	sne.s32 s2, $0x0  }
0x57: {  	s3 =	rddreg [dreg:$0x2];
	[bflag:$0x3] =	sbarrier.arrive $0xFFFF;
	s2 =	simm.s32 @!p0 $0x1C01  }
0x58: {  	[timem:s3], [sflag:s2] =	dma.local @!p0 [hbm:s0], s1  }
0x59: {  	s0 =	simm.s32 @!p0 $0x1  }
0x5a: {  	_ =	swait.ge @!p0 [sflag:s0], s1  }
0x5b: {  	s1 =	ssub.s32 @!p0 $0x0, s1;
	[sflag:s0] =	ssyncset.done @!p0 $0x0  }
0x5c: {  	[sflag:s0] =	ssyncadd.s32 @!p0 s1  }
0x5d: {  	[bflag:$0x3] =	sbarrier.arrive $0xFFFF  }
0x5e: {  	_ =	shalt  }

</sc_bundles>
